<compile_context>
chip_gen: v7x
topology: tpu7x:2x2x1
jax: 0.10.2.dev20260603
libtpu: 0.0.44.dev20260713+nightly
codegen_flags: <defaults>
</compile_context>

<pallas_src>
import jax
import jax.numpy as jnp
from jax import lax
from jax.experimental import pallas as pl
from jax.experimental.pallas import tpu as pltpu
from jax.experimental.pallas import tpu_sc as plsc

N = 10000
D = 256
H = 128
N_PAD = 10240
L = 16
NSC = 2
NTILE = 16
EC = 128
CHUNKS_PER_TILE = 80
E_PAD = EC * CHUNKS_PER_TILE * NTILE
ECHUNKS = E_PAD // EC
STAGES = 2
STAGE_CHUNKS = CHUNKS_PER_TILE // STAGES
DEG_CHUNKS_PER_WORKER = ECHUNKS // (NSC * NTILE)
ROWS_PER_TILE = N_PAD // NTILE
WB = 80

_MESH = plsc.VectorSubcoreMesh(core_axis_name="c", subcore_axis_name="s")


def _deg_body(dst_hbm, deg_out, acc_sh, idx_v, ones_v, stage_v):
    c = lax.axis_index("c")
    s = lax.axis_index("s")
    wid = s * NSC + c
    zeros16 = jnp.zeros((L,), jnp.float32)
    ones16 = jnp.ones((L,), jnp.float32)
    for i in range(128):
        stage_v[i] = zeros16
    for i in range(EC):
        ones_v[i] = ones16
    base = s * ROWS_PER_TILE
    for k in range(ROWS_PER_TILE // 128):
        pltpu.sync_copy(stage_v, acc_sh.at[pl.ds(base + k * 128, 128)])
    plsc.subcore_barrier()
    pltpu.sync_copy(
        dst_hbm.at[pl.ds(wid * DEG_CHUNKS_PER_WORKER, DEG_CHUNKS_PER_WORKER)],
        idx_v)

    def body(j, _):
        pltpu.sync_copy(ones_v, acc_sh.at[idx_v.at[j]], add=True)
        return 0

    lax.fori_loop(0, DEG_CHUNKS_PER_WORKER, body, 0)
    plsc.subcore_barrier()
    for k in range(ROWS_PER_TILE // 128):
        r0 = base + k * 128
        pltpu.sync_copy(acc_sh.at[pl.ds(r0, 128)], stage_v)
        pltpu.sync_copy(stage_v, deg_out.at[pl.ds(c * N_PAD + r0, 128)])


_deg_call = pl.kernel(
    _deg_body,
    out_type=jax.ShapeDtypeStruct((NSC * N_PAD, L), jnp.float32),
    mesh=_MESH,
    scratch_types=[
        pltpu.VMEM_SHARED((N_PAD, L), jnp.float32),
        pltpu.VMEM((DEG_CHUNKS_PER_WORKER, EC), jnp.int32),
        pltpu.VMEM((EC, L), jnp.float32),
        pltpu.VMEM((128, L), jnp.float32),
    ],
)


def _agg_body(hs_hbm, src_hbm, dst_hbm, acc_out,
              acc_sh, src_v, dst_v, rows_a, rows_b,
              sem_a, sem_b):
    c = lax.axis_index("c")
    s = lax.axis_index("s")
    base = s * ROWS_PER_TILE
    cbase = s * CHUNKS_PER_TILE
    rows = (rows_a, rows_b)
    sems = (sem_a, sem_b)
    for layer in range(2):
        slab = 2 * layer + c
        pltpu.sync_copy(
            hs_hbm.at[pl.ds(slab * N_PAD + base, ROWS_PER_TILE)],
            acc_sh.at[pl.ds(base, ROWS_PER_TILE)])
        plsc.subcore_barrier()

        for stage in range(STAGES):
            e0 = cbase + stage * STAGE_CHUNKS
            pltpu.sync_copy(
                src_hbm.at[pl.ds(slab * ECHUNKS + e0, STAGE_CHUNKS)], src_v)
            pltpu.sync_copy(dst_hbm.at[pl.ds(e0, STAGE_CHUNKS)], dst_v)
            for b in range(2):
                pltpu.async_copy(hs_hbm.at[src_v.at[b]], rows[b], sems[b])

            def body(p, _):
                j0 = 2 * p
                for b in range(2):
                    pltpu.make_async_copy(hs_hbm.at[src_v.at[0]],
                                          rows[b], sems[b]).wait()
                    pltpu.sync_copy(rows[b], acc_sh.at[dst_v.at[j0 + b]],
                                    add=True)

                    @pl.when(j0 + b + 2 < STAGE_CHUNKS)
                    def _():
                        pltpu.async_copy(hs_hbm.at[src_v.at[j0 + b + 2]],
                                         rows[b], sems[b])
                return 0

            lax.fori_loop(0, STAGE_CHUNKS // 2, body, 0)
        plsc.subcore_barrier()
        pltpu.sync_copy(
            acc_sh.at[pl.ds(base, ROWS_PER_TILE)],
            acc_out.at[pl.ds(slab * N_PAD + base, ROWS_PER_TILE)])
        plsc.subcore_barrier()


_agg_call = pl.kernel(
    _agg_body,
    out_type=jax.ShapeDtypeStruct((4 * N_PAD, H), jnp.float32),
    mesh=_MESH,
    scratch_types=[
        pltpu.VMEM_SHARED((N_PAD, H), jnp.float32),
        pltpu.VMEM((STAGE_CHUNKS, EC), jnp.int32),
        pltpu.VMEM((STAGE_CHUNKS, EC), jnp.int32),
        pltpu.VMEM((EC, H), jnp.float32),
        pltpu.VMEM((EC, H), jnp.float32),
        pltpu.SemaphoreType.DMA,
        pltpu.SemaphoreType.DMA,
    ],
)

_RMM = 512


def _mm_body(deg_ref, x_ref, wmu_ref, wls_ref, hs_ref):
    deg = deg_ref[0, :, 0] + deg_ref[1, :, 0] + 1.0
    dis = lax.rsqrt(deg)
    xs = x_ref[...] * dis[:, None]
    hmu = jnp.dot(xs, wmu_ref[...], preferred_element_type=jnp.float32)
    hls = jnp.dot(xs, wls_ref[...], preferred_element_type=jnp.float32)
    hs_ref[0] = hmu[:, :H]
    hs_ref[1] = hmu[:, H:]
    hs_ref[2] = hls[:, :H]
    hs_ref[3] = hls[:, H:]


_mm_call = pl.pallas_call(
    _mm_body,
    grid=(N_PAD // _RMM,),
    in_specs=[
        pl.BlockSpec((2, _RMM, L), lambda i: (0, i, 0)),
        pl.BlockSpec((_RMM, D), lambda i: (i, 0)),
        pl.BlockSpec((D, D), lambda i: (0, 0)),
        pl.BlockSpec((D, D), lambda i: (0, 0)),
    ],
    out_specs=pl.BlockSpec((4, _RMM, H), lambda i: (0, i, 0)),
    out_shape=jax.ShapeDtypeStruct((4, N_PAD, H), jnp.float32),
)

_REP = 400


def _ep_body(deg_ref, acc_ref, bmu_ref, bls_ref, omu_ref, ols_ref):
    deg = deg_ref[0, :, 0] + deg_ref[1, :, 0] + 1.0
    dis = lax.rsqrt(deg)[:, None]
    omu_ref[:, :H] = acc_ref[0] * dis + bmu_ref[0, :H]
    omu_ref[:, H:] = acc_ref[1] * dis + bmu_ref[0, H:]
    ols_ref[:, :H] = acc_ref[2] * dis + bls_ref[0, :H]
    ols_ref[:, H:] = acc_ref[3] * dis + bls_ref[0, H:]


_ep_call = pl.pallas_call(
    _ep_body,
    grid=(N // _REP,),
    in_specs=[
        pl.BlockSpec((2, _REP, L), lambda i: (0, i, 0)),
        pl.BlockSpec((4, _REP, H), lambda i: (0, i, 0)),
        pl.BlockSpec((1, D), lambda i: (0, 0)),
        pl.BlockSpec((1, D), lambda i: (0, 0)),
    ],
    out_specs=[
        pl.BlockSpec((_REP, D), lambda i: (i, 0)),
        pl.BlockSpec((_REP, D), lambda i: (i, 0)),
    ],
    out_shape=[
        jax.ShapeDtypeStruct((N, D), jnp.float32),
        jax.ShapeDtypeStruct((N, D), jnp.float32),
    ],
)


@jax.jit
def kernel(x, edge_index, W_mu, b_mu, W_logstd, b_logstd):
    src = edge_index[0]
    dst = edge_index[1]
    npad = E_PAD - src.shape[0]
    pad = jnp.arange(npad, dtype=jnp.int32)
    src_p = jnp.concatenate([src, pad % N])
    src_all = (src_p[None, :]
               + (jnp.arange(4, dtype=jnp.int32) * N_PAD)[:, None]
               ).reshape(4 * ECHUNKS, EC)
    dst_p = jnp.concatenate([dst, N + pad % (N_PAD - N)]).reshape(ECHUNKS, EC)
    x_pad = jnp.pad(x, ((0, N_PAD - N), (0, 0)))

    deg_flat = _deg_call(dst_p)
    deg_st = deg_flat.reshape(NSC, N_PAD, L)
    hs_st = _mm_call(deg_st, x_pad, W_mu, W_logstd)
    acc_flat = _agg_call(hs_st.reshape(4 * N_PAD, H), src_all, dst_p)
    acc_st = acc_flat.reshape(4, N_PAD, H)
    out_mu, out_ls = _ep_call(deg_st, acc_st,
                              b_mu.reshape(1, D), b_logstd.reshape(1, D))
    return out_mu, out_ls

# --- scband reference (transcript-rebuilt; emitter-appended) ---
"""Pipeline reference for scband-variational-gcnencoder-4269197492517 (READ-ONLY COPY).

The authoritative reference and input builder live on the scoring server;
editing this copy changes nothing except your own understanding.
"""

import jax, jax.numpy as jnp
import numpy as np

N = 10000
E = 160000
D_IN = 256
D_OUT = 256


def _glorot(key, shape):
    s = float(np.sqrt(6.0 / (shape[0] + shape[1])))
    return jax.random.uniform(key, shape, dtype=jnp.float32, minval=-s, maxval=s)


def setup_inputs(seed: int = 0) -> dict:
    key = jax.random.key(seed)
    ks = jax.random.split(key, 6)
    x = jax.random.normal(ks[0], (N, D_IN), dtype=jnp.float32)
    edge_index = jax.random.randint(ks[1], (2, E), 0, N, dtype=jnp.int32)
    W_mu = _glorot(ks[2], (D_IN, D_OUT))
    b_mu = jnp.zeros((D_OUT,), dtype=jnp.float32)
    W_logstd = _glorot(ks[3], (D_IN, D_OUT))
    b_logstd = jnp.zeros((D_OUT,), dtype=jnp.float32)
    return {"x": x, "edge_index": edge_index, "W_mu": W_mu, "b_mu": b_mu, "W_logstd": W_logstd, "b_logstd": b_logstd}


def _gcn_conv(x, edge_index, W, b):
    # PyG GCNConv: add self-loops, symmetric normalization deg^-1/2 A deg^-1/2, linear transform, scatter-add aggregation, bias
    src = edge_index[0]
    dst = edge_index[1]
    loop = jnp.arange(N, dtype=edge_index.dtype)
    src_f = jnp.concatenate([src, loop])
    dst_f = jnp.concatenate([dst, loop])
    deg = jnp.zeros((N,), dtype=jnp.float32).at[dst_f].add(1.0)
    deg_inv_sqrt = jnp.where(deg > 0, 1.0 / jnp.sqrt(deg), 0.0)
    norm = deg_inv_sqrt[src_f] * deg_inv_sqrt[dst_f]
    h = x @ W
    msg = jnp.take(h, src_f, axis=0) * norm[:, None]
    out = jnp.zeros((N, W.shape[1]), dtype=jnp.float32).at[dst_f].add(msg)
    return out + b


def reference(x, edge_index, W_mu, b_mu, W_logstd, b_logstd):
    mu = _gcn_conv(x, edge_index, W_mu, b_mu)
    log_std = _gcn_conv(x, edge_index, W_logstd, b_logstd)
    return (mu, log_std)

if __name__ == "__main__":
    import jax
    _d = setup_inputs()
    print(jax.jit(kernel)(*tuple(_d.values())))

</pallas_src>

<mosaic_0001>
#map = affine_map<(d0, d1) -> (0, 0)>
module attributes {stable_mosaic.version = 14 : i64} {
  func.func @_agg_body(%arg0: i32, %arg1: i32, %arg2: memref<40960x128xf32, #tpu.memory_space<hbm>>, %arg3: memref<5120x128xi32, #tpu.memory_space<hbm>>, %arg4: memref<1280x128xi32, #tpu.memory_space<hbm>>, %arg5: memref<40960x128xf32, #tpu.memory_space<hbm>>, %arg6: memref<10240x128xf32, #tpu.memory_space<vmem_shared>>, %arg7: memref<40x128xi32, #tpu.memory_space<vmem>>, %arg8: memref<40x128xi32, #tpu.memory_space<vmem>>, %arg9: memref<128x128xf32, #tpu.memory_space<vmem>>, %arg10: memref<128x128xf32, #tpu.memory_space<vmem>>, %arg11: memref<!tpu.dma_semaphore, #tpu.memory_space<semaphore_mem>>, %arg12: memref<!tpu.dma_semaphore, #tpu.memory_space<semaphore_mem>>) attributes {dimension_semantics = [#tpu.dimension_semantics<core_parallel>, #tpu.dimension_semantics<subcore_parallel>], iteration_bounds = array<i64: 2, 16>, scalar_prefetch = 0 : i64, scratch_operands = 7 : i64, tpu.core_type = #tpu.core_type<sc_vector_subcore>, window_params = [{transform_indices = #map}, {transform_indices = #map}, {transform_indices = #map}, {transform_indices = #map}]} {
    %mul3A = arith.constant 640 : i32
    %mul3A_0 = arith.muli %arg1, %mul3A : i32
    %mul3A_1 = arith.constant 80 : i32
    %mul3A_2 = arith.muli %arg1, %mul3A_1 : i32
    %add3A = arith.constant 0 : i32
    %add3A_3 = arith.addi %add3A, %arg0 : i32
    %mul3A_4 = arith.constant 10240 : i32
    %mul3A_5 = arith.muli %add3A_3, %mul3A_4 : i32
    %add3A_6 = arith.addi %mul3A_5, %mul3A_0 : i32
    "tpu.region"() ({
      %run_scoped3A = tpu.sem_alloc : memref<!tpu.dma_semaphore, #tpu.memory_space<semaphore_mem>>
      %dma_start3A_125 = arith.constant 0 : i32
      %dma_start3A_126 = tpu.memref_slice %arg6[%mul3A_0, %dma_start3A_125] : memref<10240x128xf32, #tpu.memory_space<vmem_shared>> -> memref<640x128xf32, #tpu.memory_space<vmem_shared>>
      %dma_start3A_127 = arith.constant 0 : i32
      %dma_start3A_128 = tpu.memref_slice %arg2[%add3A_6, %dma_start3A_127] : memref<40960x128xf32, #tpu.memory_space<hbm>> -> memref<640x128xf32, #tpu.memory_space<hbm>>
      tpu.enqueue_dma source(%dma_start3A_128 : memref<640x128xf32, #tpu.memory_space<hbm>>) target(%dma_start3A_126 : memref<640x128xf32, #tpu.memory_space<vmem_shared>>) target_semaphore(%run_scoped3A : memref<!tpu.dma_semaphore, #tpu.memory_space<semaphore_mem>>)
      %dma_wait3A = arith.constant 0 : i32
      %dma_wait3A_129 = tpu.memref_slice %arg6[%mul3A_0, %dma_wait3A] : memref<10240x128xf32, #tpu.memory_space<vmem_shared>> -> memref<640x128xf32, #tpu.memory_space<vmem_shared>>
      %dma_wait3A_130 = arith.constant 0 : i32
      %dma_wait3A_131 = tpu.memref_slice %arg2[%add3A_6, %dma_wait3A_130] : memref<40960x128xf32, #tpu.memory_space<hbm>> -> memref<640x128xf32, #tpu.memory_space<hbm>>
      tpu.wait_dma2 semaphore(%run_scoped3A : memref<!tpu.dma_semaphore, #tpu.memory_space<semaphore_mem>>) src(%dma_wait3A_131 : memref<640x128xf32, #tpu.memory_space<hbm>>) dst(%dma_wait3A_129 : memref<640x128xf32, #tpu.memory_space<vmem_shared>>)
      tpu.yield
    }) : () -> ()
    %barrier3A = arith.constant 0 : index
    tpu.barrier barrier_id(%barrier3A)
    %add3A_7 = arith.constant 0 : i32
    %add3A_8 = arith.addi %mul3A_2, %add3A_7 : i32
    %mul3A_9 = arith.constant 1280 : i32
    %mul3A_10 = arith.muli %add3A_3, %mul3A_9 : i32
    %add3A_11 = arith.addi %mul3A_10, %add3A_8 : i32
    "tpu.region"() ({
      %run_scoped3A = tpu.sem_alloc : memref<!tpu.dma_semaphore, #tpu.memory_space<semaphore_mem>>
      %dma_start3A_125 = arith.constant 0 : i32
      %dma_start3A_126 = tpu.memref_slice %arg3[%add3A_11, %dma_start3A_125] : memref<5120x128xi32, #tpu.memory_space<hbm>> -> memref<40x128xi32, #tpu.memory_space<hbm>>
      %dma_start3A_127 = arith.constant 0 : i32
      %dma_start3A_128 = tpu.memref_slice %arg3[%add3A_11, %dma_start3A_127] : memref<5120x128xi32, #tpu.memory_space<hbm>> -> memref<40x128xi32, #tpu.memory_space<hbm>>
      tpu.enqueue_dma source(%dma_start3A_128 : memref<40x128xi32, #tpu.memory_space<hbm>>) target(%arg7 : memref<40x128xi32, #tpu.memory_space<vmem>>) target_semaphore(%run_scoped3A : memref<!tpu.dma_semaphore, #tpu.memory_space<semaphore_mem>>)
      %dma_wait3A = arith.constant 0 : i32
      %dma_wait3A_129 = tpu.memref_slice %arg3[%add3A_11, %dma_wait3A] : memref<5120x128xi32, #tpu.memory_space<hbm>> -> memref<40x128xi32, #tpu.memory_space<hbm>>
      %dma_wait3A_130 = arith.constant 0 : i32
      %dma_wait3A_131 = tpu.memref_slice %arg3[%add3A_11, %dma_wait3A_130] : memref<5120x128xi32, #tpu.memory_space<hbm>> -> memref<40x128xi32, #tpu.memory_space<hbm>>
      tpu.wait_dma2 semaphore(%run_scoped3A : memref<!tpu.dma_semaphore, #tpu.memory_space<semaphore_mem>>) src(%dma_wait3A_131 : memref<40x128xi32, #tpu.memory_space<hbm>>) dst(%arg7 : memref<40x128xi32, #tpu.memory_space<vmem>>)
      tpu.yield
    }) : () -> ()
    "tpu.region"() ({
      %run_scoped3A = tpu.sem_alloc : memref<!tpu.dma_semaphore, #tpu.memory_space<semaphore_mem>>
      %dma_start3A_125 = arith.constant 0 : i32
      %dma_start3A_126 = tpu.memref_slice %arg4[%add3A_8, %dma_start3A_125] : memref<1280x128xi32, #tpu.memory_space<hbm>> -> memref<40x128xi32, #tpu.memory_space<hbm>>
      %dma_start3A_127 = arith.constant 0 : i32
      %dma_start3A_128 = tpu.memref_slice %arg4[%add3A_8, %dma_start3A_127] : memref<1280x128xi32, #tpu.memory_space<hbm>> -> memref<40x128xi32, #tpu.memory_space<hbm>>
      tpu.enqueue_dma source(%dma_start3A_128 : memref<40x128xi32, #tpu.memory_space<hbm>>) target(%arg8 : memref<40x128xi32, #tpu.memory_space<vmem>>) target_semaphore(%run_scoped3A : memref<!tpu.dma_semaphore, #tpu.memory_space<semaphore_mem>>)
      %dma_wait3A = arith.constant 0 : i32
      %dma_wait3A_129 = tpu.memref_slice %arg4[%add3A_8, %dma_wait3A] : memref<1280x128xi32, #tpu.memory_space<hbm>> -> memref<40x128xi32, #tpu.memory_space<hbm>>
      %dma_wait3A_130 = arith.constant 0 : i32
      %dma_wait3A_131 = tpu.memref_slice %arg4[%add3A_8, %dma_wait3A_130] : memref<1280x128xi32, #tpu.memory_space<hbm>> -> memref<40x128xi32, #tpu.memory_space<hbm>>
      tpu.wait_dma2 semaphore(%run_scoped3A : memref<!tpu.dma_semaphore, #tpu.memory_space<semaphore_mem>>) src(%dma_wait3A_131 : memref<40x128xi32, #tpu.memory_space<hbm>>) dst(%arg8 : memref<40x128xi32, #tpu.memory_space<vmem>>)
      tpu.yield
    }) : () -> ()
    %dma_start3A = arith.constant 0 : i32
    %dma_start3A_12 = arith.constant 0 : i32
    %dma_start3A_13 = tpu.memref_slice %arg7[%dma_start3A, %dma_start3A_12] : memref<40x128xi32, #tpu.memory_space<vmem>> -> memref<1x128xi32, #tpu.memory_space<vmem>>
    %dma_start3A_14 = tpu.memref_squeeze %dma_start3A_13 : memref<1x128xi32, #tpu.memory_space<vmem>> -> memref<128xi32, #tpu.memory_space<vmem>>
    %dma_start3A_15 = arith.constant 0 : i32
    %dma_start3A_16 = arith.constant 0 : i32
    %dma_start3A_17 = tpu.memref_slice %arg2[%dma_start3A_15, %dma_start3A_16] : memref<40960x128xf32, #tpu.memory_space<hbm>> -> memref<40960x128xf32, #tpu.memory_space<hbm>>
    tpu.enqueue_indirect_dma source(%dma_start3A_17 : memref<40960x128xf32, #tpu.memory_space<hbm>>) target(%arg9 : memref<128x128xf32, #tpu.memory_space<vmem>>) offsets(%dma_start3A_14 : memref<128xi32, #tpu.memory_space<vmem>>) semaphore(%arg11 : memref<!tpu.dma_semaphore, #tpu.memory_space<semaphore_mem>>)
    %dma_start3A_18 = arith.constant 1 : i32
    %dma_start3A_19 = arith.constant 0 : i32
    %dma_start3A_20 = tpu.memref_slice %arg7[%dma_start3A_18, %dma_start3A_19] : memref<40x128xi32, #tpu.memory_space<vmem>> -> memref<1x128xi32, #tpu.memory_space<vmem>>
    %dma_start3A_21 = tpu.memref_squeeze %dma_start3A_20 : memref<1x128xi32, #tpu.memory_space<vmem>> -> memref<128xi32, #tpu.memory_space<vmem>>
    %dma_start3A_22 = arith.constant 0 : i32
    %dma_start3A_23 = arith.constant 0 : i32
    %dma_start3A_24 = tpu.memref_slice %arg2[%dma_start3A_22, %dma_start3A_23] : memref<40960x128xf32, #tpu.memory_space<hbm>> -> memref<40960x128xf32, #tpu.memory_space<hbm>>
    tpu.enqueue_indirect_dma source(%dma_start3A_24 : memref<40960x128xf32, #tpu.memory_space<hbm>>) target(%arg10 : memref<128x128xf32, #tpu.memory_space<vmem>>) offsets(%dma_start3A_21 : memref<128xi32, #tpu.memory_space<vmem>>) semaphore(%arg12 : memref<!tpu.dma_semaphore, #tpu.memory_space<semaphore_mem>>)
    %scan3A = arith.constant 0 : i32
    %scan3A_25 = arith.constant 0 : i32
    %scan3A_26 = arith.constant 20 : i32
    %scan3A_27 = arith.addi %scan3A_25, %scan3A_26 : i32
    %scan3A_28 = arith.constant 1 : i32
    %scan3A_29 = scf.for %scan3A_125 = %scan3A_25 to %scan3A_27 step %scan3A_28 iter_args(%scan3A_126 = %scan3A) -> (i32)  : i32 {
      %mul3A_127 = arith.constant 2 : i32
      %mul3A_128 = arith.muli %mul3A_127, %scan3A_125 : i32
      %dma_wait3A = arith.constant 0 : i32
      %dma_wait3A_129 = arith.constant 0 : i32
      %dma_wait3A_130 = tpu.memref_slice %arg7[%dma_wait3A, %dma_wait3A_129] : memref<40x128xi32, #tpu.memory_space<vmem>> -> memref<1x128xi32, #tpu.memory_space<vmem>>
      %dma_wait3A_131 = tpu.memref_squeeze %dma_wait3A_130 : memref<1x128xi32, #tpu.memory_space<vmem>> -> memref<128xi32, #tpu.memory_space<vmem>>
      %dma_wait3A_132 = arith.constant 0 : i32
      %dma_wait3A_133 = arith.constant 0 : i32
      %dma_wait3A_134 = tpu.memref_slice %arg2[%dma_wait3A_132, %dma_wait3A_133] : memref<40960x128xf32, #tpu.memory_space<hbm>> -> memref<40960x128xf32, #tpu.memory_space<hbm>>
      tpu.wait_indirect_dma semaphore(%arg11 : memref<!tpu.dma_semaphore, #tpu.memory_space<semaphore_mem>>) src(%dma_wait3A_134 : memref<40960x128xf32, #tpu.memory_space<hbm>>) dst(%arg9 : memref<128x128xf32, #tpu.memory_space<vmem>>)
      %add3A_135 = arith.constant 0 : i32
      %add3A_136 = arith.addi %mul3A_128, %add3A_135 : i32
      "tpu.region"() ({
        %run_scoped3A = tpu.sem_alloc : memref<!tpu.dma_semaphore, #tpu.memory_space<semaphore_mem>>
        %dma_start3A_162 = arith.constant 0 : i32
        %dma_start3A_163 = tpu.memref_slice %arg8[%add3A_136, %dma_start3A_162] : memref<40x128xi32, #tpu.memory_space<vmem>> -> memref<1x128xi32, #tpu.memory_space<vmem>>
        %dma_start3A_164 = tpu.memref_squeeze %dma_start3A_163 : memref<1x128xi32, #tpu.memory_space<vmem>> -> memref<128xi32, #tpu.memory_space<vmem>>
        %dma_start3A_165 = arith.constant 0 : i32
        %dma_start3A_166 = arith.constant 0 : i32
        %dma_start3A_167 = tpu.memref_slice %arg6[%dma_start3A_165, %dma_start3A_166] : memref<10240x128xf32, #tpu.memory_space<vmem_shared>> -> memref<10240x128xf32, #tpu.memory_space<vmem_shared>>
        tpu.enqueue_indirect_dma source(%arg9 : memref<128x128xf32, #tpu.memory_space<vmem>>) target(%dma_start3A_167 : memref<10240x128xf32, #tpu.memory_space<vmem_shared>>) offsets(%dma_start3A_164 : memref<128xi32, #tpu.memory_space<vmem>>) semaphore(%run_scoped3A : memref<!tpu.dma_semaphore, #tpu.memory_space<semaphore_mem>>) {add = true}
        %dma_wait3A_168 = arith.constant 0 : i32
        %dma_wait3A_169 = tpu.memref_slice %arg8[%add3A_136, %dma_wait3A_168] : memref<40x128xi32, #tpu.memory_space<vmem>> -> memref<1x128xi32, #tpu.memory_space<vmem>>
        %dma_wait3A_170 = tpu.memref_squeeze %dma_wait3A_169 : memref<1x128xi32, #tpu.memory_space<vmem>> -> memref<128xi32, #tpu.memory_space<vmem>>
        %dma_wait3A_171 = arith.constant 0 : i32
        %dma_wait3A_172 = arith.constant 0 : i32
        %dma_wait3A_173 = tpu.memref_slice %arg6[%dma_wait3A_171, %dma_wait3A_172] : memref<10240x128xf32, #tpu.memory_space<vmem_shared>> -> memref<10240x128xf32, #tpu.memory_space<vmem_shared>>
        tpu.wait_indirect_dma semaphore(%run_scoped3A : memref<!tpu.dma_semaphore, #tpu.memory_space<semaphore_mem>>) src(%arg9 : memref<128x128xf32, #tpu.memory_space<vmem>>) dst(%dma_wait3A_173 : memref<10240x128xf32, #tpu.memory_space<vmem_shared>>)
        tpu.yield
      }) : () -> ()
      %add3A_137 = arith.constant 0 : i32
      %add3A_138 = arith.addi %mul3A_128, %add3A_137 : i32
      %add3A_139 = arith.constant 2 : i32
      %add3A_140 = arith.addi %add3A_138, %add3A_139 : i32
      %lt3A = arith.constant 40 : i32
      %lt3A_141 = arith.cmpi slt, %add3A_140, %lt3A : i32
      %convert_element_type3A = arith.extui %lt3A_141 : i1 to i32
      %cond3A = arith.constant 0 : i32
      %cond3A_142 = arith.cmpi ne, %convert_element_type3A, %cond3A : i32
      scf.if %cond3A_142 {
        %add3A_162 = arith.constant 0 : i32
        %add3A_163 = arith.addi %mul3A_128, %add3A_162 : i32
        %add3A_164 = arith.constant 2 : i32
        %add3A_165 = arith.addi %add3A_163, %add3A_164 : i32
        %dma_start3A_166 = arith.constant 0 : i32
        %dma_start3A_167 = tpu.memref_slice %arg7[%add3A_165, %dma_start3A_166] : memref<40x128xi32, #tpu.memory_space<vmem>> -> memref<1x128xi32, #tpu.memory_space<vmem>>
        %dma_start3A_168 = tpu.memref_squeeze %dma_start3A_167 : memref<1x128xi32, #tpu.memory_space<vmem>> -> memref<128xi32, #tpu.memory_space<vmem>>
        %dma_start3A_169 = arith.constant 0 : i32
        %dma_start3A_170 = arith.constant 0 : i32
        %dma_start3A_171 = tpu.memref_slice %arg2[%dma_start3A_169, %dma_start3A_170] : memref<40960x128xf32, #tpu.memory_space<hbm>> -> memref<40960x128xf32, #tpu.memory_space<hbm>>
        tpu.enqueue_indirect_dma source(%dma_start3A_171 : memref<40960x128xf32, #tpu.memory_space<hbm>>) target(%arg9 : memref<128x128xf32, #tpu.memory_space<vmem>>) offsets(%dma_start3A_168 : memref<128xi32, #tpu.memory_space<vmem>>) semaphore(%arg11 : memref<!tpu.dma_semaphore, #tpu.memory_space<semaphore_mem>>)
      } else {
      }
      %dma_wait3A_143 = arith.constant 0 : i32
      %dma_wait3A_144 = arith.constant 0 : i32
      %dma_wait3A_145 = tpu.memref_slice %arg7[%dma_wait3A_143, %dma_wait3A_144] : memref<40x128xi32, #tpu.memory_space<vmem>> -> memref<1x128xi32, #tpu.memory_space<vmem>>
      %dma_wait3A_146 = tpu.memref_squeeze %dma_wait3A_145 : memref<1x128xi32, #tpu.memory_space<vmem>> -> memref<128xi32, #tpu.memory_space<vmem>>
      %dma_wait3A_147 = arith.constant 0 : i32
      %dma_wait3A_148 = arith.constant 0 : i32
      %dma_wait3A_149 = tpu.memref_slice %arg2[%dma_wait3A_147, %dma_wait3A_148] : memref<40960x128xf32, #tpu.memory_space<hbm>> -> memref<40960x128xf32, #tpu.memory_space<hbm>>
      tpu.wait_indirect_dma semaphore(%arg12 : memref<!tpu.dma_semaphore, #tpu.memory_space<semaphore_mem>>) src(%dma_wait3A_149 : memref<40960x128xf32, #tpu.memory_space<hbm>>) dst(%arg10 : memref<128x128xf32, #tpu.memory_space<vmem>>)
      %add3A_150 = arith.constant 1 : i32
      %add3A_151 = arith.addi %mul3A_128, %add3A_150 : i32
      "tpu.region"() ({
        %run_scoped3A = tpu.sem_alloc : memref<!tpu.dma_semaphore, #tpu.memory_space<semaphore_mem>>
        %dma_start3A_162 = arith.constant 0 : i32
        %dma_start3A_163 = tpu.memref_slice %arg8[%add3A_151, %dma_start3A_162] : memref<40x128xi32, #tpu.memory_space<vmem>> -> memref<1x128xi32, #tpu.memory_space<vmem>>
        %dma_start3A_164 = tpu.memref_squeeze %dma_start3A_163 : memref<1x128xi32, #tpu.memory_space<vmem>> -> memref<128xi32, #tpu.memory_space<vmem>>
        %dma_start3A_165 = arith.constant 0 : i32
        %dma_start3A_166 = arith.constant 0 : i32
        %dma_start3A_167 = tpu.memref_slice %arg6[%dma_start3A_165, %dma_start3A_166] : memref<10240x128xf32, #tpu.memory_space<vmem_shared>> -> memref<10240x128xf32, #tpu.memory_space<vmem_shared>>
        tpu.enqueue_indirect_dma source(%arg10 : memref<128x128xf32, #tpu.memory_space<vmem>>) target(%dma_start3A_167 : memref<10240x128xf32, #tpu.memory_space<vmem_shared>>) offsets(%dma_start3A_164 : memref<128xi32, #tpu.memory_space<vmem>>) semaphore(%run_scoped3A : memref<!tpu.dma_semaphore, #tpu.memory_space<semaphore_mem>>) {add = true}
        %dma_wait3A_168 = arith.constant 0 : i32
        %dma_wait3A_169 = tpu.memref_slice %arg8[%add3A_151, %dma_wait3A_168] : memref<40x128xi32, #tpu.memory_space<vmem>> -> memref<1x128xi32, #tpu.memory_space<vmem>>
        %dma_wait3A_170 = tpu.memref_squeeze %dma_wait3A_169 : memref<1x128xi32, #tpu.memory_space<vmem>> -> memref<128xi32, #tpu.memory_space<vmem>>
        %dma_wait3A_171 = arith.constant 0 : i32
        %dma_wait3A_172 = arith.constant 0 : i32
        %dma_wait3A_173 = tpu.memref_slice %arg6[%dma_wait3A_171, %dma_wait3A_172] : memref<10240x128xf32, #tpu.memory_space<vmem_shared>> -> memref<10240x128xf32, #tpu.memory_space<vmem_shared>>
        tpu.wait_indirect_dma semaphore(%run_scoped3A : memref<!tpu.dma_semaphore, #tpu.memory_space<semaphore_mem>>) src(%arg10 : memref<128x128xf32, #tpu.memory_space<vmem>>) dst(%dma_wait3A_173 : memref<10240x128xf32, #tpu.memory_space<vmem_shared>>)
        tpu.yield
      }) : () -> ()
      %add3A_152 = arith.constant 1 : i32
      %add3A_153 = arith.addi %mul3A_128, %add3A_152 : i32
      %add3A_154 = arith.constant 2 : i32
      %add3A_155 = arith.addi %add3A_153, %add3A_154 : i32
      %lt3A_156 = arith.constant 40 : i32
      %lt3A_157 = arith.cmpi slt, %add3A_155, %lt3A_156 : i32
      %convert_element_type3A_158 = arith.extui %lt3A_157 : i1 to i32
      %cond3A_159 = arith.constant 0 : i32
      %cond3A_160 = arith.cmpi ne, %convert_element_type3A_158, %cond3A_159 : i32
      scf.if %cond3A_160 {
        %add3A_162 = arith.constant 1 : i32
        %add3A_163 = arith.addi %mul3A_128, %add3A_162 : i32
        %add3A_164 = arith.constant 2 : i32
        %add3A_165 = arith.addi %add3A_163, %add3A_164 : i32
        %dma_start3A_166 = arith.constant 0 : i32
        %dma_start3A_167 = tpu.memref_slice %arg7[%add3A_165, %dma_start3A_166] : memref<40x128xi32, #tpu.memory_space<vmem>> -> memref<1x128xi32, #tpu.memory_space<vmem>>
        %dma_start3A_168 = tpu.memref_squeeze %dma_start3A_167 : memref<1x128xi32, #tpu.memory_space<vmem>> -> memref<128xi32, #tpu.memory_space<vmem>>
        %dma_start3A_169 = arith.constant 0 : i32
        %dma_start3A_170 = arith.constant 0 : i32
        %dma_start3A_171 = tpu.memref_slice %arg2[%dma_start3A_169, %dma_start3A_170] : memref<40960x128xf32, #tpu.memory_space<hbm>> -> memref<40960x128xf32, #tpu.memory_space<hbm>>
        tpu.enqueue_indirect_dma source(%dma_start3A_171 : memref<40960x128xf32, #tpu.memory_space<hbm>>) target(%arg10 : memref<128x128xf32, #tpu.memory_space<vmem>>) offsets(%dma_start3A_168 : memref<128xi32, #tpu.memory_space<vmem>>) semaphore(%arg12 : memref<!tpu.dma_semaphore, #tpu.memory_space<semaphore_mem>>)
      } else {
      }
      %scan3A_161 = arith.constant 0 : i32
      scf.yield %scan3A_161 : i32
    }
    %scan3A_30 = arith.constant 20 : i32
    %add3A_31 = arith.constant 40 : i32
    %add3A_32 = arith.addi %mul3A_2, %add3A_31 : i32
    %mul3A_33 = arith.constant 1280 : i32
    %mul3A_34 = arith.muli %add3A_3, %mul3A_33 : i32
    %add3A_35 = arith.addi %mul3A_34, %add3A_32 : i32
    "tpu.region"() ({
      %run_scoped3A = tpu.sem_alloc : memref<!tpu.dma_semaphore, #tpu.memory_space<semaphore_mem>>
      %dma_start3A_125 = arith.constant 0 : i32
      %dma_start3A_126 = tpu.memref_slice %arg3[%add3A_35, %dma_start3A_125] : memref<5120x128xi32, #tpu.memory_space<hbm>> -> memref<40x128xi32, #tpu.memory_space<hbm>>
      %dma_start3A_127 = arith.constant 0 : i32
      %dma_start3A_128 = tpu.memref_slice %arg3[%add3A_35, %dma_start3A_127] : memref<5120x128xi32, #tpu.memory_space<hbm>> -> memref<40x128xi32, #tpu.memory_space<hbm>>
      tpu.enqueue_dma source(%dma_start3A_128 : memref<40x128xi32, #tpu.memory_space<hbm>>) target(%arg7 : memref<40x128xi32, #tpu.memory_space<vmem>>) target_semaphore(%run_scoped3A : memref<!tpu.dma_semaphore, #tpu.memory_space<semaphore_mem>>)
      %dma_wait3A = arith.constant 0 : i32
      %dma_wait3A_129 = tpu.memref_slice %arg3[%add3A_35, %dma_wait3A] : memref<5120x128xi32, #tpu.memory_space<hbm>> -> memref<40x128xi32, #tpu.memory_space<hbm>>
      %dma_wait3A_130 = arith.constant 0 : i32
      %dma_wait3A_131 = tpu.memref_slice %arg3[%add3A_35, %dma_wait3A_130] : memref<5120x128xi32, #tpu.memory_space<hbm>> -> memref<40x128xi32, #tpu.memory_space<hbm>>
      tpu.wait_dma2 semaphore(%run_scoped3A : memref<!tpu.dma_semaphore, #tpu.memory_space<semaphore_mem>>) src(%dma_wait3A_131 : memref<40x128xi32, #tpu.memory_space<hbm>>) dst(%arg7 : memref<40x128xi32, #tpu.memory_space<vmem>>)
      tpu.yield
    }) : () -> ()
    "tpu.region"() ({
      %run_scoped3A = tpu.sem_alloc : memref<!tpu.dma_semaphore, #tpu.memory_space<semaphore_mem>>
      %dma_start3A_125 = arith.constant 0 : i32
      %dma_start3A_126 = tpu.memref_slice %arg4[%add3A_32, %dma_start3A_125] : memref<1280x128xi32, #tpu.memory_space<hbm>> -> memref<40x128xi32, #tpu.memory_space<hbm>>
      %dma_start3A_127 = arith.constant 0 : i32
      %dma_start3A_128 = tpu.memref_slice %arg4[%add3A_32, %dma_start3A_127] : memref<1280x128xi32, #tpu.memory_space<hbm>> -> memref<40x128xi32, #tpu.memory_space<hbm>>
      tpu.enqueue_dma source(%dma_start3A_128 : memref<40x128xi32, #tpu.memory_space<hbm>>) target(%arg8 : memref<40x128xi32, #tpu.memory_space<vmem>>) target_semaphore(%run_scoped3A : memref<!tpu.dma_semaphore, #tpu.memory_space<semaphore_mem>>)
      %dma_wait3A = arith.constant 0 : i32
      %dma_wait3A_129 = tpu.memref_slice %arg4[%add3A_32, %dma_wait3A] : memref<1280x128xi32, #tpu.memory_space<hbm>> -> memref<40x128xi32, #tpu.memory_space<hbm>>
      %dma_wait3A_130 = arith.constant 0 : i32
      %dma_wait3A_131 = tpu.memref_slice %arg4[%add3A_32, %dma_wait3A_130] : memref<1280x128xi32, #tpu.memory_space<hbm>> -> memref<40x128xi32, #tpu.memory_space<hbm>>
      tpu.wait_dma2 semaphore(%run_scoped3A : memref<!tpu.dma_semaphore, #tpu.memory_space<semaphore_mem>>) src(%dma_wait3A_131 : memref<40x128xi32, #tpu.memory_space<hbm>>) dst(%arg8 : memref<40x128xi32, #tpu.memory_space<vmem>>)
      tpu.yield
    }) : () -> ()
    %dma_start3A_36 = arith.constant 0 : i32
    %dma_start3A_37 = arith.constant 0 : i32
    %dma_start3A_38 = tpu.memref_slice %arg7[%dma_start3A_36, %dma_start3A_37] : memref<40x128xi32, #tpu.memory_space<vmem>> -> memref<1x128xi32, #tpu.memory_space<vmem>>
    %dma_start3A_39 = tpu.memref_squeeze %dma_start3A_38 : memref<1x128xi32, #tpu.memory_space<vmem>> -> memref<128xi32, #tpu.memory_space<vmem>>
    %dma_start3A_40 = arith.constant 0 : i32
    %dma_start3A_41 = arith.constant 0 : i32
    %dma_start3A_42 = tpu.memref_slice %arg2[%dma_start3A_40, %dma_start3A_41] : memref<40960x128xf32, #tpu.memory_space<hbm>> -> memref<40960x128xf32, #tpu.memory_space<hbm>>
    tpu.enqueue_indirect_dma source(%dma_start3A_42 : memref<40960x128xf32, #tpu.memory_space<hbm>>) target(%arg9 : memref<128x128xf32, #tpu.memory_space<vmem>>) offsets(%dma_start3A_39 : memref<128xi32, #tpu.memory_space<vmem>>) semaphore(%arg11 : memref<!tpu.dma_semaphore, #tpu.memory_space<semaphore_mem>>)
    %dma_start3A_43 = arith.constant 1 : i32
    %dma_start3A_44 = arith.constant 0 : i32
    %dma_start3A_45 = tpu.memref_slice %arg7[%dma_start3A_43, %dma_start3A_44] : memref<40x128xi32, #tpu.memory_space<vmem>> -> memref<1x128xi32, #tpu.memory_space<vmem>>
    %dma_start3A_46 = tpu.memref_squeeze %dma_start3A_45 : memref<1x128xi32, #tpu.memory_space<vmem>> -> memref<128xi32, #tpu.memory_space<vmem>>
    %dma_start3A_47 = arith.constant 0 : i32
    %dma_start3A_48 = arith.constant 0 : i32
    %dma_start3A_49 = tpu.memref_slice %arg2[%dma_start3A_47, %dma_start3A_48] : memref<40960x128xf32, #tpu.memory_space<hbm>> -> memref<40960x128xf32, #tpu.memory_space<hbm>>
    tpu.enqueue_indirect_dma source(%dma_start3A_49 : memref<40960x128xf32, #tpu.memory_space<hbm>>) target(%arg10 : memref<128x128xf32, #tpu.memory_space<vmem>>) offsets(%dma_start3A_46 : memref<128xi32, #tpu.memory_space<vmem>>) semaphore(%arg12 : memref<!tpu.dma_semaphore, #tpu.memory_space<semaphore_mem>>)
    %scan3A_50 = arith.constant 0 : i32
    %scan3A_51 = arith.constant 0 : i32
    %scan3A_52 = arith.constant 20 : i32
    %scan3A_53 = arith.addi %scan3A_51, %scan3A_52 : i32
    %scan3A_54 = arith.constant 1 : i32
    %scan3A_55 = scf.for %scan3A_125 = %scan3A_51 to %scan3A_53 step %scan3A_54 iter_args(%scan3A_126 = %scan3A_50) -> (i32)  : i32 {
      %mul3A_127 = arith.constant 2 : i32
      %mul3A_128 = arith.muli %mul3A_127, %scan3A_125 : i32
      %dma_wait3A = arith.constant 0 : i32
      %dma_wait3A_129 = arith.constant 0 : i32
      %dma_wait3A_130 = tpu.memref_slice %arg7[%dma_wait3A, %dma_wait3A_129] : memref<40x128xi32, #tpu.memory_space<vmem>> -> memref<1x128xi32, #tpu.memory_space<vmem>>
      %dma_wait3A_131 = tpu.memref_squeeze %dma_wait3A_130 : memref<1x128xi32, #tpu.memory_space<vmem>> -> memref<128xi32, #tpu.memory_space<vmem>>
      %dma_wait3A_132 = arith.constant 0 : i32
      %dma_wait3A_133 = arith.constant 0 : i32
      %dma_wait3A_134 = tpu.memref_slice %arg2[%dma_wait3A_132, %dma_wait3A_133] : memref<40960x128xf32, #tpu.memory_space<hbm>> -> memref<40960x128xf32, #tpu.memory_space<hbm>>
      tpu.wait_indirect_dma semaphore(%arg11 : memref<!tpu.dma_semaphore, #tpu.memory_space<semaphore_mem>>) src(%dma_wait3A_134 : memref<40960x128xf32, #tpu.memory_space<hbm>>) dst(%arg9 : memref<128x128xf32, #tpu.memory_space<vmem>>)
      %add3A_135 = arith.constant 0 : i32
      %add3A_136 = arith.addi %mul3A_128, %add3A_135 : i32
      "tpu.region"() ({
        %run_scoped3A = tpu.sem_alloc : memref<!tpu.dma_semaphore, #tpu.memory_space<semaphore_mem>>
        %dma_start3A_162 = arith.constant 0 : i32
        %dma_start3A_163 = tpu.memref_slice %arg8[%add3A_136, %dma_start3A_162] : memref<40x128xi32, #tpu.memory_space<vmem>> -> memref<1x128xi32, #tpu.memory_space<vmem>>
        %dma_start3A_164 = tpu.memref_squeeze %dma_start3A_163 : memref<1x128xi32, #tpu.memory_space<vmem>> -> memref<128xi32, #tpu.memory_space<vmem>>
        %dma_start3A_165 = arith.constant 0 : i32
        %dma_start3A_166 = arith.constant 0 : i32
        %dma_start3A_167 = tpu.memref_slice %arg6[%dma_start3A_165, %dma_start3A_166] : memref<10240x128xf32, #tpu.memory_space<vmem_shared>> -> memref<10240x128xf32, #tpu.memory_space<vmem_shared>>
        tpu.enqueue_indirect_dma source(%arg9 : memref<128x128xf32, #tpu.memory_space<vmem>>) target(%dma_start3A_167 : memref<10240x128xf32, #tpu.memory_space<vmem_shared>>) offsets(%dma_start3A_164 : memref<128xi32, #tpu.memory_space<vmem>>) semaphore(%run_scoped3A : memref<!tpu.dma_semaphore, #tpu.memory_space<semaphore_mem>>) {add = true}
        %dma_wait3A_168 = arith.constant 0 : i32
        %dma_wait3A_169 = tpu.memref_slice %arg8[%add3A_136, %dma_wait3A_168] : memref<40x128xi32, #tpu.memory_space<vmem>> -> memref<1x128xi32, #tpu.memory_space<vmem>>
        %dma_wait3A_170 = tpu.memref_squeeze %dma_wait3A_169 : memref<1x128xi32, #tpu.memory_space<vmem>> -> memref<128xi32, #tpu.memory_space<vmem>>
        %dma_wait3A_171 = arith.constant 0 : i32
        %dma_wait3A_172 = arith.constant 0 : i32
        %dma_wait3A_173 = tpu.memref_slice %arg6[%dma_wait3A_171, %dma_wait3A_172] : memref<10240x128xf32, #tpu.memory_space<vmem_shared>> -> memref<10240x128xf32, #tpu.memory_space<vmem_shared>>
        tpu.wait_indirect_dma semaphore(%run_scoped3A : memref<!tpu.dma_semaphore, #tpu.memory_space<semaphore_mem>>) src(%arg9 : memref<128x128xf32, #tpu.memory_space<vmem>>) dst(%dma_wait3A_173 : memref<10240x128xf32, #tpu.memory_space<vmem_shared>>)
        tpu.yield
      }) : () -> ()
      %add3A_137 = arith.constant 0 : i32
      %add3A_138 = arith.addi %mul3A_128, %add3A_137 : i32
      %add3A_139 = arith.constant 2 : i32
      %add3A_140 = arith.addi %add3A_138, %add3A_139 : i32
      %lt3A = arith.constant 40 : i32
      %lt3A_141 = arith.cmpi slt, %add3A_140, %lt3A : i32
      %convert_element_type3A = arith.extui %lt3A_141 : i1 to i32
      %cond3A = arith.constant 0 : i32
      %cond3A_142 = arith.cmpi ne, %convert_element_type3A, %cond3A : i32
      scf.if %cond3A_142 {
        %add3A_162 = arith.constant 0 : i32
        %add3A_163 = arith.addi %mul3A_128, %add3A_162 : i32
        %add3A_164 = arith.constant 2 : i32
        %add3A_165 = arith.addi %add3A_163, %add3A_164 : i32
        %dma_start3A_166 = arith.constant 0 : i32
        %dma_start3A_167 = tpu.memref_slice %arg7[%add3A_165, %dma_start3A_166] : memref<40x128xi32, #tpu.memory_space<vmem>> -> memref<1x128xi32, #tpu.memory_space<vmem>>
        %dma_start3A_168 = tpu.memref_squeeze %dma_start3A_167 : memref<1x128xi32, #tpu.memory_space<vmem>> -> memref<128xi32, #tpu.memory_space<vmem>>
        %dma_start3A_169 = arith.constant 0 : i32
        %dma_start3A_170 = arith.constant 0 : i32
        %dma_start3A_171 = tpu.memref_slice %arg2[%dma_start3A_169, %dma_start3A_170] : memref<40960x128xf32, #tpu.memory_space<hbm>> -> memref<40960x128xf32, #tpu.memory_space<hbm>>
        tpu.enqueue_indirect_dma source(%dma_start3A_171 : memref<40960x128xf32, #tpu.memory_space<hbm>>) target(%arg9 : memref<128x128xf32, #tpu.memory_space<vmem>>) offsets(%dma_start3A_168 : memref<128xi32, #tpu.memory_space<vmem>>) semaphore(%arg11 : memref<!tpu.dma_semaphore, #tpu.memory_space<semaphore_mem>>)
      } else {
      }
      %dma_wait3A_143 = arith.constant 0 : i32
      %dma_wait3A_144 = arith.constant 0 : i32
      %dma_wait3A_145 = tpu.memref_slice %arg7[%dma_wait3A_143, %dma_wait3A_144] : memref<40x128xi32, #tpu.memory_space<vmem>> -> memref<1x128xi32, #tpu.memory_space<vmem>>
      %dma_wait3A_146 = tpu.memref_squeeze %dma_wait3A_145 : memref<1x128xi32, #tpu.memory_space<vmem>> -> memref<128xi32, #tpu.memory_space<vmem>>
      %dma_wait3A_147 = arith.constant 0 : i32
      %dma_wait3A_148 = arith.constant 0 : i32
      %dma_wait3A_149 = tpu.memref_slice %arg2[%dma_wait3A_147, %dma_wait3A_148] : memref<40960x128xf32, #tpu.memory_space<hbm>> -> memref<40960x128xf32, #tpu.memory_space<hbm>>
      tpu.wait_indirect_dma semaphore(%arg12 : memref<!tpu.dma_semaphore, #tpu.memory_space<semaphore_mem>>) src(%dma_wait3A_149 : memref<40960x128xf32, #tpu.memory_space<hbm>>) dst(%arg10 : memref<128x128xf32, #tpu.memory_space<vmem>>)
      %add3A_150 = arith.constant 1 : i32
      %add3A_151 = arith.addi %mul3A_128, %add3A_150 : i32
      "tpu.region"() ({
        %run_scoped3A = tpu.sem_alloc : memref<!tpu.dma_semaphore, #tpu.memory_space<semaphore_mem>>
        %dma_start3A_162 = arith.constant 0 : i32
        %dma_start3A_163 = tpu.memref_slice %arg8[%add3A_151, %dma_start3A_162] : memref<40x128xi32, #tpu.memory_space<vmem>> -> memref<1x128xi32, #tpu.memory_space<vmem>>
        %dma_start3A_164 = tpu.memref_squeeze %dma_start3A_163 : memref<1x128xi32, #tpu.memory_space<vmem>> -> memref<128xi32, #tpu.memory_space<vmem>>
        %dma_start3A_165 = arith.constant 0 : i32
        %dma_start3A_166 = arith.constant 0 : i32
        %dma_start3A_167 = tpu.memref_slice %arg6[%dma_start3A_165, %dma_start3A_166] : memref<10240x128xf32, #tpu.memory_space<vmem_shared>> -> memref<10240x128xf32, #tpu.memory_space<vmem_shared>>
        tpu.enqueue_indirect_dma source(%arg10 : memref<128x128xf32, #tpu.memory_space<vmem>>) target(%dma_start3A_167 : memref<10240x128xf32, #tpu.memory_space<vmem_shared>>) offsets(%dma_start3A_164 : memref<128xi32, #tpu.memory_space<vmem>>) semaphore(%run_scoped3A : memref<!tpu.dma_semaphore, #tpu.memory_space<semaphore_mem>>) {add = true}
        %dma_wait3A_168 = arith.constant 0 : i32
        %dma_wait3A_169 = tpu.memref_slice %arg8[%add3A_151, %dma_wait3A_168] : memref<40x128xi32, #tpu.memory_space<vmem>> -> memref<1x128xi32, #tpu.memory_space<vmem>>
        %dma_wait3A_170 = tpu.memref_squeeze %dma_wait3A_169 : memref<1x128xi32, #tpu.memory_space<vmem>> -> memref<128xi32, #tpu.memory_space<vmem>>
        %dma_wait3A_171 = arith.constant 0 : i32
        %dma_wait3A_172 = arith.constant 0 : i32
        %dma_wait3A_173 = tpu.memref_slice %arg6[%dma_wait3A_171, %dma_wait3A_172] : memref<10240x128xf32, #tpu.memory_space<vmem_shared>> -> memref<10240x128xf32, #tpu.memory_space<vmem_shared>>
        tpu.wait_indirect_dma semaphore(%run_scoped3A : memref<!tpu.dma_semaphore, #tpu.memory_space<semaphore_mem>>) src(%arg10 : memref<128x128xf32, #tpu.memory_space<vmem>>) dst(%dma_wait3A_173 : memref<10240x128xf32, #tpu.memory_space<vmem_shared>>)
        tpu.yield
      }) : () -> ()
      %add3A_152 = arith.constant 1 : i32
      %add3A_153 = arith.addi %mul3A_128, %add3A_152 : i32
      %add3A_154 = arith.constant 2 : i32
      %add3A_155 = arith.addi %add3A_153, %add3A_154 : i32
      %lt3A_156 = arith.constant 40 : i32
      %lt3A_157 = arith.cmpi slt, %add3A_155, %lt3A_156 : i32
      %convert_element_type3A_158 = arith.extui %lt3A_157 : i1 to i32
      %cond3A_159 = arith.constant 0 : i32
      %cond3A_160 = arith.cmpi ne, %convert_element_type3A_158, %cond3A_159 : i32
      scf.if %cond3A_160 {
        %add3A_162 = arith.constant 1 : i32
        %add3A_163 = arith.addi %mul3A_128, %add3A_162 : i32
        %add3A_164 = arith.constant 2 : i32
        %add3A_165 = arith.addi %add3A_163, %add3A_164 : i32
        %dma_start3A_166 = arith.constant 0 : i32
        %dma_start3A_167 = tpu.memref_slice %arg7[%add3A_165, %dma_start3A_166] : memref<40x128xi32, #tpu.memory_space<vmem>> -> memref<1x128xi32, #tpu.memory_space<vmem>>
        %dma_start3A_168 = tpu.memref_squeeze %dma_start3A_167 : memref<1x128xi32, #tpu.memory_space<vmem>> -> memref<128xi32, #tpu.memory_space<vmem>>
        %dma_start3A_169 = arith.constant 0 : i32
        %dma_start3A_170 = arith.constant 0 : i32
        %dma_start3A_171 = tpu.memref_slice %arg2[%dma_start3A_169, %dma_start3A_170] : memref<40960x128xf32, #tpu.memory_space<hbm>> -> memref<40960x128xf32, #tpu.memory_space<hbm>>
        tpu.enqueue_indirect_dma source(%dma_start3A_171 : memref<40960x128xf32, #tpu.memory_space<hbm>>) target(%arg10 : memref<128x128xf32, #tpu.memory_space<vmem>>) offsets(%dma_start3A_168 : memref<128xi32, #tpu.memory_space<vmem>>) semaphore(%arg12 : memref<!tpu.dma_semaphore, #tpu.memory_space<semaphore_mem>>)
      } else {
      }
      %scan3A_161 = arith.constant 0 : i32
      scf.yield %scan3A_161 : i32
    }
    %scan3A_56 = arith.constant 20 : i32
    %barrier3A_57 = arith.constant 0 : index
    tpu.barrier barrier_id(%barrier3A_57)
    %mul3A_58 = arith.constant 10240 : i32
    %mul3A_59 = arith.muli %add3A_3, %mul3A_58 : i32
    %add3A_60 = arith.addi %mul3A_59, %mul3A_0 : i32
    "tpu.region"() ({
      %run_scoped3A = tpu.sem_alloc : memref<!tpu.dma_semaphore, #tpu.memory_space<semaphore_mem>>
      %dma_start3A_125 = arith.constant 0 : i32
      %dma_start3A_126 = tpu.memref_slice %arg5[%add3A_60, %dma_start3A_125] : memref<40960x128xf32, #tpu.memory_space<hbm>> -> memref<640x128xf32, #tpu.memory_space<hbm>>
      %dma_start3A_127 = arith.constant 0 : i32
      %dma_start3A_128 = tpu.memref_slice %arg6[%mul3A_0, %dma_start3A_127] : memref<10240x128xf32, #tpu.memory_space<vmem_shared>> -> memref<640x128xf32, #tpu.memory_space<vmem_shared>>
      tpu.enqueue_dma source(%dma_start3A_128 : memref<640x128xf32, #tpu.memory_space<vmem_shared>>) target(%dma_start3A_126 : memref<640x128xf32, #tpu.memory_space<hbm>>) target_semaphore(%run_scoped3A : memref<!tpu.dma_semaphore, #tpu.memory_space<semaphore_mem>>)
      %dma_wait3A = arith.constant 0 : i32
      %dma_wait3A_129 = tpu.memref_slice %arg5[%add3A_60, %dma_wait3A] : memref<40960x128xf32, #tpu.memory_space<hbm>> -> memref<640x128xf32, #tpu.memory_space<hbm>>
      %dma_wait3A_130 = arith.constant 0 : i32
      %dma_wait3A_131 = tpu.memref_slice %arg6[%mul3A_0, %dma_wait3A_130] : memref<10240x128xf32, #tpu.memory_space<vmem_shared>> -> memref<640x128xf32, #tpu.memory_space<vmem_shared>>
      tpu.wait_dma2 semaphore(%run_scoped3A : memref<!tpu.dma_semaphore, #tpu.memory_space<semaphore_mem>>) src(%dma_wait3A_131 : memref<640x128xf32, #tpu.memory_space<vmem_shared>>) dst(%dma_wait3A_129 : memref<640x128xf32, #tpu.memory_space<hbm>>)
      tpu.yield
    }) : () -> ()
    %barrier3A_61 = arith.constant 0 : index
    tpu.barrier barrier_id(%barrier3A_61)
    %add3A_62 = arith.constant 2 : i32
    %add3A_63 = arith.addi %add3A_62, %arg0 : i32
    %mul3A_64 = arith.constant 10240 : i32
    %mul3A_65 = arith.muli %add3A_63, %mul3A_64 : i32
    %add3A_66 = arith.addi %mul3A_65, %mul3A_0 : i32
    "tpu.region"() ({
      %run_scoped3A = tpu.sem_alloc : memref<!tpu.dma_semaphore, #tpu.memory_space<semaphore_mem>>
      %dma_start3A_125 = arith.constant 0 : i32
      %dma_start3A_126 = tpu.memref_slice %arg6[%mul3A_0, %dma_start3A_125] : memref<10240x128xf32, #tpu.memory_space<vmem_shared>> -> memref<640x128xf32, #tpu.memory_space<vmem_shared>>
      %dma_start3A_127 = arith.constant 0 : i32
      %dma_start3A_128 = tpu.memref_slice %arg2[%add3A_66, %dma_start3A_127] : memref<40960x128xf32, #tpu.memory_space<hbm>> -> memref<640x128xf32, #tpu.memory_space<hbm>>
      tpu.enqueue_dma source(%dma_start3A_128 : memref<640x128xf32, #tpu.memory_space<hbm>>) target(%dma_start3A_126 : memref<640x128xf32, #tpu.memory_space<vmem_shared>>) target_semaphore(%run_scoped3A : memref<!tpu.dma_semaphore, #tpu.memory_space<semaphore_mem>>)
      %dma_wait3A = arith.constant 0 : i32
      %dma_wait3A_129 = tpu.memref_slice %arg6[%mul3A_0, %dma_wait3A] : memref<10240x128xf32, #tpu.memory_space<vmem_shared>> -> memref<640x128xf32, #tpu.memory_space<vmem_shared>>
      %dma_wait3A_130 = arith.constant 0 : i32
      %dma_wait3A_131 = tpu.memref_slice %arg2[%add3A_66, %dma_wait3A_130] : memref<40960x128xf32, #tpu.memory_space<hbm>> -> memref<640x128xf32, #tpu.memory_space<hbm>>
      tpu.wait_dma2 semaphore(%run_scoped3A : memref<!tpu.dma_semaphore, #tpu.memory_space<semaphore_mem>>) src(%dma_wait3A_131 : memref<640x128xf32, #tpu.memory_space<hbm>>) dst(%dma_wait3A_129 : memref<640x128xf32, #tpu.memory_space<vmem_shared>>)
      tpu.yield
    }) : () -> ()
    %barrier3A_67 = arith.constant 0 : index
    tpu.barrier barrier_id(%barrier3A_67)
    %add3A_68 = arith.constant 0 : i32
    %add3A_69 = arith.addi %mul3A_2, %add3A_68 : i32
    %mul3A_70 = arith.constant 1280 : i32
    %mul3A_71 = arith.muli %add3A_63, %mul3A_70 : i32
    %add3A_72 = arith.addi %mul3A_71, %add3A_69 : i32
    "tpu.region"() ({
      %run_scoped3A = tpu.sem_alloc : memref<!tpu.dma_semaphore, #tpu.memory_space<semaphore_mem>>
      %dma_start3A_125 = arith.constant 0 : i32
      %dma_start3A_126 = tpu.memref_slice %arg3[%add3A_72, %dma_start3A_125] : memref<5120x128xi32, #tpu.memory_space<hbm>> -> memref<40x128xi32, #tpu.memory_space<hbm>>
      %dma_start3A_127 = arith.constant 0 : i32
      %dma_start3A_128 = tpu.memref_slice %arg3[%add3A_72, %dma_start3A_127] : memref<5120x128xi32, #tpu.memory_space<hbm>> -> memref<40x128xi32, #tpu.memory_space<hbm>>
      tpu.enqueue_dma source(%dma_start3A_128 : memref<40x128xi32, #tpu.memory_space<hbm>>) target(%arg7 : memref<40x128xi32, #tpu.memory_space<vmem>>) target_semaphore(%run_scoped3A : memref<!tpu.dma_semaphore, #tpu.memory_space<semaphore_mem>>)
      %dma_wait3A = arith.constant 0 : i32
      %dma_wait3A_129 = tpu.memref_slice %arg3[%add3A_72, %dma_wait3A] : memref<5120x128xi32, #tpu.memory_space<hbm>> -> memref<40x128xi32, #tpu.memory_space<hbm>>
      %dma_wait3A_130 = arith.constant 0 : i32
      %dma_wait3A_131 = tpu.memref_slice %arg3[%add3A_72, %dma_wait3A_130] : memref<5120x128xi32, #tpu.memory_space<hbm>> -> memref<40x128xi32, #tpu.memory_space<hbm>>
      tpu.wait_dma2 semaphore(%run_scoped3A : memref<!tpu.dma_semaphore, #tpu.memory_space<semaphore_mem>>) src(%dma_wait3A_131 : memref<40x128xi32, #tpu.memory_space<hbm>>) dst(%arg7 : memref<40x128xi32, #tpu.memory_space<vmem>>)
      tpu.yield
    }) : () -> ()
    "tpu.region"() ({
      %run_scoped3A = tpu.sem_alloc : memref<!tpu.dma_semaphore, #tpu.memory_space<semaphore_mem>>
      %dma_start3A_125 = arith.constant 0 : i32
      %dma_start3A_126 = tpu.memref_slice %arg4[%add3A_69, %dma_start3A_125] : memref<1280x128xi32, #tpu.memory_space<hbm>> -> memref<40x128xi32, #tpu.memory_space<hbm>>
      %dma_start3A_127 = arith.constant 0 : i32
      %dma_start3A_128 = tpu.memref_slice %arg4[%add3A_69, %dma_start3A_127] : memref<1280x128xi32, #tpu.memory_space<hbm>> -> memref<40x128xi32, #tpu.memory_space<hbm>>
      tpu.enqueue_dma source(%dma_start3A_128 : memref<40x128xi32, #tpu.memory_space<hbm>>) target(%arg8 : memref<40x128xi32, #tpu.memory_space<vmem>>) target_semaphore(%run_scoped3A : memref<!tpu.dma_semaphore, #tpu.memory_space<semaphore_mem>>)
      %dma_wait3A = arith.constant 0 : i32
      %dma_wait3A_129 = tpu.memref_slice %arg4[%add3A_69, %dma_wait3A] : memref<1280x128xi32, #tpu.memory_space<hbm>> -> memref<40x128xi32, #tpu.memory_space<hbm>>
      %dma_wait3A_130 = arith.constant 0 : i32
      %dma_wait3A_131 = tpu.memref_slice %arg4[%add3A_69, %dma_wait3A_130] : memref<1280x128xi32, #tpu.memory_space<hbm>> -> memref<40x128xi32, #tpu.memory_space<hbm>>
      tpu.wait_dma2 semaphore(%run_scoped3A : memref<!tpu.dma_semaphore, #tpu.memory_space<semaphore_mem>>) src(%dma_wait3A_131 : memref<40x128xi32, #tpu.memory_space<hbm>>) dst(%arg8 : memref<40x128xi32, #tpu.memory_space<vmem>>)
      tpu.yield
    }) : () -> ()
    %dma_start3A_73 = arith.constant 0 : i32
    %dma_start3A_74 = arith.constant 0 : i32
    %dma_start3A_75 = tpu.memref_slice %arg7[%dma_start3A_73, %dma_start3A_74] : memref<40x128xi32, #tpu.memory_space<vmem>> -> memref<1x128xi32, #tpu.memory_space<vmem>>
    %dma_start3A_76 = tpu.memref_squeeze %dma_start3A_75 : memref<1x128xi32, #tpu.memory_space<vmem>> -> memref<128xi32, #tpu.memory_space<vmem>>
    %dma_start3A_77 = arith.constant 0 : i32
    %dma_start3A_78 = arith.constant 0 : i32
    %dma_start3A_79 = tpu.memref_slice %arg2[%dma_start3A_77, %dma_start3A_78] : memref<40960x128xf32, #tpu.memory_space<hbm>> -> memref<40960x128xf32, #tpu.memory_space<hbm>>
    tpu.enqueue_indirect_dma source(%dma_start3A_79 : memref<40960x128xf32, #tpu.memory_space<hbm>>) target(%arg9 : memref<128x128xf32, #tpu.memory_space<vmem>>) offsets(%dma_start3A_76 : memref<128xi32, #tpu.memory_space<vmem>>) semaphore(%arg11 : memref<!tpu.dma_semaphore, #tpu.memory_space<semaphore_mem>>)
    %dma_start3A_80 = arith.constant 1 : i32
    %dma_start3A_81 = arith.constant 0 : i32
    %dma_start3A_82 = tpu.memref_slice %arg7[%dma_start3A_80, %dma_start3A_81] : memref<40x128xi32, #tpu.memory_space<vmem>> -> memref<1x128xi32, #tpu.memory_space<vmem>>
    %dma_start3A_83 = tpu.memref_squeeze %dma_start3A_82 : memref<1x128xi32, #tpu.memory_space<vmem>> -> memref<128xi32, #tpu.memory_space<vmem>>
    %dma_start3A_84 = arith.constant 0 : i32
    %dma_start3A_85 = arith.constant 0 : i32
    %dma_start3A_86 = tpu.memref_slice %arg2[%dma_start3A_84, %dma_start3A_85] : memref<40960x128xf32, #tpu.memory_space<hbm>> -> memref<40960x128xf32, #tpu.memory_space<hbm>>
    tpu.enqueue_indirect_dma source(%dma_start3A_86 : memref<40960x128xf32, #tpu.memory_space<hbm>>) target(%arg10 : memref<128x128xf32, #tpu.memory_space<vmem>>) offsets(%dma_start3A_83 : memref<128xi32, #tpu.memory_space<vmem>>) semaphore(%arg12 : memref<!tpu.dma_semaphore, #tpu.memory_space<semaphore_mem>>)
    %scan3A_87 = arith.constant 0 : i32
    %scan3A_88 = arith.constant 0 : i32
    %scan3A_89 = arith.constant 20 : i32
    %scan3A_90 = arith.addi %scan3A_88, %scan3A_89 : i32
    %scan3A_91 = arith.constant 1 : i32
    %scan3A_92 = scf.for %scan3A_125 = %scan3A_88 to %scan3A_90 step %scan3A_91 iter_args(%scan3A_126 = %scan3A_87) -> (i32)  : i32 {
      %mul3A_127 = arith.constant 2 : i32
      %mul3A_128 = arith.muli %mul3A_127, %scan3A_125 : i32
      %dma_wait3A = arith.constant 0 : i32
      %dma_wait3A_129 = arith.constant 0 : i32
      %dma_wait3A_130 = tpu.memref_slice %arg7[%dma_wait3A, %dma_wait3A_129] : memref<40x128xi32, #tpu.memory_space<vmem>> -> memref<1x128xi32, #tpu.memory_space<vmem>>
      %dma_wait3A_131 = tpu.memref_squeeze %dma_wait3A_130 : memref<1x128xi32, #tpu.memory_space<vmem>> -> memref<128xi32, #tpu.memory_space<vmem>>
      %dma_wait3A_132 = arith.constant 0 : i32
      %dma_wait3A_133 = arith.constant 0 : i32
      %dma_wait3A_134 = tpu.memref_slice %arg2[%dma_wait3A_132, %dma_wait3A_133] : memref<40960x128xf32, #tpu.memory_space<hbm>> -> memref<40960x128xf32, #tpu.memory_space<hbm>>
      tpu.wait_indirect_dma semaphore(%arg11 : memref<!tpu.dma_semaphore, #tpu.memory_space<semaphore_mem>>) src(%dma_wait3A_134 : memref<40960x128xf32, #tpu.memory_space<hbm>>) dst(%arg9 : memref<128x128xf32, #tpu.memory_space<vmem>>)
      %add3A_135 = arith.constant 0 : i32
      %add3A_136 = arith.addi %mul3A_128, %add3A_135 : i32
      "tpu.region"() ({
        %run_scoped3A = tpu.sem_alloc : memref<!tpu.dma_semaphore, #tpu.memory_space<semaphore_mem>>
        %dma_start3A_162 = arith.constant 0 : i32
        %dma_start3A_163 = tpu.memref_slice %arg8[%add3A_136, %dma_start3A_162] : memref<40x128xi32, #tpu.memory_space<vmem>> -> memref<1x128xi32, #tpu.memory_space<vmem>>
        %dma_start3A_164 = tpu.memref_squeeze %dma_start3A_163 : memref<1x128xi32, #tpu.memory_space<vmem>> -> memref<128xi32, #tpu.memory_space<vmem>>
        %dma_start3A_165 = arith.constant 0 : i32
        %dma_start3A_166 = arith.constant 0 : i32
        %dma_start3A_167 = tpu.memref_slice %arg6[%dma_start3A_165, %dma_start3A_166] : memref<10240x128xf32, #tpu.memory_space<vmem_shared>> -> memref<10240x128xf32, #tpu.memory_space<vmem_shared>>
        tpu.enqueue_indirect_dma source(%arg9 : memref<128x128xf32, #tpu.memory_space<vmem>>) target(%dma_start3A_167 : memref<10240x128xf32, #tpu.memory_space<vmem_shared>>) offsets(%dma_start3A_164 : memref<128xi32, #tpu.memory_space<vmem>>) semaphore(%run_scoped3A : memref<!tpu.dma_semaphore, #tpu.memory_space<semaphore_mem>>) {add = true}
        %dma_wait3A_168 = arith.constant 0 : i32
        %dma_wait3A_169 = tpu.memref_slice %arg8[%add3A_136, %dma_wait3A_168] : memref<40x128xi32, #tpu.memory_space<vmem>> -> memref<1x128xi32, #tpu.memory_space<vmem>>
        %dma_wait3A_170 = tpu.memref_squeeze %dma_wait3A_169 : memref<1x128xi32, #tpu.memory_space<vmem>> -> memref<128xi32, #tpu.memory_space<vmem>>
        %dma_wait3A_171 = arith.constant 0 : i32
        %dma_wait3A_172 = arith.constant 0 : i32
        %dma_wait3A_173 = tpu.memref_slice %arg6[%dma_wait3A_171, %dma_wait3A_172] : memref<10240x128xf32, #tpu.memory_space<vmem_shared>> -> memref<10240x128xf32, #tpu.memory_space<vmem_shared>>
        tpu.wait_indirect_dma semaphore(%run_scoped3A : memref<!tpu.dma_semaphore, #tpu.memory_space<semaphore_mem>>) src(%arg9 : memref<128x128xf32, #tpu.memory_space<vmem>>) dst(%dma_wait3A_173 : memref<10240x128xf32, #tpu.memory_space<vmem_shared>>)
        tpu.yield
      }) : () -> ()
      %add3A_137 = arith.constant 0 : i32
      %add3A_138 = arith.addi %mul3A_128, %add3A_137 : i32
      %add3A_139 = arith.constant 2 : i32
      %add3A_140 = arith.addi %add3A_138, %add3A_139 : i32
      %lt3A = arith.constant 40 : i32
      %lt3A_141 = arith.cmpi slt, %add3A_140, %lt3A : i32
      %convert_element_type3A = arith.extui %lt3A_141 : i1 to i32
      %cond3A = arith.constant 0 : i32
      %cond3A_142 = arith.cmpi ne, %convert_element_type3A, %cond3A : i32
      scf.if %cond3A_142 {
        %add3A_162 = arith.constant 0 : i32
        %add3A_163 = arith.addi %mul3A_128, %add3A_162 : i32
        %add3A_164 = arith.constant 2 : i32
        %add3A_165 = arith.addi %add3A_163, %add3A_164 : i32
        %dma_start3A_166 = arith.constant 0 : i32
        %dma_start3A_167 = tpu.memref_slice %arg7[%add3A_165, %dma_start3A_166] : memref<40x128xi32, #tpu.memory_space<vmem>> -> memref<1x128xi32, #tpu.memory_space<vmem>>
        %dma_start3A_168 = tpu.memref_squeeze %dma_start3A_167 : memref<1x128xi32, #tpu.memory_space<vmem>> -> memref<128xi32, #tpu.memory_space<vmem>>
        %dma_start3A_169 = arith.constant 0 : i32
        %dma_start3A_170 = arith.constant 0 : i32
        %dma_start3A_171 = tpu.memref_slice %arg2[%dma_start3A_169, %dma_start3A_170] : memref<40960x128xf32, #tpu.memory_space<hbm>> -> memref<40960x128xf32, #tpu.memory_space<hbm>>
        tpu.enqueue_indirect_dma source(%dma_start3A_171 : memref<40960x128xf32, #tpu.memory_space<hbm>>) target(%arg9 : memref<128x128xf32, #tpu.memory_space<vmem>>) offsets(%dma_start3A_168 : memref<128xi32, #tpu.memory_space<vmem>>) semaphore(%arg11 : memref<!tpu.dma_semaphore, #tpu.memory_space<semaphore_mem>>)
      } else {
      }
      %dma_wait3A_143 = arith.constant 0 : i32
      %dma_wait3A_144 = arith.constant 0 : i32
      %dma_wait3A_145 = tpu.memref_slice %arg7[%dma_wait3A_143, %dma_wait3A_144] : memref<40x128xi32, #tpu.memory_space<vmem>> -> memref<1x128xi32, #tpu.memory_space<vmem>>
      %dma_wait3A_146 = tpu.memref_squeeze %dma_wait3A_145 : memref<1x128xi32, #tpu.memory_space<vmem>> -> memref<128xi32, #tpu.memory_space<vmem>>
      %dma_wait3A_147 = arith.constant 0 : i32
      %dma_wait3A_148 = arith.constant 0 : i32
      %dma_wait3A_149 = tpu.memref_slice %arg2[%dma_wait3A_147, %dma_wait3A_148] : memref<40960x128xf32, #tpu.memory_space<hbm>> -> memref<40960x128xf32, #tpu.memory_space<hbm>>
      tpu.wait_indirect_dma semaphore(%arg12 : memref<!tpu.dma_semaphore, #tpu.memory_space<semaphore_mem>>) src(%dma_wait3A_149 : memref<40960x128xf32, #tpu.memory_space<hbm>>) dst(%arg10 : memref<128x128xf32, #tpu.memory_space<vmem>>)
      %add3A_150 = arith.constant 1 : i32
      %add3A_151 = arith.addi %mul3A_128, %add3A_150 : i32
      "tpu.region"() ({
        %run_scoped3A = tpu.sem_alloc : memref<!tpu.dma_semaphore, #tpu.memory_space<semaphore_mem>>
        %dma_start3A_162 = arith.constant 0 : i32
        %dma_start3A_163 = tpu.memref_slice %arg8[%add3A_151, %dma_start3A_162] : memref<40x128xi32, #tpu.memory_space<vmem>> -> memref<1x128xi32, #tpu.memory_space<vmem>>
        %dma_start3A_164 = tpu.memref_squeeze %dma_start3A_163 : memref<1x128xi32, #tpu.memory_space<vmem>> -> memref<128xi32, #tpu.memory_space<vmem>>
        %dma_start3A_165 = arith.constant 0 : i32
        %dma_start3A_166 = arith.constant 0 : i32
        %dma_start3A_167 = tpu.memref_slice %arg6[%dma_start3A_165, %dma_start3A_166] : memref<10240x128xf32, #tpu.memory_space<vmem_shared>> -> memref<10240x128xf32, #tpu.memory_space<vmem_shared>>
        tpu.enqueue_indirect_dma source(%arg10 : memref<128x128xf32, #tpu.memory_space<vmem>>) target(%dma_start3A_167 : memref<10240x128xf32, #tpu.memory_space<vmem_shared>>) offsets(%dma_start3A_164 : memref<128xi32, #tpu.memory_space<vmem>>) semaphore(%run_scoped3A : memref<!tpu.dma_semaphore, #tpu.memory_space<semaphore_mem>>) {add = true}
        %dma_wait3A_168 = arith.constant 0 : i32
        %dma_wait3A_169 = tpu.memref_slice %arg8[%add3A_151, %dma_wait3A_168] : memref<40x128xi32, #tpu.memory_space<vmem>> -> memref<1x128xi32, #tpu.memory_space<vmem>>
        %dma_wait3A_170 = tpu.memref_squeeze %dma_wait3A_169 : memref<1x128xi32, #tpu.memory_space<vmem>> -> memref<128xi32, #tpu.memory_space<vmem>>
        %dma_wait3A_171 = arith.constant 0 : i32
        %dma_wait3A_172 = arith.constant 0 : i32
        %dma_wait3A_173 = tpu.memref_slice %arg6[%dma_wait3A_171, %dma_wait3A_172] : memref<10240x128xf32, #tpu.memory_space<vmem_shared>> -> memref<10240x128xf32, #tpu.memory_space<vmem_shared>>
        tpu.wait_indirect_dma semaphore(%run_scoped3A : memref<!tpu.dma_semaphore, #tpu.memory_space<semaphore_mem>>) src(%arg10 : memref<128x128xf32, #tpu.memory_space<vmem>>) dst(%dma_wait3A_173 : memref<10240x128xf32, #tpu.memory_space<vmem_shared>>)
        tpu.yield
      }) : () -> ()
      %add3A_152 = arith.constant 1 : i32
      %add3A_153 = arith.addi %mul3A_128, %add3A_152 : i32
      %add3A_154 = arith.constant 2 : i32
      %add3A_155 = arith.addi %add3A_153, %add3A_154 : i32
      %lt3A_156 = arith.constant 40 : i32
      %lt3A_157 = arith.cmpi slt, %add3A_155, %lt3A_156 : i32
      %convert_element_type3A_158 = arith.extui %lt3A_157 : i1 to i32
      %cond3A_159 = arith.constant 0 : i32
      %cond3A_160 = arith.cmpi ne, %convert_element_type3A_158, %cond3A_159 : i32
      scf.if %cond3A_160 {
        %add3A_162 = arith.constant 1 : i32
        %add3A_163 = arith.addi %mul3A_128, %add3A_162 : i32
        %add3A_164 = arith.constant 2 : i32
        %add3A_165 = arith.addi %add3A_163, %add3A_164 : i32
        %dma_start3A_166 = arith.constant 0 : i32
        %dma_start3A_167 = tpu.memref_slice %arg7[%add3A_165, %dma_start3A_166] : memref<40x128xi32, #tpu.memory_space<vmem>> -> memref<1x128xi32, #tpu.memory_space<vmem>>
        %dma_start3A_168 = tpu.memref_squeeze %dma_start3A_167 : memref<1x128xi32, #tpu.memory_space<vmem>> -> memref<128xi32, #tpu.memory_space<vmem>>
        %dma_start3A_169 = arith.constant 0 : i32
        %dma_start3A_170 = arith.constant 0 : i32
        %dma_start3A_171 = tpu.memref_slice %arg2[%dma_start3A_169, %dma_start3A_170] : memref<40960x128xf32, #tpu.memory_space<hbm>> -> memref<40960x128xf32, #tpu.memory_space<hbm>>
        tpu.enqueue_indirect_dma source(%dma_start3A_171 : memref<40960x128xf32, #tpu.memory_space<hbm>>) target(%arg10 : memref<128x128xf32, #tpu.memory_space<vmem>>) offsets(%dma_start3A_168 : memref<128xi32, #tpu.memory_space<vmem>>) semaphore(%arg12 : memref<!tpu.dma_semaphore, #tpu.memory_space<semaphore_mem>>)
      } else {
      }
      %scan3A_161 = arith.constant 0 : i32
      scf.yield %scan3A_161 : i32
    }
    %scan3A_93 = arith.constant 20 : i32
    %add3A_94 = arith.constant 40 : i32
    %add3A_95 = arith.addi %mul3A_2, %add3A_94 : i32
    %mul3A_96 = arith.constant 1280 : i32
    %mul3A_97 = arith.muli %add3A_63, %mul3A_96 : i32
    %add3A_98 = arith.addi %mul3A_97, %add3A_95 : i32
    "tpu.region"() ({
      %run_scoped3A = tpu.sem_alloc : memref<!tpu.dma_semaphore, #tpu.memory_space<semaphore_mem>>
      %dma_start3A_125 = arith.constant 0 : i32
      %dma_start3A_126 = tpu.memref_slice %arg3[%add3A_98, %dma_start3A_125] : memref<5120x128xi32, #tpu.memory_space<hbm>> -> memref<40x128xi32, #tpu.memory_space<hbm>>
      %dma_start3A_127 = arith.constant 0 : i32
      %dma_start3A_128 = tpu.memref_slice %arg3[%add3A_98, %dma_start3A_127] : memref<5120x128xi32, #tpu.memory_space<hbm>> -> memref<40x128xi32, #tpu.memory_space<hbm>>
      tpu.enqueue_dma source(%dma_start3A_128 : memref<40x128xi32, #tpu.memory_space<hbm>>) target(%arg7 : memref<40x128xi32, #tpu.memory_space<vmem>>) target_semaphore(%run_scoped3A : memref<!tpu.dma_semaphore, #tpu.memory_space<semaphore_mem>>)
      %dma_wait3A = arith.constant 0 : i32
      %dma_wait3A_129 = tpu.memref_slice %arg3[%add3A_98, %dma_wait3A] : memref<5120x128xi32, #tpu.memory_space<hbm>> -> memref<40x128xi32, #tpu.memory_space<hbm>>
      %dma_wait3A_130 = arith.constant 0 : i32
      %dma_wait3A_131 = tpu.memref_slice %arg3[%add3A_98, %dma_wait3A_130] : memref<5120x128xi32, #tpu.memory_space<hbm>> -> memref<40x128xi32, #tpu.memory_space<hbm>>
      tpu.wait_dma2 semaphore(%run_scoped3A : memref<!tpu.dma_semaphore, #tpu.memory_space<semaphore_mem>>) src(%dma_wait3A_131 : memref<40x128xi32, #tpu.memory_space<hbm>>) dst(%arg7 : memref<40x128xi32, #tpu.memory_space<vmem>>)
      tpu.yield
    }) : () -> ()
    "tpu.region"() ({
      %run_scoped3A = tpu.sem_alloc : memref<!tpu.dma_semaphore, #tpu.memory_space<semaphore_mem>>
      %dma_start3A_125 = arith.constant 0 : i32
      %dma_start3A_126 = tpu.memref_slice %arg4[%add3A_95, %dma_start3A_125] : memref<1280x128xi32, #tpu.memory_space<hbm>> -> memref<40x128xi32, #tpu.memory_space<hbm>>
      %dma_start3A_127 = arith.constant 0 : i32
      %dma_start3A_128 = tpu.memref_slice %arg4[%add3A_95, %dma_start3A_127] : memref<1280x128xi32, #tpu.memory_space<hbm>> -> memref<40x128xi32, #tpu.memory_space<hbm>>
      tpu.enqueue_dma source(%dma_start3A_128 : memref<40x128xi32, #tpu.memory_space<hbm>>) target(%arg8 : memref<40x128xi32, #tpu.memory_space<vmem>>) target_semaphore(%run_scoped3A : memref<!tpu.dma_semaphore, #tpu.memory_space<semaphore_mem>>)
      %dma_wait3A = arith.constant 0 : i32
      %dma_wait3A_129 = tpu.memref_slice %arg4[%add3A_95, %dma_wait3A] : memref<1280x128xi32, #tpu.memory_space<hbm>> -> memref<40x128xi32, #tpu.memory_space<hbm>>
      %dma_wait3A_130 = arith.constant 0 : i32
      %dma_wait3A_131 = tpu.memref_slice %arg4[%add3A_95, %dma_wait3A_130] : memref<1280x128xi32, #tpu.memory_space<hbm>> -> memref<40x128xi32, #tpu.memory_space<hbm>>
      tpu.wait_dma2 semaphore(%run_scoped3A : memref<!tpu.dma_semaphore, #tpu.memory_space<semaphore_mem>>) src(%dma_wait3A_131 : memref<40x128xi32, #tpu.memory_space<hbm>>) dst(%arg8 : memref<40x128xi32, #tpu.memory_space<vmem>>)
      tpu.yield
    }) : () -> ()
    %dma_start3A_99 = arith.constant 0 : i32
    %dma_start3A_100 = arith.constant 0 : i32
    %dma_start3A_101 = tpu.memref_slice %arg7[%dma_start3A_99, %dma_start3A_100] : memref<40x128xi32, #tpu.memory_space<vmem>> -> memref<1x128xi32, #tpu.memory_space<vmem>>
    %dma_start3A_102 = tpu.memref_squeeze %dma_start3A_101 : memref<1x128xi32, #tpu.memory_space<vmem>> -> memref<128xi32, #tpu.memory_space<vmem>>
    %dma_start3A_103 = arith.constant 0 : i32
    %dma_start3A_104 = arith.constant 0 : i32
    %dma_start3A_105 = tpu.memref_slice %arg2[%dma_start3A_103, %dma_start3A_104] : memref<40960x128xf32, #tpu.memory_space<hbm>> -> memref<40960x128xf32, #tpu.memory_space<hbm>>
    tpu.enqueue_indirect_dma source(%dma_start3A_105 : memref<40960x128xf32, #tpu.memory_space<hbm>>) target(%arg9 : memref<128x128xf32, #tpu.memory_space<vmem>>) offsets(%dma_start3A_102 : memref<128xi32, #tpu.memory_space<vmem>>) semaphore(%arg11 : memref<!tpu.dma_semaphore, #tpu.memory_space<semaphore_mem>>)
    %dma_start3A_106 = arith.constant 1 : i32
    %dma_start3A_107 = arith.constant 0 : i32
    %dma_start3A_108 = tpu.memref_slice %arg7[%dma_start3A_106, %dma_start3A_107] : memref<40x128xi32, #tpu.memory_space<vmem>> -> memref<1x128xi32, #tpu.memory_space<vmem>>
    %dma_start3A_109 = tpu.memref_squeeze %dma_start3A_108 : memref<1x128xi32, #tpu.memory_space<vmem>> -> memref<128xi32, #tpu.memory_space<vmem>>
    %dma_start3A_110 = arith.constant 0 : i32
    %dma_start3A_111 = arith.constant 0 : i32
    %dma_start3A_112 = tpu.memref_slice %arg2[%dma_start3A_110, %dma_start3A_111] : memref<40960x128xf32, #tpu.memory_space<hbm>> -> memref<40960x128xf32, #tpu.memory_space<hbm>>
    tpu.enqueue_indirect_dma source(%dma_start3A_112 : memref<40960x128xf32, #tpu.memory_space<hbm>>) target(%arg10 : memref<128x128xf32, #tpu.memory_space<vmem>>) offsets(%dma_start3A_109 : memref<128xi32, #tpu.memory_space<vmem>>) semaphore(%arg12 : memref<!tpu.dma_semaphore, #tpu.memory_space<semaphore_mem>>)
    %scan3A_113 = arith.constant 0 : i32
    %scan3A_114 = arith.constant 0 : i32
    %scan3A_115 = arith.constant 20 : i32
    %scan3A_116 = arith.addi %scan3A_114, %scan3A_115 : i32
    %scan3A_117 = arith.constant 1 : i32
    %scan3A_118 = scf.for %scan3A_125 = %scan3A_114 to %scan3A_116 step %scan3A_117 iter_args(%scan3A_126 = %scan3A_113) -> (i32)  : i32 {
      %mul3A_127 = arith.constant 2 : i32
      %mul3A_128 = arith.muli %mul3A_127, %scan3A_125 : i32
      %dma_wait3A = arith.constant 0 : i32
      %dma_wait3A_129 = arith.constant 0 : i32
      %dma_wait3A_130 = tpu.memref_slice %arg7[%dma_wait3A, %dma_wait3A_129] : memref<40x128xi32, #tpu.memory_space<vmem>> -> memref<1x128xi32, #tpu.memory_space<vmem>>
      %dma_wait3A_131 = tpu.memref_squeeze %dma_wait3A_130 : memref<1x128xi32, #tpu.memory_space<vmem>> -> memref<128xi32, #tpu.memory_space<vmem>>
      %dma_wait3A_132 = arith.constant 0 : i32
      %dma_wait3A_133 = arith.constant 0 : i32
      %dma_wait3A_134 = tpu.memref_slice %arg2[%dma_wait3A_132, %dma_wait3A_133] : memref<40960x128xf32, #tpu.memory_space<hbm>> -> memref<40960x128xf32, #tpu.memory_space<hbm>>
      tpu.wait_indirect_dma semaphore(%arg11 : memref<!tpu.dma_semaphore, #tpu.memory_space<semaphore_mem>>) src(%dma_wait3A_134 : memref<40960x128xf32, #tpu.memory_space<hbm>>) dst(%arg9 : memref<128x128xf32, #tpu.memory_space<vmem>>)
      %add3A_135 = arith.constant 0 : i32
      %add3A_136 = arith.addi %mul3A_128, %add3A_135 : i32
      "tpu.region"() ({
        %run_scoped3A = tpu.sem_alloc : memref<!tpu.dma_semaphore, #tpu.memory_space<semaphore_mem>>
        %dma_start3A_162 = arith.constant 0 : i32
        %dma_start3A_163 = tpu.memref_slice %arg8[%add3A_136, %dma_start3A_162] : memref<40x128xi32, #tpu.memory_space<vmem>> -> memref<1x128xi32, #tpu.memory_space<vmem>>
        %dma_start3A_164 = tpu.memref_squeeze %dma_start3A_163 : memref<1x128xi32, #tpu.memory_space<vmem>> -> memref<128xi32, #tpu.memory_space<vmem>>
        %dma_start3A_165 = arith.constant 0 : i32
        %dma_start3A_166 = arith.constant 0 : i32
        %dma_start3A_167 = tpu.memref_slice %arg6[%dma_start3A_165, %dma_start3A_166] : memref<10240x128xf32, #tpu.memory_space<vmem_shared>> -> memref<10240x128xf32, #tpu.memory_space<vmem_shared>>
        tpu.enqueue_indirect_dma source(%arg9 : memref<128x128xf32, #tpu.memory_space<vmem>>) target(%dma_start3A_167 : memref<10240x128xf32, #tpu.memory_space<vmem_shared>>) offsets(%dma_start3A_164 : memref<128xi32, #tpu.memory_space<vmem>>) semaphore(%run_scoped3A : memref<!tpu.dma_semaphore, #tpu.memory_space<semaphore_mem>>) {add = true}
        %dma_wait3A_168 = arith.constant 0 : i32
        %dma_wait3A_169 = tpu.memref_slice %arg8[%add3A_136, %dma_wait3A_168] : memref<40x128xi32, #tpu.memory_space<vmem>> -> memref<1x128xi32, #tpu.memory_space<vmem>>
        %dma_wait3A_170 = tpu.memref_squeeze %dma_wait3A_169 : memref<1x128xi32, #tpu.memory_space<vmem>> -> memref<128xi32, #tpu.memory_space<vmem>>
        %dma_wait3A_171 = arith.constant 0 : i32
        %dma_wait3A_172 = arith.constant 0 : i32
        %dma_wait3A_173 = tpu.memref_slice %arg6[%dma_wait3A_171, %dma_wait3A_172] : memref<10240x128xf32, #tpu.memory_space<vmem_shared>> -> memref<10240x128xf32, #tpu.memory_space<vmem_shared>>
        tpu.wait_indirect_dma semaphore(%run_scoped3A : memref<!tpu.dma_semaphore, #tpu.memory_space<semaphore_mem>>) src(%arg9 : memref<128x128xf32, #tpu.memory_space<vmem>>) dst(%dma_wait3A_173 : memref<10240x128xf32, #tpu.memory_space<vmem_shared>>)
        tpu.yield
      }) : () -> ()
      %add3A_137 = arith.constant 0 : i32
      %add3A_138 = arith.addi %mul3A_128, %add3A_137 : i32
      %add3A_139 = arith.constant 2 : i32
      %add3A_140 = arith.addi %add3A_138, %add3A_139 : i32
      %lt3A = arith.constant 40 : i32
      %lt3A_141 = arith.cmpi slt, %add3A_140, %lt3A : i32
      %convert_element_type3A = arith.extui %lt3A_141 : i1 to i32
      %cond3A = arith.constant 0 : i32
      %cond3A_142 = arith.cmpi ne, %convert_element_type3A, %cond3A : i32
      scf.if %cond3A_142 {
        %add3A_162 = arith.constant 0 : i32
        %add3A_163 = arith.addi %mul3A_128, %add3A_162 : i32
        %add3A_164 = arith.constant 2 : i32
        %add3A_165 = arith.addi %add3A_163, %add3A_164 : i32
        %dma_start3A_166 = arith.constant 0 : i32
        %dma_start3A_167 = tpu.memref_slice %arg7[%add3A_165, %dma_start3A_166] : memref<40x128xi32, #tpu.memory_space<vmem>> -> memref<1x128xi32, #tpu.memory_space<vmem>>
        %dma_start3A_168 = tpu.memref_squeeze %dma_start3A_167 : memref<1x128xi32, #tpu.memory_space<vmem>> -> memref<128xi32, #tpu.memory_space<vmem>>
        %dma_start3A_169 = arith.constant 0 : i32
        %dma_start3A_170 = arith.constant 0 : i32
        %dma_start3A_171 = tpu.memref_slice %arg2[%dma_start3A_169, %dma_start3A_170] : memref<40960x128xf32, #tpu.memory_space<hbm>> -> memref<40960x128xf32, #tpu.memory_space<hbm>>
        tpu.enqueue_indirect_dma source(%dma_start3A_171 : memref<40960x128xf32, #tpu.memory_space<hbm>>) target(%arg9 : memref<128x128xf32, #tpu.memory_space<vmem>>) offsets(%dma_start3A_168 : memref<128xi32, #tpu.memory_space<vmem>>) semaphore(%arg11 : memref<!tpu.dma_semaphore, #tpu.memory_space<semaphore_mem>>)
      } else {
      }
      %dma_wait3A_143 = arith.constant 0 : i32
      %dma_wait3A_144 = arith.constant 0 : i32
      %dma_wait3A_145 = tpu.memref_slice %arg7[%dma_wait3A_143, %dma_wait3A_144] : memref<40x128xi32, #tpu.memory_space<vmem>> -> memref<1x128xi32, #tpu.memory_space<vmem>>
      %dma_wait3A_146 = tpu.memref_squeeze %dma_wait3A_145 : memref<1x128xi32, #tpu.memory_space<vmem>> -> memref<128xi32, #tpu.memory_space<vmem>>
      %dma_wait3A_147 = arith.constant 0 : i32
      %dma_wait3A_148 = arith.constant 0 : i32
      %dma_wait3A_149 = tpu.memref_slice %arg2[%dma_wait3A_147, %dma_wait3A_148] : memref<40960x128xf32, #tpu.memory_space<hbm>> -> memref<40960x128xf32, #tpu.memory_space<hbm>>
      tpu.wait_indirect_dma semaphore(%arg12 : memref<!tpu.dma_semaphore, #tpu.memory_space<semaphore_mem>>) src(%dma_wait3A_149 : memref<40960x128xf32, #tpu.memory_space<hbm>>) dst(%arg10 : memref<128x128xf32, #tpu.memory_space<vmem>>)
      %add3A_150 = arith.constant 1 : i32
      %add3A_151 = arith.addi %mul3A_128, %add3A_150 : i32
      "tpu.region"() ({
        %run_scoped3A = tpu.sem_alloc : memref<!tpu.dma_semaphore, #tpu.memory_space<semaphore_mem>>
        %dma_start3A_162 = arith.constant 0 : i32
        %dma_start3A_163 = tpu.memref_slice %arg8[%add3A_151, %dma_start3A_162] : memref<40x128xi32, #tpu.memory_space<vmem>> -> memref<1x128xi32, #tpu.memory_space<vmem>>
        %dma_start3A_164 = tpu.memref_squeeze %dma_start3A_163 : memref<1x128xi32, #tpu.memory_space<vmem>> -> memref<128xi32, #tpu.memory_space<vmem>>
        %dma_start3A_165 = arith.constant 0 : i32
        %dma_start3A_166 = arith.constant 0 : i32
        %dma_start3A_167 = tpu.memref_slice %arg6[%dma_start3A_165, %dma_start3A_166] : memref<10240x128xf32, #tpu.memory_space<vmem_shared>> -> memref<10240x128xf32, #tpu.memory_space<vmem_shared>>
        tpu.enqueue_indirect_dma source(%arg10 : memref<128x128xf32, #tpu.memory_space<vmem>>) target(%dma_start3A_167 : memref<10240x128xf32, #tpu.memory_space<vmem_shared>>) offsets(%dma_start3A_164 : memref<128xi32, #tpu.memory_space<vmem>>) semaphore(%run_scoped3A : memref<!tpu.dma_semaphore, #tpu.memory_space<semaphore_mem>>) {add = true}
        %dma_wait3A_168 = arith.constant 0 : i32
        %dma_wait3A_169 = tpu.memref_slice %arg8[%add3A_151, %dma_wait3A_168] : memref<40x128xi32, #tpu.memory_space<vmem>> -> memref<1x128xi32, #tpu.memory_space<vmem>>
        %dma_wait3A_170 = tpu.memref_squeeze %dma_wait3A_169 : memref<1x128xi32, #tpu.memory_space<vmem>> -> memref<128xi32, #tpu.memory_space<vmem>>
        %dma_wait3A_171 = arith.constant 0 : i32
        %dma_wait3A_172 = arith.constant 0 : i32
        %dma_wait3A_173 = tpu.memref_slice %arg6[%dma_wait3A_171, %dma_wait3A_172] : memref<10240x128xf32, #tpu.memory_space<vmem_shared>> -> memref<10240x128xf32, #tpu.memory_space<vmem_shared>>
        tpu.wait_indirect_dma semaphore(%run_scoped3A : memref<!tpu.dma_semaphore, #tpu.memory_space<semaphore_mem>>) src(%arg10 : memref<128x128xf32, #tpu.memory_space<vmem>>) dst(%dma_wait3A_173 : memref<10240x128xf32, #tpu.memory_space<vmem_shared>>)
        tpu.yield
      }) : () -> ()
      %add3A_152 = arith.constant 1 : i32
      %add3A_153 = arith.addi %mul3A_128, %add3A_152 : i32
      %add3A_154 = arith.constant 2 : i32
      %add3A_155 = arith.addi %add3A_153, %add3A_154 : i32
      %lt3A_156 = arith.constant 40 : i32
      %lt3A_157 = arith.cmpi slt, %add3A_155, %lt3A_156 : i32
      %convert_element_type3A_158 = arith.extui %lt3A_157 : i1 to i32
      %cond3A_159 = arith.constant 0 : i32
      %cond3A_160 = arith.cmpi ne, %convert_element_type3A_158, %cond3A_159 : i32
      scf.if %cond3A_160 {
        %add3A_162 = arith.constant 1 : i32
        %add3A_163 = arith.addi %mul3A_128, %add3A_162 : i32
        %add3A_164 = arith.constant 2 : i32
        %add3A_165 = arith.addi %add3A_163, %add3A_164 : i32
        %dma_start3A_166 = arith.constant 0 : i32
        %dma_start3A_167 = tpu.memref_slice %arg7[%add3A_165, %dma_start3A_166] : memref<40x128xi32, #tpu.memory_space<vmem>> -> memref<1x128xi32, #tpu.memory_space<vmem>>
        %dma_start3A_168 = tpu.memref_squeeze %dma_start3A_167 : memref<1x128xi32, #tpu.memory_space<vmem>> -> memref<128xi32, #tpu.memory_space<vmem>>
        %dma_start3A_169 = arith.constant 0 : i32
        %dma_start3A_170 = arith.constant 0 : i32
        %dma_start3A_171 = tpu.memref_slice %arg2[%dma_start3A_169, %dma_start3A_170] : memref<40960x128xf32, #tpu.memory_space<hbm>> -> memref<40960x128xf32, #tpu.memory_space<hbm>>
        tpu.enqueue_indirect_dma source(%dma_start3A_171 : memref<40960x128xf32, #tpu.memory_space<hbm>>) target(%arg10 : memref<128x128xf32, #tpu.memory_space<vmem>>) offsets(%dma_start3A_168 : memref<128xi32, #tpu.memory_space<vmem>>) semaphore(%arg12 : memref<!tpu.dma_semaphore, #tpu.memory_space<semaphore_mem>>)
      } else {
      }
      %scan3A_161 = arith.constant 0 : i32
      scf.yield %scan3A_161 : i32
    }
    %scan3A_119 = arith.constant 20 : i32
    %barrier3A_120 = arith.constant 0 : index
    tpu.barrier barrier_id(%barrier3A_120)
    %mul3A_121 = arith.constant 10240 : i32
    %mul3A_122 = arith.muli %add3A_63, %mul3A_121 : i32
    %add3A_123 = arith.addi %mul3A_122, %mul3A_0 : i32
    "tpu.region"() ({
      %run_scoped3A = tpu.sem_alloc : memref<!tpu.dma_semaphore, #tpu.memory_space<semaphore_mem>>
      %dma_start3A_125 = arith.constant 0 : i32
      %dma_start3A_126 = tpu.memref_slice %arg5[%add3A_123, %dma_start3A_125] : memref<40960x128xf32, #tpu.memory_space<hbm>> -> memref<640x128xf32, #tpu.memory_space<hbm>>
      %dma_start3A_127 = arith.constant 0 : i32
      %dma_start3A_128 = tpu.memref_slice %arg6[%mul3A_0, %dma_start3A_127] : memref<10240x128xf32, #tpu.memory_space<vmem_shared>> -> memref<640x128xf32, #tpu.memory_space<vmem_shared>>
      tpu.enqueue_dma source(%dma_start3A_128 : memref<640x128xf32, #tpu.memory_space<vmem_shared>>) target(%dma_start3A_126 : memref<640x128xf32, #tpu.memory_space<hbm>>) target_semaphore(%run_scoped3A : memref<!tpu.dma_semaphore, #tpu.memory_space<semaphore_mem>>)
      %dma_wait3A = arith.constant 0 : i32
      %dma_wait3A_129 = tpu.memref_slice %arg5[%add3A_123, %dma_wait3A] : memref<40960x128xf32, #tpu.memory_space<hbm>> -> memref<640x128xf32, #tpu.memory_space<hbm>>
      %dma_wait3A_130 = arith.constant 0 : i32
      %dma_wait3A_131 = tpu.memref_slice %arg6[%mul3A_0, %dma_wait3A_130] : memref<10240x128xf32, #tpu.memory_space<vmem_shared>> -> memref<640x128xf32, #tpu.memory_space<vmem_shared>>
      tpu.wait_dma2 semaphore(%run_scoped3A : memref<!tpu.dma_semaphore, #tpu.memory_space<semaphore_mem>>) src(%dma_wait3A_131 : memref<640x128xf32, #tpu.memory_space<vmem_shared>>) dst(%dma_wait3A_129 : memref<640x128xf32, #tpu.memory_space<hbm>>)
      tpu.yield
    }) : () -> ()
    %barrier3A_124 = arith.constant 0 : index
    tpu.barrier barrier_id(%barrier3A_124)
    return
  }
}

#map = affine_map<(d0, d1) -> (0, 0)>
module attributes {stable_mosaic.version = 14 : i64} {
  func.func @_deg_body(%arg0: i32, %arg1: i32, %arg2: memref<1280x128xi32, #tpu.memory_space<hbm>>, %arg3: memref<20480x16xf32, #tpu.memory_space<hbm>>, %arg4: memref<10240x16xf32, #tpu.memory_space<vmem_shared>>, %arg5: memref<40x128xi32, #tpu.memory_space<vmem>>, %arg6: memref<128x16xf32, #tpu.memory_space<vmem>>, %arg7: memref<128x16xf32, #tpu.memory_space<vmem>>) attributes {dimension_semantics = [#tpu.dimension_semantics<core_parallel>, #tpu.dimension_semantics<subcore_parallel>], iteration_bounds = array<i64: 2, 16>, scalar_prefetch = 0 : i64, scratch_operands = 4 : i64, tpu.core_type = #tpu.core_type<sc_vector_subcore>, window_params = [{transform_indices = #map}, {transform_indices = #map}]} {
    %mul3A = arith.constant 2 : i32
    %mul3A_0 = arith.muli %arg1, %mul3A : i32
    %add3A = arith.addi %mul3A_0, %arg0 : i32
    %broadcast_in_dim3A = arith.constant 0.000000e+00 : f32
    %broadcast_in_dim3A_1 = vector.broadcast %broadcast_in_dim3A : f32 to vector<16xf32>
    %broadcast_in_dim3A_2 = arith.constant 1.000000e+00 : f32
    %broadcast_in_dim3A_3 = vector.broadcast %broadcast_in_dim3A_2 : f32 to vector<16xf32>
    %swap3A = arith.constant 0 : i32
    %swap3A_4 = arith.index_cast %swap3A : i32 to index
    %swap3A_5 = arith.constant 0 : index
    %swap3A_6 = tpu.vector_load %arg7[%swap3A_4, %swap3A_5] {strides = array<i32>} : memref<128x16xf32, #tpu.memory_space<vmem>>, vector<1x16xf32>,
    %swap3A_7 = vector.shape_cast %swap3A_6 : vector<1x16xf32> to vector<16xf32>
    %swap3A_8 = vector.shape_cast %broadcast_in_dim3A_1 : vector<16xf32> to vector<1x16xf32>
    tpu.vector_store %arg7[%swap3A_4, %swap3A_5], %swap3A_8 {strides = array<i32>} : memref<128x16xf32, #tpu.memory_space<vmem>>, vector<1x16xf32>,
    %swap3A_9 = arith.constant 1 : i32
    %swap3A_10 = arith.index_cast %swap3A_9 : i32 to index
    %swap3A_11 = arith.constant 0 : index
    %swap3A_12 = tpu.vector_load %arg7[%swap3A_10, %swap3A_11] {strides = array<i32>} : memref<128x16xf32, #tpu.memory_space<vmem>>, vector<1x16xf32>,
    %swap3A_13 = vector.shape_cast %swap3A_12 : vector<1x16xf32> to vector<16xf32>
    %swap3A_14 = vector.shape_cast %broadcast_in_dim3A_1 : vector<16xf32> to vector<1x16xf32>
    tpu.vector_store %arg7[%swap3A_10, %swap3A_11], %swap3A_14 {strides = array<i32>} : memref<128x16xf32, #tpu.memory_space<vmem>>, vector<1x16xf32>,
    %swap3A_15 = arith.constant 2 : i32
    %swap3A_16 = arith.index_cast %swap3A_15 : i32 to index
    %swap3A_17 = arith.constant 0 : index
    %swap3A_18 = tpu.vector_load %arg7[%swap3A_16, %swap3A_17] {strides = array<i32>} : memref<128x16xf32, #tpu.memory_space<vmem>>, vector<1x16xf32>,
    %swap3A_19 = vector.shape_cast %swap3A_18 : vector<1x16xf32> to vector<16xf32>
    %swap3A_20 = vector.shape_cast %broadcast_in_dim3A_1 : vector<16xf32> to vector<1x16xf32>
    tpu.vector_store %arg7[%swap3A_16, %swap3A_17], %swap3A_20 {strides = array<i32>} : memref<128x16xf32, #tpu.memory_space<vmem>>, vector<1x16xf32>,
    %swap3A_21 = arith.constant 3 : i32
    %swap3A_22 = arith.index_cast %swap3A_21 : i32 to index
    %swap3A_23 = arith.constant 0 : index
    %swap3A_24 = tpu.vector_load %arg7[%swap3A_22, %swap3A_23] {strides = array<i32>} : memref<128x16xf32, #tpu.memory_space<vmem>>, vector<1x16xf32>,
    %swap3A_25 = vector.shape_cast %swap3A_24 : vector<1x16xf32> to vector<16xf32>
    %swap3A_26 = vector.shape_cast %broadcast_in_dim3A_1 : vector<16xf32> to vector<1x16xf32>
    tpu.vector_store %arg7[%swap3A_22, %swap3A_23], %swap3A_26 {strides = array<i32>} : memref<128x16xf32, #tpu.memory_space<vmem>>, vector<1x16xf32>,
    %swap3A_27 = arith.constant 4 : i32
    %swap3A_28 = arith.index_cast %swap3A_27 : i32 to index
    %swap3A_29 = arith.constant 0 : index
    %swap3A_30 = tpu.vector_load %arg7[%swap3A_28, %swap3A_29] {strides = array<i32>} : memref<128x16xf32, #tpu.memory_space<vmem>>, vector<1x16xf32>,
    %swap3A_31 = vector.shape_cast %swap3A_30 : vector<1x16xf32> to vector<16xf32>
    %swap3A_32 = vector.shape_cast %broadcast_in_dim3A_1 : vector<16xf32> to vector<1x16xf32>
    tpu.vector_store %arg7[%swap3A_28, %swap3A_29], %swap3A_32 {strides = array<i32>} : memref<128x16xf32, #tpu.memory_space<vmem>>, vector<1x16xf32>,
    %swap3A_33 = arith.constant 5 : i32
    %swap3A_34 = arith.index_cast %swap3A_33 : i32 to index
    %swap3A_35 = arith.constant 0 : index
    %swap3A_36 = tpu.vector_load %arg7[%swap3A_34, %swap3A_35] {strides = array<i32>} : memref<128x16xf32, #tpu.memory_space<vmem>>, vector<1x16xf32>,
    %swap3A_37 = vector.shape_cast %swap3A_36 : vector<1x16xf32> to vector<16xf32>
    %swap3A_38 = vector.shape_cast %broadcast_in_dim3A_1 : vector<16xf32> to vector<1x16xf32>
    tpu.vector_store %arg7[%swap3A_34, %swap3A_35], %swap3A_38 {strides = array<i32>} : memref<128x16xf32, #tpu.memory_space<vmem>>, vector<1x16xf32>,
    %swap3A_39 = arith.constant 6 : i32
    %swap3A_40 = arith.index_cast %swap3A_39 : i32 to index
    %swap3A_41 = arith.constant 0 : index
    %swap3A_42 = tpu.vector_load %arg7[%swap3A_40, %swap3A_41] {strides = array<i32>} : memref<128x16xf32, #tpu.memory_space<vmem>>, vector<1x16xf32>,
    %swap3A_43 = vector.shape_cast %swap3A_42 : vector<1x16xf32> to vector<16xf32>
    %swap3A_44 = vector.shape_cast %broadcast_in_dim3A_1 : vector<16xf32> to vector<1x16xf32>
    tpu.vector_store %arg7[%swap3A_40, %swap3A_41], %swap3A_44 {strides = array<i32>} : memref<128x16xf32, #tpu.memory_space<vmem>>, vector<1x16xf32>,
    %swap3A_45 = arith.constant 7 : i32
    %swap3A_46 = arith.index_cast %swap3A_45 : i32 to index
    %swap3A_47 = arith.constant 0 : index
    %swap3A_48 = tpu.vector_load %arg7[%swap3A_46, %swap3A_47] {strides = array<i32>} : memref<128x16xf32, #tpu.memory_space<vmem>>, vector<1x16xf32>,
    %swap3A_49 = vector.shape_cast %swap3A_48 : vector<1x16xf32> to vector<16xf32>
    %swap3A_50 = vector.shape_cast %broadcast_in_dim3A_1 : vector<16xf32> to vector<1x16xf32>
    tpu.vector_store %arg7[%swap3A_46, %swap3A_47], %swap3A_50 {strides = array<i32>} : memref<128x16xf32, #tpu.memory_space<vmem>>, vector<1x16xf32>,
    %swap3A_51 = arith.constant 8 : i32
    %swap3A_52 = arith.index_cast %swap3A_51 : i32 to index
    %swap3A_53 = arith.constant 0 : index
    %swap3A_54 = tpu.vector_load %arg7[%swap3A_52, %swap3A_53] {strides = array<i32>} : memref<128x16xf32, #tpu.memory_space<vmem>>, vector<1x16xf32>,
    %swap3A_55 = vector.shape_cast %swap3A_54 : vector<1x16xf32> to vector<16xf32>
    %swap3A_56 = vector.shape_cast %broadcast_in_dim3A_1 : vector<16xf32> to vector<1x16xf32>
    tpu.vector_store %arg7[%swap3A_52, %swap3A_53], %swap3A_56 {strides = array<i32>} : memref<128x16xf32, #tpu.memory_space<vmem>>, vector<1x16xf32>,
    %swap3A_57 = arith.constant 9 : i32
    %swap3A_58 = arith.index_cast %swap3A_57 : i32 to index
    %swap3A_59 = arith.constant 0 : index
    %swap3A_60 = tpu.vector_load %arg7[%swap3A_58, %swap3A_59] {strides = array<i32>} : memref<128x16xf32, #tpu.memory_space<vmem>>, vector<1x16xf32>,
    %swap3A_61 = vector.shape_cast %swap3A_60 : vector<1x16xf32> to vector<16xf32>
    %swap3A_62 = vector.shape_cast %broadcast_in_dim3A_1 : vector<16xf32> to vector<1x16xf32>
    tpu.vector_store %arg7[%swap3A_58, %swap3A_59], %swap3A_62 {strides = array<i32>} : memref<128x16xf32, #tpu.memory_space<vmem>>, vector<1x16xf32>,
    %swap3A_63 = arith.constant 10 : i32
    %swap3A_64 = arith.index_cast %swap3A_63 : i32 to index
    %swap3A_65 = arith.constant 0 : index
    %swap3A_66 = tpu.vector_load %arg7[%swap3A_64, %swap3A_65] {strides = array<i32>} : memref<128x16xf32, #tpu.memory_space<vmem>>, vector<1x16xf32>,
    %swap3A_67 = vector.shape_cast %swap3A_66 : vector<1x16xf32> to vector<16xf32>
    %swap3A_68 = vector.shape_cast %broadcast_in_dim3A_1 : vector<16xf32> to vector<1x16xf32>
    tpu.vector_store %arg7[%swap3A_64, %swap3A_65], %swap3A_68 {strides = array<i32>} : memref<128x16xf32, #tpu.memory_space<vmem>>, vector<1x16xf32>,
    %swap3A_69 = arith.constant 11 : i32
    %swap3A_70 = arith.index_cast %swap3A_69 : i32 to index
    %swap3A_71 = arith.constant 0 : index
    %swap3A_72 = tpu.vector_load %arg7[%swap3A_70, %swap3A_71] {strides = array<i32>} : memref<128x16xf32, #tpu.memory_space<vmem>>, vector<1x16xf32>,
    %swap3A_73 = vector.shape_cast %swap3A_72 : vector<1x16xf32> to vector<16xf32>
    %swap3A_74 = vector.shape_cast %broadcast_in_dim3A_1 : vector<16xf32> to vector<1x16xf32>
    tpu.vector_store %arg7[%swap3A_70, %swap3A_71], %swap3A_74 {strides = array<i32>} : memref<128x16xf32, #tpu.memory_space<vmem>>, vector<1x16xf32>,
    %swap3A_75 = arith.constant 12 : i32
    %swap3A_76 = arith.index_cast %swap3A_75 : i32 to index
    %swap3A_77 = arith.constant 0 : index
    %swap3A_78 = tpu.vector_load %arg7[%swap3A_76, %swap3A_77] {strides = array<i32>} : memref<128x16xf32, #tpu.memory_space<vmem>>, vector<1x16xf32>,
    %swap3A_79 = vector.shape_cast %swap3A_78 : vector<1x16xf32> to vector<16xf32>
    %swap3A_80 = vector.shape_cast %broadcast_in_dim3A_1 : vector<16xf32> to vector<1x16xf32>
    tpu.vector_store %arg7[%swap3A_76, %swap3A_77], %swap3A_80 {strides = array<i32>} : memref<128x16xf32, #tpu.memory_space<vmem>>, vector<1x16xf32>,
    %swap3A_81 = arith.constant 13 : i32
    %swap3A_82 = arith.index_cast %swap3A_81 : i32 to index
    %swap3A_83 = arith.constant 0 : index
    %swap3A_84 = tpu.vector_load %arg7[%swap3A_82, %swap3A_83] {strides = array<i32>} : memref<128x16xf32, #tpu.memory_space<vmem>>, vector<1x16xf32>,
    %swap3A_85 = vector.shape_cast %swap3A_84 : vector<1x16xf32> to vector<16xf32>
    %swap3A_86 = vector.shape_cast %broadcast_in_dim3A_1 : vector<16xf32> to vector<1x16xf32>
    tpu.vector_store %arg7[%swap3A_82, %swap3A_83], %swap3A_86 {strides = array<i32>} : memref<128x16xf32, #tpu.memory_space<vmem>>, vector<1x16xf32>,
    %swap3A_87 = arith.constant 14 : i32
    %swap3A_88 = arith.index_cast %swap3A_87 : i32 to index
    %swap3A_89 = arith.constant 0 : index
    %swap3A_90 = tpu.vector_load %arg7[%swap3A_88, %swap3A_89] {strides = array<i32>} : memref<128x16xf32, #tpu.memory_space<vmem>>, vector<1x16xf32>,
    %swap3A_91 = vector.shape_cast %swap3A_90 : vector<1x16xf32> to vector<16xf32>
    %swap3A_92 = vector.shape_cast %broadcast_in_dim3A_1 : vector<16xf32> to vector<1x16xf32>
    tpu.vector_store %arg7[%swap3A_88, %swap3A_89], %swap3A_92 {strides = array<i32>} : memref<128x16xf32, #tpu.memory_space<vmem>>, vector<1x16xf32>,
    %swap3A_93 = arith.constant 15 : i32
    %swap3A_94 = arith.index_cast %swap3A_93 : i32 to index
    %swap3A_95 = arith.constant 0 : index
    %swap3A_96 = tpu.vector_load %arg7[%swap3A_94, %swap3A_95] {strides = array<i32>} : memref<128x16xf32, #tpu.memory_space<vmem>>, vector<1x16xf32>,
    %swap3A_97 = vector.shape_cast %swap3A_96 : vector<1x16xf32> to vector<16xf32>
    %swap3A_98 = vector.shape_cast %broadcast_in_dim3A_1 : vector<16xf32> to vector<1x16xf32>
    tpu.vector_store %arg7[%swap3A_94, %swap3A_95], %swap3A_98 {strides = array<i32>} : memref<128x16xf32, #tpu.memory_space<vmem>>, vector<1x16xf32>,
    %swap3A_99 = arith.constant 16 : i32
    %swap3A_100 = arith.index_cast %swap3A_99 : i32 to index
    %swap3A_101 = arith.constant 0 : index
    %swap3A_102 = tpu.vector_load %arg7[%swap3A_100, %swap3A_101] {strides = array<i32>} : memref<128x16xf32, #tpu.memory_space<vmem>>, vector<1x16xf32>,
    %swap3A_103 = vector.shape_cast %swap3A_102 : vector<1x16xf32> to vector<16xf32>
    %swap3A_104 = vector.shape_cast %broadcast_in_dim3A_1 : vector<16xf32> to vector<1x16xf32>
    tpu.vector_store %arg7[%swap3A_100, %swap3A_101], %swap3A_104 {strides = array<i32>} : memref<128x16xf32, #tpu.memory_space<vmem>>, vector<1x16xf32>,
    %swap3A_105 = arith.constant 17 : i32
    %swap3A_106 = arith.index_cast %swap3A_105 : i32 to index
    %swap3A_107 = arith.constant 0 : index
    %swap3A_108 = tpu.vector_load %arg7[%swap3A_106, %swap3A_107] {strides = array<i32>} : memref<128x16xf32, #tpu.memory_space<vmem>>, vector<1x16xf32>,
    %swap3A_109 = vector.shape_cast %swap3A_108 : vector<1x16xf32> to vector<16xf32>
    %swap3A_110 = vector.shape_cast %broadcast_in_dim3A_1 : vector<16xf32> to vector<1x16xf32>
    tpu.vector_store %arg7[%swap3A_106, %swap3A_107], %swap3A_110 {strides = array<i32>} : memref<128x16xf32, #tpu.memory_space<vmem>>, vector<1x16xf32>,
    %swap3A_111 = arith.constant 18 : i32
    %swap3A_112 = arith.index_cast %swap3A_111 : i32 to index
    %swap3A_113 = arith.constant 0 : index
    %swap3A_114 = tpu.vector_load %arg7[%swap3A_112, %swap3A_113] {strides = array<i32>} : memref<128x16xf32, #tpu.memory_space<vmem>>, vector<1x16xf32>,
    %swap3A_115 = vector.shape_cast %swap3A_114 : vector<1x16xf32> to vector<16xf32>
    %swap3A_116 = vector.shape_cast %broadcast_in_dim3A_1 : vector<16xf32> to vector<1x16xf32>
    tpu.vector_store %arg7[%swap3A_112, %swap3A_113], %swap3A_116 {strides = array<i32>} : memref<128x16xf32, #tpu.memory_space<vmem>>, vector<1x16xf32>,
    %swap3A_117 = arith.constant 19 : i32
    %swap3A_118 = arith.index_cast %swap3A_117 : i32 to index
    %swap3A_119 = arith.constant 0 : index
    %swap3A_120 = tpu.vector_load %arg7[%swap3A_118, %swap3A_119] {strides = array<i32>} : memref<128x16xf32, #tpu.memory_space<vmem>>, vector<1x16xf32>,
    %swap3A_121 = vector.shape_cast %swap3A_120 : vector<1x16xf32> to vector<16xf32>
    %swap3A_122 = vector.shape_cast %broadcast_in_dim3A_1 : vector<16xf32> to vector<1x16xf32>
    tpu.vector_store %arg7[%swap3A_118, %swap3A_119], %swap3A_122 {strides = array<i32>} : memref<128x16xf32, #tpu.memory_space<vmem>>, vector<1x16xf32>,
    %swap3A_123 = arith.constant 20 : i32
    %swap3A_124 = arith.index_cast %swap3A_123 : i32 to index
    %swap3A_125 = arith.constant 0 : index
    %swap3A_126 = tpu.vector_load %arg7[%swap3A_124, %swap3A_125] {strides = array<i32>} : memref<128x16xf32, #tpu.memory_space<vmem>>, vector<1x16xf32>,
    %swap3A_127 = vector.shape_cast %swap3A_126 : vector<1x16xf32> to vector<16xf32>
    %swap3A_128 = vector.shape_cast %broadcast_in_dim3A_1 : vector<16xf32> to vector<1x16xf32>
    tpu.vector_store %arg7[%swap3A_124, %swap3A_125], %swap3A_128 {strides = array<i32>} : memref<128x16xf32, #tpu.memory_space<vmem>>, vector<1x16xf32>,
    %swap3A_129 = arith.constant 21 : i32
    %swap3A_130 = arith.index_cast %swap3A_129 : i32 to index
    %swap3A_131 = arith.constant 0 : index
    %swap3A_132 = tpu.vector_load %arg7[%swap3A_130, %swap3A_131] {strides = array<i32>} : memref<128x16xf32, #tpu.memory_space<vmem>>, vector<1x16xf32>,
    %swap3A_133 = vector.shape_cast %swap3A_132 : vector<1x16xf32> to vector<16xf32>
    %swap3A_134 = vector.shape_cast %broadcast_in_dim3A_1 : vector<16xf32> to vector<1x16xf32>
    tpu.vector_store %arg7[%swap3A_130, %swap3A_131], %swap3A_134 {strides = array<i32>} : memref<128x16xf32, #tpu.memory_space<vmem>>, vector<1x16xf32>,
    %swap3A_135 = arith.constant 22 : i32
    %swap3A_136 = arith.index_cast %swap3A_135 : i32 to index
    %swap3A_137 = arith.constant 0 : index
    %swap3A_138 = tpu.vector_load %arg7[%swap3A_136, %swap3A_137] {strides = array<i32>} : memref<128x16xf32, #tpu.memory_space<vmem>>, vector<1x16xf32>,
    %swap3A_139 = vector.shape_cast %swap3A_138 : vector<1x16xf32> to vector<16xf32>
    %swap3A_140 = vector.shape_cast %broadcast_in_dim3A_1 : vector<16xf32> to vector<1x16xf32>
    tpu.vector_store %arg7[%swap3A_136, %swap3A_137], %swap3A_140 {strides = array<i32>} : memref<128x16xf32, #tpu.memory_space<vmem>>, vector<1x16xf32>,
    %swap3A_141 = arith.constant 23 : i32
    %swap3A_142 = arith.index_cast %swap3A_141 : i32 to index
    %swap3A_143 = arith.constant 0 : index
    %swap3A_144 = tpu.vector_load %arg7[%swap3A_142, %swap3A_143] {strides = array<i32>} : memref<128x16xf32, #tpu.memory_space<vmem>>, vector<1x16xf32>,
    %swap3A_145 = vector.shape_cast %swap3A_144 : vector<1x16xf32> to vector<16xf32>
    %swap3A_146 = vector.shape_cast %broadcast_in_dim3A_1 : vector<16xf32> to vector<1x16xf32>
    tpu.vector_store %arg7[%swap3A_142, %swap3A_143], %swap3A_146 {strides = array<i32>} : memref<128x16xf32, #tpu.memory_space<vmem>>, vector<1x16xf32>,
    %swap3A_147 = arith.constant 24 : i32
    %swap3A_148 = arith.index_cast %swap3A_147 : i32 to index
    %swap3A_149 = arith.constant 0 : index
    %swap3A_150 = tpu.vector_load %arg7[%swap3A_148, %swap3A_149] {strides = array<i32>} : memref<128x16xf32, #tpu.memory_space<vmem>>, vector<1x16xf32>,
    %swap3A_151 = vector.shape_cast %swap3A_150 : vector<1x16xf32> to vector<16xf32>
    %swap3A_152 = vector.shape_cast %broadcast_in_dim3A_1 : vector<16xf32> to vector<1x16xf32>
    tpu.vector_store %arg7[%swap3A_148, %swap3A_149], %swap3A_152 {strides = array<i32>} : memref<128x16xf32, #tpu.memory_space<vmem>>, vector<1x16xf32>,
    %swap3A_153 = arith.constant 25 : i32
    %swap3A_154 = arith.index_cast %swap3A_153 : i32 to index
    %swap3A_155 = arith.constant 0 : index
    %swap3A_156 = tpu.vector_load %arg7[%swap3A_154, %swap3A_155] {strides = array<i32>} : memref<128x16xf32, #tpu.memory_space<vmem>>, vector<1x16xf32>,
    %swap3A_157 = vector.shape_cast %swap3A_156 : vector<1x16xf32> to vector<16xf32>
    %swap3A_158 = vector.shape_cast %broadcast_in_dim3A_1 : vector<16xf32> to vector<1x16xf32>
    tpu.vector_store %arg7[%swap3A_154, %swap3A_155], %swap3A_158 {strides = array<i32>} : memref<128x16xf32, #tpu.memory_space<vmem>>, vector<1x16xf32>,
    %swap3A_159 = arith.constant 26 : i32
    %swap3A_160 = arith.index_cast %swap3A_159 : i32 to index
    %swap3A_161 = arith.constant 0 : index
    %swap3A_162 = tpu.vector_load %arg7[%swap3A_160, %swap3A_161] {strides = array<i32>} : memref<128x16xf32, #tpu.memory_space<vmem>>, vector<1x16xf32>,
    %swap3A_163 = vector.shape_cast %swap3A_162 : vector<1x16xf32> to vector<16xf32>
    %swap3A_164 = vector.shape_cast %broadcast_in_dim3A_1 : vector<16xf32> to vector<1x16xf32>
    tpu.vector_store %arg7[%swap3A_160, %swap3A_161], %swap3A_164 {strides = array<i32>} : memref<128x16xf32, #tpu.memory_space<vmem>>, vector<1x16xf32>,
    %swap3A_165 = arith.constant 27 : i32
    %swap3A_166 = arith.index_cast %swap3A_165 : i32 to index
    %swap3A_167 = arith.constant 0 : index
    %swap3A_168 = tpu.vector_load %arg7[%swap3A_166, %swap3A_167] {strides = array<i32>} : memref<128x16xf32, #tpu.memory_space<vmem>>, vector<1x16xf32>,
    %swap3A_169 = vector.shape_cast %swap3A_168 : vector<1x16xf32> to vector<16xf32>
    %swap3A_170 = vector.shape_cast %broadcast_in_dim3A_1 : vector<16xf32> to vector<1x16xf32>
    tpu.vector_store %arg7[%swap3A_166, %swap3A_167], %swap3A_170 {strides = array<i32>} : memref<128x16xf32, #tpu.memory_space<vmem>>, vector<1x16xf32>,
    %swap3A_171 = arith.constant 28 : i32
    %swap3A_172 = arith.index_cast %swap3A_171 : i32 to index
    %swap3A_173 = arith.constant 0 : index
    %swap3A_174 = tpu.vector_load %arg7[%swap3A_172, %swap3A_173] {strides = array<i32>} : memref<128x16xf32, #tpu.memory_space<vmem>>, vector<1x16xf32>,
    %swap3A_175 = vector.shape_cast %swap3A_174 : vector<1x16xf32> to vector<16xf32>
    %swap3A_176 = vector.shape_cast %broadcast_in_dim3A_1 : vector<16xf32> to vector<1x16xf32>
    tpu.vector_store %arg7[%swap3A_172, %swap3A_173], %swap3A_176 {strides = array<i32>} : memref<128x16xf32, #tpu.memory_space<vmem>>, vector<1x16xf32>,
    %swap3A_177 = arith.constant 29 : i32
    %swap3A_178 = arith.index_cast %swap3A_177 : i32 to index
    %swap3A_179 = arith.constant 0 : index
    %swap3A_180 = tpu.vector_load %arg7[%swap3A_178, %swap3A_179] {strides = array<i32>} : memref<128x16xf32, #tpu.memory_space<vmem>>, vector<1x16xf32>,
    %swap3A_181 = vector.shape_cast %swap3A_180 : vector<1x16xf32> to vector<16xf32>
    %swap3A_182 = vector.shape_cast %broadcast_in_dim3A_1 : vector<16xf32> to vector<1x16xf32>
    tpu.vector_store %arg7[%swap3A_178, %swap3A_179], %swap3A_182 {strides = array<i32>} : memref<128x16xf32, #tpu.memory_space<vmem>>, vector<1x16xf32>,
    %swap3A_183 = arith.constant 30 : i32
    %swap3A_184 = arith.index_cast %swap3A_183 : i32 to index
    %swap3A_185 = arith.constant 0 : index
    %swap3A_186 = tpu.vector_load %arg7[%swap3A_184, %swap3A_185] {strides = array<i32>} : memref<128x16xf32, #tpu.memory_space<vmem>>, vector<1x16xf32>,
    %swap3A_187 = vector.shape_cast %swap3A_186 : vector<1x16xf32> to vector<16xf32>
    %swap3A_188 = vector.shape_cast %broadcast_in_dim3A_1 : vector<16xf32> to vector<1x16xf32>
    tpu.vector_store %arg7[%swap3A_184, %swap3A_185], %swap3A_188 {strides = array<i32>} : memref<128x16xf32, #tpu.memory_space<vmem>>, vector<1x16xf32>,
    %swap3A_189 = arith.constant 31 : i32
    %swap3A_190 = arith.index_cast %swap3A_189 : i32 to index
    %swap3A_191 = arith.constant 0 : index
    %swap3A_192 = tpu.vector_load %arg7[%swap3A_190, %swap3A_191] {strides = array<i32>} : memref<128x16xf32, #tpu.memory_space<vmem>>, vector<1x16xf32>,
    %swap3A_193 = vector.shape_cast %swap3A_192 : vector<1x16xf32> to vector<16xf32>
    %swap3A_194 = vector.shape_cast %broadcast_in_dim3A_1 : vector<16xf32> to vector<1x16xf32>
    tpu.vector_store %arg7[%swap3A_190, %swap3A_191], %swap3A_194 {strides = array<i32>} : memref<128x16xf32, #tpu.memory_space<vmem>>, vector<1x16xf32>,
    %swap3A_195 = arith.constant 32 : i32
    %swap3A_196 = arith.index_cast %swap3A_195 : i32 to index
    %swap3A_197 = arith.constant 0 : index
    %swap3A_198 = tpu.vector_load %arg7[%swap3A_196, %swap3A_197] {strides = array<i32>} : memref<128x16xf32, #tpu.memory_space<vmem>>, vector<1x16xf32>,
    %swap3A_199 = vector.shape_cast %swap3A_198 : vector<1x16xf32> to vector<16xf32>
    %swap3A_200 = vector.shape_cast %broadcast_in_dim3A_1 : vector<16xf32> to vector<1x16xf32>
    tpu.vector_store %arg7[%swap3A_196, %swap3A_197], %swap3A_200 {strides = array<i32>} : memref<128x16xf32, #tpu.memory_space<vmem>>, vector<1x16xf32>,
    %swap3A_201 = arith.constant 33 : i32
    %swap3A_202 = arith.index_cast %swap3A_201 : i32 to index
    %swap3A_203 = arith.constant 0 : index
    %swap3A_204 = tpu.vector_load %arg7[%swap3A_202, %swap3A_203] {strides = array<i32>} : memref<128x16xf32, #tpu.memory_space<vmem>>, vector<1x16xf32>,
    %swap3A_205 = vector.shape_cast %swap3A_204 : vector<1x16xf32> to vector<16xf32>
    %swap3A_206 = vector.shape_cast %broadcast_in_dim3A_1 : vector<16xf32> to vector<1x16xf32>
    tpu.vector_store %arg7[%swap3A_202, %swap3A_203], %swap3A_206 {strides = array<i32>} : memref<128x16xf32, #tpu.memory_space<vmem>>, vector<1x16xf32>,
    %swap3A_207 = arith.constant 34 : i32
    %swap3A_208 = arith.index_cast %swap3A_207 : i32 to index
    %swap3A_209 = arith.constant 0 : index
    %swap3A_210 = tpu.vector_load %arg7[%swap3A_208, %swap3A_209] {strides = array<i32>} : memref<128x16xf32, #tpu.memory_space<vmem>>, vector<1x16xf32>,
    %swap3A_211 = vector.shape_cast %swap3A_210 : vector<1x16xf32> to vector<16xf32>
    %swap3A_212 = vector.shape_cast %broadcast_in_dim3A_1 : vector<16xf32> to vector<1x16xf32>
    tpu.vector_store %arg7[%swap3A_208, %swap3A_209], %swap3A_212 {strides = array<i32>} : memref<128x16xf32, #tpu.memory_space<vmem>>, vector<1x16xf32>,
    %swap3A_213 = arith.constant 35 : i32
    %swap3A_214 = arith.index_cast %swap3A_213 : i32 to index
    %swap3A_215 = arith.constant 0 : index
    %swap3A_216 = tpu.vector_load %arg7[%swap3A_214, %swap3A_215] {strides = array<i32>} : memref<128x16xf32, #tpu.memory_space<vmem>>, vector<1x16xf32>,
    %swap3A_217 = vector.shape_cast %swap3A_216 : vector<1x16xf32> to vector<16xf32>
    %swap3A_218 = vector.shape_cast %broadcast_in_dim3A_1 : vector<16xf32> to vector<1x16xf32>
    tpu.vector_store %arg7[%swap3A_214, %swap3A_215], %swap3A_218 {strides = array<i32>} : memref<128x16xf32, #tpu.memory_space<vmem>>, vector<1x16xf32>,
    %swap3A_219 = arith.constant 36 : i32
    %swap3A_220 = arith.index_cast %swap3A_219 : i32 to index
    %swap3A_221 = arith.constant 0 : index
    %swap3A_222 = tpu.vector_load %arg7[%swap3A_220, %swap3A_221] {strides = array<i32>} : memref<128x16xf32, #tpu.memory_space<vmem>>, vector<1x16xf32>,
    %swap3A_223 = vector.shape_cast %swap3A_222 : vector<1x16xf32> to vector<16xf32>
    %swap3A_224 = vector.shape_cast %broadcast_in_dim3A_1 : vector<16xf32> to vector<1x16xf32>
    tpu.vector_store %arg7[%swap3A_220, %swap3A_221], %swap3A_224 {strides = array<i32>} : memref<128x16xf32, #tpu.memory_space<vmem>>, vector<1x16xf32>,
    %swap3A_225 = arith.constant 37 : i32
    %swap3A_226 = arith.index_cast %swap3A_225 : i32 to index
    %swap3A_227 = arith.constant 0 : index
    %swap3A_228 = tpu.vector_load %arg7[%swap3A_226, %swap3A_227] {strides = array<i32>} : memref<128x16xf32, #tpu.memory_space<vmem>>, vector<1x16xf32>,
    %swap3A_229 = vector.shape_cast %swap3A_228 : vector<1x16xf32> to vector<16xf32>
    %swap3A_230 = vector.shape_cast %broadcast_in_dim3A_1 : vector<16xf32> to vector<1x16xf32>
    tpu.vector_store %arg7[%swap3A_226, %swap3A_227], %swap3A_230 {strides = array<i32>} : memref<128x16xf32, #tpu.memory_space<vmem>>, vector<1x16xf32>,
    %swap3A_231 = arith.constant 38 : i32
    %swap3A_232 = arith.index_cast %swap3A_231 : i32 to index
    %swap3A_233 = arith.constant 0 : index
    %swap3A_234 = tpu.vector_load %arg7[%swap3A_232, %swap3A_233] {strides = array<i32>} : memref<128x16xf32, #tpu.memory_space<vmem>>, vector<1x16xf32>,
    %swap3A_235 = vector.shape_cast %swap3A_234 : vector<1x16xf32> to vector<16xf32>
    %swap3A_236 = vector.shape_cast %broadcast_in_dim3A_1 : vector<16xf32> to vector<1x16xf32>
    tpu.vector_store %arg7[%swap3A_232, %swap3A_233], %swap3A_236 {strides = array<i32>} : memref<128x16xf32, #tpu.memory_space<vmem>>, vector<1x16xf32>,
    %swap3A_237 = arith.constant 39 : i32
    %swap3A_238 = arith.index_cast %swap3A_237 : i32 to index
    %swap3A_239 = arith.constant 0 : index
    %swap3A_240 = tpu.vector_load %arg7[%swap3A_238, %swap3A_239] {strides = array<i32>} : memref<128x16xf32, #tpu.memory_space<vmem>>, vector<1x16xf32>,
    %swap3A_241 = vector.shape_cast %swap3A_240 : vector<1x16xf32> to vector<16xf32>
    %swap3A_242 = vector.shape_cast %broadcast_in_dim3A_1 : vector<16xf32> to vector<1x16xf32>
    tpu.vector_store %arg7[%swap3A_238, %swap3A_239], %swap3A_242 {strides = array<i32>} : memref<128x16xf32, #tpu.memory_space<vmem>>, vector<1x16xf32>,
    %swap3A_243 = arith.constant 40 : i32
    %swap3A_244 = arith.index_cast %swap3A_243 : i32 to index
    %swap3A_245 = arith.constant 0 : index
    %swap3A_246 = tpu.vector_load %arg7[%swap3A_244, %swap3A_245] {strides = array<i32>} : memref<128x16xf32, #tpu.memory_space<vmem>>, vector<1x16xf32>,
    %swap3A_247 = vector.shape_cast %swap3A_246 : vector<1x16xf32> to vector<16xf32>
    %swap3A_248 = vector.shape_cast %broadcast_in_dim3A_1 : vector<16xf32> to vector<1x16xf32>
    tpu.vector_store %arg7[%swap3A_244, %swap3A_245], %swap3A_248 {strides = array<i32>} : memref<128x16xf32, #tpu.memory_space<vmem>>, vector<1x16xf32>,
    %swap3A_249 = arith.constant 41 : i32
    %swap3A_250 = arith.index_cast %swap3A_249 : i32 to index
    %swap3A_251 = arith.constant 0 : index
    %swap3A_252 = tpu.vector_load %arg7[%swap3A_250, %swap3A_251] {strides = array<i32>} : memref<128x16xf32, #tpu.memory_space<vmem>>, vector<1x16xf32>,
    %swap3A_253 = vector.shape_cast %swap3A_252 : vector<1x16xf32> to vector<16xf32>
    %swap3A_254 = vector.shape_cast %broadcast_in_dim3A_1 : vector<16xf32> to vector<1x16xf32>
    tpu.vector_store %arg7[%swap3A_250, %swap3A_251], %swap3A_254 {strides = array<i32>} : memref<128x16xf32, #tpu.memory_space<vmem>>, vector<1x16xf32>,
    %swap3A_255 = arith.constant 42 : i32
    %swap3A_256 = arith.index_cast %swap3A_255 : i32 to index
    %swap3A_257 = arith.constant 0 : index
    %swap3A_258 = tpu.vector_load %arg7[%swap3A_256, %swap3A_257] {strides = array<i32>} : memref<128x16xf32, #tpu.memory_space<vmem>>, vector<1x16xf32>,
    %swap3A_259 = vector.shape_cast %swap3A_258 : vector<1x16xf32> to vector<16xf32>
    %swap3A_260 = vector.shape_cast %broadcast_in_dim3A_1 : vector<16xf32> to vector<1x16xf32>
    tpu.vector_store %arg7[%swap3A_256, %swap3A_257], %swap3A_260 {strides = array<i32>} : memref<128x16xf32, #tpu.memory_space<vmem>>, vector<1x16xf32>,
    %swap3A_261 = arith.constant 43 : i32
    %swap3A_262 = arith.index_cast %swap3A_261 : i32 to index
    %swap3A_263 = arith.constant 0 : index
    %swap3A_264 = tpu.vector_load %arg7[%swap3A_262, %swap3A_263] {strides = array<i32>} : memref<128x16xf32, #tpu.memory_space<vmem>>, vector<1x16xf32>,
    %swap3A_265 = vector.shape_cast %swap3A_264 : vector<1x16xf32> to vector<16xf32>
    %swap3A_266 = vector.shape_cast %broadcast_in_dim3A_1 : vector<16xf32> to vector<1x16xf32>
    tpu.vector_store %arg7[%swap3A_262, %swap3A_263], %swap3A_266 {strides = array<i32>} : memref<128x16xf32, #tpu.memory_space<vmem>>, vector<1x16xf32>,
    %swap3A_267 = arith.constant 44 : i32
    %swap3A_268 = arith.index_cast %swap3A_267 : i32 to index
    %swap3A_269 = arith.constant 0 : index
    %swap3A_270 = tpu.vector_load %arg7[%swap3A_268, %swap3A_269] {strides = array<i32>} : memref<128x16xf32, #tpu.memory_space<vmem>>, vector<1x16xf32>,
    %swap3A_271 = vector.shape_cast %swap3A_270 : vector<1x16xf32> to vector<16xf32>
    %swap3A_272 = vector.shape_cast %broadcast_in_dim3A_1 : vector<16xf32> to vector<1x16xf32>
    tpu.vector_store %arg7[%swap3A_268, %swap3A_269], %swap3A_272 {strides = array<i32>} : memref<128x16xf32, #tpu.memory_space<vmem>>, vector<1x16xf32>,
    %swap3A_273 = arith.constant 45 : i32
    %swap3A_274 = arith.index_cast %swap3A_273 : i32 to index
    %swap3A_275 = arith.constant 0 : index
    %swap3A_276 = tpu.vector_load %arg7[%swap3A_274, %swap3A_275] {strides = array<i32>} : memref<128x16xf32, #tpu.memory_space<vmem>>, vector<1x16xf32>,
    %swap3A_277 = vector.shape_cast %swap3A_276 : vector<1x16xf32> to vector<16xf32>
    %swap3A_278 = vector.shape_cast %broadcast_in_dim3A_1 : vector<16xf32> to vector<1x16xf32>
    tpu.vector_store %arg7[%swap3A_274, %swap3A_275], %swap3A_278 {strides = array<i32>} : memref<128x16xf32, #tpu.memory_space<vmem>>, vector<1x16xf32>,
    %swap3A_279 = arith.constant 46 : i32
    %swap3A_280 = arith.index_cast %swap3A_279 : i32 to index
    %swap3A_281 = arith.constant 0 : index
    %swap3A_282 = tpu.vector_load %arg7[%swap3A_280, %swap3A_281] {strides = array<i32>} : memref<128x16xf32, #tpu.memory_space<vmem>>, vector<1x16xf32>,
    %swap3A_283 = vector.shape_cast %swap3A_282 : vector<1x16xf32> to vector<16xf32>
    %swap3A_284 = vector.shape_cast %broadcast_in_dim3A_1 : vector<16xf32> to vector<1x16xf32>
    tpu.vector_store %arg7[%swap3A_280, %swap3A_281], %swap3A_284 {strides = array<i32>} : memref<128x16xf32, #tpu.memory_space<vmem>>, vector<1x16xf32>,
    %swap3A_285 = arith.constant 47 : i32
    %swap3A_286 = arith.index_cast %swap3A_285 : i32 to index
    %swap3A_287 = arith.constant 0 : index
    %swap3A_288 = tpu.vector_load %arg7[%swap3A_286, %swap3A_287] {strides = array<i32>} : memref<128x16xf32, #tpu.memory_space<vmem>>, vector<1x16xf32>,
    %swap3A_289 = vector.shape_cast %swap3A_288 : vector<1x16xf32> to vector<16xf32>
    %swap3A_290 = vector.shape_cast %broadcast_in_dim3A_1 : vector<16xf32> to vector<1x16xf32>
    tpu.vector_store %arg7[%swap3A_286, %swap3A_287], %swap3A_290 {strides = array<i32>} : memref<128x16xf32, #tpu.memory_space<vmem>>, vector<1x16xf32>,
    %swap3A_291 = arith.constant 48 : i32
    %swap3A_292 = arith.index_cast %swap3A_291 : i32 to index
    %swap3A_293 = arith.constant 0 : index
    %swap3A_294 = tpu.vector_load %arg7[%swap3A_292, %swap3A_293] {strides = array<i32>} : memref<128x16xf32, #tpu.memory_space<vmem>>, vector<1x16xf32>,
    %swap3A_295 = vector.shape_cast %swap3A_294 : vector<1x16xf32> to vector<16xf32>
    %swap3A_296 = vector.shape_cast %broadcast_in_dim3A_1 : vector<16xf32> to vector<1x16xf32>
    tpu.vector_store %arg7[%swap3A_292, %swap3A_293], %swap3A_296 {strides = array<i32>} : memref<128x16xf32, #tpu.memory_space<vmem>>, vector<1x16xf32>,
    %swap3A_297 = arith.constant 49 : i32
    %swap3A_298 = arith.index_cast %swap3A_297 : i32 to index
    %swap3A_299 = arith.constant 0 : index
    %swap3A_300 = tpu.vector_load %arg7[%swap3A_298, %swap3A_299] {strides = array<i32>} : memref<128x16xf32, #tpu.memory_space<vmem>>, vector<1x16xf32>,
    %swap3A_301 = vector.shape_cast %swap3A_300 : vector<1x16xf32> to vector<16xf32>
    %swap3A_302 = vector.shape_cast %broadcast_in_dim3A_1 : vector<16xf32> to vector<1x16xf32>
    tpu.vector_store %arg7[%swap3A_298, %swap3A_299], %swap3A_302 {strides = array<i32>} : memref<128x16xf32, #tpu.memory_space<vmem>>, vector<1x16xf32>,
    %swap3A_303 = arith.constant 50 : i32
    %swap3A_304 = arith.index_cast %swap3A_303 : i32 to index
    %swap3A_305 = arith.constant 0 : index
    %swap3A_306 = tpu.vector_load %arg7[%swap3A_304, %swap3A_305] {strides = array<i32>} : memref<128x16xf32, #tpu.memory_space<vmem>>, vector<1x16xf32>,
    %swap3A_307 = vector.shape_cast %swap3A_306 : vector<1x16xf32> to vector<16xf32>
    %swap3A_308 = vector.shape_cast %broadcast_in_dim3A_1 : vector<16xf32> to vector<1x16xf32>
    tpu.vector_store %arg7[%swap3A_304, %swap3A_305], %swap3A_308 {strides = array<i32>} : memref<128x16xf32, #tpu.memory_space<vmem>>, vector<1x16xf32>,
    %swap3A_309 = arith.constant 51 : i32
    %swap3A_310 = arith.index_cast %swap3A_309 : i32 to index
    %swap3A_311 = arith.constant 0 : index
    %swap3A_312 = tpu.vector_load %arg7[%swap3A_310, %swap3A_311] {strides = array<i32>} : memref<128x16xf32, #tpu.memory_space<vmem>>, vector<1x16xf32>,
    %swap3A_313 = vector.shape_cast %swap3A_312 : vector<1x16xf32> to vector<16xf32>
    %swap3A_314 = vector.shape_cast %broadcast_in_dim3A_1 : vector<16xf32> to vector<1x16xf32>
    tpu.vector_store %arg7[%swap3A_310, %swap3A_311], %swap3A_314 {strides = array<i32>} : memref<128x16xf32, #tpu.memory_space<vmem>>, vector<1x16xf32>,
    %swap3A_315 = arith.constant 52 : i32
    %swap3A_316 = arith.index_cast %swap3A_315 : i32 to index
    %swap3A_317 = arith.constant 0 : index
    %swap3A_318 = tpu.vector_load %arg7[%swap3A_316, %swap3A_317] {strides = array<i32>} : memref<128x16xf32, #tpu.memory_space<vmem>>, vector<1x16xf32>,
    %swap3A_319 = vector.shape_cast %swap3A_318 : vector<1x16xf32> to vector<16xf32>
    %swap3A_320 = vector.shape_cast %broadcast_in_dim3A_1 : vector<16xf32> to vector<1x16xf32>
    tpu.vector_store %arg7[%swap3A_316, %swap3A_317], %swap3A_320 {strides = array<i32>} : memref<128x16xf32, #tpu.memory_space<vmem>>, vector<1x16xf32>,
    %swap3A_321 = arith.constant 53 : i32
    %swap3A_322 = arith.index_cast %swap3A_321 : i32 to index
    %swap3A_323 = arith.constant 0 : index
    %swap3A_324 = tpu.vector_load %arg7[%swap3A_322, %swap3A_323] {strides = array<i32>} : memref<128x16xf32, #tpu.memory_space<vmem>>, vector<1x16xf32>,
    %swap3A_325 = vector.shape_cast %swap3A_324 : vector<1x16xf32> to vector<16xf32>
    %swap3A_326 = vector.shape_cast %broadcast_in_dim3A_1 : vector<16xf32> to vector<1x16xf32>
    tpu.vector_store %arg7[%swap3A_322, %swap3A_323], %swap3A_326 {strides = array<i32>} : memref<128x16xf32, #tpu.memory_space<vmem>>, vector<1x16xf32>,
    %swap3A_327 = arith.constant 54 : i32
    %swap3A_328 = arith.index_cast %swap3A_327 : i32 to index
    %swap3A_329 = arith.constant 0 : index
    %swap3A_330 = tpu.vector_load %arg7[%swap3A_328, %swap3A_329] {strides = array<i32>} : memref<128x16xf32, #tpu.memory_space<vmem>>, vector<1x16xf32>,
    %swap3A_331 = vector.shape_cast %swap3A_330 : vector<1x16xf32> to vector<16xf32>
    %swap3A_332 = vector.shape_cast %broadcast_in_dim3A_1 : vector<16xf32> to vector<1x16xf32>
    tpu.vector_store %arg7[%swap3A_328, %swap3A_329], %swap3A_332 {strides = array<i32>} : memref<128x16xf32, #tpu.memory_space<vmem>>, vector<1x16xf32>,
    %swap3A_333 = arith.constant 55 : i32
    %swap3A_334 = arith.index_cast %swap3A_333 : i32 to index
    %swap3A_335 = arith.constant 0 : index
    %swap3A_336 = tpu.vector_load %arg7[%swap3A_334, %swap3A_335] {strides = array<i32>} : memref<128x16xf32, #tpu.memory_space<vmem>>, vector<1x16xf32>,
    %swap3A_337 = vector.shape_cast %swap3A_336 : vector<1x16xf32> to vector<16xf32>
    %swap3A_338 = vector.shape_cast %broadcast_in_dim3A_1 : vector<16xf32> to vector<1x16xf32>
    tpu.vector_store %arg7[%swap3A_334, %swap3A_335], %swap3A_338 {strides = array<i32>} : memref<128x16xf32, #tpu.memory_space<vmem>>, vector<1x16xf32>,
    %swap3A_339 = arith.constant 56 : i32
    %swap3A_340 = arith.index_cast %swap3A_339 : i32 to index
    %swap3A_341 = arith.constant 0 : index
    %swap3A_342 = tpu.vector_load %arg7[%swap3A_340, %swap3A_341] {strides = array<i32>} : memref<128x16xf32, #tpu.memory_space<vmem>>, vector<1x16xf32>,
    %swap3A_343 = vector.shape_cast %swap3A_342 : vector<1x16xf32> to vector<16xf32>
    %swap3A_344 = vector.shape_cast %broadcast_in_dim3A_1 : vector<16xf32> to vector<1x16xf32>
    tpu.vector_store %arg7[%swap3A_340, %swap3A_341], %swap3A_344 {strides = array<i32>} : memref<128x16xf32, #tpu.memory_space<vmem>>, vector<1x16xf32>,
    %swap3A_345 = arith.constant 57 : i32
    %swap3A_346 = arith.index_cast %swap3A_345 : i32 to index
    %swap3A_347 = arith.constant 0 : index
    %swap3A_348 = tpu.vector_load %arg7[%swap3A_346, %swap3A_347] {strides = array<i32>} : memref<128x16xf32, #tpu.memory_space<vmem>>, vector<1x16xf32>,
    %swap3A_349 = vector.shape_cast %swap3A_348 : vector<1x16xf32> to vector<16xf32>
    %swap3A_350 = vector.shape_cast %broadcast_in_dim3A_1 : vector<16xf32> to vector<1x16xf32>
    tpu.vector_store %arg7[%swap3A_346, %swap3A_347], %swap3A_350 {strides = array<i32>} : memref<128x16xf32, #tpu.memory_space<vmem>>, vector<1x16xf32>,
    %swap3A_351 = arith.constant 58 : i32
    %swap3A_352 = arith.index_cast %swap3A_351 : i32 to index
    %swap3A_353 = arith.constant 0 : index
    %swap3A_354 = tpu.vector_load %arg7[%swap3A_352, %swap3A_353] {strides = array<i32>} : memref<128x16xf32, #tpu.memory_space<vmem>>, vector<1x16xf32>,
    %swap3A_355 = vector.shape_cast %swap3A_354 : vector<1x16xf32> to vector<16xf32>
    %swap3A_356 = vector.shape_cast %broadcast_in_dim3A_1 : vector<16xf32> to vector<1x16xf32>
    tpu.vector_store %arg7[%swap3A_352, %swap3A_353], %swap3A_356 {strides = array<i32>} : memref<128x16xf32, #tpu.memory_space<vmem>>, vector<1x16xf32>,
    %swap3A_357 = arith.constant 59 : i32
    %swap3A_358 = arith.index_cast %swap3A_357 : i32 to index
    %swap3A_359 = arith.constant 0 : index
    %swap3A_360 = tpu.vector_load %arg7[%swap3A_358, %swap3A_359] {strides = array<i32>} : memref<128x16xf32, #tpu.memory_space<vmem>>, vector<1x16xf32>,
    %swap3A_361 = vector.shape_cast %swap3A_360 : vector<1x16xf32> to vector<16xf32>
    %swap3A_362 = vector.shape_cast %broadcast_in_dim3A_1 : vector<16xf32> to vector<1x16xf32>
    tpu.vector_store %arg7[%swap3A_358, %swap3A_359], %swap3A_362 {strides = array<i32>} : memref<128x16xf32, #tpu.memory_space<vmem>>, vector<1x16xf32>,
    %swap3A_363 = arith.constant 60 : i32
    %swap3A_364 = arith.index_cast %swap3A_363 : i32 to index
    %swap3A_365 = arith.constant 0 : index
    %swap3A_366 = tpu.vector_load %arg7[%swap3A_364, %swap3A_365] {strides = array<i32>} : memref<128x16xf32, #tpu.memory_space<vmem>>, vector<1x16xf32>,
    %swap3A_367 = vector.shape_cast %swap3A_366 : vector<1x16xf32> to vector<16xf32>
    %swap3A_368 = vector.shape_cast %broadcast_in_dim3A_1 : vector<16xf32> to vector<1x16xf32>
    tpu.vector_store %arg7[%swap3A_364, %swap3A_365], %swap3A_368 {strides = array<i32>} : memref<128x16xf32, #tpu.memory_space<vmem>>, vector<1x16xf32>,
    %swap3A_369 = arith.constant 61 : i32
    %swap3A_370 = arith.index_cast %swap3A_369 : i32 to index
    %swap3A_371 = arith.constant 0 : index
    %swap3A_372 = tpu.vector_load %arg7[%swap3A_370, %swap3A_371] {strides = array<i32>} : memref<128x16xf32, #tpu.memory_space<vmem>>, vector<1x16xf32>,
    %swap3A_373 = vector.shape_cast %swap3A_372 : vector<1x16xf32> to vector<16xf32>
    %swap3A_374 = vector.shape_cast %broadcast_in_dim3A_1 : vector<16xf32> to vector<1x16xf32>
    tpu.vector_store %arg7[%swap3A_370, %swap3A_371], %swap3A_374 {strides = array<i32>} : memref<128x16xf32, #tpu.memory_space<vmem>>, vector<1x16xf32>,
    %swap3A_375 = arith.constant 62 : i32
    %swap3A_376 = arith.index_cast %swap3A_375 : i32 to index
    %swap3A_377 = arith.constant 0 : index
    %swap3A_378 = tpu.vector_load %arg7[%swap3A_376, %swap3A_377] {strides = array<i32>} : memref<128x16xf32, #tpu.memory_space<vmem>>, vector<1x16xf32>,
    %swap3A_379 = vector.shape_cast %swap3A_378 : vector<1x16xf32> to vector<16xf32>
    %swap3A_380 = vector.shape_cast %broadcast_in_dim3A_1 : vector<16xf32> to vector<1x16xf32>
    tpu.vector_store %arg7[%swap3A_376, %swap3A_377], %swap3A_380 {strides = array<i32>} : memref<128x16xf32, #tpu.memory_space<vmem>>, vector<1x16xf32>,
    %swap3A_381 = arith.constant 63 : i32
    %swap3A_382 = arith.index_cast %swap3A_381 : i32 to index
    %swap3A_383 = arith.constant 0 : index
    %swap3A_384 = tpu.vector_load %arg7[%swap3A_382, %swap3A_383] {strides = array<i32>} : memref<128x16xf32, #tpu.memory_space<vmem>>, vector<1x16xf32>,
    %swap3A_385 = vector.shape_cast %swap3A_384 : vector<1x16xf32> to vector<16xf32>
    %swap3A_386 = vector.shape_cast %broadcast_in_dim3A_1 : vector<16xf32> to vector<1x16xf32>
    tpu.vector_store %arg7[%swap3A_382, %swap3A_383], %swap3A_386 {strides = array<i32>} : memref<128x16xf32, #tpu.memory_space<vmem>>, vector<1x16xf32>,
    %swap3A_387 = arith.constant 64 : i32
    %swap3A_388 = arith.index_cast %swap3A_387 : i32 to index
    %swap3A_389 = arith.constant 0 : index
    %swap3A_390 = tpu.vector_load %arg7[%swap3A_388, %swap3A_389] {strides = array<i32>} : memref<128x16xf32, #tpu.memory_space<vmem>>, vector<1x16xf32>,
    %swap3A_391 = vector.shape_cast %swap3A_390 : vector<1x16xf32> to vector<16xf32>
    %swap3A_392 = vector.shape_cast %broadcast_in_dim3A_1 : vector<16xf32> to vector<1x16xf32>
    tpu.vector_store %arg7[%swap3A_388, %swap3A_389], %swap3A_392 {strides = array<i32>} : memref<128x16xf32, #tpu.memory_space<vmem>>, vector<1x16xf32>,
    %swap3A_393 = arith.constant 65 : i32
    %swap3A_394 = arith.index_cast %swap3A_393 : i32 to index
    %swap3A_395 = arith.constant 0 : index
    %swap3A_396 = tpu.vector_load %arg7[%swap3A_394, %swap3A_395] {strides = array<i32>} : memref<128x16xf32, #tpu.memory_space<vmem>>, vector<1x16xf32>,
    %swap3A_397 = vector.shape_cast %swap3A_396 : vector<1x16xf32> to vector<16xf32>
    %swap3A_398 = vector.shape_cast %broadcast_in_dim3A_1 : vector<16xf32> to vector<1x16xf32>
    tpu.vector_store %arg7[%swap3A_394, %swap3A_395], %swap3A_398 {strides = array<i32>} : memref<128x16xf32, #tpu.memory_space<vmem>>, vector<1x16xf32>,
    %swap3A_399 = arith.constant 66 : i32
    %swap3A_400 = arith.index_cast %swap3A_399 : i32 to index
    %swap3A_401 = arith.constant 0 : index
    %swap3A_402 = tpu.vector_load %arg7[%swap3A_400, %swap3A_401] {strides = array<i32>} : memref<128x16xf32, #tpu.memory_space<vmem>>, vector<1x16xf32>,
    %swap3A_403 = vector.shape_cast %swap3A_402 : vector<1x16xf32> to vector<16xf32>
    %swap3A_404 = vector.shape_cast %broadcast_in_dim3A_1 : vector<16xf32> to vector<1x16xf32>
    tpu.vector_store %arg7[%swap3A_400, %swap3A_401], %swap3A_404 {strides = array<i32>} : memref<128x16xf32, #tpu.memory_space<vmem>>, vector<1x16xf32>,
    %swap3A_405 = arith.constant 67 : i32
    %swap3A_406 = arith.index_cast %swap3A_405 : i32 to index
    %swap3A_407 = arith.constant 0 : index
    %swap3A_408 = tpu.vector_load %arg7[%swap3A_406, %swap3A_407] {strides = array<i32>} : memref<128x16xf32, #tpu.memory_space<vmem>>, vector<1x16xf32>,
    %swap3A_409 = vector.shape_cast %swap3A_408 : vector<1x16xf32> to vector<16xf32>
    %swap3A_410 = vector.shape_cast %broadcast_in_dim3A_1 : vector<16xf32> to vector<1x16xf32>
    tpu.vector_store %arg7[%swap3A_406, %swap3A_407], %swap3A_410 {strides = array<i32>} : memref<128x16xf32, #tpu.memory_space<vmem>>, vector<1x16xf32>,
    %swap3A_411 = arith.constant 68 : i32
    %swap3A_412 = arith.index_cast %swap3A_411 : i32 to index
    %swap3A_413 = arith.constant 0 : index
    %swap3A_414 = tpu.vector_load %arg7[%swap3A_412, %swap3A_413] {strides = array<i32>} : memref<128x16xf32, #tpu.memory_space<vmem>>, vector<1x16xf32>,
    %swap3A_415 = vector.shape_cast %swap3A_414 : vector<1x16xf32> to vector<16xf32>
    %swap3A_416 = vector.shape_cast %broadcast_in_dim3A_1 : vector<16xf32> to vector<1x16xf32>
    tpu.vector_store %arg7[%swap3A_412, %swap3A_413], %swap3A_416 {strides = array<i32>} : memref<128x16xf32, #tpu.memory_space<vmem>>, vector<1x16xf32>,
    %swap3A_417 = arith.constant 69 : i32
    %swap3A_418 = arith.index_cast %swap3A_417 : i32 to index
    %swap3A_419 = arith.constant 0 : index
    %swap3A_420 = tpu.vector_load %arg7[%swap3A_418, %swap3A_419] {strides = array<i32>} : memref<128x16xf32, #tpu.memory_space<vmem>>, vector<1x16xf32>,
    %swap3A_421 = vector.shape_cast %swap3A_420 : vector<1x16xf32> to vector<16xf32>
    %swap3A_422 = vector.shape_cast %broadcast_in_dim3A_1 : vector<16xf32> to vector<1x16xf32>
    tpu.vector_store %arg7[%swap3A_418, %swap3A_419], %swap3A_422 {strides = array<i32>} : memref<128x16xf32, #tpu.memory_space<vmem>>, vector<1x16xf32>,
    %swap3A_423 = arith.constant 70 : i32
    %swap3A_424 = arith.index_cast %swap3A_423 : i32 to index
    %swap3A_425 = arith.constant 0 : index
    %swap3A_426 = tpu.vector_load %arg7[%swap3A_424, %swap3A_425] {strides = array<i32>} : memref<128x16xf32, #tpu.memory_space<vmem>>, vector<1x16xf32>,
    %swap3A_427 = vector.shape_cast %swap3A_426 : vector<1x16xf32> to vector<16xf32>
    %swap3A_428 = vector.shape_cast %broadcast_in_dim3A_1 : vector<16xf32> to vector<1x16xf32>
    tpu.vector_store %arg7[%swap3A_424, %swap3A_425], %swap3A_428 {strides = array<i32>} : memref<128x16xf32, #tpu.memory_space<vmem>>, vector<1x16xf32>,
    %swap3A_429 = arith.constant 71 : i32
    %swap3A_430 = arith.index_cast %swap3A_429 : i32 to index
    %swap3A_431 = arith.constant 0 : index
    %swap3A_432 = tpu.vector_load %arg7[%swap3A_430, %swap3A_431] {strides = array<i32>} : memref<128x16xf32, #tpu.memory_space<vmem>>, vector<1x16xf32>,
    %swap3A_433 = vector.shape_cast %swap3A_432 : vector<1x16xf32> to vector<16xf32>
    %swap3A_434 = vector.shape_cast %broadcast_in_dim3A_1 : vector<16xf32> to vector<1x16xf32>
    tpu.vector_store %arg7[%swap3A_430, %swap3A_431], %swap3A_434 {strides = array<i32>} : memref<128x16xf32, #tpu.memory_space<vmem>>, vector<1x16xf32>,
    %swap3A_435 = arith.constant 72 : i32
    %swap3A_436 = arith.index_cast %swap3A_435 : i32 to index
    %swap3A_437 = arith.constant 0 : index
    %swap3A_438 = tpu.vector_load %arg7[%swap3A_436, %swap3A_437] {strides = array<i32>} : memref<128x16xf32, #tpu.memory_space<vmem>>, vector<1x16xf32>,
    %swap3A_439 = vector.shape_cast %swap3A_438 : vector<1x16xf32> to vector<16xf32>
    %swap3A_440 = vector.shape_cast %broadcast_in_dim3A_1 : vector<16xf32> to vector<1x16xf32>
    tpu.vector_store %arg7[%swap3A_436, %swap3A_437], %swap3A_440 {strides = array<i32>} : memref<128x16xf32, #tpu.memory_space<vmem>>, vector<1x16xf32>,
    %swap3A_441 = arith.constant 73 : i32
    %swap3A_442 = arith.index_cast %swap3A_441 : i32 to index
    %swap3A_443 = arith.constant 0 : index
    %swap3A_444 = tpu.vector_load %arg7[%swap3A_442, %swap3A_443] {strides = array<i32>} : memref<128x16xf32, #tpu.memory_space<vmem>>, vector<1x16xf32>,
    %swap3A_445 = vector.shape_cast %swap3A_444 : vector<1x16xf32> to vector<16xf32>
    %swap3A_446 = vector.shape_cast %broadcast_in_dim3A_1 : vector<16xf32> to vector<1x16xf32>
    tpu.vector_store %arg7[%swap3A_442, %swap3A_443], %swap3A_446 {strides = array<i32>} : memref<128x16xf32, #tpu.memory_space<vmem>>, vector<1x16xf32>,
    %swap3A_447 = arith.constant 74 : i32
    %swap3A_448 = arith.index_cast %swap3A_447 : i32 to index
    %swap3A_449 = arith.constant 0 : index
    %swap3A_450 = tpu.vector_load %arg7[%swap3A_448, %swap3A_449] {strides = array<i32>} : memref<128x16xf32, #tpu.memory_space<vmem>>, vector<1x16xf32>,
    %swap3A_451 = vector.shape_cast %swap3A_450 : vector<1x16xf32> to vector<16xf32>
    %swap3A_452 = vector.shape_cast %broadcast_in_dim3A_1 : vector<16xf32> to vector<1x16xf32>
    tpu.vector_store %arg7[%swap3A_448, %swap3A_449], %swap3A_452 {strides = array<i32>} : memref<128x16xf32, #tpu.memory_space<vmem>>, vector<1x16xf32>,
    %swap3A_453 = arith.constant 75 : i32
    %swap3A_454 = arith.index_cast %swap3A_453 : i32 to index
    %swap3A_455 = arith.constant 0 : index
    %swap3A_456 = tpu.vector_load %arg7[%swap3A_454, %swap3A_455] {strides = array<i32>} : memref<128x16xf32, #tpu.memory_space<vmem>>, vector<1x16xf32>,
    %swap3A_457 = vector.shape_cast %swap3A_456 : vector<1x16xf32> to vector<16xf32>
    %swap3A_458 = vector.shape_cast %broadcast_in_dim3A_1 : vector<16xf32> to vector<1x16xf32>
    tpu.vector_store %arg7[%swap3A_454, %swap3A_455], %swap3A_458 {strides = array<i32>} : memref<128x16xf32, #tpu.memory_space<vmem>>, vector<1x16xf32>,
    %swap3A_459 = arith.constant 76 : i32
    %swap3A_460 = arith.index_cast %swap3A_459 : i32 to index
    %swap3A_461 = arith.constant 0 : index
    %swap3A_462 = tpu.vector_load %arg7[%swap3A_460, %swap3A_461] {strides = array<i32>} : memref<128x16xf32, #tpu.memory_space<vmem>>, vector<1x16xf32>,
    %swap3A_463 = vector.shape_cast %swap3A_462 : vector<1x16xf32> to vector<16xf32>
    %swap3A_464 = vector.shape_cast %broadcast_in_dim3A_1 : vector<16xf32> to vector<1x16xf32>
    tpu.vector_store %arg7[%swap3A_460, %swap3A_461], %swap3A_464 {strides = array<i32>} : memref<128x16xf32, #tpu.memory_space<vmem>>, vector<1x16xf32>,
    %swap3A_465 = arith.constant 77 : i32
    %swap3A_466 = arith.index_cast %swap3A_465 : i32 to index
    %swap3A_467 = arith.constant 0 : index
    %swap3A_468 = tpu.vector_load %arg7[%swap3A_466, %swap3A_467] {strides = array<i32>} : memref<128x16xf32, #tpu.memory_space<vmem>>, vector<1x16xf32>,
    %swap3A_469 = vector.shape_cast %swap3A_468 : vector<1x16xf32> to vector<16xf32>
    %swap3A_470 = vector.shape_cast %broadcast_in_dim3A_1 : vector<16xf32> to vector<1x16xf32>
    tpu.vector_store %arg7[%swap3A_466, %swap3A_467], %swap3A_470 {strides = array<i32>} : memref<128x16xf32, #tpu.memory_space<vmem>>, vector<1x16xf32>,
    %swap3A_471 = arith.constant 78 : i32
    %swap3A_472 = arith.index_cast %swap3A_471 : i32 to index
    %swap3A_473 = arith.constant 0 : index
    %swap3A_474 = tpu.vector_load %arg7[%swap3A_472, %swap3A_473] {strides = array<i32>} : memref<128x16xf32, #tpu.memory_space<vmem>>, vector<1x16xf32>,
    %swap3A_475 = vector.shape_cast %swap3A_474 : vector<1x16xf32> to vector<16xf32>
    %swap3A_476 = vector.shape_cast %broadcast_in_dim3A_1 : vector<16xf32> to vector<1x16xf32>
    tpu.vector_store %arg7[%swap3A_472, %swap3A_473], %swap3A_476 {strides = array<i32>} : memref<128x16xf32, #tpu.memory_space<vmem>>, vector<1x16xf32>,
    %swap3A_477 = arith.constant 79 : i32
    %swap3A_478 = arith.index_cast %swap3A_477 : i32 to index
    %swap3A_479 = arith.constant 0 : index
    %swap3A_480 = tpu.vector_load %arg7[%swap3A_478, %swap3A_479] {strides = array<i32>} : memref<128x16xf32, #tpu.memory_space<vmem>>, vector<1x16xf32>,
    %swap3A_481 = vector.shape_cast %swap3A_480 : vector<1x16xf32> to vector<16xf32>
    %swap3A_482 = vector.shape_cast %broadcast_in_dim3A_1 : vector<16xf32> to vector<1x16xf32>
    tpu.vector_store %arg7[%swap3A_478, %swap3A_479], %swap3A_482 {strides = array<i32>} : memref<128x16xf32, #tpu.memory_space<vmem>>, vector<1x16xf32>,
    %swap3A_483 = arith.constant 80 : i32
    %swap3A_484 = arith.index_cast %swap3A_483 : i32 to index
    %swap3A_485 = arith.constant 0 : index
    %swap3A_486 = tpu.vector_load %arg7[%swap3A_484, %swap3A_485] {strides = array<i32>} : memref<128x16xf32, #tpu.memory_space<vmem>>, vector<1x16xf32>,
    %swap3A_487 = vector.shape_cast %swap3A_486 : vector<1x16xf32> to vector<16xf32>
    %swap3A_488 = vector.shape_cast %broadcast_in_dim3A_1 : vector<16xf32> to vector<1x16xf32>
    tpu.vector_store %arg7[%swap3A_484, %swap3A_485], %swap3A_488 {strides = array<i32>} : memref<128x16xf32, #tpu.memory_space<vmem>>, vector<1x16xf32>,
    %swap3A_489 = arith.constant 81 : i32
    %swap3A_490 = arith.index_cast %swap3A_489 : i32 to index
    %swap3A_491 = arith.constant 0 : index
    %swap3A_492 = tpu.vector_load %arg7[%swap3A_490, %swap3A_491] {strides = array<i32>} : memref<128x16xf32, #tpu.memory_space<vmem>>, vector<1x16xf32>,
    %swap3A_493 = vector.shape_cast %swap3A_492 : vector<1x16xf32> to vector<16xf32>
    %swap3A_494 = vector.shape_cast %broadcast_in_dim3A_1 : vector<16xf32> to vector<1x16xf32>
    tpu.vector_store %arg7[%swap3A_490, %swap3A_491], %swap3A_494 {strides = array<i32>} : memref<128x16xf32, #tpu.memory_space<vmem>>, vector<1x16xf32>,
    %swap3A_495 = arith.constant 82 : i32
    %swap3A_496 = arith.index_cast %swap3A_495 : i32 to index
    %swap3A_497 = arith.constant 0 : index
    %swap3A_498 = tpu.vector_load %arg7[%swap3A_496, %swap3A_497] {strides = array<i32>} : memref<128x16xf32, #tpu.memory_space<vmem>>, vector<1x16xf32>,
    %swap3A_499 = vector.shape_cast %swap3A_498 : vector<1x16xf32> to vector<16xf32>
    %swap3A_500 = vector.shape_cast %broadcast_in_dim3A_1 : vector<16xf32> to vector<1x16xf32>
    tpu.vector_store %arg7[%swap3A_496, %swap3A_497], %swap3A_500 {strides = array<i32>} : memref<128x16xf32, #tpu.memory_space<vmem>>, vector<1x16xf32>,
    %swap3A_501 = arith.constant 83 : i32
    %swap3A_502 = arith.index_cast %swap3A_501 : i32 to index
    %swap3A_503 = arith.constant 0 : index
    %swap3A_504 = tpu.vector_load %arg7[%swap3A_502, %swap3A_503] {strides = array<i32>} : memref<128x16xf32, #tpu.memory_space<vmem>>, vector<1x16xf32>,
    %swap3A_505 = vector.shape_cast %swap3A_504 : vector<1x16xf32> to vector<16xf32>
    %swap3A_506 = vector.shape_cast %broadcast_in_dim3A_1 : vector<16xf32> to vector<1x16xf32>
    tpu.vector_store %arg7[%swap3A_502, %swap3A_503], %swap3A_506 {strides = array<i32>} : memref<128x16xf32, #tpu.memory_space<vmem>>, vector<1x16xf32>,
    %swap3A_507 = arith.constant 84 : i32
    %swap3A_508 = arith.index_cast %swap3A_507 : i32 to index
    %swap3A_509 = arith.constant 0 : index
    %swap3A_510 = tpu.vector_load %arg7[%swap3A_508, %swap3A_509] {strides = array<i32>} : memref<128x16xf32, #tpu.memory_space<vmem>>, vector<1x16xf32>,
    %swap3A_511 = vector.shape_cast %swap3A_510 : vector<1x16xf32> to vector<16xf32>
    %swap3A_512 = vector.shape_cast %broadcast_in_dim3A_1 : vector<16xf32> to vector<1x16xf32>
    tpu.vector_store %arg7[%swap3A_508, %swap3A_509], %swap3A_512 {strides = array<i32>} : memref<128x16xf32, #tpu.memory_space<vmem>>, vector<1x16xf32>,
    %swap3A_513 = arith.constant 85 : i32
    %swap3A_514 = arith.index_cast %swap3A_513 : i32 to index
    %swap3A_515 = arith.constant 0 : index
    %swap3A_516 = tpu.vector_load %arg7[%swap3A_514, %swap3A_515] {strides = array<i32>} : memref<128x16xf32, #tpu.memory_space<vmem>>, vector<1x16xf32>,
    %swap3A_517 = vector.shape_cast %swap3A_516 : vector<1x16xf32> to vector<16xf32>
    %swap3A_518 = vector.shape_cast %broadcast_in_dim3A_1 : vector<16xf32> to vector<1x16xf32>
    tpu.vector_store %arg7[%swap3A_514, %swap3A_515], %swap3A_518 {strides = array<i32>} : memref<128x16xf32, #tpu.memory_space<vmem>>, vector<1x16xf32>,
    %swap3A_519 = arith.constant 86 : i32
    %swap3A_520 = arith.index_cast %swap3A_519 : i32 to index
    %swap3A_521 = arith.constant 0 : index
    %swap3A_522 = tpu.vector_load %arg7[%swap3A_520, %swap3A_521] {strides = array<i32>} : memref<128x16xf32, #tpu.memory_space<vmem>>, vector<1x16xf32>,
    %swap3A_523 = vector.shape_cast %swap3A_522 : vector<1x16xf32> to vector<16xf32>
    %swap3A_524 = vector.shape_cast %broadcast_in_dim3A_1 : vector<16xf32> to vector<1x16xf32>
    tpu.vector_store %arg7[%swap3A_520, %swap3A_521], %swap3A_524 {strides = array<i32>} : memref<128x16xf32, #tpu.memory_space<vmem>>, vector<1x16xf32>,
    %swap3A_525 = arith.constant 87 : i32
    %swap3A_526 = arith.index_cast %swap3A_525 : i32 to index
    %swap3A_527 = arith.constant 0 : index
    %swap3A_528 = tpu.vector_load %arg7[%swap3A_526, %swap3A_527] {strides = array<i32>} : memref<128x16xf32, #tpu.memory_space<vmem>>, vector<1x16xf32>,
    %swap3A_529 = vector.shape_cast %swap3A_528 : vector<1x16xf32> to vector<16xf32>
    %swap3A_530 = vector.shape_cast %broadcast_in_dim3A_1 : vector<16xf32> to vector<1x16xf32>
    tpu.vector_store %arg7[%swap3A_526, %swap3A_527], %swap3A_530 {strides = array<i32>} : memref<128x16xf32, #tpu.memory_space<vmem>>, vector<1x16xf32>,
    %swap3A_531 = arith.constant 88 : i32
    %swap3A_532 = arith.index_cast %swap3A_531 : i32 to index
    %swap3A_533 = arith.constant 0 : index
    %swap3A_534 = tpu.vector_load %arg7[%swap3A_532, %swap3A_533] {strides = array<i32>} : memref<128x16xf32, #tpu.memory_space<vmem>>, vector<1x16xf32>,
    %swap3A_535 = vector.shape_cast %swap3A_534 : vector<1x16xf32> to vector<16xf32>
    %swap3A_536 = vector.shape_cast %broadcast_in_dim3A_1 : vector<16xf32> to vector<1x16xf32>
    tpu.vector_store %arg7[%swap3A_532, %swap3A_533], %swap3A_536 {strides = array<i32>} : memref<128x16xf32, #tpu.memory_space<vmem>>, vector<1x16xf32>,
    %swap3A_537 = arith.constant 89 : i32
    %swap3A_538 = arith.index_cast %swap3A_537 : i32 to index
    %swap3A_539 = arith.constant 0 : index
    %swap3A_540 = tpu.vector_load %arg7[%swap3A_538, %swap3A_539] {strides = array<i32>} : memref<128x16xf32, #tpu.memory_space<vmem>>, vector<1x16xf32>,
    %swap3A_541 = vector.shape_cast %swap3A_540 : vector<1x16xf32> to vector<16xf32>
    %swap3A_542 = vector.shape_cast %broadcast_in_dim3A_1 : vector<16xf32> to vector<1x16xf32>
    tpu.vector_store %arg7[%swap3A_538, %swap3A_539], %swap3A_542 {strides = array<i32>} : memref<128x16xf32, #tpu.memory_space<vmem>>, vector<1x16xf32>,
    %swap3A_543 = arith.constant 90 : i32
    %swap3A_544 = arith.index_cast %swap3A_543 : i32 to index
    %swap3A_545 = arith.constant 0 : index
    %swap3A_546 = tpu.vector_load %arg7[%swap3A_544, %swap3A_545] {strides = array<i32>} : memref<128x16xf32, #tpu.memory_space<vmem>>, vector<1x16xf32>,
    %swap3A_547 = vector.shape_cast %swap3A_546 : vector<1x16xf32> to vector<16xf32>
    %swap3A_548 = vector.shape_cast %broadcast_in_dim3A_1 : vector<16xf32> to vector<1x16xf32>
    tpu.vector_store %arg7[%swap3A_544, %swap3A_545], %swap3A_548 {strides = array<i32>} : memref<128x16xf32, #tpu.memory_space<vmem>>, vector<1x16xf32>,
    %swap3A_549 = arith.constant 91 : i32
    %swap3A_550 = arith.index_cast %swap3A_549 : i32 to index
    %swap3A_551 = arith.constant 0 : index
    %swap3A_552 = tpu.vector_load %arg7[%swap3A_550, %swap3A_551] {strides = array<i32>} : memref<128x16xf32, #tpu.memory_space<vmem>>, vector<1x16xf32>,
    %swap3A_553 = vector.shape_cast %swap3A_552 : vector<1x16xf32> to vector<16xf32>
    %swap3A_554 = vector.shape_cast %broadcast_in_dim3A_1 : vector<16xf32> to vector<1x16xf32>
    tpu.vector_store %arg7[%swap3A_550, %swap3A_551], %swap3A_554 {strides = array<i32>} : memref<128x16xf32, #tpu.memory_space<vmem>>, vector<1x16xf32>,
    %swap3A_555 = arith.constant 92 : i32
    %swap3A_556 = arith.index_cast %swap3A_555 : i32 to index
    %swap3A_557 = arith.constant 0 : index
    %swap3A_558 = tpu.vector_load %arg7[%swap3A_556, %swap3A_557] {strides = array<i32>} : memref<128x16xf32, #tpu.memory_space<vmem>>, vector<1x16xf32>,
    %swap3A_559 = vector.shape_cast %swap3A_558 : vector<1x16xf32> to vector<16xf32>
    %swap3A_560 = vector.shape_cast %broadcast_in_dim3A_1 : vector<16xf32> to vector<1x16xf32>
    tpu.vector_store %arg7[%swap3A_556, %swap3A_557], %swap3A_560 {strides = array<i32>} : memref<128x16xf32, #tpu.memory_space<vmem>>, vector<1x16xf32>,
    %swap3A_561 = arith.constant 93 : i32
    %swap3A_562 = arith.index_cast %swap3A_561 : i32 to index
    %swap3A_563 = arith.constant 0 : index
    %swap3A_564 = tpu.vector_load %arg7[%swap3A_562, %swap3A_563] {strides = array<i32>} : memref<128x16xf32, #tpu.memory_space<vmem>>, vector<1x16xf32>,
    %swap3A_565 = vector.shape_cast %swap3A_564 : vector<1x16xf32> to vector<16xf32>
    %swap3A_566 = vector.shape_cast %broadcast_in_dim3A_1 : vector<16xf32> to vector<1x16xf32>
    tpu.vector_store %arg7[%swap3A_562, %swap3A_563], %swap3A_566 {strides = array<i32>} : memref<128x16xf32, #tpu.memory_space<vmem>>, vector<1x16xf32>,
    %swap3A_567 = arith.constant 94 : i32
    %swap3A_568 = arith.index_cast %swap3A_567 : i32 to index
    %swap3A_569 = arith.constant 0 : index
    %swap3A_570 = tpu.vector_load %arg7[%swap3A_568, %swap3A_569] {strides = array<i32>} : memref<128x16xf32, #tpu.memory_space<vmem>>, vector<1x16xf32>,
    %swap3A_571 = vector.shape_cast %swap3A_570 : vector<1x16xf32> to vector<16xf32>
    %swap3A_572 = vector.shape_cast %broadcast_in_dim3A_1 : vector<16xf32> to vector<1x16xf32>
    tpu.vector_store %arg7[%swap3A_568, %swap3A_569], %swap3A_572 {strides = array<i32>} : memref<128x16xf32, #tpu.memory_space<vmem>>, vector<1x16xf32>,
    %swap3A_573 = arith.constant 95 : i32
    %swap3A_574 = arith.index_cast %swap3A_573 : i32 to index
    %swap3A_575 = arith.constant 0 : index
    %swap3A_576 = tpu.vector_load %arg7[%swap3A_574, %swap3A_575] {strides = array<i32>} : memref<128x16xf32, #tpu.memory_space<vmem>>, vector<1x16xf32>,
    %swap3A_577 = vector.shape_cast %swap3A_576 : vector<1x16xf32> to vector<16xf32>
    %swap3A_578 = vector.shape_cast %broadcast_in_dim3A_1 : vector<16xf32> to vector<1x16xf32>
    tpu.vector_store %arg7[%swap3A_574, %swap3A_575], %swap3A_578 {strides = array<i32>} : memref<128x16xf32, #tpu.memory_space<vmem>>, vector<1x16xf32>,
    %swap3A_579 = arith.constant 96 : i32
    %swap3A_580 = arith.index_cast %swap3A_579 : i32 to index
    %swap3A_581 = arith.constant 0 : index
    %swap3A_582 = tpu.vector_load %arg7[%swap3A_580, %swap3A_581] {strides = array<i32>} : memref<128x16xf32, #tpu.memory_space<vmem>>, vector<1x16xf32>,
    %swap3A_583 = vector.shape_cast %swap3A_582 : vector<1x16xf32> to vector<16xf32>
    %swap3A_584 = vector.shape_cast %broadcast_in_dim3A_1 : vector<16xf32> to vector<1x16xf32>
    tpu.vector_store %arg7[%swap3A_580, %swap3A_581], %swap3A_584 {strides = array<i32>} : memref<128x16xf32, #tpu.memory_space<vmem>>, vector<1x16xf32>,
    %swap3A_585 = arith.constant 97 : i32
    %swap3A_586 = arith.index_cast %swap3A_585 : i32 to index
    %swap3A_587 = arith.constant 0 : index
    %swap3A_588 = tpu.vector_load %arg7[%swap3A_586, %swap3A_587] {strides = array<i32>} : memref<128x16xf32, #tpu.memory_space<vmem>>, vector<1x16xf32>,
    %swap3A_589 = vector.shape_cast %swap3A_588 : vector<1x16xf32> to vector<16xf32>
    %swap3A_590 = vector.shape_cast %broadcast_in_dim3A_1 : vector<16xf32> to vector<1x16xf32>
    tpu.vector_store %arg7[%swap3A_586, %swap3A_587], %swap3A_590 {strides = array<i32>} : memref<128x16xf32, #tpu.memory_space<vmem>>, vector<1x16xf32>,
    %swap3A_591 = arith.constant 98 : i32
    %swap3A_592 = arith.index_cast %swap3A_591 : i32 to index
    %swap3A_593 = arith.constant 0 : index
    %swap3A_594 = tpu.vector_load %arg7[%swap3A_592, %swap3A_593] {strides = array<i32>} : memref<128x16xf32, #tpu.memory_space<vmem>>, vector<1x16xf32>,
    %swap3A_595 = vector.shape_cast %swap3A_594 : vector<1x16xf32> to vector<16xf32>
    %swap3A_596 = vector.shape_cast %broadcast_in_dim3A_1 : vector<16xf32> to vector<1x16xf32>
    tpu.vector_store %arg7[%swap3A_592, %swap3A_593], %swap3A_596 {strides = array<i32>} : memref<128x16xf32, #tpu.memory_space<vmem>>, vector<1x16xf32>,
    %swap3A_597 = arith.constant 99 : i32
    %swap3A_598 = arith.index_cast %swap3A_597 : i32 to index
    %swap3A_599 = arith.constant 0 : index
    %swap3A_600 = tpu.vector_load %arg7[%swap3A_598, %swap3A_599] {strides = array<i32>} : memref<128x16xf32, #tpu.memory_space<vmem>>, vector<1x16xf32>,
    %swap3A_601 = vector.shape_cast %swap3A_600 : vector<1x16xf32> to vector<16xf32>
    %swap3A_602 = vector.shape_cast %broadcast_in_dim3A_1 : vector<16xf32> to vector<1x16xf32>
    tpu.vector_store %arg7[%swap3A_598, %swap3A_599], %swap3A_602 {strides = array<i32>} : memref<128x16xf32, #tpu.memory_space<vmem>>, vector<1x16xf32>,
    %swap3A_603 = arith.constant 100 : i32
    %swap3A_604 = arith.index_cast %swap3A_603 : i32 to index
    %swap3A_605 = arith.constant 0 : index
    %swap3A_606 = tpu.vector_load %arg7[%swap3A_604, %swap3A_605] {strides = array<i32>} : memref<128x16xf32, #tpu.memory_space<vmem>>, vector<1x16xf32>,
    %swap3A_607 = vector.shape_cast %swap3A_606 : vector<1x16xf32> to vector<16xf32>
    %swap3A_608 = vector.shape_cast %broadcast_in_dim3A_1 : vector<16xf32> to vector<1x16xf32>
    tpu.vector_store %arg7[%swap3A_604, %swap3A_605], %swap3A_608 {strides = array<i32>} : memref<128x16xf32, #tpu.memory_space<vmem>>, vector<1x16xf32>,
    %swap3A_609 = arith.constant 101 : i32
    %swap3A_610 = arith.index_cast %swap3A_609 : i32 to index
    %swap3A_611 = arith.constant 0 : index
    %swap3A_612 = tpu.vector_load %arg7[%swap3A_610, %swap3A_611] {strides = array<i32>} : memref<128x16xf32, #tpu.memory_space<vmem>>, vector<1x16xf32>,
    %swap3A_613 = vector.shape_cast %swap3A_612 : vector<1x16xf32> to vector<16xf32>
    %swap3A_614 = vector.shape_cast %broadcast_in_dim3A_1 : vector<16xf32> to vector<1x16xf32>
    tpu.vector_store %arg7[%swap3A_610, %swap3A_611], %swap3A_614 {strides = array<i32>} : memref<128x16xf32, #tpu.memory_space<vmem>>, vector<1x16xf32>,
    %swap3A_615 = arith.constant 102 : i32
    %swap3A_616 = arith.index_cast %swap3A_615 : i32 to index
    %swap3A_617 = arith.constant 0 : index
    %swap3A_618 = tpu.vector_load %arg7[%swap3A_616, %swap3A_617] {strides = array<i32>} : memref<128x16xf32, #tpu.memory_space<vmem>>, vector<1x16xf32>,
    %swap3A_619 = vector.shape_cast %swap3A_618 : vector<1x16xf32> to vector<16xf32>
    %swap3A_620 = vector.shape_cast %broadcast_in_dim3A_1 : vector<16xf32> to vector<1x16xf32>
    tpu.vector_store %arg7[%swap3A_616, %swap3A_617], %swap3A_620 {strides = array<i32>} : memref<128x16xf32, #tpu.memory_space<vmem>>, vector<1x16xf32>,
    %swap3A_621 = arith.constant 103 : i32
    %swap3A_622 = arith.index_cast %swap3A_621 : i32 to index
    %swap3A_623 = arith.constant 0 : index
    %swap3A_624 = tpu.vector_load %arg7[%swap3A_622, %swap3A_623] {strides = array<i32>} : memref<128x16xf32, #tpu.memory_space<vmem>>, vector<1x16xf32>,
    %swap3A_625 = vector.shape_cast %swap3A_624 : vector<1x16xf32> to vector<16xf32>
    %swap3A_626 = vector.shape_cast %broadcast_in_dim3A_1 : vector<16xf32> to vector<1x16xf32>
    tpu.vector_store %arg7[%swap3A_622, %swap3A_623], %swap3A_626 {strides = array<i32>} : memref<128x16xf32, #tpu.memory_space<vmem>>, vector<1x16xf32>,
    %swap3A_627 = arith.constant 104 : i32
    %swap3A_628 = arith.index_cast %swap3A_627 : i32 to index
    %swap3A_629 = arith.constant 0 : index
    %swap3A_630 = tpu.vector_load %arg7[%swap3A_628, %swap3A_629] {strides = array<i32>} : memref<128x16xf32, #tpu.memory_space<vmem>>, vector<1x16xf32>,
    %swap3A_631 = vector.shape_cast %swap3A_630 : vector<1x16xf32> to vector<16xf32>
    %swap3A_632 = vector.shape_cast %broadcast_in_dim3A_1 : vector<16xf32> to vector<1x16xf32>
    tpu.vector_store %arg7[%swap3A_628, %swap3A_629], %swap3A_632 {strides = array<i32>} : memref<128x16xf32, #tpu.memory_space<vmem>>, vector<1x16xf32>,
    %swap3A_633 = arith.constant 105 : i32
    %swap3A_634 = arith.index_cast %swap3A_633 : i32 to index
    %swap3A_635 = arith.constant 0 : index
    %swap3A_636 = tpu.vector_load %arg7[%swap3A_634, %swap3A_635] {strides = array<i32>} : memref<128x16xf32, #tpu.memory_space<vmem>>, vector<1x16xf32>,
    %swap3A_637 = vector.shape_cast %swap3A_636 : vector<1x16xf32> to vector<16xf32>
    %swap3A_638 = vector.shape_cast %broadcast_in_dim3A_1 : vector<16xf32> to vector<1x16xf32>
    tpu.vector_store %arg7[%swap3A_634, %swap3A_635], %swap3A_638 {strides = array<i32>} : memref<128x16xf32, #tpu.memory_space<vmem>>, vector<1x16xf32>,
    %swap3A_639 = arith.constant 106 : i32
    %swap3A_640 = arith.index_cast %swap3A_639 : i32 to index
    %swap3A_641 = arith.constant 0 : index
    %swap3A_642 = tpu.vector_load %arg7[%swap3A_640, %swap3A_641] {strides = array<i32>} : memref<128x16xf32, #tpu.memory_space<vmem>>, vector<1x16xf32>,
    %swap3A_643 = vector.shape_cast %swap3A_642 : vector<1x16xf32> to vector<16xf32>
    %swap3A_644 = vector.shape_cast %broadcast_in_dim3A_1 : vector<16xf32> to vector<1x16xf32>
    tpu.vector_store %arg7[%swap3A_640, %swap3A_641], %swap3A_644 {strides = array<i32>} : memref<128x16xf32, #tpu.memory_space<vmem>>, vector<1x16xf32>,
    %swap3A_645 = arith.constant 107 : i32
    %swap3A_646 = arith.index_cast %swap3A_645 : i32 to index
    %swap3A_647 = arith.constant 0 : index
    %swap3A_648 = tpu.vector_load %arg7[%swap3A_646, %swap3A_647] {strides = array<i32>} : memref<128x16xf32, #tpu.memory_space<vmem>>, vector<1x16xf32>,
    %swap3A_649 = vector.shape_cast %swap3A_648 : vector<1x16xf32> to vector<16xf32>
    %swap3A_650 = vector.shape_cast %broadcast_in_dim3A_1 : vector<16xf32> to vector<1x16xf32>
    tpu.vector_store %arg7[%swap3A_646, %swap3A_647], %swap3A_650 {strides = array<i32>} : memref<128x16xf32, #tpu.memory_space<vmem>>, vector<1x16xf32>,
    %swap3A_651 = arith.constant 108 : i32
    %swap3A_652 = arith.index_cast %swap3A_651 : i32 to index
    %swap3A_653 = arith.constant 0 : index
    %swap3A_654 = tpu.vector_load %arg7[%swap3A_652, %swap3A_653] {strides = array<i32>} : memref<128x16xf32, #tpu.memory_space<vmem>>, vector<1x16xf32>,
    %swap3A_655 = vector.shape_cast %swap3A_654 : vector<1x16xf32> to vector<16xf32>
    %swap3A_656 = vector.shape_cast %broadcast_in_dim3A_1 : vector<16xf32> to vector<1x16xf32>
    tpu.vector_store %arg7[%swap3A_652, %swap3A_653], %swap3A_656 {strides = array<i32>} : memref<128x16xf32, #tpu.memory_space<vmem>>, vector<1x16xf32>,
    %swap3A_657 = arith.constant 109 : i32
    %swap3A_658 = arith.index_cast %swap3A_657 : i32 to index
    %swap3A_659 = arith.constant 0 : index
    %swap3A_660 = tpu.vector_load %arg7[%swap3A_658, %swap3A_659] {strides = array<i32>} : memref<128x16xf32, #tpu.memory_space<vmem>>, vector<1x16xf32>,
    %swap3A_661 = vector.shape_cast %swap3A_660 : vector<1x16xf32> to vector<16xf32>
    %swap3A_662 = vector.shape_cast %broadcast_in_dim3A_1 : vector<16xf32> to vector<1x16xf32>
    tpu.vector_store %arg7[%swap3A_658, %swap3A_659], %swap3A_662 {strides = array<i32>} : memref<128x16xf32, #tpu.memory_space<vmem>>, vector<1x16xf32>,
    %swap3A_663 = arith.constant 110 : i32
    %swap3A_664 = arith.index_cast %swap3A_663 : i32 to index
    %swap3A_665 = arith.constant 0 : index
    %swap3A_666 = tpu.vector_load %arg7[%swap3A_664, %swap3A_665] {strides = array<i32>} : memref<128x16xf32, #tpu.memory_space<vmem>>, vector<1x16xf32>,
    %swap3A_667 = vector.shape_cast %swap3A_666 : vector<1x16xf32> to vector<16xf32>
    %swap3A_668 = vector.shape_cast %broadcast_in_dim3A_1 : vector<16xf32> to vector<1x16xf32>
    tpu.vector_store %arg7[%swap3A_664, %swap3A_665], %swap3A_668 {strides = array<i32>} : memref<128x16xf32, #tpu.memory_space<vmem>>, vector<1x16xf32>,
    %swap3A_669 = arith.constant 111 : i32
    %swap3A_670 = arith.index_cast %swap3A_669 : i32 to index
    %swap3A_671 = arith.constant 0 : index
    %swap3A_672 = tpu.vector_load %arg7[%swap3A_670, %swap3A_671] {strides = array<i32>} : memref<128x16xf32, #tpu.memory_space<vmem>>, vector<1x16xf32>,
    %swap3A_673 = vector.shape_cast %swap3A_672 : vector<1x16xf32> to vector<16xf32>
    %swap3A_674 = vector.shape_cast %broadcast_in_dim3A_1 : vector<16xf32> to vector<1x16xf32>
    tpu.vector_store %arg7[%swap3A_670, %swap3A_671], %swap3A_674 {strides = array<i32>} : memref<128x16xf32, #tpu.memory_space<vmem>>, vector<1x16xf32>,
    %swap3A_675 = arith.constant 112 : i32
    %swap3A_676 = arith.index_cast %swap3A_675 : i32 to index
    %swap3A_677 = arith.constant 0 : index
    %swap3A_678 = tpu.vector_load %arg7[%swap3A_676, %swap3A_677] {strides = array<i32>} : memref<128x16xf32, #tpu.memory_space<vmem>>, vector<1x16xf32>,
    %swap3A_679 = vector.shape_cast %swap3A_678 : vector<1x16xf32> to vector<16xf32>
    %swap3A_680 = vector.shape_cast %broadcast_in_dim3A_1 : vector<16xf32> to vector<1x16xf32>
    tpu.vector_store %arg7[%swap3A_676, %swap3A_677], %swap3A_680 {strides = array<i32>} : memref<128x16xf32, #tpu.memory_space<vmem>>, vector<1x16xf32>,
    %swap3A_681 = arith.constant 113 : i32
    %swap3A_682 = arith.index_cast %swap3A_681 : i32 to index
    %swap3A_683 = arith.constant 0 : index
    %swap3A_684 = tpu.vector_load %arg7[%swap3A_682, %swap3A_683] {strides = array<i32>} : memref<128x16xf32, #tpu.memory_space<vmem>>, vector<1x16xf32>,
    %swap3A_685 = vector.shape_cast %swap3A_684 : vector<1x16xf32> to vector<16xf32>
    %swap3A_686 = vector.shape_cast %broadcast_in_dim3A_1 : vector<16xf32> to vector<1x16xf32>
    tpu.vector_store %arg7[%swap3A_682, %swap3A_683], %swap3A_686 {strides = array<i32>} : memref<128x16xf32, #tpu.memory_space<vmem>>, vector<1x16xf32>,
    %swap3A_687 = arith.constant 114 : i32
    %swap3A_688 = arith.index_cast %swap3A_687 : i32 to index
    %swap3A_689 = arith.constant 0 : index
    %swap3A_690 = tpu.vector_load %arg7[%swap3A_688, %swap3A_689] {strides = array<i32>} : memref<128x16xf32, #tpu.memory_space<vmem>>, vector<1x16xf32>,
    %swap3A_691 = vector.shape_cast %swap3A_690 : vector<1x16xf32> to vector<16xf32>
    %swap3A_692 = vector.shape_cast %broadcast_in_dim3A_1 : vector<16xf32> to vector<1x16xf32>
    tpu.vector_store %arg7[%swap3A_688, %swap3A_689], %swap3A_692 {strides = array<i32>} : memref<128x16xf32, #tpu.memory_space<vmem>>, vector<1x16xf32>,
    %swap3A_693 = arith.constant 115 : i32
    %swap3A_694 = arith.index_cast %swap3A_693 : i32 to index
    %swap3A_695 = arith.constant 0 : index
    %swap3A_696 = tpu.vector_load %arg7[%swap3A_694, %swap3A_695] {strides = array<i32>} : memref<128x16xf32, #tpu.memory_space<vmem>>, vector<1x16xf32>,
    %swap3A_697 = vector.shape_cast %swap3A_696 : vector<1x16xf32> to vector<16xf32>
    %swap3A_698 = vector.shape_cast %broadcast_in_dim3A_1 : vector<16xf32> to vector<1x16xf32>
    tpu.vector_store %arg7[%swap3A_694, %swap3A_695], %swap3A_698 {strides = array<i32>} : memref<128x16xf32, #tpu.memory_space<vmem>>, vector<1x16xf32>,
    %swap3A_699 = arith.constant 116 : i32
    %swap3A_700 = arith.index_cast %swap3A_699 : i32 to index
    %swap3A_701 = arith.constant 0 : index
    %swap3A_702 = tpu.vector_load %arg7[%swap3A_700, %swap3A_701] {strides = array<i32>} : memref<128x16xf32, #tpu.memory_space<vmem>>, vector<1x16xf32>,
    %swap3A_703 = vector.shape_cast %swap3A_702 : vector<1x16xf32> to vector<16xf32>
    %swap3A_704 = vector.shape_cast %broadcast_in_dim3A_1 : vector<16xf32> to vector<1x16xf32>
    tpu.vector_store %arg7[%swap3A_700, %swap3A_701], %swap3A_704 {strides = array<i32>} : memref<128x16xf32, #tpu.memory_space<vmem>>, vector<1x16xf32>,
    %swap3A_705 = arith.constant 117 : i32
    %swap3A_706 = arith.index_cast %swap3A_705 : i32 to index
    %swap3A_707 = arith.constant 0 : index
    %swap3A_708 = tpu.vector_load %arg7[%swap3A_706, %swap3A_707] {strides = array<i32>} : memref<128x16xf32, #tpu.memory_space<vmem>>, vector<1x16xf32>,
    %swap3A_709 = vector.shape_cast %swap3A_708 : vector<1x16xf32> to vector<16xf32>
    %swap3A_710 = vector.shape_cast %broadcast_in_dim3A_1 : vector<16xf32> to vector<1x16xf32>
    tpu.vector_store %arg7[%swap3A_706, %swap3A_707], %swap3A_710 {strides = array<i32>} : memref<128x16xf32, #tpu.memory_space<vmem>>, vector<1x16xf32>,
    %swap3A_711 = arith.constant 118 : i32
    %swap3A_712 = arith.index_cast %swap3A_711 : i32 to index
    %swap3A_713 = arith.constant 0 : index
    %swap3A_714 = tpu.vector_load %arg7[%swap3A_712, %swap3A_713] {strides = array<i32>} : memref<128x16xf32, #tpu.memory_space<vmem>>, vector<1x16xf32>,
    %swap3A_715 = vector.shape_cast %swap3A_714 : vector<1x16xf32> to vector<16xf32>
    %swap3A_716 = vector.shape_cast %broadcast_in_dim3A_1 : vector<16xf32> to vector<1x16xf32>
    tpu.vector_store %arg7[%swap3A_712, %swap3A_713], %swap3A_716 {strides = array<i32>} : memref<128x16xf32, #tpu.memory_space<vmem>>, vector<1x16xf32>,
    %swap3A_717 = arith.constant 119 : i32
    %swap3A_718 = arith.index_cast %swap3A_717 : i32 to index
    %swap3A_719 = arith.constant 0 : index
    %swap3A_720 = tpu.vector_load %arg7[%swap3A_718, %swap3A_719] {strides = array<i32>} : memref<128x16xf32, #tpu.memory_space<vmem>>, vector<1x16xf32>,
    %swap3A_721 = vector.shape_cast %swap3A_720 : vector<1x16xf32> to vector<16xf32>
    %swap3A_722 = vector.shape_cast %broadcast_in_dim3A_1 : vector<16xf32> to vector<1x16xf32>
    tpu.vector_store %arg7[%swap3A_718, %swap3A_719], %swap3A_722 {strides = array<i32>} : memref<128x16xf32, #tpu.memory_space<vmem>>, vector<1x16xf32>,
    %swap3A_723 = arith.constant 120 : i32
    %swap3A_724 = arith.index_cast %swap3A_723 : i32 to index
    %swap3A_725 = arith.constant 0 : index
    %swap3A_726 = tpu.vector_load %arg7[%swap3A_724, %swap3A_725] {strides = array<i32>} : memref<128x16xf32, #tpu.memory_space<vmem>>, vector<1x16xf32>,
    %swap3A_727 = vector.shape_cast %swap3A_726 : vector<1x16xf32> to vector<16xf32>
    %swap3A_728 = vector.shape_cast %broadcast_in_dim3A_1 : vector<16xf32> to vector<1x16xf32>
    tpu.vector_store %arg7[%swap3A_724, %swap3A_725], %swap3A_728 {strides = array<i32>} : memref<128x16xf32, #tpu.memory_space<vmem>>, vector<1x16xf32>,
    %swap3A_729 = arith.constant 121 : i32
    %swap3A_730 = arith.index_cast %swap3A_729 : i32 to index
    %swap3A_731 = arith.constant 0 : index
    %swap3A_732 = tpu.vector_load %arg7[%swap3A_730, %swap3A_731] {strides = array<i32>} : memref<128x16xf32, #tpu.memory_space<vmem>>, vector<1x16xf32>,
    %swap3A_733 = vector.shape_cast %swap3A_732 : vector<1x16xf32> to vector<16xf32>
    %swap3A_734 = vector.shape_cast %broadcast_in_dim3A_1 : vector<16xf32> to vector<1x16xf32>
    tpu.vector_store %arg7[%swap3A_730, %swap3A_731], %swap3A_734 {strides = array<i32>} : memref<128x16xf32, #tpu.memory_space<vmem>>, vector<1x16xf32>,
    %swap3A_735 = arith.constant 122 : i32
    %swap3A_736 = arith.index_cast %swap3A_735 : i32 to index
    %swap3A_737 = arith.constant 0 : index
    %swap3A_738 = tpu.vector_load %arg7[%swap3A_736, %swap3A_737] {strides = array<i32>} : memref<128x16xf32, #tpu.memory_space<vmem>>, vector<1x16xf32>,
    %swap3A_739 = vector.shape_cast %swap3A_738 : vector<1x16xf32> to vector<16xf32>
    %swap3A_740 = vector.shape_cast %broadcast_in_dim3A_1 : vector<16xf32> to vector<1x16xf32>
    tpu.vector_store %arg7[%swap3A_736, %swap3A_737], %swap3A_740 {strides = array<i32>} : memref<128x16xf32, #tpu.memory_space<vmem>>, vector<1x16xf32>,
    %swap3A_741 = arith.constant 123 : i32
    %swap3A_742 = arith.index_cast %swap3A_741 : i32 to index
    %swap3A_743 = arith.constant 0 : index
    %swap3A_744 = tpu.vector_load %arg7[%swap3A_742, %swap3A_743] {strides = array<i32>} : memref<128x16xf32, #tpu.memory_space<vmem>>, vector<1x16xf32>,
    %swap3A_745 = vector.shape_cast %swap3A_744 : vector<1x16xf32> to vector<16xf32>
    %swap3A_746 = vector.shape_cast %broadcast_in_dim3A_1 : vector<16xf32> to vector<1x16xf32>
    tpu.vector_store %arg7[%swap3A_742, %swap3A_743], %swap3A_746 {strides = array<i32>} : memref<128x16xf32, #tpu.memory_space<vmem>>, vector<1x16xf32>,
    %swap3A_747 = arith.constant 124 : i32
    %swap3A_748 = arith.index_cast %swap3A_747 : i32 to index
    %swap3A_749 = arith.constant 0 : index
    %swap3A_750 = tpu.vector_load %arg7[%swap3A_748, %swap3A_749] {strides = array<i32>} : memref<128x16xf32, #tpu.memory_space<vmem>>, vector<1x16xf32>,
    %swap3A_751 = vector.shape_cast %swap3A_750 : vector<1x16xf32> to vector<16xf32>
    %swap3A_752 = vector.shape_cast %broadcast_in_dim3A_1 : vector<16xf32> to vector<1x16xf32>
    tpu.vector_store %arg7[%swap3A_748, %swap3A_749], %swap3A_752 {strides = array<i32>} : memref<128x16xf32, #tpu.memory_space<vmem>>, vector<1x16xf32>,
    %swap3A_753 = arith.constant 125 : i32
    %swap3A_754 = arith.index_cast %swap3A_753 : i32 to index
    %swap3A_755 = arith.constant 0 : index
    %swap3A_756 = tpu.vector_load %arg7[%swap3A_754, %swap3A_755] {strides = array<i32>} : memref<128x16xf32, #tpu.memory_space<vmem>>, vector<1x16xf32>,
    %swap3A_757 = vector.shape_cast %swap3A_756 : vector<1x16xf32> to vector<16xf32>
    %swap3A_758 = vector.shape_cast %broadcast_in_dim3A_1 : vector<16xf32> to vector<1x16xf32>
    tpu.vector_store %arg7[%swap3A_754, %swap3A_755], %swap3A_758 {strides = array<i32>} : memref<128x16xf32, #tpu.memory_space<vmem>>, vector<1x16xf32>,
    %swap3A_759 = arith.constant 126 : i32
    %swap3A_760 = arith.index_cast %swap3A_759 : i32 to index
    %swap3A_761 = arith.constant 0 : index
    %swap3A_762 = tpu.vector_load %arg7[%swap3A_760, %swap3A_761] {strides = array<i32>} : memref<128x16xf32, #tpu.memory_space<vmem>>, vector<1x16xf32>,
    %swap3A_763 = vector.shape_cast %swap3A_762 : vector<1x16xf32> to vector<16xf32>
    %swap3A_764 = vector.shape_cast %broadcast_in_dim3A_1 : vector<16xf32> to vector<1x16xf32>
    tpu.vector_store %arg7[%swap3A_760, %swap3A_761], %swap3A_764 {strides = array<i32>} : memref<128x16xf32, #tpu.memory_space<vmem>>, vector<1x16xf32>,
    %swap3A_765 = arith.constant 127 : i32
    %swap3A_766 = arith.index_cast %swap3A_765 : i32 to index
    %swap3A_767 = arith.constant 0 : index
    %swap3A_768 = tpu.vector_load %arg7[%swap3A_766, %swap3A_767] {strides = array<i32>} : memref<128x16xf32, #tpu.memory_space<vmem>>, vector<1x16xf32>,
    %swap3A_769 = vector.shape_cast %swap3A_768 : vector<1x16xf32> to vector<16xf32>
    %swap3A_770 = vector.shape_cast %broadcast_in_dim3A_1 : vector<16xf32> to vector<1x16xf32>
    tpu.vector_store %arg7[%swap3A_766, %swap3A_767], %swap3A_770 {strides = array<i32>} : memref<128x16xf32, #tpu.memory_space<vmem>>, vector<1x16xf32>,
    %swap3A_771 = arith.constant 0 : i32
    %swap3A_772 = arith.index_cast %swap3A_771 : i32 to index
    %swap3A_773 = arith.constant 0 : index
    %swap3A_774 = tpu.vector_load %arg6[%swap3A_772, %swap3A_773] {strides = array<i32>} : memref<128x16xf32, #tpu.memory_space<vmem>>, vector<1x16xf32>,
    %swap3A_775 = vector.shape_cast %swap3A_774 : vector<1x16xf32> to vector<16xf32>
    %swap3A_776 = vector.shape_cast %broadcast_in_dim3A_3 : vector<16xf32> to vector<1x16xf32>
    tpu.vector_store %arg6[%swap3A_772, %swap3A_773], %swap3A_776 {strides = array<i32>} : memref<128x16xf32, #tpu.memory_space<vmem>>, vector<1x16xf32>,
    %swap3A_777 = arith.constant 1 : i32
    %swap3A_778 = arith.index_cast %swap3A_777 : i32 to index
    %swap3A_779 = arith.constant 0 : index
    %swap3A_780 = tpu.vector_load %arg6[%swap3A_778, %swap3A_779] {strides = array<i32>} : memref<128x16xf32, #tpu.memory_space<vmem>>, vector<1x16xf32>,
    %swap3A_781 = vector.shape_cast %swap3A_780 : vector<1x16xf32> to vector<16xf32>
    %swap3A_782 = vector.shape_cast %broadcast_in_dim3A_3 : vector<16xf32> to vector<1x16xf32>
    tpu.vector_store %arg6[%swap3A_778, %swap3A_779], %swap3A_782 {strides = array<i32>} : memref<128x16xf32, #tpu.memory_space<vmem>>, vector<1x16xf32>,
    %swap3A_783 = arith.constant 2 : i32
    %swap3A_784 = arith.index_cast %swap3A_783 : i32 to index
    %swap3A_785 = arith.constant 0 : index
    %swap3A_786 = tpu.vector_load %arg6[%swap3A_784, %swap3A_785] {strides = array<i32>} : memref<128x16xf32, #tpu.memory_space<vmem>>, vector<1x16xf32>,
    %swap3A_787 = vector.shape_cast %swap3A_786 : vector<1x16xf32> to vector<16xf32>
    %swap3A_788 = vector.shape_cast %broadcast_in_dim3A_3 : vector<16xf32> to vector<1x16xf32>
    tpu.vector_store %arg6[%swap3A_784, %swap3A_785], %swap3A_788 {strides = array<i32>} : memref<128x16xf32, #tpu.memory_space<vmem>>, vector<1x16xf32>,
    %swap3A_789 = arith.constant 3 : i32
    %swap3A_790 = arith.index_cast %swap3A_789 : i32 to index
    %swap3A_791 = arith.constant 0 : index
    %swap3A_792 = tpu.vector_load %arg6[%swap3A_790, %swap3A_791] {strides = array<i32>} : memref<128x16xf32, #tpu.memory_space<vmem>>, vector<1x16xf32>,
    %swap3A_793 = vector.shape_cast %swap3A_792 : vector<1x16xf32> to vector<16xf32>
    %swap3A_794 = vector.shape_cast %broadcast_in_dim3A_3 : vector<16xf32> to vector<1x16xf32>
    tpu.vector_store %arg6[%swap3A_790, %swap3A_791], %swap3A_794 {strides = array<i32>} : memref<128x16xf32, #tpu.memory_space<vmem>>, vector<1x16xf32>,
    %swap3A_795 = arith.constant 4 : i32
    %swap3A_796 = arith.index_cast %swap3A_795 : i32 to index
    %swap3A_797 = arith.constant 0 : index
    %swap3A_798 = tpu.vector_load %arg6[%swap3A_796, %swap3A_797] {strides = array<i32>} : memref<128x16xf32, #tpu.memory_space<vmem>>, vector<1x16xf32>,
    %swap3A_799 = vector.shape_cast %swap3A_798 : vector<1x16xf32> to vector<16xf32>
    %swap3A_800 = vector.shape_cast %broadcast_in_dim3A_3 : vector<16xf32> to vector<1x16xf32>
    tpu.vector_store %arg6[%swap3A_796, %swap3A_797], %swap3A_800 {strides = array<i32>} : memref<128x16xf32, #tpu.memory_space<vmem>>, vector<1x16xf32>,
    %swap3A_801 = arith.constant 5 : i32
    %swap3A_802 = arith.index_cast %swap3A_801 : i32 to index
    %swap3A_803 = arith.constant 0 : index
    %swap3A_804 = tpu.vector_load %arg6[%swap3A_802, %swap3A_803] {strides = array<i32>} : memref<128x16xf32, #tpu.memory_space<vmem>>, vector<1x16xf32>,
    %swap3A_805 = vector.shape_cast %swap3A_804 : vector<1x16xf32> to vector<16xf32>
    %swap3A_806 = vector.shape_cast %broadcast_in_dim3A_3 : vector<16xf32> to vector<1x16xf32>
    tpu.vector_store %arg6[%swap3A_802, %swap3A_803], %swap3A_806 {strides = array<i32>} : memref<128x16xf32, #tpu.memory_space<vmem>>, vector<1x16xf32>,
    %swap3A_807 = arith.constant 6 : i32
    %swap3A_808 = arith.index_cast %swap3A_807 : i32 to index
    %swap3A_809 = arith.constant 0 : index
    %swap3A_810 = tpu.vector_load %arg6[%swap3A_808, %swap3A_809] {strides = array<i32>} : memref<128x16xf32, #tpu.memory_space<vmem>>, vector<1x16xf32>,
    %swap3A_811 = vector.shape_cast %swap3A_810 : vector<1x16xf32> to vector<16xf32>
    %swap3A_812 = vector.shape_cast %broadcast_in_dim3A_3 : vector<16xf32> to vector<1x16xf32>
    tpu.vector_store %arg6[%swap3A_808, %swap3A_809], %swap3A_812 {strides = array<i32>} : memref<128x16xf32, #tpu.memory_space<vmem>>, vector<1x16xf32>,
    %swap3A_813 = arith.constant 7 : i32
    %swap3A_814 = arith.index_cast %swap3A_813 : i32 to index
    %swap3A_815 = arith.constant 0 : index
    %swap3A_816 = tpu.vector_load %arg6[%swap3A_814, %swap3A_815] {strides = array<i32>} : memref<128x16xf32, #tpu.memory_space<vmem>>, vector<1x16xf32>,
    %swap3A_817 = vector.shape_cast %swap3A_816 : vector<1x16xf32> to vector<16xf32>
    %swap3A_818 = vector.shape_cast %broadcast_in_dim3A_3 : vector<16xf32> to vector<1x16xf32>
    tpu.vector_store %arg6[%swap3A_814, %swap3A_815], %swap3A_818 {strides = array<i32>} : memref<128x16xf32, #tpu.memory_space<vmem>>, vector<1x16xf32>,
    %swap3A_819 = arith.constant 8 : i32
    %swap3A_820 = arith.index_cast %swap3A_819 : i32 to index
    %swap3A_821 = arith.constant 0 : index
    %swap3A_822 = tpu.vector_load %arg6[%swap3A_820, %swap3A_821] {strides = array<i32>} : memref<128x16xf32, #tpu.memory_space<vmem>>, vector<1x16xf32>,
    %swap3A_823 = vector.shape_cast %swap3A_822 : vector<1x16xf32> to vector<16xf32>
    %swap3A_824 = vector.shape_cast %broadcast_in_dim3A_3 : vector<16xf32> to vector<1x16xf32>
    tpu.vector_store %arg6[%swap3A_820, %swap3A_821], %swap3A_824 {strides = array<i32>} : memref<128x16xf32, #tpu.memory_space<vmem>>, vector<1x16xf32>,
    %swap3A_825 = arith.constant 9 : i32
    %swap3A_826 = arith.index_cast %swap3A_825 : i32 to index
    %swap3A_827 = arith.constant 0 : index
    %swap3A_828 = tpu.vector_load %arg6[%swap3A_826, %swap3A_827] {strides = array<i32>} : memref<128x16xf32, #tpu.memory_space<vmem>>, vector<1x16xf32>,
    %swap3A_829 = vector.shape_cast %swap3A_828 : vector<1x16xf32> to vector<16xf32>
    %swap3A_830 = vector.shape_cast %broadcast_in_dim3A_3 : vector<16xf32> to vector<1x16xf32>
    tpu.vector_store %arg6[%swap3A_826, %swap3A_827], %swap3A_830 {strides = array<i32>} : memref<128x16xf32, #tpu.memory_space<vmem>>, vector<1x16xf32>,
    %swap3A_831 = arith.constant 10 : i32
    %swap3A_832 = arith.index_cast %swap3A_831 : i32 to index
    %swap3A_833 = arith.constant 0 : index
    %swap3A_834 = tpu.vector_load %arg6[%swap3A_832, %swap3A_833] {strides = array<i32>} : memref<128x16xf32, #tpu.memory_space<vmem>>, vector<1x16xf32>,
    %swap3A_835 = vector.shape_cast %swap3A_834 : vector<1x16xf32> to vector<16xf32>
    %swap3A_836 = vector.shape_cast %broadcast_in_dim3A_3 : vector<16xf32> to vector<1x16xf32>
    tpu.vector_store %arg6[%swap3A_832, %swap3A_833], %swap3A_836 {strides = array<i32>} : memref<128x16xf32, #tpu.memory_space<vmem>>, vector<1x16xf32>,
    %swap3A_837 = arith.constant 11 : i32
    %swap3A_838 = arith.index_cast %swap3A_837 : i32 to index
    %swap3A_839 = arith.constant 0 : index
    %swap3A_840 = tpu.vector_load %arg6[%swap3A_838, %swap3A_839] {strides = array<i32>} : memref<128x16xf32, #tpu.memory_space<vmem>>, vector<1x16xf32>,
    %swap3A_841 = vector.shape_cast %swap3A_840 : vector<1x16xf32> to vector<16xf32>
    %swap3A_842 = vector.shape_cast %broadcast_in_dim3A_3 : vector<16xf32> to vector<1x16xf32>
    tpu.vector_store %arg6[%swap3A_838, %swap3A_839], %swap3A_842 {strides = array<i32>} : memref<128x16xf32, #tpu.memory_space<vmem>>, vector<1x16xf32>,
    %swap3A_843 = arith.constant 12 : i32
    %swap3A_844 = arith.index_cast %swap3A_843 : i32 to index
    %swap3A_845 = arith.constant 0 : index
    %swap3A_846 = tpu.vector_load %arg6[%swap3A_844, %swap3A_845] {strides = array<i32>} : memref<128x16xf32, #tpu.memory_space<vmem>>, vector<1x16xf32>,
    %swap3A_847 = vector.shape_cast %swap3A_846 : vector<1x16xf32> to vector<16xf32>
    %swap3A_848 = vector.shape_cast %broadcast_in_dim3A_3 : vector<16xf32> to vector<1x16xf32>
    tpu.vector_store %arg6[%swap3A_844, %swap3A_845], %swap3A_848 {strides = array<i32>} : memref<128x16xf32, #tpu.memory_space<vmem>>, vector<1x16xf32>,
    %swap3A_849 = arith.constant 13 : i32
    %swap3A_850 = arith.index_cast %swap3A_849 : i32 to index
    %swap3A_851 = arith.constant 0 : index
    %swap3A_852 = tpu.vector_load %arg6[%swap3A_850, %swap3A_851] {strides = array<i32>} : memref<128x16xf32, #tpu.memory_space<vmem>>, vector<1x16xf32>,
    %swap3A_853 = vector.shape_cast %swap3A_852 : vector<1x16xf32> to vector<16xf32>
    %swap3A_854 = vector.shape_cast %broadcast_in_dim3A_3 : vector<16xf32> to vector<1x16xf32>
    tpu.vector_store %arg6[%swap3A_850, %swap3A_851], %swap3A_854 {strides = array<i32>} : memref<128x16xf32, #tpu.memory_space<vmem>>, vector<1x16xf32>,
    %swap3A_855 = arith.constant 14 : i32
    %swap3A_856 = arith.index_cast %swap3A_855 : i32 to index
    %swap3A_857 = arith.constant 0 : index
    %swap3A_858 = tpu.vector_load %arg6[%swap3A_856, %swap3A_857] {strides = array<i32>} : memref<128x16xf32, #tpu.memory_space<vmem>>, vector<1x16xf32>,
    %swap3A_859 = vector.shape_cast %swap3A_858 : vector<1x16xf32> to vector<16xf32>
    %swap3A_860 = vector.shape_cast %broadcast_in_dim3A_3 : vector<16xf32> to vector<1x16xf32>
    tpu.vector_store %arg6[%swap3A_856, %swap3A_857], %swap3A_860 {strides = array<i32>} : memref<128x16xf32, #tpu.memory_space<vmem>>, vector<1x16xf32>,
    %swap3A_861 = arith.constant 15 : i32
    %swap3A_862 = arith.index_cast %swap3A_861 : i32 to index
    %swap3A_863 = arith.constant 0 : index
    %swap3A_864 = tpu.vector_load %arg6[%swap3A_862, %swap3A_863] {strides = array<i32>} : memref<128x16xf32, #tpu.memory_space<vmem>>, vector<1x16xf32>,
    %swap3A_865 = vector.shape_cast %swap3A_864 : vector<1x16xf32> to vector<16xf32>
    %swap3A_866 = vector.shape_cast %broadcast_in_dim3A_3 : vector<16xf32> to vector<1x16xf32>
    tpu.vector_store %arg6[%swap3A_862, %swap3A_863], %swap3A_866 {strides = array<i32>} : memref<128x16xf32, #tpu.memory_space<vmem>>, vector<1x16xf32>,
    %swap3A_867 = arith.constant 16 : i32
    %swap3A_868 = arith.index_cast %swap3A_867 : i32 to index
    %swap3A_869 = arith.constant 0 : index
    %swap3A_870 = tpu.vector_load %arg6[%swap3A_868, %swap3A_869] {strides = array<i32>} : memref<128x16xf32, #tpu.memory_space<vmem>>, vector<1x16xf32>,
    %swap3A_871 = vector.shape_cast %swap3A_870 : vector<1x16xf32> to vector<16xf32>
    %swap3A_872 = vector.shape_cast %broadcast_in_dim3A_3 : vector<16xf32> to vector<1x16xf32>
    tpu.vector_store %arg6[%swap3A_868, %swap3A_869], %swap3A_872 {strides = array<i32>} : memref<128x16xf32, #tpu.memory_space<vmem>>, vector<1x16xf32>,
    %swap3A_873 = arith.constant 17 : i32
    %swap3A_874 = arith.index_cast %swap3A_873 : i32 to index
    %swap3A_875 = arith.constant 0 : index
    %swap3A_876 = tpu.vector_load %arg6[%swap3A_874, %swap3A_875] {strides = array<i32>} : memref<128x16xf32, #tpu.memory_space<vmem>>, vector<1x16xf32>,
    %swap3A_877 = vector.shape_cast %swap3A_876 : vector<1x16xf32> to vector<16xf32>
    %swap3A_878 = vector.shape_cast %broadcast_in_dim3A_3 : vector<16xf32> to vector<1x16xf32>
    tpu.vector_store %arg6[%swap3A_874, %swap3A_875], %swap3A_878 {strides = array<i32>} : memref<128x16xf32, #tpu.memory_space<vmem>>, vector<1x16xf32>,
    %swap3A_879 = arith.constant 18 : i32
    %swap3A_880 = arith.index_cast %swap3A_879 : i32 to index
    %swap3A_881 = arith.constant 0 : index
    %swap3A_882 = tpu.vector_load %arg6[%swap3A_880, %swap3A_881] {strides = array<i32>} : memref<128x16xf32, #tpu.memory_space<vmem>>, vector<1x16xf32>,
    %swap3A_883 = vector.shape_cast %swap3A_882 : vector<1x16xf32> to vector<16xf32>
    %swap3A_884 = vector.shape_cast %broadcast_in_dim3A_3 : vector<16xf32> to vector<1x16xf32>
    tpu.vector_store %arg6[%swap3A_880, %swap3A_881], %swap3A_884 {strides = array<i32>} : memref<128x16xf32, #tpu.memory_space<vmem>>, vector<1x16xf32>,
    %swap3A_885 = arith.constant 19 : i32
    %swap3A_886 = arith.index_cast %swap3A_885 : i32 to index
    %swap3A_887 = arith.constant 0 : index
    %swap3A_888 = tpu.vector_load %arg6[%swap3A_886, %swap3A_887] {strides = array<i32>} : memref<128x16xf32, #tpu.memory_space<vmem>>, vector<1x16xf32>,
    %swap3A_889 = vector.shape_cast %swap3A_888 : vector<1x16xf32> to vector<16xf32>
    %swap3A_890 = vector.shape_cast %broadcast_in_dim3A_3 : vector<16xf32> to vector<1x16xf32>
    tpu.vector_store %arg6[%swap3A_886, %swap3A_887], %swap3A_890 {strides = array<i32>} : memref<128x16xf32, #tpu.memory_space<vmem>>, vector<1x16xf32>,
    %swap3A_891 = arith.constant 20 : i32
    %swap3A_892 = arith.index_cast %swap3A_891 : i32 to index
    %swap3A_893 = arith.constant 0 : index
    %swap3A_894 = tpu.vector_load %arg6[%swap3A_892, %swap3A_893] {strides = array<i32>} : memref<128x16xf32, #tpu.memory_space<vmem>>, vector<1x16xf32>,
    %swap3A_895 = vector.shape_cast %swap3A_894 : vector<1x16xf32> to vector<16xf32>
    %swap3A_896 = vector.shape_cast %broadcast_in_dim3A_3 : vector<16xf32> to vector<1x16xf32>
    tpu.vector_store %arg6[%swap3A_892, %swap3A_893], %swap3A_896 {strides = array<i32>} : memref<128x16xf32, #tpu.memory_space<vmem>>, vector<1x16xf32>,
    %swap3A_897 = arith.constant 21 : i32
    %swap3A_898 = arith.index_cast %swap3A_897 : i32 to index
    %swap3A_899 = arith.constant 0 : index
    %swap3A_900 = tpu.vector_load %arg6[%swap3A_898, %swap3A_899] {strides = array<i32>} : memref<128x16xf32, #tpu.memory_space<vmem>>, vector<1x16xf32>,
    %swap3A_901 = vector.shape_cast %swap3A_900 : vector<1x16xf32> to vector<16xf32>
    %swap3A_902 = vector.shape_cast %broadcast_in_dim3A_3 : vector<16xf32> to vector<1x16xf32>
    tpu.vector_store %arg6[%swap3A_898, %swap3A_899], %swap3A_902 {strides = array<i32>} : memref<128x16xf32, #tpu.memory_space<vmem>>, vector<1x16xf32>,
    %swap3A_903 = arith.constant 22 : i32
    %swap3A_904 = arith.index_cast %swap3A_903 : i32 to index
    %swap3A_905 = arith.constant 0 : index
    %swap3A_906 = tpu.vector_load %arg6[%swap3A_904, %swap3A_905] {strides = array<i32>} : memref<128x16xf32, #tpu.memory_space<vmem>>, vector<1x16xf32>,
    %swap3A_907 = vector.shape_cast %swap3A_906 : vector<1x16xf32> to vector<16xf32>
    %swap3A_908 = vector.shape_cast %broadcast_in_dim3A_3 : vector<16xf32> to vector<1x16xf32>
    tpu.vector_store %arg6[%swap3A_904, %swap3A_905], %swap3A_908 {strides = array<i32>} : memref<128x16xf32, #tpu.memory_space<vmem>>, vector<1x16xf32>,
    %swap3A_909 = arith.constant 23 : i32
    %swap3A_910 = arith.index_cast %swap3A_909 : i32 to index
    %swap3A_911 = arith.constant 0 : index
    %swap3A_912 = tpu.vector_load %arg6[%swap3A_910, %swap3A_911] {strides = array<i32>} : memref<128x16xf32, #tpu.memory_space<vmem>>, vector<1x16xf32>,
    %swap3A_913 = vector.shape_cast %swap3A_912 : vector<1x16xf32> to vector<16xf32>
    %swap3A_914 = vector.shape_cast %broadcast_in_dim3A_3 : vector<16xf32> to vector<1x16xf32>
    tpu.vector_store %arg6[%swap3A_910, %swap3A_911], %swap3A_914 {strides = array<i32>} : memref<128x16xf32, #tpu.memory_space<vmem>>, vector<1x16xf32>,
    %swap3A_915 = arith.constant 24 : i32
    %swap3A_916 = arith.index_cast %swap3A_915 : i32 to index
    %swap3A_917 = arith.constant 0 : index
    %swap3A_918 = tpu.vector_load %arg6[%swap3A_916, %swap3A_917] {strides = array<i32>} : memref<128x16xf32, #tpu.memory_space<vmem>>, vector<1x16xf32>,
    %swap3A_919 = vector.shape_cast %swap3A_918 : vector<1x16xf32> to vector<16xf32>
    %swap3A_920 = vector.shape_cast %broadcast_in_dim3A_3 : vector<16xf32> to vector<1x16xf32>
    tpu.vector_store %arg6[%swap3A_916, %swap3A_917], %swap3A_920 {strides = array<i32>} : memref<128x16xf32, #tpu.memory_space<vmem>>, vector<1x16xf32>,
    %swap3A_921 = arith.constant 25 : i32
    %swap3A_922 = arith.index_cast %swap3A_921 : i32 to index
    %swap3A_923 = arith.constant 0 : index
    %swap3A_924 = tpu.vector_load %arg6[%swap3A_922, %swap3A_923] {strides = array<i32>} : memref<128x16xf32, #tpu.memory_space<vmem>>, vector<1x16xf32>,
    %swap3A_925 = vector.shape_cast %swap3A_924 : vector<1x16xf32> to vector<16xf32>
    %swap3A_926 = vector.shape_cast %broadcast_in_dim3A_3 : vector<16xf32> to vector<1x16xf32>
    tpu.vector_store %arg6[%swap3A_922, %swap3A_923], %swap3A_926 {strides = array<i32>} : memref<128x16xf32, #tpu.memory_space<vmem>>, vector<1x16xf32>,
    %swap3A_927 = arith.constant 26 : i32
    %swap3A_928 = arith.index_cast %swap3A_927 : i32 to index
    %swap3A_929 = arith.constant 0 : index
    %swap3A_930 = tpu.vector_load %arg6[%swap3A_928, %swap3A_929] {strides = array<i32>} : memref<128x16xf32, #tpu.memory_space<vmem>>, vector<1x16xf32>,
    %swap3A_931 = vector.shape_cast %swap3A_930 : vector<1x16xf32> to vector<16xf32>
    %swap3A_932 = vector.shape_cast %broadcast_in_dim3A_3 : vector<16xf32> to vector<1x16xf32>
    tpu.vector_store %arg6[%swap3A_928, %swap3A_929], %swap3A_932 {strides = array<i32>} : memref<128x16xf32, #tpu.memory_space<vmem>>, vector<1x16xf32>,
    %swap3A_933 = arith.constant 27 : i32
    %swap3A_934 = arith.index_cast %swap3A_933 : i32 to index
    %swap3A_935 = arith.constant 0 : index
    %swap3A_936 = tpu.vector_load %arg6[%swap3A_934, %swap3A_935] {strides = array<i32>} : memref<128x16xf32, #tpu.memory_space<vmem>>, vector<1x16xf32>,
    %swap3A_937 = vector.shape_cast %swap3A_936 : vector<1x16xf32> to vector<16xf32>
    %swap3A_938 = vector.shape_cast %broadcast_in_dim3A_3 : vector<16xf32> to vector<1x16xf32>
    tpu.vector_store %arg6[%swap3A_934, %swap3A_935], %swap3A_938 {strides = array<i32>} : memref<128x16xf32, #tpu.memory_space<vmem>>, vector<1x16xf32>,
    %swap3A_939 = arith.constant 28 : i32
    %swap3A_940 = arith.index_cast %swap3A_939 : i32 to index
    %swap3A_941 = arith.constant 0 : index
    %swap3A_942 = tpu.vector_load %arg6[%swap3A_940, %swap3A_941] {strides = array<i32>} : memref<128x16xf32, #tpu.memory_space<vmem>>, vector<1x16xf32>,
    %swap3A_943 = vector.shape_cast %swap3A_942 : vector<1x16xf32> to vector<16xf32>
    %swap3A_944 = vector.shape_cast %broadcast_in_dim3A_3 : vector<16xf32> to vector<1x16xf32>
    tpu.vector_store %arg6[%swap3A_940, %swap3A_941], %swap3A_944 {strides = array<i32>} : memref<128x16xf32, #tpu.memory_space<vmem>>, vector<1x16xf32>,
    %swap3A_945 = arith.constant 29 : i32
    %swap3A_946 = arith.index_cast %swap3A_945 : i32 to index
    %swap3A_947 = arith.constant 0 : index
    %swap3A_948 = tpu.vector_load %arg6[%swap3A_946, %swap3A_947] {strides = array<i32>} : memref<128x16xf32, #tpu.memory_space<vmem>>, vector<1x16xf32>,
    %swap3A_949 = vector.shape_cast %swap3A_948 : vector<1x16xf32> to vector<16xf32>
    %swap3A_950 = vector.shape_cast %broadcast_in_dim3A_3 : vector<16xf32> to vector<1x16xf32>
    tpu.vector_store %arg6[%swap3A_946, %swap3A_947], %swap3A_950 {strides = array<i32>} : memref<128x16xf32, #tpu.memory_space<vmem>>, vector<1x16xf32>,
    %swap3A_951 = arith.constant 30 : i32
    %swap3A_952 = arith.index_cast %swap3A_951 : i32 to index
    %swap3A_953 = arith.constant 0 : index
    %swap3A_954 = tpu.vector_load %arg6[%swap3A_952, %swap3A_953] {strides = array<i32>} : memref<128x16xf32, #tpu.memory_space<vmem>>, vector<1x16xf32>,
    %swap3A_955 = vector.shape_cast %swap3A_954 : vector<1x16xf32> to vector<16xf32>
    %swap3A_956 = vector.shape_cast %broadcast_in_dim3A_3 : vector<16xf32> to vector<1x16xf32>
    tpu.vector_store %arg6[%swap3A_952, %swap3A_953], %swap3A_956 {strides = array<i32>} : memref<128x16xf32, #tpu.memory_space<vmem>>, vector<1x16xf32>,
    %swap3A_957 = arith.constant 31 : i32
    %swap3A_958 = arith.index_cast %swap3A_957 : i32 to index
    %swap3A_959 = arith.constant 0 : index
    %swap3A_960 = tpu.vector_load %arg6[%swap3A_958, %swap3A_959] {strides = array<i32>} : memref<128x16xf32, #tpu.memory_space<vmem>>, vector<1x16xf32>,
    %swap3A_961 = vector.shape_cast %swap3A_960 : vector<1x16xf32> to vector<16xf32>
    %swap3A_962 = vector.shape_cast %broadcast_in_dim3A_3 : vector<16xf32> to vector<1x16xf32>
    tpu.vector_store %arg6[%swap3A_958, %swap3A_959], %swap3A_962 {strides = array<i32>} : memref<128x16xf32, #tpu.memory_space<vmem>>, vector<1x16xf32>,
    %swap3A_963 = arith.constant 32 : i32
    %swap3A_964 = arith.index_cast %swap3A_963 : i32 to index
    %swap3A_965 = arith.constant 0 : index
    %swap3A_966 = tpu.vector_load %arg6[%swap3A_964, %swap3A_965] {strides = array<i32>} : memref<128x16xf32, #tpu.memory_space<vmem>>, vector<1x16xf32>,
    %swap3A_967 = vector.shape_cast %swap3A_966 : vector<1x16xf32> to vector<16xf32>
    %swap3A_968 = vector.shape_cast %broadcast_in_dim3A_3 : vector<16xf32> to vector<1x16xf32>
    tpu.vector_store %arg6[%swap3A_964, %swap3A_965], %swap3A_968 {strides = array<i32>} : memref<128x16xf32, #tpu.memory_space<vmem>>, vector<1x16xf32>,
    %swap3A_969 = arith.constant 33 : i32
    %swap3A_970 = arith.index_cast %swap3A_969 : i32 to index
    %swap3A_971 = arith.constant 0 : index
    %swap3A_972 = tpu.vector_load %arg6[%swap3A_970, %swap3A_971] {strides = array<i32>} : memref<128x16xf32, #tpu.memory_space<vmem>>, vector<1x16xf32>,
    %swap3A_973 = vector.shape_cast %swap3A_972 : vector<1x16xf32> to vector<16xf32>
    %swap3A_974 = vector.shape_cast %broadcast_in_dim3A_3 : vector<16xf32> to vector<1x16xf32>
    tpu.vector_store %arg6[%swap3A_970, %swap3A_971], %swap3A_974 {strides = array<i32>} : memref<128x16xf32, #tpu.memory_space<vmem>>, vector<1x16xf32>,
    %swap3A_975 = arith.constant 34 : i32
    %swap3A_976 = arith.index_cast %swap3A_975 : i32 to index
    %swap3A_977 = arith.constant 0 : index
    %swap3A_978 = tpu.vector_load %arg6[%swap3A_976, %swap3A_977] {strides = array<i32>} : memref<128x16xf32, #tpu.memory_space<vmem>>, vector<1x16xf32>,
    %swap3A_979 = vector.shape_cast %swap3A_978 : vector<1x16xf32> to vector<16xf32>
    %swap3A_980 = vector.shape_cast %broadcast_in_dim3A_3 : vector<16xf32> to vector<1x16xf32>
    tpu.vector_store %arg6[%swap3A_976, %swap3A_977], %swap3A_980 {strides = array<i32>} : memref<128x16xf32, #tpu.memory_space<vmem>>, vector<1x16xf32>,
    %swap3A_981 = arith.constant 35 : i32
    %swap3A_982 = arith.index_cast %swap3A_981 : i32 to index
    %swap3A_983 = arith.constant 0 : index
    %swap3A_984 = tpu.vector_load %arg6[%swap3A_982, %swap3A_983] {strides = array<i32>} : memref<128x16xf32, #tpu.memory_space<vmem>>, vector<1x16xf32>,
    %swap3A_985 = vector.shape_cast %swap3A_984 : vector<1x16xf32> to vector<16xf32>
    %swap3A_986 = vector.shape_cast %broadcast_in_dim3A_3 : vector<16xf32> to vector<1x16xf32>
    tpu.vector_store %arg6[%swap3A_982, %swap3A_983], %swap3A_986 {strides = array<i32>} : memref<128x16xf32, #tpu.memory_space<vmem>>, vector<1x16xf32>,
    %swap3A_987 = arith.constant 36 : i32
    %swap3A_988 = arith.index_cast %swap3A_987 : i32 to index
    %swap3A_989 = arith.constant 0 : index
    %swap3A_990 = tpu.vector_load %arg6[%swap3A_988, %swap3A_989] {strides = array<i32>} : memref<128x16xf32, #tpu.memory_space<vmem>>, vector<1x16xf32>,
    %swap3A_991 = vector.shape_cast %swap3A_990 : vector<1x16xf32> to vector<16xf32>
    %swap3A_992 = vector.shape_cast %broadcast_in_dim3A_3 : vector<16xf32> to vector<1x16xf32>
    tpu.vector_store %arg6[%swap3A_988, %swap3A_989], %swap3A_992 {strides = array<i32>} : memref<128x16xf32, #tpu.memory_space<vmem>>, vector<1x16xf32>,
    %swap3A_993 = arith.constant 37 : i32
    %swap3A_994 = arith.index_cast %swap3A_993 : i32 to index
    %swap3A_995 = arith.constant 0 : index
    %swap3A_996 = tpu.vector_load %arg6[%swap3A_994, %swap3A_995] {strides = array<i32>} : memref<128x16xf32, #tpu.memory_space<vmem>>, vector<1x16xf32>,
    %swap3A_997 = vector.shape_cast %swap3A_996 : vector<1x16xf32> to vector<16xf32>
    %swap3A_998 = vector.shape_cast %broadcast_in_dim3A_3 : vector<16xf32> to vector<1x16xf32>
    tpu.vector_store %arg6[%swap3A_994, %swap3A_995], %swap3A_998 {strides = array<i32>} : memref<128x16xf32, #tpu.memory_space<vmem>>, vector<1x16xf32>,
    %swap3A_999 = arith.constant 38 : i32
    %swap3A_1000 = arith.index_cast %swap3A_999 : i32 to index
    %swap3A_1001 = arith.constant 0 : index
    %swap3A_1002 = tpu.vector_load %arg6[%swap3A_1000, %swap3A_1001] {strides = array<i32>} : memref<128x16xf32, #tpu.memory_space<vmem>>, vector<1x16xf32>,
    %swap3A_1003 = vector.shape_cast %swap3A_1002 : vector<1x16xf32> to vector<16xf32>
    %swap3A_1004 = vector.shape_cast %broadcast_in_dim3A_3 : vector<16xf32> to vector<1x16xf32>
    tpu.vector_store %arg6[%swap3A_1000, %swap3A_1001], %swap3A_1004 {strides = array<i32>} : memref<128x16xf32, #tpu.memory_space<vmem>>, vector<1x16xf32>,
    %swap3A_1005 = arith.constant 39 : i32
    %swap3A_1006 = arith.index_cast %swap3A_1005 : i32 to index
    %swap3A_1007 = arith.constant 0 : index
    %swap3A_1008 = tpu.vector_load %arg6[%swap3A_1006, %swap3A_1007] {strides = array<i32>} : memref<128x16xf32, #tpu.memory_space<vmem>>, vector<1x16xf32>,
    %swap3A_1009 = vector.shape_cast %swap3A_1008 : vector<1x16xf32> to vector<16xf32>
    %swap3A_1010 = vector.shape_cast %broadcast_in_dim3A_3 : vector<16xf32> to vector<1x16xf32>
    tpu.vector_store %arg6[%swap3A_1006, %swap3A_1007], %swap3A_1010 {strides = array<i32>} : memref<128x16xf32, #tpu.memory_space<vmem>>, vector<1x16xf32>,
    %swap3A_1011 = arith.constant 40 : i32
    %swap3A_1012 = arith.index_cast %swap3A_1011 : i32 to index
    %swap3A_1013 = arith.constant 0 : index
    %swap3A_1014 = tpu.vector_load %arg6[%swap3A_1012, %swap3A_1013] {strides = array<i32>} : memref<128x16xf32, #tpu.memory_space<vmem>>, vector<1x16xf32>,
    %swap3A_1015 = vector.shape_cast %swap3A_1014 : vector<1x16xf32> to vector<16xf32>
    %swap3A_1016 = vector.shape_cast %broadcast_in_dim3A_3 : vector<16xf32> to vector<1x16xf32>
    tpu.vector_store %arg6[%swap3A_1012, %swap3A_1013], %swap3A_1016 {strides = array<i32>} : memref<128x16xf32, #tpu.memory_space<vmem>>, vector<1x16xf32>,
    %swap3A_1017 = arith.constant 41 : i32
    %swap3A_1018 = arith.index_cast %swap3A_1017 : i32 to index
    %swap3A_1019 = arith.constant 0 : index
    %swap3A_1020 = tpu.vector_load %arg6[%swap3A_1018, %swap3A_1019] {strides = array<i32>} : memref<128x16xf32, #tpu.memory_space<vmem>>, vector<1x16xf32>,
    %swap3A_1021 = vector.shape_cast %swap3A_1020 : vector<1x16xf32> to vector<16xf32>
    %swap3A_1022 = vector.shape_cast %broadcast_in_dim3A_3 : vector<16xf32> to vector<1x16xf32>
    tpu.vector_store %arg6[%swap3A_1018, %swap3A_1019], %swap3A_1022 {strides = array<i32>} : memref<128x16xf32, #tpu.memory_space<vmem>>, vector<1x16xf32>,
    %swap3A_1023 = arith.constant 42 : i32
    %swap3A_1024 = arith.index_cast %swap3A_1023 : i32 to index
    %swap3A_1025 = arith.constant 0 : index
    %swap3A_1026 = tpu.vector_load %arg6[%swap3A_1024, %swap3A_1025] {strides = array<i32>} : memref<128x16xf32, #tpu.memory_space<vmem>>, vector<1x16xf32>,
    %swap3A_1027 = vector.shape_cast %swap3A_1026 : vector<1x16xf32> to vector<16xf32>
    %swap3A_1028 = vector.shape_cast %broadcast_in_dim3A_3 : vector<16xf32> to vector<1x16xf32>
    tpu.vector_store %arg6[%swap3A_1024, %swap3A_1025], %swap3A_1028 {strides = array<i32>} : memref<128x16xf32, #tpu.memory_space<vmem>>, vector<1x16xf32>,
    %swap3A_1029 = arith.constant 43 : i32
    %swap3A_1030 = arith.index_cast %swap3A_1029 : i32 to index
    %swap3A_1031 = arith.constant 0 : index
    %swap3A_1032 = tpu.vector_load %arg6[%swap3A_1030, %swap3A_1031] {strides = array<i32>} : memref<128x16xf32, #tpu.memory_space<vmem>>, vector<1x16xf32>,
    %swap3A_1033 = vector.shape_cast %swap3A_1032 : vector<1x16xf32> to vector<16xf32>
    %swap3A_1034 = vector.shape_cast %broadcast_in_dim3A_3 : vector<16xf32> to vector<1x16xf32>
    tpu.vector_store %arg6[%swap3A_1030, %swap3A_1031], %swap3A_1034 {strides = array<i32>} : memref<128x16xf32, #tpu.memory_space<vmem>>, vector<1x16xf32>,
    %swap3A_1035 = arith.constant 44 : i32
    %swap3A_1036 = arith.index_cast %swap3A_1035 : i32 to index
    %swap3A_1037 = arith.constant 0 : index
    %swap3A_1038 = tpu.vector_load %arg6[%swap3A_1036, %swap3A_1037] {strides = array<i32>} : memref<128x16xf32, #tpu.memory_space<vmem>>, vector<1x16xf32>,
    %swap3A_1039 = vector.shape_cast %swap3A_1038 : vector<1x16xf32> to vector<16xf32>
    %swap3A_1040 = vector.shape_cast %broadcast_in_dim3A_3 : vector<16xf32> to vector<1x16xf32>
    tpu.vector_store %arg6[%swap3A_1036, %swap3A_1037], %swap3A_1040 {strides = array<i32>} : memref<128x16xf32, #tpu.memory_space<vmem>>, vector<1x16xf32>,
    %swap3A_1041 = arith.constant 45 : i32
    %swap3A_1042 = arith.index_cast %swap3A_1041 : i32 to index
    %swap3A_1043 = arith.constant 0 : index
    %swap3A_1044 = tpu.vector_load %arg6[%swap3A_1042, %swap3A_1043] {strides = array<i32>} : memref<128x16xf32, #tpu.memory_space<vmem>>, vector<1x16xf32>,
    %swap3A_1045 = vector.shape_cast %swap3A_1044 : vector<1x16xf32> to vector<16xf32>
    %swap3A_1046 = vector.shape_cast %broadcast_in_dim3A_3 : vector<16xf32> to vector<1x16xf32>
    tpu.vector_store %arg6[%swap3A_1042, %swap3A_1043], %swap3A_1046 {strides = array<i32>} : memref<128x16xf32, #tpu.memory_space<vmem>>, vector<1x16xf32>,
    %swap3A_1047 = arith.constant 46 : i32
    %swap3A_1048 = arith.index_cast %swap3A_1047 : i32 to index
    %swap3A_1049 = arith.constant 0 : index
    %swap3A_1050 = tpu.vector_load %arg6[%swap3A_1048, %swap3A_1049] {strides = array<i32>} : memref<128x16xf32, #tpu.memory_space<vmem>>, vector<1x16xf32>,
    %swap3A_1051 = vector.shape_cast %swap3A_1050 : vector<1x16xf32> to vector<16xf32>
    %swap3A_1052 = vector.shape_cast %broadcast_in_dim3A_3 : vector<16xf32> to vector<1x16xf32>
    tpu.vector_store %arg6[%swap3A_1048, %swap3A_1049], %swap3A_1052 {strides = array<i32>} : memref<128x16xf32, #tpu.memory_space<vmem>>, vector<1x16xf32>,
    %swap3A_1053 = arith.constant 47 : i32
    %swap3A_1054 = arith.index_cast %swap3A_1053 : i32 to index
    %swap3A_1055 = arith.constant 0 : index
    %swap3A_1056 = tpu.vector_load %arg6[%swap3A_1054, %swap3A_1055] {strides = array<i32>} : memref<128x16xf32, #tpu.memory_space<vmem>>, vector<1x16xf32>,
    %swap3A_1057 = vector.shape_cast %swap3A_1056 : vector<1x16xf32> to vector<16xf32>
    %swap3A_1058 = vector.shape_cast %broadcast_in_dim3A_3 : vector<16xf32> to vector<1x16xf32>
    tpu.vector_store %arg6[%swap3A_1054, %swap3A_1055], %swap3A_1058 {strides = array<i32>} : memref<128x16xf32, #tpu.memory_space<vmem>>, vector<1x16xf32>,
    %swap3A_1059 = arith.constant 48 : i32
    %swap3A_1060 = arith.index_cast %swap3A_1059 : i32 to index
    %swap3A_1061 = arith.constant 0 : index
    %swap3A_1062 = tpu.vector_load %arg6[%swap3A_1060, %swap3A_1061] {strides = array<i32>} : memref<128x16xf32, #tpu.memory_space<vmem>>, vector<1x16xf32>,
    %swap3A_1063 = vector.shape_cast %swap3A_1062 : vector<1x16xf32> to vector<16xf32>
    %swap3A_1064 = vector.shape_cast %broadcast_in_dim3A_3 : vector<16xf32> to vector<1x16xf32>
    tpu.vector_store %arg6[%swap3A_1060, %swap3A_1061], %swap3A_1064 {strides = array<i32>} : memref<128x16xf32, #tpu.memory_space<vmem>>, vector<1x16xf32>,
    %swap3A_1065 = arith.constant 49 : i32
    %swap3A_1066 = arith.index_cast %swap3A_1065 : i32 to index
    %swap3A_1067 = arith.constant 0 : index
    %swap3A_1068 = tpu.vector_load %arg6[%swap3A_1066, %swap3A_1067] {strides = array<i32>} : memref<128x16xf32, #tpu.memory_space<vmem>>, vector<1x16xf32>,
    %swap3A_1069 = vector.shape_cast %swap3A_1068 : vector<1x16xf32> to vector<16xf32>
    %swap3A_1070 = vector.shape_cast %broadcast_in_dim3A_3 : vector<16xf32> to vector<1x16xf32>
    tpu.vector_store %arg6[%swap3A_1066, %swap3A_1067], %swap3A_1070 {strides = array<i32>} : memref<128x16xf32, #tpu.memory_space<vmem>>, vector<1x16xf32>,
    %swap3A_1071 = arith.constant 50 : i32
    %swap3A_1072 = arith.index_cast %swap3A_1071 : i32 to index
    %swap3A_1073 = arith.constant 0 : index
    %swap3A_1074 = tpu.vector_load %arg6[%swap3A_1072, %swap3A_1073] {strides = array<i32>} : memref<128x16xf32, #tpu.memory_space<vmem>>, vector<1x16xf32>,
    %swap3A_1075 = vector.shape_cast %swap3A_1074 : vector<1x16xf32> to vector<16xf32>
    %swap3A_1076 = vector.shape_cast %broadcast_in_dim3A_3 : vector<16xf32> to vector<1x16xf32>
    tpu.vector_store %arg6[%swap3A_1072, %swap3A_1073], %swap3A_1076 {strides = array<i32>} : memref<128x16xf32, #tpu.memory_space<vmem>>, vector<1x16xf32>,
    %swap3A_1077 = arith.constant 51 : i32
    %swap3A_1078 = arith.index_cast %swap3A_1077 : i32 to index
    %swap3A_1079 = arith.constant 0 : index
    %swap3A_1080 = tpu.vector_load %arg6[%swap3A_1078, %swap3A_1079] {strides = array<i32>} : memref<128x16xf32, #tpu.memory_space<vmem>>, vector<1x16xf32>,
    %swap3A_1081 = vector.shape_cast %swap3A_1080 : vector<1x16xf32> to vector<16xf32>
    %swap3A_1082 = vector.shape_cast %broadcast_in_dim3A_3 : vector<16xf32> to vector<1x16xf32>
    tpu.vector_store %arg6[%swap3A_1078, %swap3A_1079], %swap3A_1082 {strides = array<i32>} : memref<128x16xf32, #tpu.memory_space<vmem>>, vector<1x16xf32>,
    %swap3A_1083 = arith.constant 52 : i32
    %swap3A_1084 = arith.index_cast %swap3A_1083 : i32 to index
    %swap3A_1085 = arith.constant 0 : index
    %swap3A_1086 = tpu.vector_load %arg6[%swap3A_1084, %swap3A_1085] {strides = array<i32>} : memref<128x16xf32, #tpu.memory_space<vmem>>, vector<1x16xf32>,
    %swap3A_1087 = vector.shape_cast %swap3A_1086 : vector<1x16xf32> to vector<16xf32>
    %swap3A_1088 = vector.shape_cast %broadcast_in_dim3A_3 : vector<16xf32> to vector<1x16xf32>
    tpu.vector_store %arg6[%swap3A_1084, %swap3A_1085], %swap3A_1088 {strides = array<i32>} : memref<128x16xf32, #tpu.memory_space<vmem>>, vector<1x16xf32>,
    %swap3A_1089 = arith.constant 53 : i32
    %swap3A_1090 = arith.index_cast %swap3A_1089 : i32 to index
    %swap3A_1091 = arith.constant 0 : index
    %swap3A_1092 = tpu.vector_load %arg6[%swap3A_1090, %swap3A_1091] {strides = array<i32>} : memref<128x16xf32, #tpu.memory_space<vmem>>, vector<1x16xf32>,
    %swap3A_1093 = vector.shape_cast %swap3A_1092 : vector<1x16xf32> to vector<16xf32>
    %swap3A_1094 = vector.shape_cast %broadcast_in_dim3A_3 : vector<16xf32> to vector<1x16xf32>
    tpu.vector_store %arg6[%swap3A_1090, %swap3A_1091], %swap3A_1094 {strides = array<i32>} : memref<128x16xf32, #tpu.memory_space<vmem>>, vector<1x16xf32>,
    %swap3A_1095 = arith.constant 54 : i32
    %swap3A_1096 = arith.index_cast %swap3A_1095 : i32 to index
    %swap3A_1097 = arith.constant 0 : index
    %swap3A_1098 = tpu.vector_load %arg6[%swap3A_1096, %swap3A_1097] {strides = array<i32>} : memref<128x16xf32, #tpu.memory_space<vmem>>, vector<1x16xf32>,
    %swap3A_1099 = vector.shape_cast %swap3A_1098 : vector<1x16xf32> to vector<16xf32>
    %swap3A_1100 = vector.shape_cast %broadcast_in_dim3A_3 : vector<16xf32> to vector<1x16xf32>
    tpu.vector_store %arg6[%swap3A_1096, %swap3A_1097], %swap3A_1100 {strides = array<i32>} : memref<128x16xf32, #tpu.memory_space<vmem>>, vector<1x16xf32>,
    %swap3A_1101 = arith.constant 55 : i32
    %swap3A_1102 = arith.index_cast %swap3A_1101 : i32 to index
    %swap3A_1103 = arith.constant 0 : index
    %swap3A_1104 = tpu.vector_load %arg6[%swap3A_1102, %swap3A_1103] {strides = array<i32>} : memref<128x16xf32, #tpu.memory_space<vmem>>, vector<1x16xf32>,
    %swap3A_1105 = vector.shape_cast %swap3A_1104 : vector<1x16xf32> to vector<16xf32>
    %swap3A_1106 = vector.shape_cast %broadcast_in_dim3A_3 : vector<16xf32> to vector<1x16xf32>
    tpu.vector_store %arg6[%swap3A_1102, %swap3A_1103], %swap3A_1106 {strides = array<i32>} : memref<128x16xf32, #tpu.memory_space<vmem>>, vector<1x16xf32>,
    %swap3A_1107 = arith.constant 56 : i32
    %swap3A_1108 = arith.index_cast %swap3A_1107 : i32 to index
    %swap3A_1109 = arith.constant 0 : index
    %swap3A_1110 = tpu.vector_load %arg6[%swap3A_1108, %swap3A_1109] {strides = array<i32>} : memref<128x16xf32, #tpu.memory_space<vmem>>, vector<1x16xf32>,
    %swap3A_1111 = vector.shape_cast %swap3A_1110 : vector<1x16xf32> to vector<16xf32>
    %swap3A_1112 = vector.shape_cast %broadcast_in_dim3A_3 : vector<16xf32> to vector<1x16xf32>
    tpu.vector_store %arg6[%swap3A_1108, %swap3A_1109], %swap3A_1112 {strides = array<i32>} : memref<128x16xf32, #tpu.memory_space<vmem>>, vector<1x16xf32>,
    %swap3A_1113 = arith.constant 57 : i32
    %swap3A_1114 = arith.index_cast %swap3A_1113 : i32 to index
    %swap3A_1115 = arith.constant 0 : index
    %swap3A_1116 = tpu.vector_load %arg6[%swap3A_1114, %swap3A_1115] {strides = array<i32>} : memref<128x16xf32, #tpu.memory_space<vmem>>, vector<1x16xf32>,
    %swap3A_1117 = vector.shape_cast %swap3A_1116 : vector<1x16xf32> to vector<16xf32>
    %swap3A_1118 = vector.shape_cast %broadcast_in_dim3A_3 : vector<16xf32> to vector<1x16xf32>
    tpu.vector_store %arg6[%swap3A_1114, %swap3A_1115], %swap3A_1118 {strides = array<i32>} : memref<128x16xf32, #tpu.memory_space<vmem>>, vector<1x16xf32>,
    %swap3A_1119 = arith.constant 58 : i32
    %swap3A_1120 = arith.index_cast %swap3A_1119 : i32 to index
    %swap3A_1121 = arith.constant 0 : index
    %swap3A_1122 = tpu.vector_load %arg6[%swap3A_1120, %swap3A_1121] {strides = array<i32>} : memref<128x16xf32, #tpu.memory_space<vmem>>, vector<1x16xf32>,
    %swap3A_1123 = vector.shape_cast %swap3A_1122 : vector<1x16xf32> to vector<16xf32>
    %swap3A_1124 = vector.shape_cast %broadcast_in_dim3A_3 : vector<16xf32> to vector<1x16xf32>
    tpu.vector_store %arg6[%swap3A_1120, %swap3A_1121], %swap3A_1124 {strides = array<i32>} : memref<128x16xf32, #tpu.memory_space<vmem>>, vector<1x16xf32>,
    %swap3A_1125 = arith.constant 59 : i32
    %swap3A_1126 = arith.index_cast %swap3A_1125 : i32 to index
    %swap3A_1127 = arith.constant 0 : index
    %swap3A_1128 = tpu.vector_load %arg6[%swap3A_1126, %swap3A_1127] {strides = array<i32>} : memref<128x16xf32, #tpu.memory_space<vmem>>, vector<1x16xf32>,
    %swap3A_1129 = vector.shape_cast %swap3A_1128 : vector<1x16xf32> to vector<16xf32>
    %swap3A_1130 = vector.shape_cast %broadcast_in_dim3A_3 : vector<16xf32> to vector<1x16xf32>
    tpu.vector_store %arg6[%swap3A_1126, %swap3A_1127], %swap3A_1130 {strides = array<i32>} : memref<128x16xf32, #tpu.memory_space<vmem>>, vector<1x16xf32>,
    %swap3A_1131 = arith.constant 60 : i32
    %swap3A_1132 = arith.index_cast %swap3A_1131 : i32 to index
    %swap3A_1133 = arith.constant 0 : index
    %swap3A_1134 = tpu.vector_load %arg6[%swap3A_1132, %swap3A_1133] {strides = array<i32>} : memref<128x16xf32, #tpu.memory_space<vmem>>, vector<1x16xf32>,
    %swap3A_1135 = vector.shape_cast %swap3A_1134 : vector<1x16xf32> to vector<16xf32>
    %swap3A_1136 = vector.shape_cast %broadcast_in_dim3A_3 : vector<16xf32> to vector<1x16xf32>
    tpu.vector_store %arg6[%swap3A_1132, %swap3A_1133], %swap3A_1136 {strides = array<i32>} : memref<128x16xf32, #tpu.memory_space<vmem>>, vector<1x16xf32>,
    %swap3A_1137 = arith.constant 61 : i32
    %swap3A_1138 = arith.index_cast %swap3A_1137 : i32 to index
    %swap3A_1139 = arith.constant 0 : index
    %swap3A_1140 = tpu.vector_load %arg6[%swap3A_1138, %swap3A_1139] {strides = array<i32>} : memref<128x16xf32, #tpu.memory_space<vmem>>, vector<1x16xf32>,
    %swap3A_1141 = vector.shape_cast %swap3A_1140 : vector<1x16xf32> to vector<16xf32>
    %swap3A_1142 = vector.shape_cast %broadcast_in_dim3A_3 : vector<16xf32> to vector<1x16xf32>
    tpu.vector_store %arg6[%swap3A_1138, %swap3A_1139], %swap3A_1142 {strides = array<i32>} : memref<128x16xf32, #tpu.memory_space<vmem>>, vector<1x16xf32>,
    %swap3A_1143 = arith.constant 62 : i32
    %swap3A_1144 = arith.index_cast %swap3A_1143 : i32 to index
    %swap3A_1145 = arith.constant 0 : index
    %swap3A_1146 = tpu.vector_load %arg6[%swap3A_1144, %swap3A_1145] {strides = array<i32>} : memref<128x16xf32, #tpu.memory_space<vmem>>, vector<1x16xf32>,
    %swap3A_1147 = vector.shape_cast %swap3A_1146 : vector<1x16xf32> to vector<16xf32>
    %swap3A_1148 = vector.shape_cast %broadcast_in_dim3A_3 : vector<16xf32> to vector<1x16xf32>
    tpu.vector_store %arg6[%swap3A_1144, %swap3A_1145], %swap3A_1148 {strides = array<i32>} : memref<128x16xf32, #tpu.memory_space<vmem>>, vector<1x16xf32>,
    %swap3A_1149 = arith.constant 63 : i32
    %swap3A_1150 = arith.index_cast %swap3A_1149 : i32 to index
    %swap3A_1151 = arith.constant 0 : index
    %swap3A_1152 = tpu.vector_load %arg6[%swap3A_1150, %swap3A_1151] {strides = array<i32>} : memref<128x16xf32, #tpu.memory_space<vmem>>, vector<1x16xf32>,
    %swap3A_1153 = vector.shape_cast %swap3A_1152 : vector<1x16xf32> to vector<16xf32>
    %swap3A_1154 = vector.shape_cast %broadcast_in_dim3A_3 : vector<16xf32> to vector<1x16xf32>
    tpu.vector_store %arg6[%swap3A_1150, %swap3A_1151], %swap3A_1154 {strides = array<i32>} : memref<128x16xf32, #tpu.memory_space<vmem>>, vector<1x16xf32>,
    %swap3A_1155 = arith.constant 64 : i32
    %swap3A_1156 = arith.index_cast %swap3A_1155 : i32 to index
    %swap3A_1157 = arith.constant 0 : index
    %swap3A_1158 = tpu.vector_load %arg6[%swap3A_1156, %swap3A_1157] {strides = array<i32>} : memref<128x16xf32, #tpu.memory_space<vmem>>, vector<1x16xf32>,
    %swap3A_1159 = vector.shape_cast %swap3A_1158 : vector<1x16xf32> to vector<16xf32>
    %swap3A_1160 = vector.shape_cast %broadcast_in_dim3A_3 : vector<16xf32> to vector<1x16xf32>
    tpu.vector_store %arg6[%swap3A_1156, %swap3A_1157], %swap3A_1160 {strides = array<i32>} : memref<128x16xf32, #tpu.memory_space<vmem>>, vector<1x16xf32>,
    %swap3A_1161 = arith.constant 65 : i32
    %swap3A_1162 = arith.index_cast %swap3A_1161 : i32 to index
    %swap3A_1163 = arith.constant 0 : index
    %swap3A_1164 = tpu.vector_load %arg6[%swap3A_1162, %swap3A_1163] {strides = array<i32>} : memref<128x16xf32, #tpu.memory_space<vmem>>, vector<1x16xf32>,
    %swap3A_1165 = vector.shape_cast %swap3A_1164 : vector<1x16xf32> to vector<16xf32>
    %swap3A_1166 = vector.shape_cast %broadcast_in_dim3A_3 : vector<16xf32> to vector<1x16xf32>
    tpu.vector_store %arg6[%swap3A_1162, %swap3A_1163], %swap3A_1166 {strides = array<i32>} : memref<128x16xf32, #tpu.memory_space<vmem>>, vector<1x16xf32>,
    %swap3A_1167 = arith.constant 66 : i32
    %swap3A_1168 = arith.index_cast %swap3A_1167 : i32 to index
    %swap3A_1169 = arith.constant 0 : index
    %swap3A_1170 = tpu.vector_load %arg6[%swap3A_1168, %swap3A_1169] {strides = array<i32>} : memref<128x16xf32, #tpu.memory_space<vmem>>, vector<1x16xf32>,
    %swap3A_1171 = vector.shape_cast %swap3A_1170 : vector<1x16xf32> to vector<16xf32>
    %swap3A_1172 = vector.shape_cast %broadcast_in_dim3A_3 : vector<16xf32> to vector<1x16xf32>
    tpu.vector_store %arg6[%swap3A_1168, %swap3A_1169], %swap3A_1172 {strides = array<i32>} : memref<128x16xf32, #tpu.memory_space<vmem>>, vector<1x16xf32>,
    %swap3A_1173 = arith.constant 67 : i32
    %swap3A_1174 = arith.index_cast %swap3A_1173 : i32 to index
    %swap3A_1175 = arith.constant 0 : index
    %swap3A_1176 = tpu.vector_load %arg6[%swap3A_1174, %swap3A_1175] {strides = array<i32>} : memref<128x16xf32, #tpu.memory_space<vmem>>, vector<1x16xf32>,
    %swap3A_1177 = vector.shape_cast %swap3A_1176 : vector<1x16xf32> to vector<16xf32>
    %swap3A_1178 = vector.shape_cast %broadcast_in_dim3A_3 : vector<16xf32> to vector<1x16xf32>
    tpu.vector_store %arg6[%swap3A_1174, %swap3A_1175], %swap3A_1178 {strides = array<i32>} : memref<128x16xf32, #tpu.memory_space<vmem>>, vector<1x16xf32>,
    %swap3A_1179 = arith.constant 68 : i32
    %swap3A_1180 = arith.index_cast %swap3A_1179 : i32 to index
    %swap3A_1181 = arith.constant 0 : index
    %swap3A_1182 = tpu.vector_load %arg6[%swap3A_1180, %swap3A_1181] {strides = array<i32>} : memref<128x16xf32, #tpu.memory_space<vmem>>, vector<1x16xf32>,
    %swap3A_1183 = vector.shape_cast %swap3A_1182 : vector<1x16xf32> to vector<16xf32>
    %swap3A_1184 = vector.shape_cast %broadcast_in_dim3A_3 : vector<16xf32> to vector<1x16xf32>
    tpu.vector_store %arg6[%swap3A_1180, %swap3A_1181], %swap3A_1184 {strides = array<i32>} : memref<128x16xf32, #tpu.memory_space<vmem>>, vector<1x16xf32>,
    %swap3A_1185 = arith.constant 69 : i32
    %swap3A_1186 = arith.index_cast %swap3A_1185 : i32 to index
    %swap3A_1187 = arith.constant 0 : index
    %swap3A_1188 = tpu.vector_load %arg6[%swap3A_1186, %swap3A_1187] {strides = array<i32>} : memref<128x16xf32, #tpu.memory_space<vmem>>, vector<1x16xf32>,
    %swap3A_1189 = vector.shape_cast %swap3A_1188 : vector<1x16xf32> to vector<16xf32>
    %swap3A_1190 = vector.shape_cast %broadcast_in_dim3A_3 : vector<16xf32> to vector<1x16xf32>
    tpu.vector_store %arg6[%swap3A_1186, %swap3A_1187], %swap3A_1190 {strides = array<i32>} : memref<128x16xf32, #tpu.memory_space<vmem>>, vector<1x16xf32>,
    %swap3A_1191 = arith.constant 70 : i32
    %swap3A_1192 = arith.index_cast %swap3A_1191 : i32 to index
    %swap3A_1193 = arith.constant 0 : index
    %swap3A_1194 = tpu.vector_load %arg6[%swap3A_1192, %swap3A_1193] {strides = array<i32>} : memref<128x16xf32, #tpu.memory_space<vmem>>, vector<1x16xf32>,
    %swap3A_1195 = vector.shape_cast %swap3A_1194 : vector<1x16xf32> to vector<16xf32>
    %swap3A_1196 = vector.shape_cast %broadcast_in_dim3A_3 : vector<16xf32> to vector<1x16xf32>
    tpu.vector_store %arg6[%swap3A_1192, %swap3A_1193], %swap3A_1196 {strides = array<i32>} : memref<128x16xf32, #tpu.memory_space<vmem>>, vector<1x16xf32>,
    %swap3A_1197 = arith.constant 71 : i32
    %swap3A_1198 = arith.index_cast %swap3A_1197 : i32 to index
    %swap3A_1199 = arith.constant 0 : index
    %swap3A_1200 = tpu.vector_load %arg6[%swap3A_1198, %swap3A_1199] {strides = array<i32>} : memref<128x16xf32, #tpu.memory_space<vmem>>, vector<1x16xf32>,
    %swap3A_1201 = vector.shape_cast %swap3A_1200 : vector<1x16xf32> to vector<16xf32>
    %swap3A_1202 = vector.shape_cast %broadcast_in_dim3A_3 : vector<16xf32> to vector<1x16xf32>
    tpu.vector_store %arg6[%swap3A_1198, %swap3A_1199], %swap3A_1202 {strides = array<i32>} : memref<128x16xf32, #tpu.memory_space<vmem>>, vector<1x16xf32>,
    %swap3A_1203 = arith.constant 72 : i32
    %swap3A_1204 = arith.index_cast %swap3A_1203 : i32 to index
    %swap3A_1205 = arith.constant 0 : index
    %swap3A_1206 = tpu.vector_load %arg6[%swap3A_1204, %swap3A_1205] {strides = array<i32>} : memref<128x16xf32, #tpu.memory_space<vmem>>, vector<1x16xf32>,
    %swap3A_1207 = vector.shape_cast %swap3A_1206 : vector<1x16xf32> to vector<16xf32>
    %swap3A_1208 = vector.shape_cast %broadcast_in_dim3A_3 : vector<16xf32> to vector<1x16xf32>
    tpu.vector_store %arg6[%swap3A_1204, %swap3A_1205], %swap3A_1208 {strides = array<i32>} : memref<128x16xf32, #tpu.memory_space<vmem>>, vector<1x16xf32>,
    %swap3A_1209 = arith.constant 73 : i32
    %swap3A_1210 = arith.index_cast %swap3A_1209 : i32 to index
    %swap3A_1211 = arith.constant 0 : index
    %swap3A_1212 = tpu.vector_load %arg6[%swap3A_1210, %swap3A_1211] {strides = array<i32>} : memref<128x16xf32, #tpu.memory_space<vmem>>, vector<1x16xf32>,
    %swap3A_1213 = vector.shape_cast %swap3A_1212 : vector<1x16xf32> to vector<16xf32>
    %swap3A_1214 = vector.shape_cast %broadcast_in_dim3A_3 : vector<16xf32> to vector<1x16xf32>
    tpu.vector_store %arg6[%swap3A_1210, %swap3A_1211], %swap3A_1214 {strides = array<i32>} : memref<128x16xf32, #tpu.memory_space<vmem>>, vector<1x16xf32>,
    %swap3A_1215 = arith.constant 74 : i32
    %swap3A_1216 = arith.index_cast %swap3A_1215 : i32 to index
    %swap3A_1217 = arith.constant 0 : index
    %swap3A_1218 = tpu.vector_load %arg6[%swap3A_1216, %swap3A_1217] {strides = array<i32>} : memref<128x16xf32, #tpu.memory_space<vmem>>, vector<1x16xf32>,
    %swap3A_1219 = vector.shape_cast %swap3A_1218 : vector<1x16xf32> to vector<16xf32>
    %swap3A_1220 = vector.shape_cast %broadcast_in_dim3A_3 : vector<16xf32> to vector<1x16xf32>
    tpu.vector_store %arg6[%swap3A_1216, %swap3A_1217], %swap3A_1220 {strides = array<i32>} : memref<128x16xf32, #tpu.memory_space<vmem>>, vector<1x16xf32>,
    %swap3A_1221 = arith.constant 75 : i32
    %swap3A_1222 = arith.index_cast %swap3A_1221 : i32 to index
    %swap3A_1223 = arith.constant 0 : index
    %swap3A_1224 = tpu.vector_load %arg6[%swap3A_1222, %swap3A_1223] {strides = array<i32>} : memref<128x16xf32, #tpu.memory_space<vmem>>, vector<1x16xf32>,
    %swap3A_1225 = vector.shape_cast %swap3A_1224 : vector<1x16xf32> to vector<16xf32>
    %swap3A_1226 = vector.shape_cast %broadcast_in_dim3A_3 : vector<16xf32> to vector<1x16xf32>
    tpu.vector_store %arg6[%swap3A_1222, %swap3A_1223], %swap3A_1226 {strides = array<i32>} : memref<128x16xf32, #tpu.memory_space<vmem>>, vector<1x16xf32>,
    %swap3A_1227 = arith.constant 76 : i32
    %swap3A_1228 = arith.index_cast %swap3A_1227 : i32 to index
    %swap3A_1229 = arith.constant 0 : index
    %swap3A_1230 = tpu.vector_load %arg6[%swap3A_1228, %swap3A_1229] {strides = array<i32>} : memref<128x16xf32, #tpu.memory_space<vmem>>, vector<1x16xf32>,
    %swap3A_1231 = vector.shape_cast %swap3A_1230 : vector<1x16xf32> to vector<16xf32>
    %swap3A_1232 = vector.shape_cast %broadcast_in_dim3A_3 : vector<16xf32> to vector<1x16xf32>
    tpu.vector_store %arg6[%swap3A_1228, %swap3A_1229], %swap3A_1232 {strides = array<i32>} : memref<128x16xf32, #tpu.memory_space<vmem>>, vector<1x16xf32>,
    %swap3A_1233 = arith.constant 77 : i32
    %swap3A_1234 = arith.index_cast %swap3A_1233 : i32 to index
    %swap3A_1235 = arith.constant 0 : index
    %swap3A_1236 = tpu.vector_load %arg6[%swap3A_1234, %swap3A_1235] {strides = array<i32>} : memref<128x16xf32, #tpu.memory_space<vmem>>, vector<1x16xf32>,
    %swap3A_1237 = vector.shape_cast %swap3A_1236 : vector<1x16xf32> to vector<16xf32>
    %swap3A_1238 = vector.shape_cast %broadcast_in_dim3A_3 : vector<16xf32> to vector<1x16xf32>
    tpu.vector_store %arg6[%swap3A_1234, %swap3A_1235], %swap3A_1238 {strides = array<i32>} : memref<128x16xf32, #tpu.memory_space<vmem>>, vector<1x16xf32>,
    %swap3A_1239 = arith.constant 78 : i32
    %swap3A_1240 = arith.index_cast %swap3A_1239 : i32 to index
    %swap3A_1241 = arith.constant 0 : index
    %swap3A_1242 = tpu.vector_load %arg6[%swap3A_1240, %swap3A_1241] {strides = array<i32>} : memref<128x16xf32, #tpu.memory_space<vmem>>, vector<1x16xf32>,
    %swap3A_1243 = vector.shape_cast %swap3A_1242 : vector<1x16xf32> to vector<16xf32>
    %swap3A_1244 = vector.shape_cast %broadcast_in_dim3A_3 : vector<16xf32> to vector<1x16xf32>
    tpu.vector_store %arg6[%swap3A_1240, %swap3A_1241], %swap3A_1244 {strides = array<i32>} : memref<128x16xf32, #tpu.memory_space<vmem>>, vector<1x16xf32>,
    %swap3A_1245 = arith.constant 79 : i32
    %swap3A_1246 = arith.index_cast %swap3A_1245 : i32 to index
    %swap3A_1247 = arith.constant 0 : index
    %swap3A_1248 = tpu.vector_load %arg6[%swap3A_1246, %swap3A_1247] {strides = array<i32>} : memref<128x16xf32, #tpu.memory_space<vmem>>, vector<1x16xf32>,
    %swap3A_1249 = vector.shape_cast %swap3A_1248 : vector<1x16xf32> to vector<16xf32>
    %swap3A_1250 = vector.shape_cast %broadcast_in_dim3A_3 : vector<16xf32> to vector<1x16xf32>
    tpu.vector_store %arg6[%swap3A_1246, %swap3A_1247], %swap3A_1250 {strides = array<i32>} : memref<128x16xf32, #tpu.memory_space<vmem>>, vector<1x16xf32>,
    %swap3A_1251 = arith.constant 80 : i32
    %swap3A_1252 = arith.index_cast %swap3A_1251 : i32 to index
    %swap3A_1253 = arith.constant 0 : index
    %swap3A_1254 = tpu.vector_load %arg6[%swap3A_1252, %swap3A_1253] {strides = array<i32>} : memref<128x16xf32, #tpu.memory_space<vmem>>, vector<1x16xf32>,
    %swap3A_1255 = vector.shape_cast %swap3A_1254 : vector<1x16xf32> to vector<16xf32>
    %swap3A_1256 = vector.shape_cast %broadcast_in_dim3A_3 : vector<16xf32> to vector<1x16xf32>
    tpu.vector_store %arg6[%swap3A_1252, %swap3A_1253], %swap3A_1256 {strides = array<i32>} : memref<128x16xf32, #tpu.memory_space<vmem>>, vector<1x16xf32>,
    %swap3A_1257 = arith.constant 81 : i32
    %swap3A_1258 = arith.index_cast %swap3A_1257 : i32 to index
    %swap3A_1259 = arith.constant 0 : index
    %swap3A_1260 = tpu.vector_load %arg6[%swap3A_1258, %swap3A_1259] {strides = array<i32>} : memref<128x16xf32, #tpu.memory_space<vmem>>, vector<1x16xf32>,
    %swap3A_1261 = vector.shape_cast %swap3A_1260 : vector<1x16xf32> to vector<16xf32>
    %swap3A_1262 = vector.shape_cast %broadcast_in_dim3A_3 : vector<16xf32> to vector<1x16xf32>
    tpu.vector_store %arg6[%swap3A_1258, %swap3A_1259], %swap3A_1262 {strides = array<i32>} : memref<128x16xf32, #tpu.memory_space<vmem>>, vector<1x16xf32>,
    %swap3A_1263 = arith.constant 82 : i32
    %swap3A_1264 = arith.index_cast %swap3A_1263 : i32 to index
    %swap3A_1265 = arith.constant 0 : index
    %swap3A_1266 = tpu.vector_load %arg6[%swap3A_1264, %swap3A_1265] {strides = array<i32>} : memref<128x16xf32, #tpu.memory_space<vmem>>, vector<1x16xf32>,
    %swap3A_1267 = vector.shape_cast %swap3A_1266 : vector<1x16xf32> to vector<16xf32>
    %swap3A_1268 = vector.shape_cast %broadcast_in_dim3A_3 : vector<16xf32> to vector<1x16xf32>
    tpu.vector_store %arg6[%swap3A_1264, %swap3A_1265], %swap3A_1268 {strides = array<i32>} : memref<128x16xf32, #tpu.memory_space<vmem>>, vector<1x16xf32>,
    %swap3A_1269 = arith.constant 83 : i32
    %swap3A_1270 = arith.index_cast %swap3A_1269 : i32 to index
    %swap3A_1271 = arith.constant 0 : index
    %swap3A_1272 = tpu.vector_load %arg6[%swap3A_1270, %swap3A_1271] {strides = array<i32>} : memref<128x16xf32, #tpu.memory_space<vmem>>, vector<1x16xf32>,
    %swap3A_1273 = vector.shape_cast %swap3A_1272 : vector<1x16xf32> to vector<16xf32>
    %swap3A_1274 = vector.shape_cast %broadcast_in_dim3A_3 : vector<16xf32> to vector<1x16xf32>
    tpu.vector_store %arg6[%swap3A_1270, %swap3A_1271], %swap3A_1274 {strides = array<i32>} : memref<128x16xf32, #tpu.memory_space<vmem>>, vector<1x16xf32>,
    %swap3A_1275 = arith.constant 84 : i32
    %swap3A_1276 = arith.index_cast %swap3A_1275 : i32 to index
    %swap3A_1277 = arith.constant 0 : index
    %swap3A_1278 = tpu.vector_load %arg6[%swap3A_1276, %swap3A_1277] {strides = array<i32>} : memref<128x16xf32, #tpu.memory_space<vmem>>, vector<1x16xf32>,
    %swap3A_1279 = vector.shape_cast %swap3A_1278 : vector<1x16xf32> to vector<16xf32>
    %swap3A_1280 = vector.shape_cast %broadcast_in_dim3A_3 : vector<16xf32> to vector<1x16xf32>
    tpu.vector_store %arg6[%swap3A_1276, %swap3A_1277], %swap3A_1280 {strides = array<i32>} : memref<128x16xf32, #tpu.memory_space<vmem>>, vector<1x16xf32>,
    %swap3A_1281 = arith.constant 85 : i32
    %swap3A_1282 = arith.index_cast %swap3A_1281 : i32 to index
    %swap3A_1283 = arith.constant 0 : index
    %swap3A_1284 = tpu.vector_load %arg6[%swap3A_1282, %swap3A_1283] {strides = array<i32>} : memref<128x16xf32, #tpu.memory_space<vmem>>, vector<1x16xf32>,
    %swap3A_1285 = vector.shape_cast %swap3A_1284 : vector<1x16xf32> to vector<16xf32>
    %swap3A_1286 = vector.shape_cast %broadcast_in_dim3A_3 : vector<16xf32> to vector<1x16xf32>
    tpu.vector_store %arg6[%swap3A_1282, %swap3A_1283], %swap3A_1286 {strides = array<i32>} : memref<128x16xf32, #tpu.memory_space<vmem>>, vector<1x16xf32>,
    %swap3A_1287 = arith.constant 86 : i32
    %swap3A_1288 = arith.index_cast %swap3A_1287 : i32 to index
    %swap3A_1289 = arith.constant 0 : index
    %swap3A_1290 = tpu.vector_load %arg6[%swap3A_1288, %swap3A_1289] {strides = array<i32>} : memref<128x16xf32, #tpu.memory_space<vmem>>, vector<1x16xf32>,
    %swap3A_1291 = vector.shape_cast %swap3A_1290 : vector<1x16xf32> to vector<16xf32>
    %swap3A_1292 = vector.shape_cast %broadcast_in_dim3A_3 : vector<16xf32> to vector<1x16xf32>
    tpu.vector_store %arg6[%swap3A_1288, %swap3A_1289], %swap3A_1292 {strides = array<i32>} : memref<128x16xf32, #tpu.memory_space<vmem>>, vector<1x16xf32>,
    %swap3A_1293 = arith.constant 87 : i32
    %swap3A_1294 = arith.index_cast %swap3A_1293 : i32 to index
    %swap3A_1295 = arith.constant 0 : index
    %swap3A_1296 = tpu.vector_load %arg6[%swap3A_1294, %swap3A_1295] {strides = array<i32>} : memref<128x16xf32, #tpu.memory_space<vmem>>, vector<1x16xf32>,
    %swap3A_1297 = vector.shape_cast %swap3A_1296 : vector<1x16xf32> to vector<16xf32>
    %swap3A_1298 = vector.shape_cast %broadcast_in_dim3A_3 : vector<16xf32> to vector<1x16xf32>
    tpu.vector_store %arg6[%swap3A_1294, %swap3A_1295], %swap3A_1298 {strides = array<i32>} : memref<128x16xf32, #tpu.memory_space<vmem>>, vector<1x16xf32>,
    %swap3A_1299 = arith.constant 88 : i32
    %swap3A_1300 = arith.index_cast %swap3A_1299 : i32 to index
    %swap3A_1301 = arith.constant 0 : index
    %swap3A_1302 = tpu.vector_load %arg6[%swap3A_1300, %swap3A_1301] {strides = array<i32>} : memref<128x16xf32, #tpu.memory_space<vmem>>, vector<1x16xf32>,
    %swap3A_1303 = vector.shape_cast %swap3A_1302 : vector<1x16xf32> to vector<16xf32>
    %swap3A_1304 = vector.shape_cast %broadcast_in_dim3A_3 : vector<16xf32> to vector<1x16xf32>
    tpu.vector_store %arg6[%swap3A_1300, %swap3A_1301], %swap3A_1304 {strides = array<i32>} : memref<128x16xf32, #tpu.memory_space<vmem>>, vector<1x16xf32>,
    %swap3A_1305 = arith.constant 89 : i32
    %swap3A_1306 = arith.index_cast %swap3A_1305 : i32 to index
    %swap3A_1307 = arith.constant 0 : index
    %swap3A_1308 = tpu.vector_load %arg6[%swap3A_1306, %swap3A_1307] {strides = array<i32>} : memref<128x16xf32, #tpu.memory_space<vmem>>, vector<1x16xf32>,
    %swap3A_1309 = vector.shape_cast %swap3A_1308 : vector<1x16xf32> to vector<16xf32>
    %swap3A_1310 = vector.shape_cast %broadcast_in_dim3A_3 : vector<16xf32> to vector<1x16xf32>
    tpu.vector_store %arg6[%swap3A_1306, %swap3A_1307], %swap3A_1310 {strides = array<i32>} : memref<128x16xf32, #tpu.memory_space<vmem>>, vector<1x16xf32>,
    %swap3A_1311 = arith.constant 90 : i32
    %swap3A_1312 = arith.index_cast %swap3A_1311 : i32 to index
    %swap3A_1313 = arith.constant 0 : index
    %swap3A_1314 = tpu.vector_load %arg6[%swap3A_1312, %swap3A_1313] {strides = array<i32>} : memref<128x16xf32, #tpu.memory_space<vmem>>, vector<1x16xf32>,
    %swap3A_1315 = vector.shape_cast %swap3A_1314 : vector<1x16xf32> to vector<16xf32>
    %swap3A_1316 = vector.shape_cast %broadcast_in_dim3A_3 : vector<16xf32> to vector<1x16xf32>
    tpu.vector_store %arg6[%swap3A_1312, %swap3A_1313], %swap3A_1316 {strides = array<i32>} : memref<128x16xf32, #tpu.memory_space<vmem>>, vector<1x16xf32>,
    %swap3A_1317 = arith.constant 91 : i32
    %swap3A_1318 = arith.index_cast %swap3A_1317 : i32 to index
    %swap3A_1319 = arith.constant 0 : index
    %swap3A_1320 = tpu.vector_load %arg6[%swap3A_1318, %swap3A_1319] {strides = array<i32>} : memref<128x16xf32, #tpu.memory_space<vmem>>, vector<1x16xf32>,
    %swap3A_1321 = vector.shape_cast %swap3A_1320 : vector<1x16xf32> to vector<16xf32>
    %swap3A_1322 = vector.shape_cast %broadcast_in_dim3A_3 : vector<16xf32> to vector<1x16xf32>
    tpu.vector_store %arg6[%swap3A_1318, %swap3A_1319], %swap3A_1322 {strides = array<i32>} : memref<128x16xf32, #tpu.memory_space<vmem>>, vector<1x16xf32>,
    %swap3A_1323 = arith.constant 92 : i32
    %swap3A_1324 = arith.index_cast %swap3A_1323 : i32 to index
    %swap3A_1325 = arith.constant 0 : index
    %swap3A_1326 = tpu.vector_load %arg6[%swap3A_1324, %swap3A_1325] {strides = array<i32>} : memref<128x16xf32, #tpu.memory_space<vmem>>, vector<1x16xf32>,
    %swap3A_1327 = vector.shape_cast %swap3A_1326 : vector<1x16xf32> to vector<16xf32>
    %swap3A_1328 = vector.shape_cast %broadcast_in_dim3A_3 : vector<16xf32> to vector<1x16xf32>
    tpu.vector_store %arg6[%swap3A_1324, %swap3A_1325], %swap3A_1328 {strides = array<i32>} : memref<128x16xf32, #tpu.memory_space<vmem>>, vector<1x16xf32>,
    %swap3A_1329 = arith.constant 93 : i32
    %swap3A_1330 = arith.index_cast %swap3A_1329 : i32 to index
    %swap3A_1331 = arith.constant 0 : index
    %swap3A_1332 = tpu.vector_load %arg6[%swap3A_1330, %swap3A_1331] {strides = array<i32>} : memref<128x16xf32, #tpu.memory_space<vmem>>, vector<1x16xf32>,
    %swap3A_1333 = vector.shape_cast %swap3A_1332 : vector<1x16xf32> to vector<16xf32>
    %swap3A_1334 = vector.shape_cast %broadcast_in_dim3A_3 : vector<16xf32> to vector<1x16xf32>
    tpu.vector_store %arg6[%swap3A_1330, %swap3A_1331], %swap3A_1334 {strides = array<i32>} : memref<128x16xf32, #tpu.memory_space<vmem>>, vector<1x16xf32>,
    %swap3A_1335 = arith.constant 94 : i32
    %swap3A_1336 = arith.index_cast %swap3A_1335 : i32 to index
    %swap3A_1337 = arith.constant 0 : index
    %swap3A_1338 = tpu.vector_load %arg6[%swap3A_1336, %swap3A_1337] {strides = array<i32>} : memref<128x16xf32, #tpu.memory_space<vmem>>, vector<1x16xf32>,
    %swap3A_1339 = vector.shape_cast %swap3A_1338 : vector<1x16xf32> to vector<16xf32>
    %swap3A_1340 = vector.shape_cast %broadcast_in_dim3A_3 : vector<16xf32> to vector<1x16xf32>
    tpu.vector_store %arg6[%swap3A_1336, %swap3A_1337], %swap3A_1340 {strides = array<i32>} : memref<128x16xf32, #tpu.memory_space<vmem>>, vector<1x16xf32>,
    %swap3A_1341 = arith.constant 95 : i32
    %swap3A_1342 = arith.index_cast %swap3A_1341 : i32 to index
    %swap3A_1343 = arith.constant 0 : index
    %swap3A_1344 = tpu.vector_load %arg6[%swap3A_1342, %swap3A_1343] {strides = array<i32>} : memref<128x16xf32, #tpu.memory_space<vmem>>, vector<1x16xf32>,
    %swap3A_1345 = vector.shape_cast %swap3A_1344 : vector<1x16xf32> to vector<16xf32>
    %swap3A_1346 = vector.shape_cast %broadcast_in_dim3A_3 : vector<16xf32> to vector<1x16xf32>
    tpu.vector_store %arg6[%swap3A_1342, %swap3A_1343], %swap3A_1346 {strides = array<i32>} : memref<128x16xf32, #tpu.memory_space<vmem>>, vector<1x16xf32>,
    %swap3A_1347 = arith.constant 96 : i32
    %swap3A_1348 = arith.index_cast %swap3A_1347 : i32 to index
    %swap3A_1349 = arith.constant 0 : index
    %swap3A_1350 = tpu.vector_load %arg6[%swap3A_1348, %swap3A_1349] {strides = array<i32>} : memref<128x16xf32, #tpu.memory_space<vmem>>, vector<1x16xf32>,
    %swap3A_1351 = vector.shape_cast %swap3A_1350 : vector<1x16xf32> to vector<16xf32>
    %swap3A_1352 = vector.shape_cast %broadcast_in_dim3A_3 : vector<16xf32> to vector<1x16xf32>
    tpu.vector_store %arg6[%swap3A_1348, %swap3A_1349], %swap3A_1352 {strides = array<i32>} : memref<128x16xf32, #tpu.memory_space<vmem>>, vector<1x16xf32>,
    %swap3A_1353 = arith.constant 97 : i32
    %swap3A_1354 = arith.index_cast %swap3A_1353 : i32 to index
    %swap3A_1355 = arith.constant 0 : index
    %swap3A_1356 = tpu.vector_load %arg6[%swap3A_1354, %swap3A_1355] {strides = array<i32>} : memref<128x16xf32, #tpu.memory_space<vmem>>, vector<1x16xf32>,
    %swap3A_1357 = vector.shape_cast %swap3A_1356 : vector<1x16xf32> to vector<16xf32>
    %swap3A_1358 = vector.shape_cast %broadcast_in_dim3A_3 : vector<16xf32> to vector<1x16xf32>
    tpu.vector_store %arg6[%swap3A_1354, %swap3A_1355], %swap3A_1358 {strides = array<i32>} : memref<128x16xf32, #tpu.memory_space<vmem>>, vector<1x16xf32>,
    %swap3A_1359 = arith.constant 98 : i32
    %swap3A_1360 = arith.index_cast %swap3A_1359 : i32 to index
    %swap3A_1361 = arith.constant 0 : index
    %swap3A_1362 = tpu.vector_load %arg6[%swap3A_1360, %swap3A_1361] {strides = array<i32>} : memref<128x16xf32, #tpu.memory_space<vmem>>, vector<1x16xf32>,
    %swap3A_1363 = vector.shape_cast %swap3A_1362 : vector<1x16xf32> to vector<16xf32>
    %swap3A_1364 = vector.shape_cast %broadcast_in_dim3A_3 : vector<16xf32> to vector<1x16xf32>
    tpu.vector_store %arg6[%swap3A_1360, %swap3A_1361], %swap3A_1364 {strides = array<i32>} : memref<128x16xf32, #tpu.memory_space<vmem>>, vector<1x16xf32>,
    %swap3A_1365 = arith.constant 99 : i32
    %swap3A_1366 = arith.index_cast %swap3A_1365 : i32 to index
    %swap3A_1367 = arith.constant 0 : index
    %swap3A_1368 = tpu.vector_load %arg6[%swap3A_1366, %swap3A_1367] {strides = array<i32>} : memref<128x16xf32, #tpu.memory_space<vmem>>, vector<1x16xf32>,
    %swap3A_1369 = vector.shape_cast %swap3A_1368 : vector<1x16xf32> to vector<16xf32>
    %swap3A_1370 = vector.shape_cast %broadcast_in_dim3A_3 : vector<16xf32> to vector<1x16xf32>
    tpu.vector_store %arg6[%swap3A_1366, %swap3A_1367], %swap3A_1370 {strides = array<i32>} : memref<128x16xf32, #tpu.memory_space<vmem>>, vector<1x16xf32>,
    %swap3A_1371 = arith.constant 100 : i32
    %swap3A_1372 = arith.index_cast %swap3A_1371 : i32 to index
    %swap3A_1373 = arith.constant 0 : index
    %swap3A_1374 = tpu.vector_load %arg6[%swap3A_1372, %swap3A_1373] {strides = array<i32>} : memref<128x16xf32, #tpu.memory_space<vmem>>, vector<1x16xf32>,
    %swap3A_1375 = vector.shape_cast %swap3A_1374 : vector<1x16xf32> to vector<16xf32>
    %swap3A_1376 = vector.shape_cast %broadcast_in_dim3A_3 : vector<16xf32> to vector<1x16xf32>
    tpu.vector_store %arg6[%swap3A_1372, %swap3A_1373], %swap3A_1376 {strides = array<i32>} : memref<128x16xf32, #tpu.memory_space<vmem>>, vector<1x16xf32>,
    %swap3A_1377 = arith.constant 101 : i32
    %swap3A_1378 = arith.index_cast %swap3A_1377 : i32 to index
    %swap3A_1379 = arith.constant 0 : index
    %swap3A_1380 = tpu.vector_load %arg6[%swap3A_1378, %swap3A_1379] {strides = array<i32>} : memref<128x16xf32, #tpu.memory_space<vmem>>, vector<1x16xf32>,
    %swap3A_1381 = vector.shape_cast %swap3A_1380 : vector<1x16xf32> to vector<16xf32>
    %swap3A_1382 = vector.shape_cast %broadcast_in_dim3A_3 : vector<16xf32> to vector<1x16xf32>
    tpu.vector_store %arg6[%swap3A_1378, %swap3A_1379], %swap3A_1382 {strides = array<i32>} : memref<128x16xf32, #tpu.memory_space<vmem>>, vector<1x16xf32>,
    %swap3A_1383 = arith.constant 102 : i32
    %swap3A_1384 = arith.index_cast %swap3A_1383 : i32 to index
    %swap3A_1385 = arith.constant 0 : index
    %swap3A_1386 = tpu.vector_load %arg6[%swap3A_1384, %swap3A_1385] {strides = array<i32>} : memref<128x16xf32, #tpu.memory_space<vmem>>, vector<1x16xf32>,
    %swap3A_1387 = vector.shape_cast %swap3A_1386 : vector<1x16xf32> to vector<16xf32>
    %swap3A_1388 = vector.shape_cast %broadcast_in_dim3A_3 : vector<16xf32> to vector<1x16xf32>
    tpu.vector_store %arg6[%swap3A_1384, %swap3A_1385], %swap3A_1388 {strides = array<i32>} : memref<128x16xf32, #tpu.memory_space<vmem>>, vector<1x16xf32>,
    %swap3A_1389 = arith.constant 103 : i32
    %swap3A_1390 = arith.index_cast %swap3A_1389 : i32 to index
    %swap3A_1391 = arith.constant 0 : index
    %swap3A_1392 = tpu.vector_load %arg6[%swap3A_1390, %swap3A_1391] {strides = array<i32>} : memref<128x16xf32, #tpu.memory_space<vmem>>, vector<1x16xf32>,
    %swap3A_1393 = vector.shape_cast %swap3A_1392 : vector<1x16xf32> to vector<16xf32>
    %swap3A_1394 = vector.shape_cast %broadcast_in_dim3A_3 : vector<16xf32> to vector<1x16xf32>
    tpu.vector_store %arg6[%swap3A_1390, %swap3A_1391], %swap3A_1394 {strides = array<i32>} : memref<128x16xf32, #tpu.memory_space<vmem>>, vector<1x16xf32>,
    %swap3A_1395 = arith.constant 104 : i32
    %swap3A_1396 = arith.index_cast %swap3A_1395 : i32 to index
    %swap3A_1397 = arith.constant 0 : index
    %swap3A_1398 = tpu.vector_load %arg6[%swap3A_1396, %swap3A_1397] {strides = array<i32>} : memref<128x16xf32, #tpu.memory_space<vmem>>, vector<1x16xf32>,
    %swap3A_1399 = vector.shape_cast %swap3A_1398 : vector<1x16xf32> to vector<16xf32>
    %swap3A_1400 = vector.shape_cast %broadcast_in_dim3A_3 : vector<16xf32> to vector<1x16xf32>
    tpu.vector_store %arg6[%swap3A_1396, %swap3A_1397], %swap3A_1400 {strides = array<i32>} : memref<128x16xf32, #tpu.memory_space<vmem>>, vector<1x16xf32>,
    %swap3A_1401 = arith.constant 105 : i32
    %swap3A_1402 = arith.index_cast %swap3A_1401 : i32 to index
    %swap3A_1403 = arith.constant 0 : index
    %swap3A_1404 = tpu.vector_load %arg6[%swap3A_1402, %swap3A_1403] {strides = array<i32>} : memref<128x16xf32, #tpu.memory_space<vmem>>, vector<1x16xf32>,
    %swap3A_1405 = vector.shape_cast %swap3A_1404 : vector<1x16xf32> to vector<16xf32>
    %swap3A_1406 = vector.shape_cast %broadcast_in_dim3A_3 : vector<16xf32> to vector<1x16xf32>
    tpu.vector_store %arg6[%swap3A_1402, %swap3A_1403], %swap3A_1406 {strides = array<i32>} : memref<128x16xf32, #tpu.memory_space<vmem>>, vector<1x16xf32>,
    %swap3A_1407 = arith.constant 106 : i32
    %swap3A_1408 = arith.index_cast %swap3A_1407 : i32 to index
    %swap3A_1409 = arith.constant 0 : index
    %swap3A_1410 = tpu.vector_load %arg6[%swap3A_1408, %swap3A_1409] {strides = array<i32>} : memref<128x16xf32, #tpu.memory_space<vmem>>, vector<1x16xf32>,
    %swap3A_1411 = vector.shape_cast %swap3A_1410 : vector<1x16xf32> to vector<16xf32>
    %swap3A_1412 = vector.shape_cast %broadcast_in_dim3A_3 : vector<16xf32> to vector<1x16xf32>
    tpu.vector_store %arg6[%swap3A_1408, %swap3A_1409], %swap3A_1412 {strides = array<i32>} : memref<128x16xf32, #tpu.memory_space<vmem>>, vector<1x16xf32>,
    %swap3A_1413 = arith.constant 107 : i32
    %swap3A_1414 = arith.index_cast %swap3A_1413 : i32 to index
    %swap3A_1415 = arith.constant 0 : index
    %swap3A_1416 = tpu.vector_load %arg6[%swap3A_1414, %swap3A_1415] {strides = array<i32>} : memref<128x16xf32, #tpu.memory_space<vmem>>, vector<1x16xf32>,
    %swap3A_1417 = vector.shape_cast %swap3A_1416 : vector<1x16xf32> to vector<16xf32>
    %swap3A_1418 = vector.shape_cast %broadcast_in_dim3A_3 : vector<16xf32> to vector<1x16xf32>
    tpu.vector_store %arg6[%swap3A_1414, %swap3A_1415], %swap3A_1418 {strides = array<i32>} : memref<128x16xf32, #tpu.memory_space<vmem>>, vector<1x16xf32>,
    %swap3A_1419 = arith.constant 108 : i32
    %swap3A_1420 = arith.index_cast %swap3A_1419 : i32 to index
    %swap3A_1421 = arith.constant 0 : index
    %swap3A_1422 = tpu.vector_load %arg6[%swap3A_1420, %swap3A_1421] {strides = array<i32>} : memref<128x16xf32, #tpu.memory_space<vmem>>, vector<1x16xf32>,
    %swap3A_1423 = vector.shape_cast %swap3A_1422 : vector<1x16xf32> to vector<16xf32>
    %swap3A_1424 = vector.shape_cast %broadcast_in_dim3A_3 : vector<16xf32> to vector<1x16xf32>
    tpu.vector_store %arg6[%swap3A_1420, %swap3A_1421], %swap3A_1424 {strides = array<i32>} : memref<128x16xf32, #tpu.memory_space<vmem>>, vector<1x16xf32>,
    %swap3A_1425 = arith.constant 109 : i32
    %swap3A_1426 = arith.index_cast %swap3A_1425 : i32 to index
    %swap3A_1427 = arith.constant 0 : index
    %swap3A_1428 = tpu.vector_load %arg6[%swap3A_1426, %swap3A_1427] {strides = array<i32>} : memref<128x16xf32, #tpu.memory_space<vmem>>, vector<1x16xf32>,
    %swap3A_1429 = vector.shape_cast %swap3A_1428 : vector<1x16xf32> to vector<16xf32>
    %swap3A_1430 = vector.shape_cast %broadcast_in_dim3A_3 : vector<16xf32> to vector<1x16xf32>
    tpu.vector_store %arg6[%swap3A_1426, %swap3A_1427], %swap3A_1430 {strides = array<i32>} : memref<128x16xf32, #tpu.memory_space<vmem>>, vector<1x16xf32>,
    %swap3A_1431 = arith.constant 110 : i32
    %swap3A_1432 = arith.index_cast %swap3A_1431 : i32 to index
    %swap3A_1433 = arith.constant 0 : index
    %swap3A_1434 = tpu.vector_load %arg6[%swap3A_1432, %swap3A_1433] {strides = array<i32>} : memref<128x16xf32, #tpu.memory_space<vmem>>, vector<1x16xf32>,
    %swap3A_1435 = vector.shape_cast %swap3A_1434 : vector<1x16xf32> to vector<16xf32>
    %swap3A_1436 = vector.shape_cast %broadcast_in_dim3A_3 : vector<16xf32> to vector<1x16xf32>
    tpu.vector_store %arg6[%swap3A_1432, %swap3A_1433], %swap3A_1436 {strides = array<i32>} : memref<128x16xf32, #tpu.memory_space<vmem>>, vector<1x16xf32>,
    %swap3A_1437 = arith.constant 111 : i32
    %swap3A_1438 = arith.index_cast %swap3A_1437 : i32 to index
    %swap3A_1439 = arith.constant 0 : index
    %swap3A_1440 = tpu.vector_load %arg6[%swap3A_1438, %swap3A_1439] {strides = array<i32>} : memref<128x16xf32, #tpu.memory_space<vmem>>, vector<1x16xf32>,
    %swap3A_1441 = vector.shape_cast %swap3A_1440 : vector<1x16xf32> to vector<16xf32>
    %swap3A_1442 = vector.shape_cast %broadcast_in_dim3A_3 : vector<16xf32> to vector<1x16xf32>
    tpu.vector_store %arg6[%swap3A_1438, %swap3A_1439], %swap3A_1442 {strides = array<i32>} : memref<128x16xf32, #tpu.memory_space<vmem>>, vector<1x16xf32>,
    %swap3A_1443 = arith.constant 112 : i32
    %swap3A_1444 = arith.index_cast %swap3A_1443 : i32 to index
    %swap3A_1445 = arith.constant 0 : index
    %swap3A_1446 = tpu.vector_load %arg6[%swap3A_1444, %swap3A_1445] {strides = array<i32>} : memref<128x16xf32, #tpu.memory_space<vmem>>, vector<1x16xf32>,
    %swap3A_1447 = vector.shape_cast %swap3A_1446 : vector<1x16xf32> to vector<16xf32>
    %swap3A_1448 = vector.shape_cast %broadcast_in_dim3A_3 : vector<16xf32> to vector<1x16xf32>
    tpu.vector_store %arg6[%swap3A_1444, %swap3A_1445], %swap3A_1448 {strides = array<i32>} : memref<128x16xf32, #tpu.memory_space<vmem>>, vector<1x16xf32>,
    %swap3A_1449 = arith.constant 113 : i32
    %swap3A_1450 = arith.index_cast %swap3A_1449 : i32 to index
    %swap3A_1451 = arith.constant 0 : index
    %swap3A_1452 = tpu.vector_load %arg6[%swap3A_1450, %swap3A_1451] {strides = array<i32>} : memref<128x16xf32, #tpu.memory_space<vmem>>, vector<1x16xf32>,
    %swap3A_1453 = vector.shape_cast %swap3A_1452 : vector<1x16xf32> to vector<16xf32>
    %swap3A_1454 = vector.shape_cast %broadcast_in_dim3A_3 : vector<16xf32> to vector<1x16xf32>
    tpu.vector_store %arg6[%swap3A_1450, %swap3A_1451], %swap3A_1454 {strides = array<i32>} : memref<128x16xf32, #tpu.memory_space<vmem>>, vector<1x16xf32>,
    %swap3A_1455 = arith.constant 114 : i32
    %swap3A_1456 = arith.index_cast %swap3A_1455 : i32 to index
    %swap3A_1457 = arith.constant 0 : index
    %swap3A_1458 = tpu.vector_load %arg6[%swap3A_1456, %swap3A_1457] {strides = array<i32>} : memref<128x16xf32, #tpu.memory_space<vmem>>, vector<1x16xf32>,
    %swap3A_1459 = vector.shape_cast %swap3A_1458 : vector<1x16xf32> to vector<16xf32>
    %swap3A_1460 = vector.shape_cast %broadcast_in_dim3A_3 : vector<16xf32> to vector<1x16xf32>
    tpu.vector_store %arg6[%swap3A_1456, %swap3A_1457], %swap3A_1460 {strides = array<i32>} : memref<128x16xf32, #tpu.memory_space<vmem>>, vector<1x16xf32>,
    %swap3A_1461 = arith.constant 115 : i32
    %swap3A_1462 = arith.index_cast %swap3A_1461 : i32 to index
    %swap3A_1463 = arith.constant 0 : index
    %swap3A_1464 = tpu.vector_load %arg6[%swap3A_1462, %swap3A_1463] {strides = array<i32>} : memref<128x16xf32, #tpu.memory_space<vmem>>, vector<1x16xf32>,
    %swap3A_1465 = vector.shape_cast %swap3A_1464 : vector<1x16xf32> to vector<16xf32>
    %swap3A_1466 = vector.shape_cast %broadcast_in_dim3A_3 : vector<16xf32> to vector<1x16xf32>
    tpu.vector_store %arg6[%swap3A_1462, %swap3A_1463], %swap3A_1466 {strides = array<i32>} : memref<128x16xf32, #tpu.memory_space<vmem>>, vector<1x16xf32>,
    %swap3A_1467 = arith.constant 116 : i32
    %swap3A_1468 = arith.index_cast %swap3A_1467 : i32 to index
    %swap3A_1469 = arith.constant 0 : index
    %swap3A_1470 = tpu.vector_load %arg6[%swap3A_1468, %swap3A_1469] {strides = array<i32>} : memref<128x16xf32, #tpu.memory_space<vmem>>, vector<1x16xf32>,
    %swap3A_1471 = vector.shape_cast %swap3A_1470 : vector<1x16xf32> to vector<16xf32>
    %swap3A_1472 = vector.shape_cast %broadcast_in_dim3A_3 : vector<16xf32> to vector<1x16xf32>
    tpu.vector_store %arg6[%swap3A_1468, %swap3A_1469], %swap3A_1472 {strides = array<i32>} : memref<128x16xf32, #tpu.memory_space<vmem>>, vector<1x16xf32>,
    %swap3A_1473 = arith.constant 117 : i32
    %swap3A_1474 = arith.index_cast %swap3A_1473 : i32 to index
    %swap3A_1475 = arith.constant 0 : index
    %swap3A_1476 = tpu.vector_load %arg6[%swap3A_1474, %swap3A_1475] {strides = array<i32>} : memref<128x16xf32, #tpu.memory_space<vmem>>, vector<1x16xf32>,
    %swap3A_1477 = vector.shape_cast %swap3A_1476 : vector<1x16xf32> to vector<16xf32>
    %swap3A_1478 = vector.shape_cast %broadcast_in_dim3A_3 : vector<16xf32> to vector<1x16xf32>
    tpu.vector_store %arg6[%swap3A_1474, %swap3A_1475], %swap3A_1478 {strides = array<i32>} : memref<128x16xf32, #tpu.memory_space<vmem>>, vector<1x16xf32>,
    %swap3A_1479 = arith.constant 118 : i32
    %swap3A_1480 = arith.index_cast %swap3A_1479 : i32 to index
    %swap3A_1481 = arith.constant 0 : index
    %swap3A_1482 = tpu.vector_load %arg6[%swap3A_1480, %swap3A_1481] {strides = array<i32>} : memref<128x16xf32, #tpu.memory_space<vmem>>, vector<1x16xf32>,
    %swap3A_1483 = vector.shape_cast %swap3A_1482 : vector<1x16xf32> to vector<16xf32>
    %swap3A_1484 = vector.shape_cast %broadcast_in_dim3A_3 : vector<16xf32> to vector<1x16xf32>
    tpu.vector_store %arg6[%swap3A_1480, %swap3A_1481], %swap3A_1484 {strides = array<i32>} : memref<128x16xf32, #tpu.memory_space<vmem>>, vector<1x16xf32>,
    %swap3A_1485 = arith.constant 119 : i32
    %swap3A_1486 = arith.index_cast %swap3A_1485 : i32 to index
    %swap3A_1487 = arith.constant 0 : index
    %swap3A_1488 = tpu.vector_load %arg6[%swap3A_1486, %swap3A_1487] {strides = array<i32>} : memref<128x16xf32, #tpu.memory_space<vmem>>, vector<1x16xf32>,
    %swap3A_1489 = vector.shape_cast %swap3A_1488 : vector<1x16xf32> to vector<16xf32>
    %swap3A_1490 = vector.shape_cast %broadcast_in_dim3A_3 : vector<16xf32> to vector<1x16xf32>
    tpu.vector_store %arg6[%swap3A_1486, %swap3A_1487], %swap3A_1490 {strides = array<i32>} : memref<128x16xf32, #tpu.memory_space<vmem>>, vector<1x16xf32>,
    %swap3A_1491 = arith.constant 120 : i32
    %swap3A_1492 = arith.index_cast %swap3A_1491 : i32 to index
    %swap3A_1493 = arith.constant 0 : index
    %swap3A_1494 = tpu.vector_load %arg6[%swap3A_1492, %swap3A_1493] {strides = array<i32>} : memref<128x16xf32, #tpu.memory_space<vmem>>, vector<1x16xf32>,
    %swap3A_1495 = vector.shape_cast %swap3A_1494 : vector<1x16xf32> to vector<16xf32>
    %swap3A_1496 = vector.shape_cast %broadcast_in_dim3A_3 : vector<16xf32> to vector<1x16xf32>
    tpu.vector_store %arg6[%swap3A_1492, %swap3A_1493], %swap3A_1496 {strides = array<i32>} : memref<128x16xf32, #tpu.memory_space<vmem>>, vector<1x16xf32>,
    %swap3A_1497 = arith.constant 121 : i32
    %swap3A_1498 = arith.index_cast %swap3A_1497 : i32 to index
    %swap3A_1499 = arith.constant 0 : index
    %swap3A_1500 = tpu.vector_load %arg6[%swap3A_1498, %swap3A_1499] {strides = array<i32>} : memref<128x16xf32, #tpu.memory_space<vmem>>, vector<1x16xf32>,
    %swap3A_1501 = vector.shape_cast %swap3A_1500 : vector<1x16xf32> to vector<16xf32>
    %swap3A_1502 = vector.shape_cast %broadcast_in_dim3A_3 : vector<16xf32> to vector<1x16xf32>
    tpu.vector_store %arg6[%swap3A_1498, %swap3A_1499], %swap3A_1502 {strides = array<i32>} : memref<128x16xf32, #tpu.memory_space<vmem>>, vector<1x16xf32>,
    %swap3A_1503 = arith.constant 122 : i32
    %swap3A_1504 = arith.index_cast %swap3A_1503 : i32 to index
    %swap3A_1505 = arith.constant 0 : index
    %swap3A_1506 = tpu.vector_load %arg6[%swap3A_1504, %swap3A_1505] {strides = array<i32>} : memref<128x16xf32, #tpu.memory_space<vmem>>, vector<1x16xf32>,
    %swap3A_1507 = vector.shape_cast %swap3A_1506 : vector<1x16xf32> to vector<16xf32>
    %swap3A_1508 = vector.shape_cast %broadcast_in_dim3A_3 : vector<16xf32> to vector<1x16xf32>
    tpu.vector_store %arg6[%swap3A_1504, %swap3A_1505], %swap3A_1508 {strides = array<i32>} : memref<128x16xf32, #tpu.memory_space<vmem>>, vector<1x16xf32>,
    %swap3A_1509 = arith.constant 123 : i32
    %swap3A_1510 = arith.index_cast %swap3A_1509 : i32 to index
    %swap3A_1511 = arith.constant 0 : index
    %swap3A_1512 = tpu.vector_load %arg6[%swap3A_1510, %swap3A_1511] {strides = array<i32>} : memref<128x16xf32, #tpu.memory_space<vmem>>, vector<1x16xf32>,
    %swap3A_1513 = vector.shape_cast %swap3A_1512 : vector<1x16xf32> to vector<16xf32>
    %swap3A_1514 = vector.shape_cast %broadcast_in_dim3A_3 : vector<16xf32> to vector<1x16xf32>
    tpu.vector_store %arg6[%swap3A_1510, %swap3A_1511], %swap3A_1514 {strides = array<i32>} : memref<128x16xf32, #tpu.memory_space<vmem>>, vector<1x16xf32>,
    %swap3A_1515 = arith.constant 124 : i32
    %swap3A_1516 = arith.index_cast %swap3A_1515 : i32 to index
    %swap3A_1517 = arith.constant 0 : index
    %swap3A_1518 = tpu.vector_load %arg6[%swap3A_1516, %swap3A_1517] {strides = array<i32>} : memref<128x16xf32, #tpu.memory_space<vmem>>, vector<1x16xf32>,
    %swap3A_1519 = vector.shape_cast %swap3A_1518 : vector<1x16xf32> to vector<16xf32>
    %swap3A_1520 = vector.shape_cast %broadcast_in_dim3A_3 : vector<16xf32> to vector<1x16xf32>
    tpu.vector_store %arg6[%swap3A_1516, %swap3A_1517], %swap3A_1520 {strides = array<i32>} : memref<128x16xf32, #tpu.memory_space<vmem>>, vector<1x16xf32>,
    %swap3A_1521 = arith.constant 125 : i32
    %swap3A_1522 = arith.index_cast %swap3A_1521 : i32 to index
    %swap3A_1523 = arith.constant 0 : index
    %swap3A_1524 = tpu.vector_load %arg6[%swap3A_1522, %swap3A_1523] {strides = array<i32>} : memref<128x16xf32, #tpu.memory_space<vmem>>, vector<1x16xf32>,
    %swap3A_1525 = vector.shape_cast %swap3A_1524 : vector<1x16xf32> to vector<16xf32>
    %swap3A_1526 = vector.shape_cast %broadcast_in_dim3A_3 : vector<16xf32> to vector<1x16xf32>
    tpu.vector_store %arg6[%swap3A_1522, %swap3A_1523], %swap3A_1526 {strides = array<i32>} : memref<128x16xf32, #tpu.memory_space<vmem>>, vector<1x16xf32>,
    %swap3A_1527 = arith.constant 126 : i32
    %swap3A_1528 = arith.index_cast %swap3A_1527 : i32 to index
    %swap3A_1529 = arith.constant 0 : index
    %swap3A_1530 = tpu.vector_load %arg6[%swap3A_1528, %swap3A_1529] {strides = array<i32>} : memref<128x16xf32, #tpu.memory_space<vmem>>, vector<1x16xf32>,
    %swap3A_1531 = vector.shape_cast %swap3A_1530 : vector<1x16xf32> to vector<16xf32>
    %swap3A_1532 = vector.shape_cast %broadcast_in_dim3A_3 : vector<16xf32> to vector<1x16xf32>
    tpu.vector_store %arg6[%swap3A_1528, %swap3A_1529], %swap3A_1532 {strides = array<i32>} : memref<128x16xf32, #tpu.memory_space<vmem>>, vector<1x16xf32>,
    %swap3A_1533 = arith.constant 127 : i32
    %swap3A_1534 = arith.index_cast %swap3A_1533 : i32 to index
    %swap3A_1535 = arith.constant 0 : index
    %swap3A_1536 = tpu.vector_load %arg6[%swap3A_1534, %swap3A_1535] {strides = array<i32>} : memref<128x16xf32, #tpu.memory_space<vmem>>, vector<1x16xf32>,
    %swap3A_1537 = vector.shape_cast %swap3A_1536 : vector<1x16xf32> to vector<16xf32>
    %swap3A_1538 = vector.shape_cast %broadcast_in_dim3A_3 : vector<16xf32> to vector<1x16xf32>
    tpu.vector_store %arg6[%swap3A_1534, %swap3A_1535], %swap3A_1538 {strides = array<i32>} : memref<128x16xf32, #tpu.memory_space<vmem>>, vector<1x16xf32>,
    %mul3A_1539 = arith.constant 640 : i32
    %mul3A_1540 = arith.muli %arg1, %mul3A_1539 : i32
    %add3A_1541 = arith.constant 0 : i32
    %add3A_1542 = arith.addi %mul3A_1540, %add3A_1541 : i32
    "tpu.region"() ({
      %run_scoped3A = tpu.sem_alloc : memref<!tpu.dma_semaphore, #tpu.memory_space<semaphore_mem>>
      %dma_start3A = arith.constant 0 : i32
      %dma_start3A_1585 = tpu.memref_slice %arg4[%add3A_1542, %dma_start3A] : memref<10240x16xf32, #tpu.memory_space<vmem_shared>> -> memref<128x16xf32, #tpu.memory_space<vmem_shared>>
      %dma_start3A_1586 = arith.constant 0 : i32
      %dma_start3A_1587 = tpu.memref_slice %arg4[%add3A_1542, %dma_start3A_1586] : memref<10240x16xf32, #tpu.memory_space<vmem_shared>> -> memref<128x16xf32, #tpu.memory_space<vmem_shared>>
      tpu.enqueue_dma source(%arg7 : memref<128x16xf32, #tpu.memory_space<vmem>>) target(%dma_start3A_1587 : memref<128x16xf32, #tpu.memory_space<vmem_shared>>) target_semaphore(%run_scoped3A : memref<!tpu.dma_semaphore, #tpu.memory_space<semaphore_mem>>)
      %dma_wait3A = arith.constant 0 : i32
      %dma_wait3A_1588 = tpu.memref_slice %arg4[%add3A_1542, %dma_wait3A] : memref<10240x16xf32, #tpu.memory_space<vmem_shared>> -> memref<128x16xf32, #tpu.memory_space<vmem_shared>>
      %dma_wait3A_1589 = arith.constant 0 : i32
      %dma_wait3A_1590 = tpu.memref_slice %arg4[%add3A_1542, %dma_wait3A_1589] : memref<10240x16xf32, #tpu.memory_space<vmem_shared>> -> memref<128x16xf32, #tpu.memory_space<vmem_shared>>
      tpu.wait_dma2 semaphore(%run_scoped3A : memref<!tpu.dma_semaphore, #tpu.memory_space<semaphore_mem>>) src(%arg7 : memref<128x16xf32, #tpu.memory_space<vmem>>) dst(%dma_wait3A_1590 : memref<128x16xf32, #tpu.memory_space<vmem_shared>>)
      tpu.yield
    }) : () -> ()
    %add3A_1543 = arith.constant 128 : i32
    %add3A_1544 = arith.addi %mul3A_1540, %add3A_1543 : i32
    "tpu.region"() ({
      %run_scoped3A = tpu.sem_alloc : memref<!tpu.dma_semaphore, #tpu.memory_space<semaphore_mem>>
      %dma_start3A = arith.constant 0 : i32
      %dma_start3A_1585 = tpu.memref_slice %arg4[%add3A_1544, %dma_start3A] : memref<10240x16xf32, #tpu.memory_space<vmem_shared>> -> memref<128x16xf32, #tpu.memory_space<vmem_shared>>
      %dma_start3A_1586 = arith.constant 0 : i32
      %dma_start3A_1587 = tpu.memref_slice %arg4[%add3A_1544, %dma_start3A_1586] : memref<10240x16xf32, #tpu.memory_space<vmem_shared>> -> memref<128x16xf32, #tpu.memory_space<vmem_shared>>
      tpu.enqueue_dma source(%arg7 : memref<128x16xf32, #tpu.memory_space<vmem>>) target(%dma_start3A_1587 : memref<128x16xf32, #tpu.memory_space<vmem_shared>>) target_semaphore(%run_scoped3A : memref<!tpu.dma_semaphore, #tpu.memory_space<semaphore_mem>>)
      %dma_wait3A = arith.constant 0 : i32
      %dma_wait3A_1588 = tpu.memref_slice %arg4[%add3A_1544, %dma_wait3A] : memref<10240x16xf32, #tpu.memory_space<vmem_shared>> -> memref<128x16xf32, #tpu.memory_space<vmem_shared>>
      %dma_wait3A_1589 = arith.constant 0 : i32
      %dma_wait3A_1590 = tpu.memref_slice %arg4[%add3A_1544, %dma_wait3A_1589] : memref<10240x16xf32, #tpu.memory_space<vmem_shared>> -> memref<128x16xf32, #tpu.memory_space<vmem_shared>>
      tpu.wait_dma2 semaphore(%run_scoped3A : memref<!tpu.dma_semaphore, #tpu.memory_space<semaphore_mem>>) src(%arg7 : memref<128x16xf32, #tpu.memory_space<vmem>>) dst(%dma_wait3A_1590 : memref<128x16xf32, #tpu.memory_space<vmem_shared>>)
      tpu.yield
    }) : () -> ()
    %add3A_1545 = arith.constant 256 : i32
    %add3A_1546 = arith.addi %mul3A_1540, %add3A_1545 : i32
    "tpu.region"() ({
      %run_scoped3A = tpu.sem_alloc : memref<!tpu.dma_semaphore, #tpu.memory_space<semaphore_mem>>
      %dma_start3A = arith.constant 0 : i32
      %dma_start3A_1585 = tpu.memref_slice %arg4[%add3A_1546, %dma_start3A] : memref<10240x16xf32, #tpu.memory_space<vmem_shared>> -> memref<128x16xf32, #tpu.memory_space<vmem_shared>>
      %dma_start3A_1586 = arith.constant 0 : i32
      %dma_start3A_1587 = tpu.memref_slice %arg4[%add3A_1546, %dma_start3A_1586] : memref<10240x16xf32, #tpu.memory_space<vmem_shared>> -> memref<128x16xf32, #tpu.memory_space<vmem_shared>>
      tpu.enqueue_dma source(%arg7 : memref<128x16xf32, #tpu.memory_space<vmem>>) target(%dma_start3A_1587 : memref<128x16xf32, #tpu.memory_space<vmem_shared>>) target_semaphore(%run_scoped3A : memref<!tpu.dma_semaphore, #tpu.memory_space<semaphore_mem>>)
      %dma_wait3A = arith.constant 0 : i32
      %dma_wait3A_1588 = tpu.memref_slice %arg4[%add3A_1546, %dma_wait3A] : memref<10240x16xf32, #tpu.memory_space<vmem_shared>> -> memref<128x16xf32, #tpu.memory_space<vmem_shared>>
      %dma_wait3A_1589 = arith.constant 0 : i32
      %dma_wait3A_1590 = tpu.memref_slice %arg4[%add3A_1546, %dma_wait3A_1589] : memref<10240x16xf32, #tpu.memory_space<vmem_shared>> -> memref<128x16xf32, #tpu.memory_space<vmem_shared>>
      tpu.wait_dma2 semaphore(%run_scoped3A : memref<!tpu.dma_semaphore, #tpu.memory_space<semaphore_mem>>) src(%arg7 : memref<128x16xf32, #tpu.memory_space<vmem>>) dst(%dma_wait3A_1590 : memref<128x16xf32, #tpu.memory_space<vmem_shared>>)
      tpu.yield
    }) : () -> ()
    %add3A_1547 = arith.constant 384 : i32
    %add3A_1548 = arith.addi %mul3A_1540, %add3A_1547 : i32
    "tpu.region"() ({
      %run_scoped3A = tpu.sem_alloc : memref<!tpu.dma_semaphore, #tpu.memory_space<semaphore_mem>>
      %dma_start3A = arith.constant 0 : i32
      %dma_start3A_1585 = tpu.memref_slice %arg4[%add3A_1548, %dma_start3A] : memref<10240x16xf32, #tpu.memory_space<vmem_shared>> -> memref<128x16xf32, #tpu.memory_space<vmem_shared>>
      %dma_start3A_1586 = arith.constant 0 : i32
      %dma_start3A_1587 = tpu.memref_slice %arg4[%add3A_1548, %dma_start3A_1586] : memref<10240x16xf32, #tpu.memory_space<vmem_shared>> -> memref<128x16xf32, #tpu.memory_space<vmem_shared>>
      tpu.enqueue_dma source(%arg7 : memref<128x16xf32, #tpu.memory_space<vmem>>) target(%dma_start3A_1587 : memref<128x16xf32, #tpu.memory_space<vmem_shared>>) target_semaphore(%run_scoped3A : memref<!tpu.dma_semaphore, #tpu.memory_space<semaphore_mem>>)
      %dma_wait3A = arith.constant 0 : i32
      %dma_wait3A_1588 = tpu.memref_slice %arg4[%add3A_1548, %dma_wait3A] : memref<10240x16xf32, #tpu.memory_space<vmem_shared>> -> memref<128x16xf32, #tpu.memory_space<vmem_shared>>
      %dma_wait3A_1589 = arith.constant 0 : i32
      %dma_wait3A_1590 = tpu.memref_slice %arg4[%add3A_1548, %dma_wait3A_1589] : memref<10240x16xf32, #tpu.memory_space<vmem_shared>> -> memref<128x16xf32, #tpu.memory_space<vmem_shared>>
      tpu.wait_dma2 semaphore(%run_scoped3A : memref<!tpu.dma_semaphore, #tpu.memory_space<semaphore_mem>>) src(%arg7 : memref<128x16xf32, #tpu.memory_space<vmem>>) dst(%dma_wait3A_1590 : memref<128x16xf32, #tpu.memory_space<vmem_shared>>)
      tpu.yield
    }) : () -> ()
    %add3A_1549 = arith.constant 512 : i32
    %add3A_1550 = arith.addi %mul3A_1540, %add3A_1549 : i32
    "tpu.region"() ({
      %run_scoped3A = tpu.sem_alloc : memref<!tpu.dma_semaphore, #tpu.memory_space<semaphore_mem>>
      %dma_start3A = arith.constant 0 : i32
      %dma_start3A_1585 = tpu.memref_slice %arg4[%add3A_1550, %dma_start3A] : memref<10240x16xf32, #tpu.memory_space<vmem_shared>> -> memref<128x16xf32, #tpu.memory_space<vmem_shared>>
      %dma_start3A_1586 = arith.constant 0 : i32
      %dma_start3A_1587 = tpu.memref_slice %arg4[%add3A_1550, %dma_start3A_1586] : memref<10240x16xf32, #tpu.memory_space<vmem_shared>> -> memref<128x16xf32, #tpu.memory_space<vmem_shared>>
      tpu.enqueue_dma source(%arg7 : memref<128x16xf32, #tpu.memory_space<vmem>>) target(%dma_start3A_1587 : memref<128x16xf32, #tpu.memory_space<vmem_shared>>) target_semaphore(%run_scoped3A : memref<!tpu.dma_semaphore, #tpu.memory_space<semaphore_mem>>)
      %dma_wait3A = arith.constant 0 : i32
      %dma_wait3A_1588 = tpu.memref_slice %arg4[%add3A_1550, %dma_wait3A] : memref<10240x16xf32, #tpu.memory_space<vmem_shared>> -> memref<128x16xf32, #tpu.memory_space<vmem_shared>>
      %dma_wait3A_1589 = arith.constant 0 : i32
      %dma_wait3A_1590 = tpu.memref_slice %arg4[%add3A_1550, %dma_wait3A_1589] : memref<10240x16xf32, #tpu.memory_space<vmem_shared>> -> memref<128x16xf32, #tpu.memory_space<vmem_shared>>
      tpu.wait_dma2 semaphore(%run_scoped3A : memref<!tpu.dma_semaphore, #tpu.memory_space<semaphore_mem>>) src(%arg7 : memref<128x16xf32, #tpu.memory_space<vmem>>) dst(%dma_wait3A_1590 : memref<128x16xf32, #tpu.memory_space<vmem_shared>>)
      tpu.yield
    }) : () -> ()
    %barrier3A = arith.constant 0 : index
    tpu.barrier barrier_id(%barrier3A)
    %mul3A_1551 = arith.constant 40 : i32
    %mul3A_1552 = arith.muli %add3A, %mul3A_1551 : i32
    "tpu.region"() ({
      %run_scoped3A = tpu.sem_alloc : memref<!tpu.dma_semaphore, #tpu.memory_space<semaphore_mem>>
      %dma_start3A = arith.constant 0 : i32
      %dma_start3A_1585 = tpu.memref_slice %arg2[%mul3A_1552, %dma_start3A] : memref<1280x128xi32, #tpu.memory_space<hbm>> -> memref<40x128xi32, #tpu.memory_space<hbm>>
      %dma_start3A_1586 = arith.constant 0 : i32
      %dma_start3A_1587 = tpu.memref_slice %arg2[%mul3A_1552, %dma_start3A_1586] : memref<1280x128xi32, #tpu.memory_space<hbm>> -> memref<40x128xi32, #tpu.memory_space<hbm>>
      tpu.enqueue_dma source(%dma_start3A_1587 : memref<40x128xi32, #tpu.memory_space<hbm>>) target(%arg5 : memref<40x128xi32, #tpu.memory_space<vmem>>) target_semaphore(%run_scoped3A : memref<!tpu.dma_semaphore, #tpu.memory_space<semaphore_mem>>)
      %dma_wait3A = arith.constant 0 : i32
      %dma_wait3A_1588 = tpu.memref_slice %arg2[%mul3A_1552, %dma_wait3A] : memref<1280x128xi32, #tpu.memory_space<hbm>> -> memref<40x128xi32, #tpu.memory_space<hbm>>
      %dma_wait3A_1589 = arith.constant 0 : i32
      %dma_wait3A_1590 = tpu.memref_slice %arg2[%mul3A_1552, %dma_wait3A_1589] : memref<1280x128xi32, #tpu.memory_space<hbm>> -> memref<40x128xi32, #tpu.memory_space<hbm>>
      tpu.wait_dma2 semaphore(%run_scoped3A : memref<!tpu.dma_semaphore, #tpu.memory_space<semaphore_mem>>) src(%dma_wait3A_1590 : memref<40x128xi32, #tpu.memory_space<hbm>>) dst(%arg5 : memref<40x128xi32, #tpu.memory_space<vmem>>)
      tpu.yield
    }) : () -> ()
    %scan3A = arith.constant 0 : i32
    %scan3A_1553 = arith.constant 0 : i32
    %scan3A_1554 = arith.constant 40 : i32
    %scan3A_1555 = arith.addi %scan3A_1553, %scan3A_1554 : i32
    %scan3A_1556 = arith.constant 1 : i32
    %scan3A_1557 = scf.for %scan3A_1585 = %scan3A_1553 to %scan3A_1555 step %scan3A_1556 iter_args(%scan3A_1586 = %scan3A) -> (i32)  : i32 {
      "tpu.region"() ({
        %run_scoped3A = tpu.sem_alloc : memref<!tpu.dma_semaphore, #tpu.memory_space<semaphore_mem>>
        %dma_start3A = arith.constant 0 : i32
        %dma_start3A_1588 = tpu.memref_slice %arg5[%scan3A_1585, %dma_start3A] : memref<40x128xi32, #tpu.memory_space<vmem>> -> memref<1x128xi32, #tpu.memory_space<vmem>>
        %dma_start3A_1589 = tpu.memref_squeeze %dma_start3A_1588 : memref<1x128xi32, #tpu.memory_space<vmem>> -> memref<128xi32, #tpu.memory_space<vmem>>
        %dma_start3A_1590 = arith.constant 0 : i32
        %dma_start3A_1591 = arith.constant 0 : i32
        %dma_start3A_1592 = tpu.memref_slice %arg4[%dma_start3A_1590, %dma_start3A_1591] : memref<10240x16xf32, #tpu.memory_space<vmem_shared>> -> memref<10240x16xf32, #tpu.memory_space<vmem_shared>>
        tpu.enqueue_indirect_dma source(%arg6 : memref<128x16xf32, #tpu.memory_space<vmem>>) target(%dma_start3A_1592 : memref<10240x16xf32, #tpu.memory_space<vmem_shared>>) offsets(%dma_start3A_1589 : memref<128xi32, #tpu.memory_space<vmem>>) semaphore(%run_scoped3A : memref<!tpu.dma_semaphore, #tpu.memory_space<semaphore_mem>>) {add = true}
        %dma_wait3A = arith.constant 0 : i32
        %dma_wait3A_1593 = tpu.memref_slice %arg5[%scan3A_1585, %dma_wait3A] : memref<40x128xi32, #tpu.memory_space<vmem>> -> memref<1x128xi32, #tpu.memory_space<vmem>>
        %dma_wait3A_1594 = tpu.memref_squeeze %dma_wait3A_1593 : memref<1x128xi32, #tpu.memory_space<vmem>> -> memref<128xi32, #tpu.memory_space<vmem>>
        %dma_wait3A_1595 = arith.constant 0 : i32
        %dma_wait3A_1596 = arith.constant 0 : i32
        %dma_wait3A_1597 = tpu.memref_slice %arg4[%dma_wait3A_1595, %dma_wait3A_1596] : memref<10240x16xf32, #tpu.memory_space<vmem_shared>> -> memref<10240x16xf32, #tpu.memory_space<vmem_shared>>
        tpu.wait_indirect_dma semaphore(%run_scoped3A : memref<!tpu.dma_semaphore, #tpu.memory_space<semaphore_mem>>) src(%arg6 : memref<128x16xf32, #tpu.memory_space<vmem>>) dst(%dma_wait3A_1597 : memref<10240x16xf32, #tpu.memory_space<vmem_shared>>)
        tpu.yield
      }) : () -> ()
      %scan3A_1587 = arith.constant 0 : i32
      scf.yield %scan3A_1587 : i32
    }
    %scan3A_1558 = arith.constant 40 : i32
    %barrier3A_1559 = arith.constant 0 : index
    tpu.barrier barrier_id(%barrier3A_1559)
    %add3A_1560 = arith.constant 0 : i32
    %add3A_1561 = arith.addi %mul3A_1540, %add3A_1560 : i32
    "tpu.region"() ({
      %run_scoped3A = tpu.sem_alloc : memref<!tpu.dma_semaphore, #tpu.memory_space<semaphore_mem>>
      %dma_start3A = arith.constant 0 : i32
      %dma_start3A_1585 = tpu.memref_slice %arg4[%add3A_1561, %dma_start3A] : memref<10240x16xf32, #tpu.memory_space<vmem_shared>> -> memref<128x16xf32, #tpu.memory_space<vmem_shared>>
      %dma_start3A_1586 = arith.constant 0 : i32
      %dma_start3A_1587 = tpu.memref_slice %arg4[%add3A_1561, %dma_start3A_1586] : memref<10240x16xf32, #tpu.memory_space<vmem_shared>> -> memref<128x16xf32, #tpu.memory_space<vmem_shared>>
      tpu.enqueue_dma source(%dma_start3A_1587 : memref<128x16xf32, #tpu.memory_space<vmem_shared>>) target(%arg7 : memref<128x16xf32, #tpu.memory_space<vmem>>) target_semaphore(%run_scoped3A : memref<!tpu.dma_semaphore, #tpu.memory_space<semaphore_mem>>)
      %dma_wait3A = arith.constant 0 : i32
      %dma_wait3A_1588 = tpu.memref_slice %arg4[%add3A_1561, %dma_wait3A] : memref<10240x16xf32, #tpu.memory_space<vmem_shared>> -> memref<128x16xf32, #tpu.memory_space<vmem_shared>>
      %dma_wait3A_1589 = arith.constant 0 : i32
      %dma_wait3A_1590 = tpu.memref_slice %arg4[%add3A_1561, %dma_wait3A_1589] : memref<10240x16xf32, #tpu.memory_space<vmem_shared>> -> memref<128x16xf32, #tpu.memory_space<vmem_shared>>
      tpu.wait_dma2 semaphore(%run_scoped3A : memref<!tpu.dma_semaphore, #tpu.memory_space<semaphore_mem>>) src(%dma_wait3A_1590 : memref<128x16xf32, #tpu.memory_space<vmem_shared>>) dst(%arg7 : memref<128x16xf32, #tpu.memory_space<vmem>>)
      tpu.yield
    }) : () -> ()
    %mul3A_1562 = arith.constant 10240 : i32
    %mul3A_1563 = arith.muli %arg0, %mul3A_1562 : i32
    %add3A_1564 = arith.addi %mul3A_1563, %add3A_1561 : i32
    "tpu.region"() ({
      %run_scoped3A = tpu.sem_alloc : memref<!tpu.dma_semaphore, #tpu.memory_space<semaphore_mem>>
      %dma_start3A = arith.constant 0 : i32
      %dma_start3A_1585 = tpu.memref_slice %arg3[%add3A_1564, %dma_start3A] : memref<20480x16xf32, #tpu.memory_space<hbm>> -> memref<128x16xf32, #tpu.memory_space<hbm>>
      %dma_start3A_1586 = arith.constant 0 : i32
      %dma_start3A_1587 = tpu.memref_slice %arg3[%add3A_1564, %dma_start3A_1586] : memref<20480x16xf32, #tpu.memory_space<hbm>> -> memref<128x16xf32, #tpu.memory_space<hbm>>
      tpu.enqueue_dma source(%arg7 : memref<128x16xf32, #tpu.memory_space<vmem>>) target(%dma_start3A_1587 : memref<128x16xf32, #tpu.memory_space<hbm>>) target_semaphore(%run_scoped3A : memref<!tpu.dma_semaphore, #tpu.memory_space<semaphore_mem>>)
      %dma_wait3A = arith.constant 0 : i32
      %dma_wait3A_1588 = tpu.memref_slice %arg3[%add3A_1564, %dma_wait3A] : memref<20480x16xf32, #tpu.memory_space<hbm>> -> memref<128x16xf32, #tpu.memory_space<hbm>>
      %dma_wait3A_1589 = arith.constant 0 : i32
      %dma_wait3A_1590 = tpu.memref_slice %arg3[%add3A_1564, %dma_wait3A_1589] : memref<20480x16xf32, #tpu.memory_space<hbm>> -> memref<128x16xf32, #tpu.memory_space<hbm>>
      tpu.wait_dma2 semaphore(%run_scoped3A : memref<!tpu.dma_semaphore, #tpu.memory_space<semaphore_mem>>) src(%arg7 : memref<128x16xf32, #tpu.memory_space<vmem>>) dst(%dma_wait3A_1590 : memref<128x16xf32, #tpu.memory_space<hbm>>)
      tpu.yield
    }) : () -> ()
    %add3A_1565 = arith.constant 128 : i32
    %add3A_1566 = arith.addi %mul3A_1540, %add3A_1565 : i32
    "tpu.region"() ({
      %run_scoped3A = tpu.sem_alloc : memref<!tpu.dma_semaphore, #tpu.memory_space<semaphore_mem>>
      %dma_start3A = arith.constant 0 : i32
      %dma_start3A_1585 = tpu.memref_slice %arg4[%add3A_1566, %dma_start3A] : memref<10240x16xf32, #tpu.memory_space<vmem_shared>> -> memref<128x16xf32, #tpu.memory_space<vmem_shared>>
      %dma_start3A_1586 = arith.constant 0 : i32
      %dma_start3A_1587 = tpu.memref_slice %arg4[%add3A_1566, %dma_start3A_1586] : memref<10240x16xf32, #tpu.memory_space<vmem_shared>> -> memref<128x16xf32, #tpu.memory_space<vmem_shared>>
      tpu.enqueue_dma source(%dma_start3A_1587 : memref<128x16xf32, #tpu.memory_space<vmem_shared>>) target(%arg7 : memref<128x16xf32, #tpu.memory_space<vmem>>) target_semaphore(%run_scoped3A : memref<!tpu.dma_semaphore, #tpu.memory_space<semaphore_mem>>)
      %dma_wait3A = arith.constant 0 : i32
      %dma_wait3A_1588 = tpu.memref_slice %arg4[%add3A_1566, %dma_wait3A] : memref<10240x16xf32, #tpu.memory_space<vmem_shared>> -> memref<128x16xf32, #tpu.memory_space<vmem_shared>>
      %dma_wait3A_1589 = arith.constant 0 : i32
      %dma_wait3A_1590 = tpu.memref_slice %arg4[%add3A_1566, %dma_wait3A_1589] : memref<10240x16xf32, #tpu.memory_space<vmem_shared>> -> memref<128x16xf32, #tpu.memory_space<vmem_shared>>
      tpu.wait_dma2 semaphore(%run_scoped3A : memref<!tpu.dma_semaphore, #tpu.memory_space<semaphore_mem>>) src(%dma_wait3A_1590 : memref<128x16xf32, #tpu.memory_space<vmem_shared>>) dst(%arg7 : memref<128x16xf32, #tpu.memory_space<vmem>>)
      tpu.yield
    }) : () -> ()
    %mul3A_1567 = arith.constant 10240 : i32
    %mul3A_1568 = arith.muli %arg0, %mul3A_1567 : i32
    %add3A_1569 = arith.addi %mul3A_1568, %add3A_1566 : i32
    "tpu.region"() ({
      %run_scoped3A = tpu.sem_alloc : memref<!tpu.dma_semaphore, #tpu.memory_space<semaphore_mem>>
      %dma_start3A = arith.constant 0 : i32
      %dma_start3A_1585 = tpu.memref_slice %arg3[%add3A_1569, %dma_start3A] : memref<20480x16xf32, #tpu.memory_space<hbm>> -> memref<128x16xf32, #tpu.memory_space<hbm>>
      %dma_start3A_1586 = arith.constant 0 : i32
      %dma_start3A_1587 = tpu.memref_slice %arg3[%add3A_1569, %dma_start3A_1586] : memref<20480x16xf32, #tpu.memory_space<hbm>> -> memref<128x16xf32, #tpu.memory_space<hbm>>
      tpu.enqueue_dma source(%arg7 : memref<128x16xf32, #tpu.memory_space<vmem>>) target(%dma_start3A_1587 : memref<128x16xf32, #tpu.memory_space<hbm>>) target_semaphore(%run_scoped3A : memref<!tpu.dma_semaphore, #tpu.memory_space<semaphore_mem>>)
      %dma_wait3A = arith.constant 0 : i32
      %dma_wait3A_1588 = tpu.memref_slice %arg3[%add3A_1569, %dma_wait3A] : memref<20480x16xf32, #tpu.memory_space<hbm>> -> memref<128x16xf32, #tpu.memory_space<hbm>>
      %dma_wait3A_1589 = arith.constant 0 : i32
      %dma_wait3A_1590 = tpu.memref_slice %arg3[%add3A_1569, %dma_wait3A_1589] : memref<20480x16xf32, #tpu.memory_space<hbm>> -> memref<128x16xf32, #tpu.memory_space<hbm>>
      tpu.wait_dma2 semaphore(%run_scoped3A : memref<!tpu.dma_semaphore, #tpu.memory_space<semaphore_mem>>) src(%arg7 : memref<128x16xf32, #tpu.memory_space<vmem>>) dst(%dma_wait3A_1590 : memref<128x16xf32, #tpu.memory_space<hbm>>)
      tpu.yield
    }) : () -> ()
    %add3A_1570 = arith.constant 256 : i32
    %add3A_1571 = arith.addi %mul3A_1540, %add3A_1570 : i32
    "tpu.region"() ({
      %run_scoped3A = tpu.sem_alloc : memref<!tpu.dma_semaphore, #tpu.memory_space<semaphore_mem>>
      %dma_start3A = arith.constant 0 : i32
      %dma_start3A_1585 = tpu.memref_slice %arg4[%add3A_1571, %dma_start3A] : memref<10240x16xf32, #tpu.memory_space<vmem_shared>> -> memref<128x16xf32, #tpu.memory_space<vmem_shared>>
      %dma_start3A_1586 = arith.constant 0 : i32
      %dma_start3A_1587 = tpu.memref_slice %arg4[%add3A_1571, %dma_start3A_1586] : memref<10240x16xf32, #tpu.memory_space<vmem_shared>> -> memref<128x16xf32, #tpu.memory_space<vmem_shared>>
      tpu.enqueue_dma source(%dma_start3A_1587 : memref<128x16xf32, #tpu.memory_space<vmem_shared>>) target(%arg7 : memref<128x16xf32, #tpu.memory_space<vmem>>) target_semaphore(%run_scoped3A : memref<!tpu.dma_semaphore, #tpu.memory_space<semaphore_mem>>)
      %dma_wait3A = arith.constant 0 : i32
      %dma_wait3A_1588 = tpu.memref_slice %arg4[%add3A_1571, %dma_wait3A] : memref<10240x16xf32, #tpu.memory_space<vmem_shared>> -> memref<128x16xf32, #tpu.memory_space<vmem_shared>>
      %dma_wait3A_1589 = arith.constant 0 : i32
      %dma_wait3A_1590 = tpu.memref_slice %arg4[%add3A_1571, %dma_wait3A_1589] : memref<10240x16xf32, #tpu.memory_space<vmem_shared>> -> memref<128x16xf32, #tpu.memory_space<vmem_shared>>
      tpu.wait_dma2 semaphore(%run_scoped3A : memref<!tpu.dma_semaphore, #tpu.memory_space<semaphore_mem>>) src(%dma_wait3A_1590 : memref<128x16xf32, #tpu.memory_space<vmem_shared>>) dst(%arg7 : memref<128x16xf32, #tpu.memory_space<vmem>>)
      tpu.yield
    }) : () -> ()
    %mul3A_1572 = arith.constant 10240 : i32
    %mul3A_1573 = arith.muli %arg0, %mul3A_1572 : i32
    %add3A_1574 = arith.addi %mul3A_1573, %add3A_1571 : i32
    "tpu.region"() ({
      %run_scoped3A = tpu.sem_alloc : memref<!tpu.dma_semaphore, #tpu.memory_space<semaphore_mem>>
      %dma_start3A = arith.constant 0 : i32
      %dma_start3A_1585 = tpu.memref_slice %arg3[%add3A_1574, %dma_start3A] : memref<20480x16xf32, #tpu.memory_space<hbm>> -> memref<128x16xf32, #tpu.memory_space<hbm>>
      %dma_start3A_1586 = arith.constant 0 : i32
      %dma_start3A_1587 = tpu.memref_slice %arg3[%add3A_1574, %dma_start3A_1586] : memref<20480x16xf32, #tpu.memory_space<hbm>> -> memref<128x16xf32, #tpu.memory_space<hbm>>
      tpu.enqueue_dma source(%arg7 : memref<128x16xf32, #tpu.memory_space<vmem>>) target(%dma_start3A_1587 : memref<128x16xf32, #tpu.memory_space<hbm>>) target_semaphore(%run_scoped3A : memref<!tpu.dma_semaphore, #tpu.memory_space<semaphore_mem>>)
      %dma_wait3A = arith.constant 0 : i32
      %dma_wait3A_1588 = tpu.memref_slice %arg3[%add3A_1574, %dma_wait3A] : memref<20480x16xf32, #tpu.memory_space<hbm>> -> memref<128x16xf32, #tpu.memory_space<hbm>>
      %dma_wait3A_1589 = arith.constant 0 : i32
      %dma_wait3A_1590 = tpu.memref_slice %arg3[%add3A_1574, %dma_wait3A_1589] : memref<20480x16xf32, #tpu.memory_space<hbm>> -> memref<128x16xf32, #tpu.memory_space<hbm>>
      tpu.wait_dma2 semaphore(%run_scoped3A : memref<!tpu.dma_semaphore, #tpu.memory_space<semaphore_mem>>) src(%arg7 : memref<128x16xf32, #tpu.memory_space<vmem>>) dst(%dma_wait3A_1590 : memref<128x16xf32, #tpu.memory_space<hbm>>)
      tpu.yield
    }) : () -> ()
    %add3A_1575 = arith.constant 384 : i32
    %add3A_1576 = arith.addi %mul3A_1540, %add3A_1575 : i32
    "tpu.region"() ({
      %run_scoped3A = tpu.sem_alloc : memref<!tpu.dma_semaphore, #tpu.memory_space<semaphore_mem>>
      %dma_start3A = arith.constant 0 : i32
      %dma_start3A_1585 = tpu.memref_slice %arg4[%add3A_1576, %dma_start3A] : memref<10240x16xf32, #tpu.memory_space<vmem_shared>> -> memref<128x16xf32, #tpu.memory_space<vmem_shared>>
      %dma_start3A_1586 = arith.constant 0 : i32
      %dma_start3A_1587 = tpu.memref_slice %arg4[%add3A_1576, %dma_start3A_1586] : memref<10240x16xf32, #tpu.memory_space<vmem_shared>> -> memref<128x16xf32, #tpu.memory_space<vmem_shared>>
      tpu.enqueue_dma source(%dma_start3A_1587 : memref<128x16xf32, #tpu.memory_space<vmem_shared>>) target(%arg7 : memref<128x16xf32, #tpu.memory_space<vmem>>) target_semaphore(%run_scoped3A : memref<!tpu.dma_semaphore, #tpu.memory_space<semaphore_mem>>)
      %dma_wait3A = arith.constant 0 : i32
      %dma_wait3A_1588 = tpu.memref_slice %arg4[%add3A_1576, %dma_wait3A] : memref<10240x16xf32, #tpu.memory_space<vmem_shared>> -> memref<128x16xf32, #tpu.memory_space<vmem_shared>>
      %dma_wait3A_1589 = arith.constant 0 : i32
      %dma_wait3A_1590 = tpu.memref_slice %arg4[%add3A_1576, %dma_wait3A_1589] : memref<10240x16xf32, #tpu.memory_space<vmem_shared>> -> memref<128x16xf32, #tpu.memory_space<vmem_shared>>
      tpu.wait_dma2 semaphore(%run_scoped3A : memref<!tpu.dma_semaphore, #tpu.memory_space<semaphore_mem>>) src(%dma_wait3A_1590 : memref<128x16xf32, #tpu.memory_space<vmem_shared>>) dst(%arg7 : memref<128x16xf32, #tpu.memory_space<vmem>>)
      tpu.yield
    }) : () -> ()
    %mul3A_1577 = arith.constant 10240 : i32
    %mul3A_1578 = arith.muli %arg0, %mul3A_1577 : i32
    %add3A_1579 = arith.addi %mul3A_1578, %add3A_1576 : i32
    "tpu.region"() ({
      %run_scoped3A = tpu.sem_alloc : memref<!tpu.dma_semaphore, #tpu.memory_space<semaphore_mem>>
      %dma_start3A = arith.constant 0 : i32
      %dma_start3A_1585 = tpu.memref_slice %arg3[%add3A_1579, %dma_start3A] : memref<20480x16xf32, #tpu.memory_space<hbm>> -> memref<128x16xf32, #tpu.memory_space<hbm>>
      %dma_start3A_1586 = arith.constant 0 : i32
      %dma_start3A_1587 = tpu.memref_slice %arg3[%add3A_1579, %dma_start3A_1586] : memref<20480x16xf32, #tpu.memory_space<hbm>> -> memref<128x16xf32, #tpu.memory_space<hbm>>
      tpu.enqueue_dma source(%arg7 : memref<128x16xf32, #tpu.memory_space<vmem>>) target(%dma_start3A_1587 : memref<128x16xf32, #tpu.memory_space<hbm>>) target_semaphore(%run_scoped3A : memref<!tpu.dma_semaphore, #tpu.memory_space<semaphore_mem>>)
      %dma_wait3A = arith.constant 0 : i32
      %dma_wait3A_1588 = tpu.memref_slice %arg3[%add3A_1579, %dma_wait3A] : memref<20480x16xf32, #tpu.memory_space<hbm>> -> memref<128x16xf32, #tpu.memory_space<hbm>>
      %dma_wait3A_1589 = arith.constant 0 : i32
      %dma_wait3A_1590 = tpu.memref_slice %arg3[%add3A_1579, %dma_wait3A_1589] : memref<20480x16xf32, #tpu.memory_space<hbm>> -> memref<128x16xf32, #tpu.memory_space<hbm>>
      tpu.wait_dma2 semaphore(%run_scoped3A : memref<!tpu.dma_semaphore, #tpu.memory_space<semaphore_mem>>) src(%arg7 : memref<128x16xf32, #tpu.memory_space<vmem>>) dst(%dma_wait3A_1590 : memref<128x16xf32, #tpu.memory_space<hbm>>)
      tpu.yield
    }) : () -> ()
    %add3A_1580 = arith.constant 512 : i32
    %add3A_1581 = arith.addi %mul3A_1540, %add3A_1580 : i32
    "tpu.region"() ({
      %run_scoped3A = tpu.sem_alloc : memref<!tpu.dma_semaphore, #tpu.memory_space<semaphore_mem>>
      %dma_start3A = arith.constant 0 : i32
      %dma_start3A_1585 = tpu.memref_slice %arg4[%add3A_1581, %dma_start3A] : memref<10240x16xf32, #tpu.memory_space<vmem_shared>> -> memref<128x16xf32, #tpu.memory_space<vmem_shared>>
      %dma_start3A_1586 = arith.constant 0 : i32
      %dma_start3A_1587 = tpu.memref_slice %arg4[%add3A_1581, %dma_start3A_1586] : memref<10240x16xf32, #tpu.memory_space<vmem_shared>> -> memref<128x16xf32, #tpu.memory_space<vmem_shared>>
      tpu.enqueue_dma source(%dma_start3A_1587 : memref<128x16xf32, #tpu.memory_space<vmem_shared>>) target(%arg7 : memref<128x16xf32, #tpu.memory_space<vmem>>) target_semaphore(%run_scoped3A : memref<!tpu.dma_semaphore, #tpu.memory_space<semaphore_mem>>)
      %dma_wait3A = arith.constant 0 : i32
      %dma_wait3A_1588 = tpu.memref_slice %arg4[%add3A_1581, %dma_wait3A] : memref<10240x16xf32, #tpu.memory_space<vmem_shared>> -> memref<128x16xf32, #tpu.memory_space<vmem_shared>>
      %dma_wait3A_1589 = arith.constant 0 : i32
      %dma_wait3A_1590 = tpu.memref_slice %arg4[%add3A_1581, %dma_wait3A_1589] : memref<10240x16xf32, #tpu.memory_space<vmem_shared>> -> memref<128x16xf32, #tpu.memory_space<vmem_shared>>
      tpu.wait_dma2 semaphore(%run_scoped3A : memref<!tpu.dma_semaphore, #tpu.memory_space<semaphore_mem>>) src(%dma_wait3A_1590 : memref<128x16xf32, #tpu.memory_space<vmem_shared>>) dst(%arg7 : memref<128x16xf32, #tpu.memory_space<vmem>>)
      tpu.yield
    }) : () -> ()
    %mul3A_1582 = arith.constant 10240 : i32
    %mul3A_1583 = arith.muli %arg0, %mul3A_1582 : i32
    %add3A_1584 = arith.addi %mul3A_1583, %add3A_1581 : i32
    "tpu.region"() ({
      %run_scoped3A = tpu.sem_alloc : memref<!tpu.dma_semaphore, #tpu.memory_space<semaphore_mem>>
      %dma_start3A = arith.constant 0 : i32
      %dma_start3A_1585 = tpu.memref_slice %arg3[%add3A_1584, %dma_start3A] : memref<20480x16xf32, #tpu.memory_space<hbm>> -> memref<128x16xf32, #tpu.memory_space<hbm>>
      %dma_start3A_1586 = arith.constant 0 : i32
      %dma_start3A_1587 = tpu.memref_slice %arg3[%add3A_1584, %dma_start3A_1586] : memref<20480x16xf32, #tpu.memory_space<hbm>> -> memref<128x16xf32, #tpu.memory_space<hbm>>
      tpu.enqueue_dma source(%arg7 : memref<128x16xf32, #tpu.memory_space<vmem>>) target(%dma_start3A_1587 : memref<128x16xf32, #tpu.memory_space<hbm>>) target_semaphore(%run_scoped3A : memref<!tpu.dma_semaphore, #tpu.memory_space<semaphore_mem>>)
      %dma_wait3A = arith.constant 0 : i32
      %dma_wait3A_1588 = tpu.memref_slice %arg3[%add3A_1584, %dma_wait3A] : memref<20480x16xf32, #tpu.memory_space<hbm>> -> memref<128x16xf32, #tpu.memory_space<hbm>>
      %dma_wait3A_1589 = arith.constant 0 : i32
      %dma_wait3A_1590 = tpu.memref_slice %arg3[%add3A_1584, %dma_wait3A_1589] : memref<20480x16xf32, #tpu.memory_space<hbm>> -> memref<128x16xf32, #tpu.memory_space<hbm>>
      tpu.wait_dma2 semaphore(%run_scoped3A : memref<!tpu.dma_semaphore, #tpu.memory_space<semaphore_mem>>) src(%arg7 : memref<128x16xf32, #tpu.memory_space<vmem>>) dst(%dma_wait3A_1590 : memref<128x16xf32, #tpu.memory_space<hbm>>)
      tpu.yield
    }) : () -> ()
    return
  }
}

module attributes {stable_mosaic.version = 14 : i64} {
  func.func @_mm_body(%arg0: i32, %arg1: memref<2x512x16xf32, #tpu.memory_space<vmem>>, %arg2: memref<512x256xf32, #tpu.memory_space<vmem>>, %arg3: memref<256x256xf32, #tpu.memory_space<vmem>>, %arg4: memref<256x256xf32, #tpu.memory_space<vmem>>, %arg5: memref<4x512x128xf32, #tpu.memory_space<vmem>>) attributes {dimension_semantics = [#tpu.dimension_semantics<arbitrary>], iteration_bounds = array<i64: 20>, scalar_prefetch = 0 : i64, scratch_operands = 0 : i64, tpu.core_type = #tpu.core_type<tc>, window_params = [{transform_indices = @transform_0, window_bounds = array<i64: 2, 512, 16>}, {transform_indices = @transform_1, window_bounds = array<i64: 512, 256>}, {pipeline_mode = #tpu.pipeline_mode<synchronous>, transform_indices = @transform_2, window_bounds = array<i64: 256, 256>}, {pipeline_mode = #tpu.pipeline_mode<synchronous>, transform_indices = @transform_3, window_bounds = array<i64: 256, 256>}, {transform_indices = @transform_4, window_bounds = array<i64: 4, 512, 128>}]} {
    %get3A = arith.constant 0 : index
    %get3A_0 = arith.constant 0 : index
    %get3A_1 = arith.constant 0 : index
    %get3A_2 = vector.load %arg1[%get3A, %get3A_0, %get3A_1] : memref<2x512x16xf32, #tpu.memory_space<vmem>>, vector<1x512x1xf32>
    %get3A_3 = vector.shape_cast %get3A_2 : vector<1x512x1xf32> to vector<512xf32>
    %get3A_4 = arith.constant 1 : index
    %get3A_5 = arith.constant 0 : index
    %get3A_6 = arith.constant 0 : index
    %get3A_7 = vector.load %arg1[%get3A_4, %get3A_5, %get3A_6] : memref<2x512x16xf32, #tpu.memory_space<vmem>>, vector<1x512x1xf32>
    %get3A_8 = vector.shape_cast %get3A_7 : vector<1x512x1xf32> to vector<512xf32>
    %add3A = arith.addf %get3A_3, %get3A_8 : vector<512xf32>
    %add3A_9 = arith.constant 1.000000e+00 : f32
    %add3A_10 = vector.broadcast %add3A_9 : f32 to vector<512xf32>
    %add3A_11 = arith.addf %add3A, %add3A_10 : vector<512xf32>
    %rsqrt3A = math.rsqrt %add3A_11 : vector<512xf32>
    %get3A_12 = arith.constant 0 : index
    %get3A_13 = arith.constant 0 : index
    %get3A_14 = vector.load %arg2[%get3A_12, %get3A_13] : memref<512x256xf32, #tpu.memory_space<vmem>>, vector<512x256xf32>
    %broadcast_in_dim3A = vector.shape_cast %rsqrt3A : vector<512xf32> to vector<512x1xf32>
    %mul3A = vector.broadcast %broadcast_in_dim3A : vector<512x1xf32> to vector<512x256xf32>
    %mul3A_15 = arith.mulf %get3A_14, %mul3A : vector<512x256xf32>
    %get3A_16 = arith.constant 0 : index
    %get3A_17 = arith.constant 0 : index
    %get3A_18 = vector.load %arg3[%get3A_16, %get3A_17] : memref<256x256xf32, #tpu.memory_space<vmem>>, vector<256x256xf32>
    %dot_general3A = arith.constant dense<0.000000e+00> : vector<512x256xf32>
    %dot_general3A_19 = tpu.matmul %mul3A_15, %get3A_18, %dot_general3A {dimension_numbers = #tpu.dot_dimension_numbers<[1], [0], [0], [1], [0, 0, 1, 1], [], []>, transpose_lhs_hint = false} : vector<512x256xf32>, vector<256x256xf32>, vector<512x256xf32> -> vector<512x256xf32>
    %get3A_20 = arith.constant 0 : index
    %get3A_21 = arith.constant 0 : index
    %get3A_22 = vector.load %arg4[%get3A_20, %get3A_21] : memref<256x256xf32, #tpu.memory_space<vmem>>, vector<256x256xf32>
    %dot_general3A_23 = arith.constant dense<0.000000e+00> : vector<512x256xf32>
    %dot_general3A_24 = tpu.matmul %mul3A_15, %get3A_22, %dot_general3A_23 {dimension_numbers = #tpu.dot_dimension_numbers<[1], [0], [0], [1], [0, 0, 1, 1], [], []>, transpose_lhs_hint = false} : vector<512x256xf32>, vector<256x256xf32>, vector<512x256xf32> -> vector<512x256xf32>
    %slice3A = vector.extract_strided_slice %dot_general3A_19 {offsets = [0, 0], sizes = [512, 128], strides = [1, 1]} : vector<512x256xf32> to vector<512x128xf32>
    %swap3A = arith.constant 0 : index
    %swap3A_25 = arith.constant 0 : index
    %swap3A_26 = arith.constant 0 : index
    %swap3A_27 = vector.load %arg5[%swap3A, %swap3A_25, %swap3A_26] : memref<4x512x128xf32, #tpu.memory_space<vmem>>, vector<1x512x128xf32>
    %swap3A_28 = vector.shape_cast %swap3A_27 : vector<1x512x128xf32> to vector<512x128xf32>
    %swap3A_29 = vector.shape_cast %slice3A : vector<512x128xf32> to vector<1x512x128xf32>
    tpu.vector_store %arg5[%swap3A, %swap3A_25, %swap3A_26], %swap3A_29 {strides = array<i32>} : memref<4x512x128xf32, #tpu.memory_space<vmem>>, vector<1x512x128xf32>,
    %slice3A_30 = vector.extract_strided_slice %dot_general3A_19 {offsets = [0, 128], sizes = [512, 128], strides = [1, 1]} : vector<512x256xf32> to vector<512x128xf32>
    %swap3A_31 = arith.constant 1 : index
    %swap3A_32 = arith.constant 0 : index
    %swap3A_33 = arith.constant 0 : index
    %swap3A_34 = vector.load %arg5[%swap3A_31, %swap3A_32, %swap3A_33] : memref<4x512x128xf32, #tpu.memory_space<vmem>>, vector<1x512x128xf32>
    %swap3A_35 = vector.shape_cast %swap3A_34 : vector<1x512x128xf32> to vector<512x128xf32>
    %swap3A_36 = vector.shape_cast %slice3A_30 : vector<512x128xf32> to vector<1x512x128xf32>
    tpu.vector_store %arg5[%swap3A_31, %swap3A_32, %swap3A_33], %swap3A_36 {strides = array<i32>} : memref<4x512x128xf32, #tpu.memory_space<vmem>>, vector<1x512x128xf32>,
    %slice3A_37 = vector.extract_strided_slice %dot_general3A_24 {offsets = [0, 0], sizes = [512, 128], strides = [1, 1]} : vector<512x256xf32> to vector<512x128xf32>
    %swap3A_38 = arith.constant 2 : index
    %swap3A_39 = arith.constant 0 : index
    %swap3A_40 = arith.constant 0 : index
    %swap3A_41 = vector.load %arg5[%swap3A_38, %swap3A_39, %swap3A_40] : memref<4x512x128xf32, #tpu.memory_space<vmem>>, vector<1x512x128xf32>
    %swap3A_42 = vector.shape_cast %swap3A_41 : vector<1x512x128xf32> to vector<512x128xf32>
    %swap3A_43 = vector.shape_cast %slice3A_37 : vector<512x128xf32> to vector<1x512x128xf32>
    tpu.vector_store %arg5[%swap3A_38, %swap3A_39, %swap3A_40], %swap3A_43 {strides = array<i32>} : memref<4x512x128xf32, #tpu.memory_space<vmem>>, vector<1x512x128xf32>,
    %slice3A_44 = vector.extract_strided_slice %dot_general3A_24 {offsets = [0, 128], sizes = [512, 128], strides = [1, 1]} : vector<512x256xf32> to vector<512x128xf32>
    %swap3A_45 = arith.constant 3 : index
    %swap3A_46 = arith.constant 0 : index
    %swap3A_47 = arith.constant 0 : index
    %swap3A_48 = vector.load %arg5[%swap3A_45, %swap3A_46, %swap3A_47] : memref<4x512x128xf32, #tpu.memory_space<vmem>>, vector<1x512x128xf32>
    %swap3A_49 = vector.shape_cast %swap3A_48 : vector<1x512x128xf32> to vector<512x128xf32>
    %swap3A_50 = vector.shape_cast %slice3A_44 : vector<512x128xf32> to vector<1x512x128xf32>
    tpu.vector_store %arg5[%swap3A_45, %swap3A_46, %swap3A_47], %swap3A_50 {strides = array<i32>} : memref<4x512x128xf32, #tpu.memory_space<vmem>>, vector<1x512x128xf32>,
    return
  }
  func.func @transform_0(%arg0: i32) -> (i32, i32, i32) {
    %c0_i32 = arith.constant 0 : i32
    %c0_i32_0 = arith.constant 0 : i32
    %c0_i32_1 = arith.constant 0 : i32
    return %c0_i32, %arg0, %c0_i32_0 : i32, i32, i32
  }
  func.func @transform_1(%arg0: i32) -> (i32, i32) {
    %c0_i32 = arith.constant 0 : i32
    %c0_i32_0 = arith.constant 0 : i32
    return %arg0, %c0_i32 : i32, i32
  }
  func.func @transform_2(%arg0: i32) -> (i32, i32) {
    %c0_i32 = arith.constant 0 : i32
    %c0_i32_0 = arith.constant 0 : i32
    %c0_i32_1 = arith.constant 0 : i32
    return %c0_i32, %c0_i32_0 : i32, i32
  }
  func.func @transform_3(%arg0: i32) -> (i32, i32) {
    %c0_i32 = arith.constant 0 : i32
    %c0_i32_0 = arith.constant 0 : i32
    %c0_i32_1 = arith.constant 0 : i32
    return %c0_i32, %c0_i32_0 : i32, i32
  }
  func.func @transform_4(%arg0: i32) -> (i32, i32, i32) {
    %c0_i32 = arith.constant 0 : i32
    %c0_i32_0 = arith.constant 0 : i32
    %c0_i32_1 = arith.constant 0 : i32
    return %c0_i32, %arg0, %c0_i32_0 : i32, i32, i32
  }
}

module attributes {stable_mosaic.version = 14 : i64} {
  func.func @_ep_body(%arg0: i32, %arg1: memref<2x400x16xf32, #tpu.memory_space<vmem>>, %arg2: memref<4x400x128xf32, #tpu.memory_space<vmem>>, %arg3: memref<1x256xf32, #tpu.memory_space<vmem>>, %arg4: memref<1x256xf32, #tpu.memory_space<vmem>>, %arg5: memref<400x256xf32, #tpu.memory_space<vmem>>, %arg6: memref<400x256xf32, #tpu.memory_space<vmem>>) attributes {dimension_semantics = [#tpu.dimension_semantics<arbitrary>], iteration_bounds = array<i64: 25>, scalar_prefetch = 0 : i64, scratch_operands = 0 : i64, tpu.core_type = #tpu.core_type<tc>, window_params = [{transform_indices = @transform_0, window_bounds = array<i64: 2, 400, 16>}, {transform_indices = @transform_1, window_bounds = array<i64: 4, 400, 128>}, {pipeline_mode = #tpu.pipeline_mode<synchronous>, transform_indices = @transform_2, window_bounds = array<i64: 1, 256>}, {pipeline_mode = #tpu.pipeline_mode<synchronous>, transform_indices = @transform_3, window_bounds = array<i64: 1, 256>}, {transform_indices = @transform_4, window_bounds = array<i64: 400, 256>}, {transform_indices = @transform_5, window_bounds = array<i64: 400, 256>}]} {
    %get3A = arith.constant 0 : index
    %get3A_0 = arith.constant 0 : index
    %get3A_1 = arith.constant 0 : index
    %get3A_2 = vector.load %arg1[%get3A, %get3A_0, %get3A_1] : memref<2x400x16xf32, #tpu.memory_space<vmem>>, vector<1x400x1xf32>
    %get3A_3 = vector.shape_cast %get3A_2 : vector<1x400x1xf32> to vector<400xf32>
    %get3A_4 = arith.constant 1 : index
    %get3A_5 = arith.constant 0 : index
    %get3A_6 = arith.constant 0 : index
    %get3A_7 = vector.load %arg1[%get3A_4, %get3A_5, %get3A_6] : memref<2x400x16xf32, #tpu.memory_space<vmem>>, vector<1x400x1xf32>
    %get3A_8 = vector.shape_cast %get3A_7 : vector<1x400x1xf32> to vector<400xf32>
    %add3A = arith.addf %get3A_3, %get3A_8 : vector<400xf32>
    %add3A_9 = arith.constant 1.000000e+00 : f32
    %add3A_10 = vector.broadcast %add3A_9 : f32 to vector<400xf32>
    %add3A_11 = arith.addf %add3A, %add3A_10 : vector<400xf32>
    %rsqrt3A = math.rsqrt %add3A_11 : vector<400xf32>
    %broadcast_in_dim3A = vector.shape_cast %rsqrt3A : vector<400xf32> to vector<400x1xf32>
    %get3A_12 = arith.constant 0 : index
    %get3A_13 = arith.constant 0 : index
    %get3A_14 = arith.constant 0 : index
    %get3A_15 = vector.load %arg2[%get3A_12, %get3A_13, %get3A_14] : memref<4x400x128xf32, #tpu.memory_space<vmem>>, vector<1x400x128xf32>
    %get3A_16 = vector.shape_cast %get3A_15 : vector<1x400x128xf32> to vector<400x128xf32>
    %mul3A = vector.broadcast %broadcast_in_dim3A : vector<400x1xf32> to vector<400x128xf32>
    %mul3A_17 = arith.mulf %get3A_16, %mul3A : vector<400x128xf32>
    %get3A_18 = arith.constant 0 : index
    %get3A_19 = arith.constant 0 : index
    %get3A_20 = vector.load %arg3[%get3A_18, %get3A_19] : memref<1x256xf32, #tpu.memory_space<vmem>>, vector<1x128xf32>
    %get3A_21 = vector.shape_cast %get3A_20 : vector<1x128xf32> to vector<128xf32>
    %broadcast_in_dim3A_22 = vector.shape_cast %get3A_21 : vector<128xf32> to vector<1x128xf32>
    %add3A_23 = vector.broadcast %broadcast_in_dim3A_22 : vector<1x128xf32> to vector<400x128xf32>
    %add3A_24 = arith.addf %mul3A_17, %add3A_23 : vector<400x128xf32>
    %swap3A = arith.constant 0 : index
    %swap3A_25 = arith.constant 0 : index
    %swap3A_26 = vector.load %arg5[%swap3A, %swap3A_25] : memref<400x256xf32, #tpu.memory_space<vmem>>, vector<400x128xf32>
    tpu.vector_store %arg5[%swap3A, %swap3A_25], %add3A_24 {strides = array<i32>} : memref<400x256xf32, #tpu.memory_space<vmem>>, vector<400x128xf32>,
    %get3A_27 = arith.constant 1 : index
    %get3A_28 = arith.constant 0 : index
    %get3A_29 = arith.constant 0 : index
    %get3A_30 = vector.load %arg2[%get3A_27, %get3A_28, %get3A_29] : memref<4x400x128xf32, #tpu.memory_space<vmem>>, vector<1x400x128xf32>
    %get3A_31 = vector.shape_cast %get3A_30 : vector<1x400x128xf32> to vector<400x128xf32>
    %mul3A_32 = vector.broadcast %broadcast_in_dim3A : vector<400x1xf32> to vector<400x128xf32>
    %mul3A_33 = arith.mulf %get3A_31, %mul3A_32 : vector<400x128xf32>
    %get3A_34 = arith.constant 0 : index
    %get3A_35 = arith.constant 128 : index
    %get3A_36 = vector.load %arg3[%get3A_34, %get3A_35] : memref<1x256xf32, #tpu.memory_space<vmem>>, vector<1x128xf32>
    %get3A_37 = vector.shape_cast %get3A_36 : vector<1x128xf32> to vector<128xf32>
    %broadcast_in_dim3A_38 = vector.shape_cast %get3A_37 : vector<128xf32> to vector<1x128xf32>
    %add3A_39 = vector.broadcast %broadcast_in_dim3A_38 : vector<1x128xf32> to vector<400x128xf32>
    %add3A_40 = arith.addf %mul3A_33, %add3A_39 : vector<400x128xf32>
    %swap3A_41 = arith.constant 0 : index
    %swap3A_42 = arith.constant 128 : index
    %swap3A_43 = vector.load %arg5[%swap3A_41, %swap3A_42] : memref<400x256xf32, #tpu.memory_space<vmem>>, vector<400x128xf32>
    tpu.vector_store %arg5[%swap3A_41, %swap3A_42], %add3A_40 {strides = array<i32>} : memref<400x256xf32, #tpu.memory_space<vmem>>, vector<400x128xf32>,
    %get3A_44 = arith.constant 2 : index
    %get3A_45 = arith.constant 0 : index
    %get3A_46 = arith.constant 0 : index
    %get3A_47 = vector.load %arg2[%get3A_44, %get3A_45, %get3A_46] : memref<4x400x128xf32, #tpu.memory_space<vmem>>, vector<1x400x128xf32>
    %get3A_48 = vector.shape_cast %get3A_47 : vector<1x400x128xf32> to vector<400x128xf32>
    %mul3A_49 = vector.broadcast %broadcast_in_dim3A : vector<400x1xf32> to vector<400x128xf32>
    %mul3A_50 = arith.mulf %get3A_48, %mul3A_49 : vector<400x128xf32>
    %get3A_51 = arith.constant 0 : index
    %get3A_52 = arith.constant 0 : index
    %get3A_53 = vector.load %arg4[%get3A_51, %get3A_52] : memref<1x256xf32, #tpu.memory_space<vmem>>, vector<1x128xf32>
    %get3A_54 = vector.shape_cast %get3A_53 : vector<1x128xf32> to vector<128xf32>
    %broadcast_in_dim3A_55 = vector.shape_cast %get3A_54 : vector<128xf32> to vector<1x128xf32>
    %add3A_56 = vector.broadcast %broadcast_in_dim3A_55 : vector<1x128xf32> to vector<400x128xf32>
    %add3A_57 = arith.addf %mul3A_50, %add3A_56 : vector<400x128xf32>
    %swap3A_58 = arith.constant 0 : index
    %swap3A_59 = arith.constant 0 : index
    %swap3A_60 = vector.load %arg6[%swap3A_58, %swap3A_59] : memref<400x256xf32, #tpu.memory_space<vmem>>, vector<400x128xf32>
    tpu.vector_store %arg6[%swap3A_58, %swap3A_59], %add3A_57 {strides = array<i32>} : memref<400x256xf32, #tpu.memory_space<vmem>>, vector<400x128xf32>,
    %get3A_61 = arith.constant 3 : index
    %get3A_62 = arith.constant 0 : index
    %get3A_63 = arith.constant 0 : index
    %get3A_64 = vector.load %arg2[%get3A_61, %get3A_62, %get3A_63] : memref<4x400x128xf32, #tpu.memory_space<vmem>>, vector<1x400x128xf32>
    %get3A_65 = vector.shape_cast %get3A_64 : vector<1x400x128xf32> to vector<400x128xf32>
    %mul3A_66 = vector.broadcast %broadcast_in_dim3A : vector<400x1xf32> to vector<400x128xf32>
    %mul3A_67 = arith.mulf %get3A_65, %mul3A_66 : vector<400x128xf32>
    %get3A_68 = arith.constant 0 : index
    %get3A_69 = arith.constant 128 : index
    %get3A_70 = vector.load %arg4[%get3A_68, %get3A_69] : memref<1x256xf32, #tpu.memory_space<vmem>>, vector<1x128xf32>
    %get3A_71 = vector.shape_cast %get3A_70 : vector<1x128xf32> to vector<128xf32>
    %broadcast_in_dim3A_72 = vector.shape_cast %get3A_71 : vector<128xf32> to vector<1x128xf32>
    %add3A_73 = vector.broadcast %broadcast_in_dim3A_72 : vector<1x128xf32> to vector<400x128xf32>
    %add3A_74 = arith.addf %mul3A_67, %add3A_73 : vector<400x128xf32>
    %swap3A_75 = arith.constant 0 : index
    %swap3A_76 = arith.constant 128 : index
    %swap3A_77 = vector.load %arg6[%swap3A_75, %swap3A_76] : memref<400x256xf32, #tpu.memory_space<vmem>>, vector<400x128xf32>
    tpu.vector_store %arg6[%swap3A_75, %swap3A_76], %add3A_74 {strides = array<i32>} : memref<400x256xf32, #tpu.memory_space<vmem>>, vector<400x128xf32>,
    return
  }
  func.func @transform_0(%arg0: i32) -> (i32, i32, i32) {
    %c0_i32 = arith.constant 0 : i32
    %c0_i32_0 = arith.constant 0 : i32
    %c0_i32_1 = arith.constant 0 : i32
    return %c0_i32, %arg0, %c0_i32_0 : i32, i32, i32
  }
  func.func @transform_1(%arg0: i32) -> (i32, i32, i32) {
    %c0_i32 = arith.constant 0 : i32
    %c0_i32_0 = arith.constant 0 : i32
    %c0_i32_1 = arith.constant 0 : i32
    return %c0_i32, %arg0, %c0_i32_0 : i32, i32, i32
  }
  func.func @transform_2(%arg0: i32) -> (i32, i32) {
    %c0_i32 = arith.constant 0 : i32
    %c0_i32_0 = arith.constant 0 : i32
    %c0_i32_1 = arith.constant 0 : i32
    return %c0_i32, %c0_i32_0 : i32, i32
  }
  func.func @transform_3(%arg0: i32) -> (i32, i32) {
    %c0_i32 = arith.constant 0 : i32
    %c0_i32_0 = arith.constant 0 : i32
    %c0_i32_1 = arith.constant 0 : i32
    return %c0_i32, %c0_i32_0 : i32, i32
  }
  func.func @transform_4(%arg0: i32) -> (i32, i32) {
    %c0_i32 = arith.constant 0 : i32
    %c0_i32_0 = arith.constant 0 : i32
    return %arg0, %c0_i32 : i32, i32
  }
  func.func @transform_5(%arg0: i32) -> (i32, i32) {
    %c0_i32 = arith.constant 0 : i32
    %c0_i32_0 = arith.constant 0 : i32
    return %arg0, %c0_i32 : i32, i32
  }
}

</mosaic_0001>

<sc_bundles>
// kernel: kernel.6.cloned.1.call-start
scs
__scs_entry_jumppad:
0x0: {  	(pc) =	sbr.rel $0x88, $3  }
0x1: {  	(tag) =	ssettag $0x0;
	lr =	simm.s32 $0x1  }
0x2: {  	[smem:$0x3F9B] =	sst lr;
	_ =	strace $0xD0000000  }
0x3: {  	_ = 	snop  }
0x4: {  	_ = 	snop  }
0x5: {  	_ = 	snop  }
0x6: {  	_ = 	snop  }
0x7: {  	_ = 	snop  }
__scs_overlays_trampoline_lowered:
0x8: {  	[smem:$0x3FAA] =	sst s0  }
0x9: {  	[smem:$0x3FAB] =	sst s1  }
0xa: {  	[smem:$0x3FAC] =	sst s2  }
0xb: {  	[smem:$0x3FAD] =	sst s3  }
0xc: {  	[smem:$0x3FAE] =	sst s4  }
0xd: {  	[smem:$0x3FAF] =	sst s5  }
0xe: {  	[smem:$0x3FB0] =	sst s6  }
0xf: {  	[smem:$0x3FB1] =	sst s7  }
0x10: {  	[smem:$0x3FB2] =	sst s8  }
0x11: {  	[smem:$0x3FB3] =	sst s9;
	s0 =	simm.s32 @!p0 $0x0  }
0x12: {  	s1 =	sld [smem:$0x3F99];
	s0 =	simm.s32 @p0 $0x1  }
0x13: {  	[smem:$0x3FB4] =	sst s0;
	s0 =	simm.s32 @!p1 $0x0  }
0x14: {  	s2 =	sld [smem:$0x3F98];
	s0 =	simm.s32 @p1 $0x1  }
0x15: {  	[smem:$0x3FB5] =	sst s0;
	s0 =	simm.s32 @!p2 $0x0  }
0x16: {  	s3 =	sld [smem:$0x3FDB];
	s0 =	simm.s32 @p2 $0x1  }
0x17: {  	s4 =	simm.s32 $0x1BF5;
	[smem:$0x3FB7] =	sst s0  }
0x18: {  	s0 =	sld [smem:$0x3F9A];
	_ =	swait.ge [sflag:s4], $0x0  }
0x19: {  	s7 =	sld [smem:$0x3F9B]  }
0x1a: {  	s8 =	sadd.s32 $0xFFFFE003, lr  }
0x1b: {  	s9 =	sadd.s32 $0xFFFFFEF7, lr;
	s5 =	simm.s32 $0xFFFFFFFF;
	p2 =	slt.u32 s8, $0xFFFFF086  }
0x1c: {  	p1 =	slt.u32 s9, $0xF7A;
	s5 =	simm.s32 @!p2 $0x0  }
0x1d: {  	s5 =	simm.s32 @p1 $0x1;
	p0 =	seq.s32 s7, s2  }
0x1e: {  	s7 =	smul.u32 @!p0 $0xF7A, s2;
	p2 =	seq.s32 @!p0 s5, $0x0  }
0x1f: {  	s9 =	smul.u32 $0xF7A, s1;
	s8 =	simm.s32 @!p0 $0x1BF5;
	p2 =	por !p2, p0  }
0x20: {  	[sflag:s8] =	ssyncset.s32 @!p0 $0xFFFFF086;
	s6 =	sadd.s32 @!p0 s3, s7;
	s7 =	simm.s32 @!p0 $0x108  }
0x21: {  	s3 =	sadd.s32 s3, s9;
	s6 =	sadd.s32 @!p0 $0x88, s6;
	s7 =	simm.s32 @p2 $0x1082  }
0x22: {  	[simem:s7], [sflag:s8] =	dma.local @!p0 [hbm:s6], $0xF7A  }
0x23: {  	s9 =	sor.u32 $0xD0000000, s2;
	s6 =	simm.s32 $0x108;
	_ =	swait.ge @!p0 [sflag:s8], $0x0  }
0x24: {  	s3 =	sadd.s32 $0x88, s3;
	s6 =	simm.s32 @!p1 $0x1082;
	[sflag:s4] =	ssyncset.s32 $0xFFFFF086  }
0x25: {  	[simem:s6], [sflag:s4] =	dma.local [hbm:s3], $0xF7A  }
0x26: {  	[smem:$0x3F9B] =	sst s1;
	(tag) =	ssettag s2;
	_ =	strace s9  }
0x27: {  	s1 =	sld [smem:$0x3FAB]  }
0x28: {  	s2 =	sld [smem:$0x3FAC]  }
0x29: {  	s4 =	sld [smem:$0x3FAE]  }
0x2a: {  	p0 =	seq.s32 s5, $0x0;
	s5 =	sld [smem:$0x3FAF]  }
0x2b: {  	s6 =	sld [smem:$0x3FB0]  }
0x2c: {  	s7 =	sld [smem:$0x3FB1]  }
0x2d: {  	s3 =	simm.s32 $0x108;
	s8 =	sld [smem:$0x3FB2]  }
0x2e: {  	s3 =	simm.s32 @!p0 $0x1082;
	s9 =	sld [smem:$0x3FB3]  }
0x2f: {  	lr =	sadd.s32 s0, s3;
	s0 =	sld [smem:$0x3FAA]  }
0x30: {  	s3 =	sld [smem:$0x3FAD]  }
0x31: {  	[smem:$0x3FB6] =	sst s10  }
0x32: {  	s10 =	sld [smem:$0x3FB4];
	_ =	sdelay $0x3  }
0x33: {  	p0 =	seq.s32 s10, $0x1;
	s10 =	sld [smem:$0x3FB6];
	_ =	sdelay $0x3  }
0x34: {  	[smem:$0x3FB6] =	sst s10  }
0x35: {  	s10 =	sld [smem:$0x3FB5];
	_ =	sdelay $0x3  }
0x36: {  	p1 =	seq.s32 s10, $0x1;
	s10 =	sld [smem:$0x3FB6];
	_ =	sdelay $0x3  }
0x37: {  	[smem:$0x3FB6] =	sst s10  }
0x38: {  	s10 =	sld [smem:$0x3FB7]  }
0x39: {  	_ = 	snop;
	(pc) =	sbr.ind lr, $3  }
0x3a: {  	_ = 	snop  }
0x3b: {  	_ = 	snop  }
0x3c: {  	p2 =	seq.s32 s10, $0x1;
	s10 =	sld [smem:$0x3FB6]  }
0x3d: {  	_ =	shalt  }
0x3e: {  	_ =	shalt  }
0x3f: {  	_ =	shalt  }
0x40: {  	_ =	shalt  }
0x41: {  	_ =	shalt  }
0x42: {  	_ =	shalt  }
0x43: {  	_ =	shalt  }
0x44: {  	_ =	shalt  }
0x45: {  	_ =	shalt  }
0x46: {  	_ =	shalt  }
0x47: {  	_ =	shalt  }
0x48: {  	_ =	shalt  }
0x49: {  	_ =	shalt  }
0x4a: {  	_ =	shalt  }
0x4b: {  	_ =	shalt  }
0x4c: {  	_ =	shalt  }
0x4d: {  	_ =	shalt  }
0x4e: {  	_ =	shalt  }
0x4f: {  	_ =	shalt  }
0x50: {  	_ =	shalt  }
0x51: {  	_ =	shalt  }
0x52: {  	_ =	shalt  }
0x53: {  	_ =	shalt  }
0x54: {  	_ =	shalt  }
0x55: {  	_ =	shalt  }
0x56: {  	_ =	shalt  }
0x57: {  	_ =	shalt  }
0x58: {  	_ =	shalt  }
0x59: {  	_ =	shalt  }
0x5a: {  	_ =	shalt  }
0x5b: {  	_ =	shalt  }
0x5c: {  	_ =	shalt  }
0x5d: {  	_ =	shalt  }
0x5e: {  	_ =	shalt  }
0x5f: {  	_ =	shalt  }
0x60: {  	_ =	shalt  }
0x61: {  	_ =	shalt  }
0x62: {  	_ =	shalt  }
0x63: {  	_ =	shalt  }
0x64: {  	_ =	shalt  }
0x65: {  	_ =	shalt  }
0x66: {  	_ =	shalt  }
0x67: {  	_ =	shalt  }
0x68: {  	_ =	shalt  }
0x69: {  	_ =	shalt  }
0x6a: {  	_ =	shalt  }
0x6b: {  	_ =	shalt  }
0x6c: {  	_ =	shalt  }
0x6d: {  	_ =	shalt  }
0x6e: {  	_ =	shalt  }
0x6f: {  	_ =	shalt  }
0x70: {  	_ =	shalt  }
0x71: {  	_ =	shalt  }
0x72: {  	_ =	shalt  }
0x73: {  	_ =	shalt  }
0x74: {  	_ =	shalt  }
0x75: {  	_ =	shalt  }
0x76: {  	_ =	shalt  }
0x77: {  	_ =	shalt  }
0x78: {  	_ =	shalt  }
0x79: {  	_ =	shalt  }
0x7a: {  	_ =	shalt  }
0x7b: {  	_ =	shalt  }
0x7c: {  	_ =	shalt  }
0x7d: {  	_ =	shalt  }
0x7e: {  	_ =	shalt  }
0x7f: {  	_ =	shalt  }
0x80: {  	_ =	shalt  }
0x81: {  	_ =	shalt  }
0x82: {  	_ =	shalt  }
0x83: {  	_ =	shalt  }
0x84: {  	_ =	shalt  }
0x85: {  	_ =	shalt  }
0x86: {  	_ =	shalt  }
0x87: {  	_ =	shalt  }
.Lfunc_end0:
.L_simem_size_0:
called_computation_lowered:
.L_overlay_start_0:
0x88: {  	s2 =	sld [smem:$0x3FD9]  }
0x89: {  	s3 =	sld [smem:$0x3FFE];
	_ =	sdelay $0x1  }
0x8a: {  	s1 =	srdreg.scid  }
0x8b: {  	s0 =	sand.u32 $0x1, s1  }
0x8c: {  	s14 =	sshll.u32 s0, $0xA;
	s2 =	sadd.s32 s3, s2  }
0x8d: {  	s2 =	sadd.s32 s2, s14  }
0x8e: {  	[smem:$0x3FC2] =	sst s2  }
0x8f: {  	_ = 	snop  }
0x90: {  	s2 =	sld [smem:$0x3FD0];
	_ =	sdelay $0x2  }
0x91: {  	s15 =	simm.s32 $0xA;
	s4 =	simm.s32 $0x10  }
0x92: {  	[smem:s4], [sflag:s15] =	dma.local [hbm:s2], $0x1  }
0x93: {  	_ =	swait.eq [sflag:s15], $0x1  }
0x94: {  	[sflag:s15] =	ssyncset.done $0x0  }
0x95: {  	[sflag:s15] =	ssyncadd.s32 $0xFFFFFFFF  }
0x96: {  	s16 =	sld [smem:$0x10];
	(tm) =	ssettm $0x1  }
0x97: {  	s17 =	sld [smem:$0x3FFB];
	_ =	sdelay $0x3  }
0x98: {  	_ =	strace s17  }
0x99: {  	s3 =	sld [smem:$0x3FFC];
	_ =	sdelay $0x3  }
0x9a: {  	_ =	strace s3  }
0x9b: {  	s3 =	sld [smem:$0x3FFD];
	_ =	sdelay $0x3  }
0x9c: {  	_ =	strace s3  }
0x9d: {  	_ =	strace $0x8FFFFFFF  }
0x9e: {  	s18 =	sld [smem:$0x3FDB];
	_ =	sdelay $0x1  }
0x9f: {  	s19 =	simm.s32 $_scs_section_size  }
0xa0: {  	s5 =	simm.s32 $_size__tile_overlayer_lowered;
	s6 =	simm.s32 $_tile_overlayer_lowered  }
0xa1: {  	s22 =	simm.s32 $0x1BFF;
	s21 =	sshll.u32 s6, $0x1;
	s3 =	sadd.s32 s19, s18  }
0xa2: {  	s7 =	simm.s32 $0x0;
	s20 =	sshll.u32 s5, $0x1;
	s5 =	sadd.s32 s21, s3  }
0xa3: {  	[timem:s7], [sflag:s22] =	dma.local [hbm:s5], s20  }
0xa4: {  	_ =	swait.ge [sflag:s22], s20  }
0xa5: {  	s4 =	ssub.s32 $0x0, s20;
	[sflag:s22] =	ssyncset.done $0x0  }
0xa6: {  	[sflag:s22] =	ssyncadd.s32 s4;
	_ =	sdelay $0x1  }
0xa7: {  	s23 =	simm.s32 $0x1B8B  }
0xa8: {  	_ =	swait.ge [sflag:s23], $0x1  }
0xa9: {  	[sflag:s23] =	ssyncset.done $0x0  }
0xaa: {  	s25 =	simm.s32 $0x1B8E;
	s24 =	sld [smem:$0x3FFE];
	[sflag:s23] =	ssyncadd.s32 $0xFFFFFFFF  }
0xab: {  	s26 =	simm.s32 $execute0_lowered;
	[smem:$0x3FD2] =	sst s25  }
0xac: {  	s5 =	sshll.u32 s26, $0x1;
	_ =	strace $0x80000046;
	[dreg:$0x1] =	wrdreg $0xFFFFFFFF  }
0xad: {  	s28 =	simm.s32 $_size_execute0_lowered;
	s3 =	sadd.s32 s3, s5;
	[dreg:$0x0] =	wrdreg $0x0  }
0xae: {  	s5 =	sshll.u32 s28, $0x1;
	[dreg:$0x2] =	wrdreg s3  }
0xaf: {  	[dreg:$0x3] =	wrdreg s5  }
0xb0: {  	[dreg:$0x4] =	wrdreg $0xC0  }
0xb1: {  	_ =	task [dreg:s7], $0x5FFFF  }
0xb2: {  	[dreg:$0x1] =	wrdreg $0xFFFFFFFF  }
0xb3: {  	[dreg:$0x0] =	wrdreg $0x60  }
0xb4: {  	[dreg:$0x2] =	wrdreg s16  }
0xb5: {  	[dreg:$0x3] =	wrdreg s24  }
0xb6: {  	[dreg:$0x4] =	wrdreg $0x0  }
0xb7: {  	[dreg:$0x5] =	wrdreg $0x9  }
0xb8: {  	_ =	task.clear_ibuf [dreg:s7], $0x6FFFF;
	_ =	strace $0x90000046  }
0xb9: {  	s29 =	simm.s32 $0x9;
	_ =	strace $0x80000048  }
0xba: {  	_ =	swait.ge [sflag:s29], $0x1  }
0xbb: {  	[sflag:s29] =	ssyncadd.s32 $0xFFFFFFFF  }
0xbc: {  	_ =	strace $0x90000048  }
0xbd: {  	_ =	sfence  }
0xbe: {  	s30 =	sld [smem:$0x0];
	_ =	sdelay $0x2  }
0xbf: {  	s31 =	sshll.u32 s1, $0xD;
	s1 =	sshrl.u32 s1, $0x2  }
0xc0: {  	s3 =	sand.u32 $0x4000, s31;
	s1 =	sadd.s32 s1, s30  }
0xc1: {  	s0 =	sor.u32 s3, s0;
	s1 =	sshll.u32 s1, $0x11  }
0xc2: {  	s0 =	sor.u32 s1, s0  }
0xc3: {  	s0 =	sadd.s32 $0x8F2B, s0  }
0xc4: {  	[sflag:s0] =	ssyncadd.remote.s32 $0x1  }
0xc5: {  	_ =	sfence.sel $0xFFFF  }
0xc6: {  	[dreg:$0x0] =	wrdreg $0xFFFFFFFF;
	(pc) =	sbr.abs _section_cstart, $3  }
0xc7: {  	[dreg:$0x1] =	wrdreg $0xFFFFFFFF  }
0xc8: {  	_ =	task.clear_ibuf [dreg:s7], $0x2FFFF;
	_ =	strace $0x9FFFFFFF  }
0xc9: {  	(tm) =	ssettm $0x7FFFFFFF  }
tec
execute0_lowered:
.L_overlay_start_1:
0x0: {  	(tag) =	ssettag $0x1  }
0x1: {  	s9 =	rddreg [dreg:$0x0]  }
0x2: {  	s4 =	rddreg [dreg:$0x1]  }
0x3: {  	s2 =	rddreg [dreg:$0x2]  }
0x4: {  	s0 =	rddreg [dreg:$0x3]  }
0x5: {  	s5 =	srdreg.scid;
	s1 =	stileid.u32  }
0x6: {  	s3 =	simm.s32 $0x0;
	s19 =	simm.s32 $0x80;
	s20 =	simm.s32 $0x3C00  }
0x7: {  	s21 =	simm.s32 $0x0;
	s7 =	sand.u32 $0x1, s5;
	s10 =	smul.u32 $0x280, s1  }
0x8: {  	[smem:$0x7FF] =	sst s3;
	s6 =	smul.u32 $0x50000, s1;
	s14 =	sadd.s32 $0x1800, s4  }
0x9: {  	s16 =	sshll.u32 s1, $0x1;
	s5 =	ssub.s32 $0x2, s7;
	_ =	strace $0x80000047  }
0xa: {  	s16 =	sor.u32 s7, s16;
	s18 =	smul.u32 $0x2800, s7;
	s25 =	sshrl.u32 s5, $0x1  }
0xb: {  	s26 =	sshrl.u32 s6, $0x2;
	s11 =	sadd.s32 $0x80, s10;
	s12 =	sadd.s32 $0x100, s10  }
0xc: {  	s13 =	sadd.s32 $0x180, s10;
	s17 =	sadd.s32 $0x200, s10;
	s16 =	smul.u32 $0x280, s16  }
0xd: {  	s15 =	ssub.s32 s5, s25;
	s4 =	sadd.s32 s26, s2;
	s28 =	sshll.u32 s11, $0x7  }
0xe: {  	s29 =	sshll.u32 s12, $0x7;
	s8 =	sshll.u32 s13, $0x7;
	s30 =	sshll.u32 s17, $0x7  }
0xf: {  	s10 =	sadd.s32 s10, s18;
	s11 =	sadd.s32 s18, s11;
	s12 =	sadd.s32 s18, s12  }
0x10: {  	s13 =	sadd.s32 s18, s13;
	s31 =	sadd.s32 s18, s17;
	s17 =	simm.s32 $0x1  }
0x11: {  	s18 =	simm.s32 $0x2800;
	s5 =	sadd.s32 s28, s2;
	s6 =	sadd.s32 s29, s2  }
0x12: {  	s7 =	sadd.s32 s8, s2;
	s8 =	sadd.s32 s30, s2;
	s9 =	sadd.s32 s9, s16  }
0x13: {  	s10 =	sshll.u32 s10, $0x4;
	s11 =	sshll.u32 s11, $0x4;
	s12 =	sshll.u32 s12, $0x4  }
0x14: {  	s13 =	sshll.u32 s13, $0x4;
	s16 =	sshll.u32 s31, $0x4;
	s15 =	smax.u32 s15, $0x1  }
0x15: {  	s10 =	sadd.s32 s14, s10;
	s11 =	sadd.s32 s14, s11;
	s12 =	sadd.s32 s14, s12  }
0x16: {  	v0 =	vimm.f32 $0.0e+00;
	v1 =	vimm.f32 $1.000000000e+00;
	s13 =	sadd.s32 s14, s13;
	s14 =	sadd.s32 s14, s16;
	s16 =	simm.s32 $0x7C00  }
.LBB2_1:
0x17: {  	[tilespmem:$0x7C00] =	vst v0  }
0x18: {  	[tilespmem:$0x7C80] =	vst v0  }
0x19: {  	[tilespmem:$0x7D00] =	vst v0  }
0x1a: {  	[tilespmem:$0x7D80] =	vst v0  }
0x1b: {  	[tilespmem:$0x7E00] =	vst v0  }
0x1c: {  	[tilespmem:$0x7E80] =	vst v0  }
0x1d: {  	[tilespmem:$0x7F00] =	vst v0  }
0x1e: {  	[tilespmem:$0x7F80] =	vst v0  }
0x1f: {  	[tilespmem:$0x8000] =	vst v0  }
0x20: {  	[tilespmem:$0x8080] =	vst v0  }
0x21: {  	[tilespmem:$0x8100] =	vst v0  }
0x22: {  	[tilespmem:$0x8180] =	vst v0  }
0x23: {  	[tilespmem:$0x8200] =	vst v0  }
0x24: {  	[tilespmem:$0x8280] =	vst v0  }
0x25: {  	[tilespmem:$0x8300] =	vst v0  }
0x26: {  	[tilespmem:$0x8380] =	vst v0  }
0x27: {  	[tilespmem:$0x8400] =	vst v0  }
0x28: {  	[tilespmem:$0x8480] =	vst v0  }
0x29: {  	[tilespmem:$0x8500] =	vst v0  }
0x2a: {  	[tilespmem:$0x8580] =	vst v0  }
0x2b: {  	[tilespmem:$0x8600] =	vst v0  }
0x2c: {  	[tilespmem:$0x8680] =	vst v0  }
0x2d: {  	[tilespmem:$0x8700] =	vst v0  }
0x2e: {  	[tilespmem:$0x8780] =	vst v0  }
0x2f: {  	[tilespmem:$0x8800] =	vst v0  }
0x30: {  	[tilespmem:$0x8880] =	vst v0  }
0x31: {  	[tilespmem:$0x8900] =	vst v0  }
0x32: {  	[tilespmem:$0x8980] =	vst v0  }
0x33: {  	[tilespmem:$0x8A00] =	vst v0  }
0x34: {  	[tilespmem:$0x8A80] =	vst v0  }
0x35: {  	[tilespmem:$0x8B00] =	vst v0  }
0x36: {  	[tilespmem:$0x8B80] =	vst v0  }
0x37: {  	[tilespmem:$0x8C00] =	vst v0  }
0x38: {  	[tilespmem:$0x8C80] =	vst v0  }
0x39: {  	[tilespmem:$0x8D00] =	vst v0  }
0x3a: {  	[tilespmem:$0x8D80] =	vst v0  }
0x3b: {  	[tilespmem:$0x8E00] =	vst v0  }
0x3c: {  	[tilespmem:$0x8E80] =	vst v0  }
0x3d: {  	[tilespmem:$0x8F00] =	vst v0  }
0x3e: {  	[tilespmem:$0x8F80] =	vst v0  }
0x3f: {  	[tilespmem:$0x9000] =	vst v0  }
0x40: {  	[tilespmem:$0x9080] =	vst v0  }
0x41: {  	[tilespmem:$0x9100] =	vst v0  }
0x42: {  	[tilespmem:$0x9180] =	vst v0  }
0x43: {  	[tilespmem:$0x9200] =	vst v0  }
0x44: {  	[tilespmem:$0x9280] =	vst v0  }
0x45: {  	[tilespmem:$0x9300] =	vst v0  }
0x46: {  	[tilespmem:$0x9380] =	vst v0  }
0x47: {  	[tilespmem:$0x9400] =	vst v0  }
0x48: {  	[tilespmem:$0x9480] =	vst v0  }
0x49: {  	[tilespmem:$0x9500] =	vst v0  }
0x4a: {  	[tilespmem:$0x9580] =	vst v0  }
0x4b: {  	[tilespmem:$0x9600] =	vst v0  }
0x4c: {  	[tilespmem:$0x9680] =	vst v0  }
0x4d: {  	[tilespmem:$0x9700] =	vst v0  }
0x4e: {  	[tilespmem:$0x9780] =	vst v0  }
0x4f: {  	[tilespmem:$0x9800] =	vst v0  }
0x50: {  	[tilespmem:$0x9880] =	vst v0  }
0x51: {  	[tilespmem:$0x9900] =	vst v0  }
0x52: {  	[tilespmem:$0x9980] =	vst v0  }
0x53: {  	[tilespmem:$0x9A00] =	vst v0  }
0x54: {  	[tilespmem:$0x9A80] =	vst v0  }
0x55: {  	[tilespmem:$0x9B00] =	vst v0  }
0x56: {  	[tilespmem:$0x9B80] =	vst v0  }
0x57: {  	[tilespmem:$0x9C00] =	vst v0  }
0x58: {  	[tilespmem:$0x9C80] =	vst v0  }
0x59: {  	[tilespmem:$0x9D00] =	vst v0  }
0x5a: {  	[tilespmem:$0x9D80] =	vst v0  }
0x5b: {  	[tilespmem:$0x9E00] =	vst v0  }
0x5c: {  	[tilespmem:$0x9E80] =	vst v0  }
0x5d: {  	[tilespmem:$0x9F00] =	vst v0  }
0x5e: {  	[tilespmem:$0x9F80] =	vst v0  }
0x5f: {  	[tilespmem:$0xA000] =	vst v0  }
0x60: {  	[tilespmem:$0xA080] =	vst v0  }
0x61: {  	[tilespmem:$0xA100] =	vst v0  }
0x62: {  	[tilespmem:$0xA180] =	vst v0  }
0x63: {  	[tilespmem:$0xA200] =	vst v0  }
0x64: {  	[tilespmem:$0xA280] =	vst v0  }
0x65: {  	[tilespmem:$0xA300] =	vst v0  }
0x66: {  	[tilespmem:$0xA380] =	vst v0  }
0x67: {  	[tilespmem:$0xA400] =	vst v0  }
0x68: {  	[tilespmem:$0xA480] =	vst v0  }
0x69: {  	[tilespmem:$0xA500] =	vst v0  }
0x6a: {  	[tilespmem:$0xA580] =	vst v0  }
0x6b: {  	[tilespmem:$0xA600] =	vst v0  }
0x6c: {  	[tilespmem:$0xA680] =	vst v0  }
0x6d: {  	[tilespmem:$0xA700] =	vst v0  }
0x6e: {  	[tilespmem:$0xA780] =	vst v0  }
0x6f: {  	[tilespmem:$0xA800] =	vst v0  }
0x70: {  	[tilespmem:$0xA880] =	vst v0  }
0x71: {  	[tilespmem:$0xA900] =	vst v0  }
0x72: {  	[tilespmem:$0xA980] =	vst v0  }
0x73: {  	[tilespmem:$0xAA00] =	vst v0  }
0x74: {  	[tilespmem:$0xAA80] =	vst v0  }
0x75: {  	[tilespmem:$0xAB00] =	vst v0  }
0x76: {  	[tilespmem:$0xAB80] =	vst v0  }
0x77: {  	[tilespmem:$0xAC00] =	vst v0  }
0x78: {  	[tilespmem:$0xAC80] =	vst v0  }
0x79: {  	[tilespmem:$0xAD00] =	vst v0  }
0x7a: {  	[tilespmem:$0xAD80] =	vst v0  }
0x7b: {  	[tilespmem:$0xAE00] =	vst v0  }
0x7c: {  	[tilespmem:$0xAE80] =	vst v0  }
0x7d: {  	[tilespmem:$0xAF00] =	vst v0  }
0x7e: {  	[tilespmem:$0xAF80] =	vst v0  }
0x7f: {  	[tilespmem:$0xB000] =	vst v0  }
0x80: {  	[tilespmem:$0xB080] =	vst v0  }
0x81: {  	[tilespmem:$0xB100] =	vst v0  }
0x82: {  	[tilespmem:$0xB180] =	vst v0  }
0x83: {  	[tilespmem:$0xB200] =	vst v0  }
0x84: {  	[tilespmem:$0xB280] =	vst v0  }
0x85: {  	[tilespmem:$0xB300] =	vst v0  }
0x86: {  	[tilespmem:$0xB380] =	vst v0  }
0x87: {  	[tilespmem:$0xB400] =	vst v0  }
0x88: {  	[tilespmem:$0xB480] =	vst v0  }
0x89: {  	[tilespmem:$0xB500] =	vst v0  }
0x8a: {  	[tilespmem:$0xB580] =	vst v0  }
0x8b: {  	[tilespmem:$0xB600] =	vst v0  }
0x8c: {  	[tilespmem:$0xB680] =	vst v0  }
0x8d: {  	[tilespmem:$0xB700] =	vst v0  }
0x8e: {  	[tilespmem:$0xB780] =	vst v0  }
0x8f: {  	[tilespmem:$0xB800] =	vst v0  }
0x90: {  	[tilespmem:$0xB880] =	vst v0  }
0x91: {  	[tilespmem:$0xB900] =	vst v0  }
0x92: {  	[tilespmem:$0xB980] =	vst v0  }
0x93: {  	[tilespmem:$0xBA00] =	vst v0  }
0x94: {  	[tilespmem:$0xBA80] =	vst v0  }
0x95: {  	[tilespmem:$0xBB00] =	vst v0  }
0x96: {  	[tilespmem:$0xBB80] =	vst v0  }
0x97: {  	[tilespmem:$0x3C00] =	vst v1  }
0x98: {  	[tilespmem:$0x3C80] =	vst v1  }
0x99: {  	[tilespmem:$0x3D00] =	vst v1  }
0x9a: {  	[tilespmem:$0x3D80] =	vst v1  }
0x9b: {  	[tilespmem:$0x3E00] =	vst v1  }
0x9c: {  	[tilespmem:$0x3E80] =	vst v1  }
0x9d: {  	[tilespmem:$0x3F00] =	vst v1  }
0x9e: {  	[tilespmem:$0x3F80] =	vst v1  }
0x9f: {  	[tilespmem:$0x4000] =	vst v1  }
0xa0: {  	[tilespmem:$0x4080] =	vst v1  }
0xa1: {  	[tilespmem:$0x4100] =	vst v1  }
0xa2: {  	[tilespmem:$0x4180] =	vst v1  }
0xa3: {  	[tilespmem:$0x4200] =	vst v1  }
0xa4: {  	[tilespmem:$0x4280] =	vst v1  }
0xa5: {  	[tilespmem:$0x4300] =	vst v1  }
0xa6: {  	[tilespmem:$0x4380] =	vst v1  }
0xa7: {  	[tilespmem:$0x4400] =	vst v1  }
0xa8: {  	[tilespmem:$0x4480] =	vst v1  }
0xa9: {  	[tilespmem:$0x4500] =	vst v1  }
0xaa: {  	[tilespmem:$0x4580] =	vst v1  }
0xab: {  	[tilespmem:$0x4600] =	vst v1  }
0xac: {  	[tilespmem:$0x4680] =	vst v1  }
0xad: {  	[tilespmem:$0x4700] =	vst v1  }
0xae: {  	[tilespmem:$0x4780] =	vst v1  }
0xaf: {  	[tilespmem:$0x4800] =	vst v1  }
0xb0: {  	[tilespmem:$0x4880] =	vst v1  }
0xb1: {  	[tilespmem:$0x4900] =	vst v1  }
0xb2: {  	[tilespmem:$0x4980] =	vst v1  }
0xb3: {  	[tilespmem:$0x4A00] =	vst v1  }
0xb4: {  	[tilespmem:$0x4A80] =	vst v1  }
0xb5: {  	[tilespmem:$0x4B00] =	vst v1  }
0xb6: {  	[tilespmem:$0x4B80] =	vst v1  }
0xb7: {  	[tilespmem:$0x4C00] =	vst v1  }
0xb8: {  	[tilespmem:$0x4C80] =	vst v1  }
0xb9: {  	[tilespmem:$0x4D00] =	vst v1  }
0xba: {  	[tilespmem:$0x4D80] =	vst v1  }
0xbb: {  	[tilespmem:$0x4E00] =	vst v1  }
0xbc: {  	[tilespmem:$0x4E80] =	vst v1  }
0xbd: {  	[tilespmem:$0x4F00] =	vst v1  }
0xbe: {  	[tilespmem:$0x4F80] =	vst v1  }
0xbf: {  	[tilespmem:$0x5000] =	vst v1  }
0xc0: {  	[tilespmem:$0x5080] =	vst v1  }
0xc1: {  	[tilespmem:$0x5100] =	vst v1  }
0xc2: {  	[tilespmem:$0x5180] =	vst v1  }
0xc3: {  	[tilespmem:$0x5200] =	vst v1  }
0xc4: {  	[tilespmem:$0x5280] =	vst v1  }
0xc5: {  	[tilespmem:$0x5300] =	vst v1  }
0xc6: {  	[tilespmem:$0x5380] =	vst v1  }
0xc7: {  	[tilespmem:$0x5400] =	vst v1  }
0xc8: {  	[tilespmem:$0x5480] =	vst v1  }
0xc9: {  	[tilespmem:$0x5500] =	vst v1  }
0xca: {  	[tilespmem:$0x5580] =	vst v1  }
0xcb: {  	[tilespmem:$0x5600] =	vst v1  }
0xcc: {  	[tilespmem:$0x5680] =	vst v1  }
0xcd: {  	[tilespmem:$0x5700] =	vst v1  }
0xce: {  	[tilespmem:$0x5780] =	vst v1  }
0xcf: {  	[tilespmem:$0x5800] =	vst v1  }
0xd0: {  	[tilespmem:$0x5880] =	vst v1  }
0xd1: {  	[tilespmem:$0x5900] =	vst v1  }
0xd2: {  	[tilespmem:$0x5980] =	vst v1  }
0xd3: {  	[tilespmem:$0x5A00] =	vst v1  }
0xd4: {  	[tilespmem:$0x5A80] =	vst v1  }
0xd5: {  	[tilespmem:$0x5B00] =	vst v1  }
0xd6: {  	[tilespmem:$0x5B80] =	vst v1  }
0xd7: {  	[tilespmem:$0x5C00] =	vst v1  }
0xd8: {  	[tilespmem:$0x5C80] =	vst v1  }
0xd9: {  	[tilespmem:$0x5D00] =	vst v1  }
0xda: {  	[tilespmem:$0x5D80] =	vst v1  }
0xdb: {  	[tilespmem:$0x5E00] =	vst v1  }
0xdc: {  	[tilespmem:$0x5E80] =	vst v1  }
0xdd: {  	[tilespmem:$0x5F00] =	vst v1  }
0xde: {  	[tilespmem:$0x5F80] =	vst v1  }
0xdf: {  	[tilespmem:$0x6000] =	vst v1  }
0xe0: {  	[tilespmem:$0x6080] =	vst v1  }
0xe1: {  	[tilespmem:$0x6100] =	vst v1  }
0xe2: {  	[tilespmem:$0x6180] =	vst v1  }
0xe3: {  	[tilespmem:$0x6200] =	vst v1  }
0xe4: {  	[tilespmem:$0x6280] =	vst v1  }
0xe5: {  	[tilespmem:$0x6300] =	vst v1  }
0xe6: {  	[tilespmem:$0x6380] =	vst v1  }
0xe7: {  	[tilespmem:$0x6400] =	vst v1  }
0xe8: {  	[tilespmem:$0x6480] =	vst v1  }
0xe9: {  	[tilespmem:$0x6500] =	vst v1  }
0xea: {  	[tilespmem:$0x6580] =	vst v1  }
0xeb: {  	[tilespmem:$0x6600] =	vst v1  }
0xec: {  	[tilespmem:$0x6680] =	vst v1  }
0xed: {  	[tilespmem:$0x6700] =	vst v1  }
0xee: {  	[tilespmem:$0x6780] =	vst v1  }
0xef: {  	[tilespmem:$0x6800] =	vst v1  }
0xf0: {  	[tilespmem:$0x6880] =	vst v1  }
0xf1: {  	[tilespmem:$0x6900] =	vst v1  }
0xf2: {  	[tilespmem:$0x6980] =	vst v1  }
0xf3: {  	[tilespmem:$0x6A00] =	vst v1  }
0xf4: {  	[tilespmem:$0x6A80] =	vst v1  }
0xf5: {  	[tilespmem:$0x6B00] =	vst v1  }
0xf6: {  	[tilespmem:$0x6B80] =	vst v1  }
0xf7: {  	[tilespmem:$0x6C00] =	vst v1  }
0xf8: {  	[tilespmem:$0x6C80] =	vst v1  }
0xf9: {  	[tilespmem:$0x6D00] =	vst v1  }
0xfa: {  	[tilespmem:$0x6D80] =	vst v1  }
0xfb: {  	[tilespmem:$0x6E00] =	vst v1  }
0xfc: {  	[tilespmem:$0x6E80] =	vst v1  }
0xfd: {  	[tilespmem:$0x6F00] =	vst v1  }
0xfe: {  	[tilespmem:$0x6F80] =	vst v1  }
0xff: {  	[tilespmem:$0x7000] =	vst v1  }
0x100: {  	[tilespmem:$0x7080] =	vst v1  }
0x101: {  	[tilespmem:$0x7100] =	vst v1  }
0x102: {  	[tilespmem:$0x7180] =	vst v1  }
0x103: {  	[tilespmem:$0x7200] =	vst v1  }
0x104: {  	[tilespmem:$0x7280] =	vst v1  }
0x105: {  	[tilespmem:$0x7300] =	vst v1  }
0x106: {  	[tilespmem:$0x7380] =	vst v1  }
0x107: {  	[tilespmem:$0x7400] =	vst v1  }
0x108: {  	[tilespmem:$0x7480] =	vst v1  }
0x109: {  	[tilespmem:$0x7500] =	vst v1  }
0x10a: {  	[tilespmem:$0x7580] =	vst v1  }
0x10b: {  	[tilespmem:$0x7600] =	vst v1  }
0x10c: {  	[tilespmem:$0x7680] =	vst v1  }
0x10d: {  	[tilespmem:$0x7700] =	vst v1  }
0x10e: {  	[tilespmem:$0x7780] =	vst v1  }
0x10f: {  	[tilespmem:$0x7800] =	vst v1  }
0x110: {  	[tilespmem:$0x7880] =	vst v1  }
0x111: {  	[tilespmem:$0x7900] =	vst v1  }
0x112: {  	[tilespmem:$0x7980] =	vst v1  }
0x113: {  	[tilespmem:$0x7A00] =	vst v1  }
0x114: {  	[tilespmem:$0x7A80] =	vst v1  }
0x115: {  	[tilespmem:$0x7B00] =	vst v1  }
0x116: {  	[tilespmem:$0x7B80] =	vst v1  }
0x117: {  	[spmem:s4] =	stream.linear.scatter [tilespmem:s16], [sflag:$0x1], $0x4000, $0x38;
	[tilespmem:$0xBC00] =	vst v63  }
0x118: {  	_ =	swait.ge [sflag:s17], $0x4000  }
0x119: {  	[sflag:s17] =	ssyncset.done $0x0  }
0x11a: {  	[sflag:s17] =	ssyncadd.s32 $0xFFFFC000  }
0x11b: {  	[spmem:s5] =	stream.linear.scatter [tilespmem:s16], [sflag:$0x1], $0x4000, $0x38;
	[tilespmem:$0xBC00] =	vst v63  }
0x11c: {  	_ =	swait.ge [sflag:s17], $0x4000  }
0x11d: {  	[sflag:s17] =	ssyncset.done $0x0  }
0x11e: {  	[sflag:s17] =	ssyncadd.s32 $0xFFFFC000  }
0x11f: {  	[spmem:s6] =	stream.linear.scatter [tilespmem:s16], [sflag:$0x1], $0x4000, $0x38;
	[tilespmem:$0xBC00] =	vst v63  }
0x120: {  	_ =	swait.ge [sflag:s17], $0x4000  }
0x121: {  	[sflag:s17] =	ssyncset.done $0x0  }
0x122: {  	[sflag:s17] =	ssyncadd.s32 $0xFFFFC000  }
0x123: {  	[spmem:s7] =	stream.linear.scatter [tilespmem:s16], [sflag:$0x1], $0x4000, $0x38;
	[tilespmem:$0xBC00] =	vst v63  }
0x124: {  	_ =	swait.ge [sflag:s17], $0x4000  }
0x125: {  	[sflag:s17] =	ssyncset.done $0x0  }
0x126: {  	[sflag:s17] =	ssyncadd.s32 $0xFFFFC000  }
0x127: {  	[spmem:s8] =	stream.linear.scatter [tilespmem:s16], [sflag:$0x1], $0x4000, $0x38;
	[tilespmem:$0xBC00] =	vst v63  }
0x128: {  	_ =	swait.ge [sflag:s17], $0x4000  }
0x129: {  	[sflag:s17] =	ssyncset.done $0x0  }
0x12a: {  	[sflag:s17] =	ssyncadd.s32 $0xFFFFC000  }
0x12b: {  	[bflag:$0x0] =	sbarrier.arrive $0xFFFF  }
0x12c: {  	[tilespmem:s18], [sflag:$0x1] =	stream.linear.gather [hbm4b:s9+s3], $0x1400, $0x38;
	[tilespmem:$0xBC00] =	vst v63  }
0x12d: {  	_ =	swait.ge [sflag:s17], $0x1400  }
0x12e: {  	[sflag:s17] =	ssyncset.done $0x0  }
0x12f: {  	s22 =	simm.s32 $0x2800;
	[sflag:s17] =	ssyncadd.s32 $0xFFFFEC00  }
0x130: {  	[spmem:s2] =	stream.indirect.scatter.add.f32 [tilespmem:s20], [sflag:$0x1], $0x10, s22, s19, $0xb8;
	[tilespmem:$0xBC00] =	vst v63  }
0x131: {  	s22 =	simm.s32 $0x200;
	_ =	swait.ge [sflag:s17], $0x800  }
.LBB2_2:
0x132: {  	s23 =	sshra.s32 s22, $0x2;
	[sflag:s17] =	ssyncset.done $0x0;
	p0 =	sne.s32 s22, $0x4E00  }
.Ltmp0:
0x133: {  	s23 =	sadd.s32 $0x2800, s23;
	[sflag:s17] =	ssyncadd.s32 $0xFFFFF800;
	(pc) =	sbr.rel @p0 .LBB2_2-.Ltmp0, $3  }
0x134: {  	[spmem:s2] =	stream.indirect.scatter.add.f32 [tilespmem:s20], [sflag:$0x1], $0x10, s23, s19, $0xb8;
	[tilespmem:$0xBC00] =	vst v63  }
0x135: {  	s22 =	sadd.s32 $0x200, s22;
	_ =	sdelay $0x1  }
0x136: {  	_ =	swait.ge [sflag:s17], $0x800  }
0x137: {  	[sflag:s17] =	ssyncset.done $0x0  }
0x138: {  	[sflag:s17] =	ssyncadd.s32 $0xFFFFF800  }
0x139: {  	[bflag:$0x0] =	sbarrier.arrive $0xFFFF  }
0x13a: {  	[tilespmem:s16], [sflag:$0x1] =	stream.linear.gather [spmem:s4], $0x4000, $0x38;
	[tilespmem:$0xBC00] =	vst v63  }
0x13b: {  	_ =	swait.ge [sflag:s17], $0x4000  }
0x13c: {  	[sflag:s17] =	ssyncset.done $0x0  }
0x13d: {  	[sflag:s17] =	ssyncadd.s32 $0xFFFFC000  }
0x13e: {  	[hbm4b:s10+s3] =	stream.linear.scatter [tilespmem:s16], [sflag:$0x1], $0x4000, $0x38;
	[tilespmem:$0xBC00] =	vst v63  }
0x13f: {  	_ =	swait.ge [sflag:s17], $0x4000  }
0x140: {  	[sflag:s17] =	ssyncset.done $0x0  }
0x141: {  	[sflag:s17] =	ssyncadd.s32 $0xFFFFC000  }
0x142: {  	[tilespmem:s16], [sflag:$0x1] =	stream.linear.gather [spmem:s5], $0x4000, $0x38;
	[tilespmem:$0xBC00] =	vst v63  }
0x143: {  	_ =	swait.ge [sflag:s17], $0x4000  }
0x144: {  	[sflag:s17] =	ssyncset.done $0x0  }
0x145: {  	[sflag:s17] =	ssyncadd.s32 $0xFFFFC000  }
0x146: {  	[hbm4b:s11+s3] =	stream.linear.scatter [tilespmem:s16], [sflag:$0x1], $0x4000, $0x38;
	[tilespmem:$0xBC00] =	vst v63  }
0x147: {  	_ =	swait.ge [sflag:s17], $0x4000  }
0x148: {  	[sflag:s17] =	ssyncset.done $0x0  }
0x149: {  	[sflag:s17] =	ssyncadd.s32 $0xFFFFC000  }
0x14a: {  	[tilespmem:s16], [sflag:$0x1] =	stream.linear.gather [spmem:s6], $0x4000, $0x38;
	[tilespmem:$0xBC00] =	vst v63  }
0x14b: {  	_ =	swait.ge [sflag:s17], $0x4000  }
0x14c: {  	[sflag:s17] =	ssyncset.done $0x0  }
0x14d: {  	[sflag:s17] =	ssyncadd.s32 $0xFFFFC000  }
0x14e: {  	[hbm4b:s12+s3] =	stream.linear.scatter [tilespmem:s16], [sflag:$0x1], $0x4000, $0x38;
	[tilespmem:$0xBC00] =	vst v63  }
0x14f: {  	_ =	swait.ge [sflag:s17], $0x4000  }
0x150: {  	[sflag:s17] =	ssyncset.done $0x0  }
0x151: {  	[sflag:s17] =	ssyncadd.s32 $0xFFFFC000  }
0x152: {  	[tilespmem:s16], [sflag:$0x1] =	stream.linear.gather [spmem:s7], $0x4000, $0x38;
	[tilespmem:$0xBC00] =	vst v63  }
0x153: {  	_ =	swait.ge [sflag:s17], $0x4000  }
0x154: {  	[sflag:s17] =	ssyncset.done $0x0  }
0x155: {  	[sflag:s17] =	ssyncadd.s32 $0xFFFFC000  }
0x156: {  	[hbm4b:s13+s3] =	stream.linear.scatter [tilespmem:s16], [sflag:$0x1], $0x4000, $0x38;
	[tilespmem:$0xBC00] =	vst v63  }
0x157: {  	_ =	swait.ge [sflag:s17], $0x4000  }
0x158: {  	[sflag:s17] =	ssyncset.done $0x0  }
0x159: {  	[sflag:s17] =	ssyncadd.s32 $0xFFFFC000  }
0x15a: {  	[tilespmem:s16], [sflag:$0x1] =	stream.linear.gather [spmem:s8], $0x4000, $0x38;
	[tilespmem:$0xBC00] =	vst v63  }
0x15b: {  	s21 =	sadd.s32 $0x1, s21;
	_ =	swait.ge [sflag:s17], $0x4000  }
0x15c: {  	p0 =	sne.s32 s21, s15;
	[sflag:s17] =	ssyncset.done $0x0  }
.Ltmp1:
0x15d: {  	[sflag:s17] =	ssyncadd.s32 $0xFFFFC000;
	(pc) =	sbr.rel @p0 .LBB2_1-.Ltmp1, $4  }
0x15e: {  	[hbm4b:s14+s3] =	stream.linear.scatter [tilespmem:s16], [sflag:$0x1], $0x4000, $0x38;
	[tilespmem:$0xBC00] =	vst v63  }
0x15f: {  	_ =	swait.ge [sflag:s17], $0x4000  }
0x160: {  	[sflag:s17] =	ssyncset.done $0x0  }
0x161: {  	[sflag:s17] =	ssyncadd.s32 $0xFFFFC000  }
0x162: {  	_ =	sfence.sel $0x180000  }
0x163: {  	[bflag:$0x0] =	sbarrier.arrive $0xFFFF  }
0x164: {  	p0 =	sne.s32 s1, $0x0;
	_ =	strace $0x90000047  }
0x165: {  	s0 =	sadd.s32 @!p0 $0x100000, s0;
	[bflag:$0x2] =	sbarrier.arrive $0xFFFF  }
0x166: {  	[sflag:s0] =	ssyncadd.tile.s32 @!p0 $0x1;
	_ =	shalt  }
.Lfunc_end2:
_tile_overlayer_lowered:
.L_overlay_start_2:
0x167: {  	(tag) =	ssettag $0x2  }
0x168: {  	s0 =	rddreg [dreg:$0x0];
	s2 =	stileid.u32  }
0x169: {  	s1 =	rddreg [dreg:$0x1];
	p0 =	sne.s32 s2, $0x0  }
0x16a: {  	s3 =	rddreg [dreg:$0x2];
	[bflag:$0x3] =	sbarrier.arrive $0xFFFF;
	s2 =	simm.s32 @!p0 $0x1C01  }
0x16b: {  	[timem:s3], [sflag:s2] =	dma.local @!p0 [hbm:s0], s1  }
0x16c: {  	s0 =	simm.s32 @!p0 $0x1  }
0x16d: {  	_ =	swait.ge @!p0 [sflag:s0], s1  }
0x16e: {  	s1 =	ssub.s32 @!p0 $0x0, s1;
	[sflag:s0] =	ssyncset.done @!p0 $0x0  }
0x16f: {  	[sflag:s0] =	ssyncadd.s32 @!p0 s1  }
0x170: {  	[bflag:$0x3] =	sbarrier.arrive $0xFFFF  }
0x171: {  	_ =	shalt  }

// kernel: kernel.9.cloned.1.call-start
scs
__scs_entry_jumppad:
0x0: {  	(pc) =	sbr.rel $0x88, $3  }
0x1: {  	(tag) =	ssettag $0x0;
	lr =	simm.s32 $0x1  }
0x2: {  	[smem:$0x3F9B] =	sst lr;
	_ =	strace $0xD0000000  }
0x3: {  	_ = 	snop  }
0x4: {  	_ = 	snop  }
0x5: {  	_ = 	snop  }
0x6: {  	_ = 	snop  }
0x7: {  	_ = 	snop  }
__scs_overlays_trampoline_lowered:
0x8: {  	[smem:$0x3FAA] =	sst s0  }
0x9: {  	[smem:$0x3FAB] =	sst s1  }
0xa: {  	[smem:$0x3FAC] =	sst s2  }
0xb: {  	[smem:$0x3FAD] =	sst s3  }
0xc: {  	[smem:$0x3FAE] =	sst s4  }
0xd: {  	[smem:$0x3FAF] =	sst s5  }
0xe: {  	[smem:$0x3FB0] =	sst s6  }
0xf: {  	[smem:$0x3FB1] =	sst s7  }
0x10: {  	[smem:$0x3FB2] =	sst s8  }
0x11: {  	[smem:$0x3FB3] =	sst s9;
	s0 =	simm.s32 @!p0 $0x0  }
0x12: {  	s1 =	sld [smem:$0x3F99];
	s0 =	simm.s32 @p0 $0x1  }
0x13: {  	[smem:$0x3FB4] =	sst s0;
	s0 =	simm.s32 @!p1 $0x0  }
0x14: {  	s2 =	sld [smem:$0x3F98];
	s0 =	simm.s32 @p1 $0x1  }
0x15: {  	[smem:$0x3FB5] =	sst s0;
	s0 =	simm.s32 @!p2 $0x0  }
0x16: {  	s3 =	sld [smem:$0x3FDB];
	s0 =	simm.s32 @p2 $0x1  }
0x17: {  	s4 =	simm.s32 $0x1BF5;
	[smem:$0x3FB7] =	sst s0  }
0x18: {  	s0 =	sld [smem:$0x3F9A];
	_ =	swait.ge [sflag:s4], $0x0  }
0x19: {  	s7 =	sld [smem:$0x3F9B]  }
0x1a: {  	s8 =	sadd.s32 $0xFFFFE003, lr  }
0x1b: {  	s9 =	sadd.s32 $0xFFFFFEF7, lr;
	s5 =	simm.s32 $0xFFFFFFFF;
	p2 =	slt.u32 s8, $0xFFFFF086  }
0x1c: {  	p1 =	slt.u32 s9, $0xF7A;
	s5 =	simm.s32 @!p2 $0x0  }
0x1d: {  	s5 =	simm.s32 @p1 $0x1;
	p0 =	seq.s32 s7, s2  }
0x1e: {  	s7 =	smul.u32 @!p0 $0xF7A, s2;
	p2 =	seq.s32 @!p0 s5, $0x0  }
0x1f: {  	s9 =	smul.u32 $0xF7A, s1;
	s8 =	simm.s32 @!p0 $0x1BF5;
	p2 =	por !p2, p0  }
0x20: {  	[sflag:s8] =	ssyncset.s32 @!p0 $0xFFFFF086;
	s6 =	sadd.s32 @!p0 s3, s7;
	s7 =	simm.s32 @!p0 $0x108  }
0x21: {  	s3 =	sadd.s32 s3, s9;
	s6 =	sadd.s32 @!p0 $0x88, s6;
	s7 =	simm.s32 @p2 $0x1082  }
0x22: {  	[simem:s7], [sflag:s8] =	dma.local @!p0 [hbm:s6], $0xF7A  }
0x23: {  	s9 =	sor.u32 $0xD0000000, s2;
	s6 =	simm.s32 $0x108;
	_ =	swait.ge @!p0 [sflag:s8], $0x0  }
0x24: {  	s3 =	sadd.s32 $0x88, s3;
	s6 =	simm.s32 @!p1 $0x1082;
	[sflag:s4] =	ssyncset.s32 $0xFFFFF086  }
0x25: {  	[simem:s6], [sflag:s4] =	dma.local [hbm:s3], $0xF7A  }
0x26: {  	[smem:$0x3F9B] =	sst s1;
	(tag) =	ssettag s2;
	_ =	strace s9  }
0x27: {  	s1 =	sld [smem:$0x3FAB]  }
0x28: {  	s2 =	sld [smem:$0x3FAC]  }
0x29: {  	s4 =	sld [smem:$0x3FAE]  }
0x2a: {  	p0 =	seq.s32 s5, $0x0;
	s5 =	sld [smem:$0x3FAF]  }
0x2b: {  	s6 =	sld [smem:$0x3FB0]  }
0x2c: {  	s7 =	sld [smem:$0x3FB1]  }
0x2d: {  	s3 =	simm.s32 $0x108;
	s8 =	sld [smem:$0x3FB2]  }
0x2e: {  	s3 =	simm.s32 @!p0 $0x1082;
	s9 =	sld [smem:$0x3FB3]  }
0x2f: {  	lr =	sadd.s32 s0, s3;
	s0 =	sld [smem:$0x3FAA]  }
0x30: {  	s3 =	sld [smem:$0x3FAD]  }
0x31: {  	[smem:$0x3FB6] =	sst s10  }
0x32: {  	s10 =	sld [smem:$0x3FB4];
	_ =	sdelay $0x3  }
0x33: {  	p0 =	seq.s32 s10, $0x1;
	s10 =	sld [smem:$0x3FB6];
	_ =	sdelay $0x3  }
0x34: {  	[smem:$0x3FB6] =	sst s10  }
0x35: {  	s10 =	sld [smem:$0x3FB5];
	_ =	sdelay $0x3  }
0x36: {  	p1 =	seq.s32 s10, $0x1;
	s10 =	sld [smem:$0x3FB6];
	_ =	sdelay $0x3  }
0x37: {  	[smem:$0x3FB6] =	sst s10  }
0x38: {  	s10 =	sld [smem:$0x3FB7]  }
0x39: {  	_ = 	snop;
	(pc) =	sbr.ind lr, $3  }
0x3a: {  	_ = 	snop  }
0x3b: {  	_ = 	snop  }
0x3c: {  	p2 =	seq.s32 s10, $0x1;
	s10 =	sld [smem:$0x3FB6]  }
0x3d: {  	_ =	shalt  }
0x3e: {  	_ =	shalt  }
0x3f: {  	_ =	shalt  }
0x40: {  	_ =	shalt  }
0x41: {  	_ =	shalt  }
0x42: {  	_ =	shalt  }
0x43: {  	_ =	shalt  }
0x44: {  	_ =	shalt  }
0x45: {  	_ =	shalt  }
0x46: {  	_ =	shalt  }
0x47: {  	_ =	shalt  }
0x48: {  	_ =	shalt  }
0x49: {  	_ =	shalt  }
0x4a: {  	_ =	shalt  }
0x4b: {  	_ =	shalt  }
0x4c: {  	_ =	shalt  }
0x4d: {  	_ =	shalt  }
0x4e: {  	_ =	shalt  }
0x4f: {  	_ =	shalt  }
0x50: {  	_ =	shalt  }
0x51: {  	_ =	shalt  }
0x52: {  	_ =	shalt  }
0x53: {  	_ =	shalt  }
0x54: {  	_ =	shalt  }
0x55: {  	_ =	shalt  }
0x56: {  	_ =	shalt  }
0x57: {  	_ =	shalt  }
0x58: {  	_ =	shalt  }
0x59: {  	_ =	shalt  }
0x5a: {  	_ =	shalt  }
0x5b: {  	_ =	shalt  }
0x5c: {  	_ =	shalt  }
0x5d: {  	_ =	shalt  }
0x5e: {  	_ =	shalt  }
0x5f: {  	_ =	shalt  }
0x60: {  	_ =	shalt  }
0x61: {  	_ =	shalt  }
0x62: {  	_ =	shalt  }
0x63: {  	_ =	shalt  }
0x64: {  	_ =	shalt  }
0x65: {  	_ =	shalt  }
0x66: {  	_ =	shalt  }
0x67: {  	_ =	shalt  }
0x68: {  	_ =	shalt  }
0x69: {  	_ =	shalt  }
0x6a: {  	_ =	shalt  }
0x6b: {  	_ =	shalt  }
0x6c: {  	_ =	shalt  }
0x6d: {  	_ =	shalt  }
0x6e: {  	_ =	shalt  }
0x6f: {  	_ =	shalt  }
0x70: {  	_ =	shalt  }
0x71: {  	_ =	shalt  }
0x72: {  	_ =	shalt  }
0x73: {  	_ =	shalt  }
0x74: {  	_ =	shalt  }
0x75: {  	_ =	shalt  }
0x76: {  	_ =	shalt  }
0x77: {  	_ =	shalt  }
0x78: {  	_ =	shalt  }
0x79: {  	_ =	shalt  }
0x7a: {  	_ =	shalt  }
0x7b: {  	_ =	shalt  }
0x7c: {  	_ =	shalt  }
0x7d: {  	_ =	shalt  }
0x7e: {  	_ =	shalt  }
0x7f: {  	_ =	shalt  }
0x80: {  	_ =	shalt  }
0x81: {  	_ =	shalt  }
0x82: {  	_ =	shalt  }
0x83: {  	_ =	shalt  }
0x84: {  	_ =	shalt  }
0x85: {  	_ =	shalt  }
0x86: {  	_ =	shalt  }
0x87: {  	_ =	shalt  }
.Lfunc_end0:
.L_simem_size_0:
called_computation.1_lowered:
.L_overlay_start_0:
0x88: {  	s2 =	sld [smem:$0x3FD9]  }
0x89: {  	s3 =	sld [smem:$0x3FFE];
	_ =	sdelay $0x1  }
0x8a: {  	s1 =	srdreg.scid  }
0x8b: {  	s0 =	sand.u32 $0x1, s1  }
0x8c: {  	s14 =	sshll.u32 s0, $0xA;
	s2 =	sadd.s32 s3, s2  }
0x8d: {  	s2 =	sadd.s32 s2, s14  }
0x8e: {  	[smem:$0x3FC2] =	sst s2  }
0x8f: {  	_ = 	snop  }
0x90: {  	s2 =	sld [smem:$0x3FD0];
	_ =	sdelay $0x2  }
0x91: {  	s15 =	simm.s32 $0xA;
	s4 =	simm.s32 $0x10  }
0x92: {  	[smem:s4], [sflag:s15] =	dma.local [hbm:s2], $0x1  }
0x93: {  	_ =	swait.eq [sflag:s15], $0x1  }
0x94: {  	[sflag:s15] =	ssyncset.done $0x0  }
0x95: {  	s16 =	sld [smem:$0x10];
	[sflag:s15] =	ssyncadd.s32 $0xFFFFFFFF  }
0x96: {  	s17 =	sld [smem:$0x11];
	(tm) =	ssettm $0x1  }
0x97: {  	s18 =	sld [smem:$0x3FFB];
	_ =	sdelay $0x3  }
0x98: {  	_ =	strace s18  }
0x99: {  	s4 =	sld [smem:$0x3FFC];
	_ =	sdelay $0x3  }
0x9a: {  	_ =	strace s4  }
0x9b: {  	s4 =	sld [smem:$0x3FFD];
	_ =	sdelay $0x3  }
0x9c: {  	_ =	strace s4  }
0x9d: {  	_ =	strace $0x8FFFFFFF  }
0x9e: {  	s19 =	sld [smem:$0x3FDB];
	_ =	sdelay $0x1  }
0x9f: {  	s5 =	simm.s32 $_scs_section_size  }
0xa0: {  	s6 =	simm.s32 $_size__tile_overlayer_lowered;
	s7 =	simm.s32 $_tile_overlayer_lowered  }
0xa1: {  	s22 =	simm.s32 $0x1BFF;
	s21 =	sshll.u32 s7, $0x1;
	s4 =	sadd.s32 s5, s19  }
0xa2: {  	s8 =	simm.s32 $0x0;
	s20 =	sshll.u32 s6, $0x1;
	s6 =	sadd.s32 s21, s4  }
0xa3: {  	[timem:s8], [sflag:s22] =	dma.local [hbm:s6], s20  }
0xa4: {  	_ =	swait.ge [sflag:s22], s20  }
0xa5: {  	s5 =	ssub.s32 $0x0, s20;
	[sflag:s22] =	ssyncset.done $0x0  }
0xa6: {  	[sflag:s22] =	ssyncadd.s32 s5;
	_ =	sdelay $0x1  }
0xa7: {  	s23 =	simm.s32 $0x1B8B  }
0xa8: {  	_ =	swait.ge [sflag:s23], $0x1  }
0xa9: {  	[sflag:s23] =	ssyncset.done $0x0  }
0xaa: {  	s25 =	simm.s32 $0x1B8E;
	s24 =	sld [smem:$0x3FFE];
	[sflag:s23] =	ssyncadd.s32 $0xFFFFFFFF  }
0xab: {  	s26 =	simm.s32 $execute0_lowered;
	[smem:$0x3FD2] =	sst s25  }
0xac: {  	s6 =	sshll.u32 s26, $0x1;
	_ =	strace $0x80000049;
	[dreg:$0x1] =	wrdreg $0xFFFFFFFF  }
0xad: {  	s28 =	simm.s32 $_size_execute0_lowered;
	s4 =	sadd.s32 s4, s6;
	[dreg:$0x0] =	wrdreg $0x0  }
0xae: {  	s6 =	sshll.u32 s28, $0x1;
	[dreg:$0x2] =	wrdreg s4  }
0xaf: {  	[dreg:$0x3] =	wrdreg s6  }
0xb0: {  	[dreg:$0x4] =	wrdreg $0xC0  }
0xb1: {  	_ =	task [dreg:s8], $0x5FFFF  }
0xb2: {  	[dreg:$0x1] =	wrdreg $0xFFFFFFFF  }
0xb3: {  	[dreg:$0x0] =	wrdreg $0x60  }
0xb4: {  	[dreg:$0x2] =	wrdreg s24  }
0xb5: {  	[dreg:$0x3] =	wrdreg s17  }
0xb6: {  	[dreg:$0x4] =	wrdreg s16  }
0xb7: {  	[dreg:$0x5] =	wrdreg $0x0  }
0xb8: {  	[dreg:$0x6] =	wrdreg $0x9  }
0xb9: {  	_ =	task.clear_ibuf [dreg:s8], $0x7FFFF;
	_ =	strace $0x90000049  }
0xba: {  	s29 =	simm.s32 $0x9;
	_ =	strace $0x8000004B  }
0xbb: {  	_ =	swait.ge [sflag:s29], $0x1  }
0xbc: {  	[sflag:s29] =	ssyncadd.s32 $0xFFFFFFFF  }
0xbd: {  	_ =	strace $0x9000004B  }
0xbe: {  	_ =	sfence  }
0xbf: {  	s30 =	sld [smem:$0x0];
	_ =	sdelay $0x2  }
0xc0: {  	s31 =	sshll.u32 s1, $0xD;
	s1 =	sshrl.u32 s1, $0x2  }
0xc1: {  	s3 =	sand.u32 $0x4000, s31;
	s1 =	sadd.s32 s1, s30  }
0xc2: {  	s0 =	sor.u32 s3, s0;
	s1 =	sshll.u32 s1, $0x11  }
0xc3: {  	s0 =	sor.u32 s1, s0  }
0xc4: {  	s0 =	sadd.s32 $0x8F2B, s0  }
0xc5: {  	[sflag:s0] =	ssyncadd.remote.s32 $0x1  }
0xc6: {  	_ =	sfence.sel $0xFFFF  }
0xc7: {  	[dreg:$0x0] =	wrdreg $0xFFFFFFFF;
	(pc) =	sbr.abs _section_cstart, $3  }
0xc8: {  	[dreg:$0x1] =	wrdreg $0xFFFFFFFF  }
0xc9: {  	_ =	task.clear_ibuf [dreg:s8], $0x2FFFF;
	_ =	strace $0x9FFFFFFF  }
0xca: {  	(tm) =	ssettm $0x7FFFFFFF  }
0xcb: {  	_ =	shalt  }
tec
execute0_lowered:
.L_overlay_start_1:
0x0: {  	(tag) =	ssettag $0x1  }
0x1: {  	s0 =	rddreg [dreg:$0x0]  }
0x2: {  	s1 =	rddreg [dreg:$0x1]  }
0x3: {  	s11 =	rddreg [dreg:$0x2]  }
0x4: {  	s2 =	rddreg [dreg:$0x3];
	s4 =	simm.s32 $0x0  }
0x5: {  	s3 =	stileid.u32;
	s5 =	srdreg.scid;
	s21 =	simm.s32 $0x80  }
0x6: {  	s28 =	simm.s32 $0x16700;
	s29 =	simm.s32 $0x16780;
	s13 =	smul.u32 $0x280, s3  }
0x7: {  	s30 =	simm.s32 $0x0;
	[smem:$0x7FF] =	sst s4;
	s14 =	smul.u32 $0x50, s3  }
0x8: {  	s4 =	sadd.s32 $0x1800, s0;
	s8 =	sand.u32 $0x1, s5;
	s22 =	smul.u32 $0x50000, s3  }
0x9: {  	s0 =	sadd.s32 $0xA1800, s0;
	s24 =	sshll.u32 s3, $0x6;
	s15 =	smul.u32 $0x500, s3  }
0xa: {  	_ =	strace $0x8000004A;
	s6 =	ssub.s32 $0x2, s8;
	s7 =	smul.u32 $0x2800, s8  }
0xb: {  	s10 =	smul.u32 $0x500, s8;
	s18 =	sor.u32 $0x2, s8;
	s9 =	sshrl.u32 s6, $0x1  }
0xc: {  	s5 =	sshrl.u32 s22, $0x2;
	s16 =	sadd.s32 $0x28, s14;
	s19 =	smul.u32 $0x2800, s18  }
0xd: {  	s18 =	smul.u32 $0x500, s18;
	s22 =	simm.s32 $0x16800;
	s17 =	ssub.s32 s6, s9  }
0xe: {  	s5 =	sadd.s32 s5, s2;
	s23 =	sadd.s32 s13, s7;
	s25 =	sadd.s32 s14, s10  }
0xf: {  	s7 =	sor.u32 $0x1C03, s24;
	s26 =	sadd.s32 s10, s16;
	s20 =	sshll.u32 s16, $0x4  }
0x10: {  	s24 =	simm.s32 $0x1A800;
	s12 =	sshll.u32 s23, $0x4;
	s9 =	sshll.u32 s25, $0x4  }
0x11: {  	s10 =	sshll.u32 s26, $0x4;
	s13 =	sadd.s32 s13, s19;
	s14 =	sadd.s32 s14, s18  }
0x12: {  	s31 =	sadd.s32 s16, s18;
	s17 =	smax.u32 s17, $0x1;
	s18 =	simm.s32 $0x3  }
0x13: {  	s23 =	simm.s32 $0x14080;
	s25 =	simm.s32 $0x1;
	s26 =	simm.s32 $0x2  }
0x14: {  	s6 =	sadd.s32 s4, s12;
	s8 =	sadd.s32 s1, s9;
	s9 =	sadd.s32 s11, s15  }
0x15: {  	s10 =	sadd.s32 s1, s10;
	s11 =	sadd.s32 s11, s20;
	s12 =	sadd.s32 s0, s12  }
0x16: {  	s19 =	sshll.u32 s13, $0x4;
	s14 =	sshll.u32 s14, $0x4;
	s15 =	sshll.u32 s31, $0x4  }
0x17: {  	s20 =	simm.s32 $0x15400;
	s13 =	sadd.s32 s4, s19;
	s14 =	sadd.s32 s1, s14  }
0x18: {  	s15 =	sadd.s32 s1, s15;
	s16 =	sadd.s32 s0, s19;
	s19 =	simm.s32 $0x14000  }
.LBB2_1:
0x19: {  	s31 =	sshrl.u32 s5, $0x3  }
0x1a: {  	[spmem:s31], [sflag:s7] =	dma.local [hbm:s6], $0x2800  }
0x1b: {  	_ =	swait.ge [sflag:s18], $0x2800  }
0x1c: {  	[sflag:s18] =	ssyncset.done $0x0  }
0x1d: {  	[sflag:s18] =	ssyncadd.s32 $0xFFFFD800  }
0x1e: {  	s0 =	simm.s32 $0x0;
	[bflag:$0x0] =	sbarrier.arrive $0xFFFF  }
0x1f: {  	[tilespmem:s19], [sflag:$0x3] =	stream.linear.gather [hbm4b:s8+s0], $0x1400, $0x38;
	[tilespmem:$0x1E800] =	vst v63  }
0x20: {  	_ =	swait.ge [sflag:s18], $0x1400  }
0x21: {  	[sflag:s18] =	ssyncset.done $0x0  }
0x22: {  	[sflag:s18] =	ssyncadd.s32 $0xFFFFEC00  }
0x23: {  	[tilespmem:s20], [sflag:$0x3] =	stream.linear.gather [hbm4b:s9+s0], $0x1400, $0x38;
	[tilespmem:$0x1E800] =	vst v63  }
0x24: {  	_ =	swait.ge [sflag:s18], $0x1400  }
0x25: {  	[sflag:s18] =	ssyncset.done $0x0  }
0x26: {  	[sflag:s18] =	ssyncadd.s32 $0xFFFFEC00  }
0x27: {  	[tilespmem:s22], [sflag:$0x1] =	stream.indirect.gather [hbm4b:s4+s21], $0x80, s19, s21, $0xb8;
	[tilespmem:$0x1E800] =	vst v63  }
0x28: {  	_ = 	snop  }
0x29: {  	[tilespmem:s24], [sflag:$0x2] =	stream.indirect.gather [hbm4b:s4+s21], $0x80, s23, s21, $0xb8;
	[tilespmem:$0x1E800] =	vst v63  }
0x2a: {  	_ =	swait.ge [sflag:s25], $0x4000  }
0x2b: {  	[sflag:s25] =	ssyncset.done $0x0  }
0x2c: {  	s3 =	simm.s32 $0x15400;
	[sflag:s25] =	ssyncadd.s32 $0xFFFFC000  }
0x2d: {  	[spmem:s2] =	stream.indirect.scatter.add.f32 [tilespmem:s22], [sflag:$0x3], $0x80, s3, s21, $0xb8;
	[tilespmem:$0x1E800] =	vst v63  }
0x2e: {  	_ =	swait.ge [sflag:s18], $0x4000  }
0x2f: {  	[sflag:s18] =	ssyncset.done $0x0  }
0x30: {  	s1 =	simm.s32 $0x14100;
	[sflag:s18] =	ssyncadd.s32 $0xFFFFC000  }
0x31: {  	[tilespmem:s22], [sflag:$0x1] =	stream.indirect.gather [hbm4b:s4+s21], $0x80, s1, s21, $0xb8;
	[tilespmem:$0x1E800] =	vst v63  }
0x32: {  	_ =	swait.ge [sflag:s26], $0x4000  }
0x33: {  	[sflag:s26] =	ssyncset.done $0x0  }
0x34: {  	s3 =	simm.s32 $0x15480;
	[sflag:s26] =	ssyncadd.s32 $0xFFFFC000  }
0x35: {  	[spmem:s2] =	stream.indirect.scatter.add.f32 [tilespmem:s24], [sflag:$0x3], $0x80, s3, s21, $0xb8;
	[tilespmem:$0x1E800] =	vst v63  }
0x36: {  	_ =	swait.ge [sflag:s18], $0x4000  }
0x37: {  	[sflag:s18] =	ssyncset.done $0x0  }
0x38: {  	s0 =	simm.s32 $0x400;
	s1 =	simm.s32 $0x14180;
	[sflag:s18] =	ssyncadd.s32 $0xFFFFC000  }
.LBB2_2:
0x39: {  	[tilespmem:s24], [sflag:$0x2] =	stream.indirect.gather [hbm4b:s4+s21], $0x80, s1, s21, $0xb8;
	[tilespmem:$0x1E800] =	vst v63  }
0x3a: {  	s1 =	smov.u32 s0  }
0x3b: {  	p0 =	sne.s32 s0, $0x4800;
	s0 =	sadd.s32 $0x400, s0;
	_ =	swait.ge [sflag:s25], $0x4000  }
0x3c: {  	s1 =	sshra.s32 s1, $0x2;
	[sflag:s25] =	ssyncset.done $0x0  }
0x3d: {  	s3 =	sadd.s32 $0x15400, s1;
	[sflag:s25] =	ssyncadd.s32 $0xFFFFC000  }
0x3e: {  	[spmem:s2] =	stream.indirect.scatter.add.f32 [tilespmem:s22], [sflag:$0x3], $0x80, s3, s21, $0xb8;
	[tilespmem:$0x1E800] =	vst v63  }
0x3f: {  	_ =	swait.ge [sflag:s18], $0x4000  }
0x40: {  	[sflag:s18] =	ssyncset.done $0x0  }
0x41: {  	s3 =	sadd.s32 $0x14100, s1;
	[sflag:s18] =	ssyncadd.s32 $0xFFFFC000  }
0x42: {  	[tilespmem:s22], [sflag:$0x1] =	stream.indirect.gather [hbm4b:s4+s21], $0x80, s3, s21, $0xb8;
	[tilespmem:$0x1E800] =	vst v63  }
0x43: {  	_ =	swait.ge [sflag:s26], $0x4000  }
0x44: {  	[sflag:s26] =	ssyncset.done $0x0  }
.Ltmp0:
0x45: {  	s3 =	sadd.s32 $0x15480, s1;
	[sflag:s26] =	ssyncadd.s32 $0xFFFFC000;
	(pc) =	sbr.rel @p0 .LBB2_2-.Ltmp0, $4  }
0x46: {  	[spmem:s2] =	stream.indirect.scatter.add.f32 [tilespmem:s24], [sflag:$0x3], $0x80, s3, s21, $0xb8;
	[tilespmem:$0x1E800] =	vst v63  }
0x47: {  	_ =	swait.ge [sflag:s18], $0x4000  }
0x48: {  	[sflag:s18] =	ssyncset.done $0x0  }
0x49: {  	s1 =	sadd.s32 $0x14180, s1;
	[sflag:s18] =	ssyncadd.s32 $0xFFFFC000  }
0x4a: {  	[tilespmem:s24], [sflag:$0x2] =	stream.indirect.gather [hbm4b:s4+s21], $0x80, s1, s21, $0xb8;
	[tilespmem:$0x1E800] =	vst v63  }
0x4b: {  	_ =	swait.ge [sflag:s25], $0x4000  }
0x4c: {  	[sflag:s25] =	ssyncset.done $0x0  }
0x4d: {  	[sflag:s25] =	ssyncadd.s32 $0xFFFFC000  }
0x4e: {  	[spmem:s2] =	stream.indirect.scatter.add.f32 [tilespmem:s22], [sflag:$0x3], $0x80, s28, s21, $0xb8;
	[tilespmem:$0x1E800] =	vst v63  }
0x4f: {  	_ =	swait.ge [sflag:s18], $0x4000  }
0x50: {  	[sflag:s18] =	ssyncset.done $0x0  }
0x51: {  	[sflag:s18] =	ssyncadd.s32 $0xFFFFC000  }
0x52: {  	_ =	swait.ge [sflag:s26], $0x4000  }
0x53: {  	[sflag:s26] =	ssyncset.done $0x0  }
0x54: {  	[sflag:s26] =	ssyncadd.s32 $0xFFFFC000  }
0x55: {  	[spmem:s2] =	stream.indirect.scatter.add.f32 [tilespmem:s24], [sflag:$0x3], $0x80, s29, s21, $0xb8;
	[tilespmem:$0x1E800] =	vst v63  }
0x56: {  	_ =	swait.ge [sflag:s18], $0x4000  }
0x57: {  	[sflag:s18] =	ssyncset.done $0x0  }
0x58: {  	s0 =	simm.s32 $0x0;
	[sflag:s18] =	ssyncadd.s32 $0xFFFFC000  }
0x59: {  	[tilespmem:s19], [sflag:$0x3] =	stream.linear.gather [hbm4b:s10+s0], $0x1400, $0x38;
	[tilespmem:$0x1E800] =	vst v63  }
0x5a: {  	_ =	swait.ge [sflag:s18], $0x1400  }
0x5b: {  	[sflag:s18] =	ssyncset.done $0x0  }
0x5c: {  	[sflag:s18] =	ssyncadd.s32 $0xFFFFEC00  }
0x5d: {  	[tilespmem:s20], [sflag:$0x3] =	stream.linear.gather [hbm4b:s11+s0], $0x1400, $0x38;
	[tilespmem:$0x1E800] =	vst v63  }
0x5e: {  	_ =	swait.ge [sflag:s18], $0x1400  }
0x5f: {  	[sflag:s18] =	ssyncset.done $0x0  }
0x60: {  	[sflag:s18] =	ssyncadd.s32 $0xFFFFEC00  }
0x61: {  	[tilespmem:s22], [sflag:$0x1] =	stream.indirect.gather [hbm4b:s4+s21], $0x80, s19, s21, $0xb8;
	[tilespmem:$0x1E800] =	vst v63  }
0x62: {  	_ = 	snop  }
0x63: {  	[tilespmem:s24], [sflag:$0x2] =	stream.indirect.gather [hbm4b:s4+s21], $0x80, s23, s21, $0xb8;
	[tilespmem:$0x1E800] =	vst v63  }
0x64: {  	_ =	swait.ge [sflag:s25], $0x4000  }
0x65: {  	[sflag:s25] =	ssyncset.done $0x0  }
0x66: {  	s3 =	simm.s32 $0x15400;
	[sflag:s25] =	ssyncadd.s32 $0xFFFFC000  }
0x67: {  	[spmem:s2] =	stream.indirect.scatter.add.f32 [tilespmem:s22], [sflag:$0x3], $0x80, s3, s21, $0xb8;
	[tilespmem:$0x1E800] =	vst v63  }
0x68: {  	_ =	swait.ge [sflag:s18], $0x4000  }
0x69: {  	[sflag:s18] =	ssyncset.done $0x0  }
0x6a: {  	s1 =	simm.s32 $0x14100;
	[sflag:s18] =	ssyncadd.s32 $0xFFFFC000  }
0x6b: {  	[tilespmem:s22], [sflag:$0x1] =	stream.indirect.gather [hbm4b:s4+s21], $0x80, s1, s21, $0xb8;
	[tilespmem:$0x1E800] =	vst v63  }
0x6c: {  	_ =	swait.ge [sflag:s26], $0x4000  }
0x6d: {  	[sflag:s26] =	ssyncset.done $0x0  }
0x6e: {  	s3 =	simm.s32 $0x15480;
	[sflag:s26] =	ssyncadd.s32 $0xFFFFC000  }
0x6f: {  	[spmem:s2] =	stream.indirect.scatter.add.f32 [tilespmem:s24], [sflag:$0x3], $0x80, s3, s21, $0xb8;
	[tilespmem:$0x1E800] =	vst v63  }
0x70: {  	_ =	swait.ge [sflag:s18], $0x4000  }
0x71: {  	[sflag:s18] =	ssyncset.done $0x0  }
0x72: {  	s0 =	simm.s32 $0x400;
	s1 =	simm.s32 $0x14180;
	[sflag:s18] =	ssyncadd.s32 $0xFFFFC000  }
.LBB2_4:
0x73: {  	[tilespmem:s24], [sflag:$0x2] =	stream.indirect.gather [hbm4b:s4+s21], $0x80, s1, s21, $0xb8;
	[tilespmem:$0x1E800] =	vst v63  }
0x74: {  	s1 =	smov.u32 s0  }
0x75: {  	p0 =	sne.s32 s0, $0x4800;
	s0 =	sadd.s32 $0x400, s0;
	_ =	swait.ge [sflag:s25], $0x4000  }
0x76: {  	s1 =	sshra.s32 s1, $0x2;
	[sflag:s25] =	ssyncset.done $0x0  }
0x77: {  	s3 =	sadd.s32 $0x15400, s1;
	[sflag:s25] =	ssyncadd.s32 $0xFFFFC000  }
0x78: {  	[spmem:s2] =	stream.indirect.scatter.add.f32 [tilespmem:s22], [sflag:$0x3], $0x80, s3, s21, $0xb8;
	[tilespmem:$0x1E800] =	vst v63  }
0x79: {  	_ =	swait.ge [sflag:s18], $0x4000  }
0x7a: {  	[sflag:s18] =	ssyncset.done $0x0  }
0x7b: {  	s3 =	sadd.s32 $0x14100, s1;
	[sflag:s18] =	ssyncadd.s32 $0xFFFFC000  }
0x7c: {  	[tilespmem:s22], [sflag:$0x1] =	stream.indirect.gather [hbm4b:s4+s21], $0x80, s3, s21, $0xb8;
	[tilespmem:$0x1E800] =	vst v63  }
0x7d: {  	_ =	swait.ge [sflag:s26], $0x4000  }
0x7e: {  	[sflag:s26] =	ssyncset.done $0x0  }
.Ltmp1:
0x7f: {  	s3 =	sadd.s32 $0x15480, s1;
	[sflag:s26] =	ssyncadd.s32 $0xFFFFC000;
	(pc) =	sbr.rel @p0 .LBB2_4-.Ltmp1, $4  }
0x80: {  	[spmem:s2] =	stream.indirect.scatter.add.f32 [tilespmem:s24], [sflag:$0x3], $0x80, s3, s21, $0xb8;
	[tilespmem:$0x1E800] =	vst v63  }
0x81: {  	_ =	swait.ge [sflag:s18], $0x4000  }
0x82: {  	[sflag:s18] =	ssyncset.done $0x0  }
0x83: {  	s1 =	sadd.s32 $0x14180, s1;
	[sflag:s18] =	ssyncadd.s32 $0xFFFFC000  }
0x84: {  	[tilespmem:s24], [sflag:$0x2] =	stream.indirect.gather [hbm4b:s4+s21], $0x80, s1, s21, $0xb8;
	[tilespmem:$0x1E800] =	vst v63  }
0x85: {  	_ =	swait.ge [sflag:s25], $0x4000  }
0x86: {  	[sflag:s25] =	ssyncset.done $0x0  }
0x87: {  	[sflag:s25] =	ssyncadd.s32 $0xFFFFC000  }
0x88: {  	[spmem:s2] =	stream.indirect.scatter.add.f32 [tilespmem:s22], [sflag:$0x3], $0x80, s28, s21, $0xb8;
	[tilespmem:$0x1E800] =	vst v63  }
0x89: {  	_ =	swait.ge [sflag:s18], $0x4000  }
0x8a: {  	[sflag:s18] =	ssyncset.done $0x0  }
0x8b: {  	[sflag:s18] =	ssyncadd.s32 $0xFFFFC000  }
0x8c: {  	_ =	swait.ge [sflag:s26], $0x4000  }
0x8d: {  	[sflag:s26] =	ssyncset.done $0x0  }
0x8e: {  	[sflag:s26] =	ssyncadd.s32 $0xFFFFC000  }
0x8f: {  	[spmem:s2] =	stream.indirect.scatter.add.f32 [tilespmem:s24], [sflag:$0x3], $0x80, s29, s21, $0xb8;
	[tilespmem:$0x1E800] =	vst v63  }
0x90: {  	_ =	swait.ge [sflag:s18], $0x4000  }
0x91: {  	[sflag:s18] =	ssyncset.done $0x0  }
0x92: {  	[sflag:s18] =	ssyncadd.s32 $0xFFFFC000  }
0x93: {  	[bflag:$0x0] =	sbarrier.arrive $0xFFFF  }
0x94: {  	[hbm:s12], [sflag:s7] =	dma.local [spmem:s31], $0x2800  }
0x95: {  	_ =	swait.ge [sflag:s18], $0x2800  }
0x96: {  	[sflag:s18] =	ssyncset.done $0x0  }
0x97: {  	[sflag:s18] =	ssyncadd.s32 $0xFFFFD800  }
0x98: {  	[bflag:$0x0] =	sbarrier.arrive $0xFFFF  }
0x99: {  	[spmem:s31], [sflag:s7] =	dma.local [hbm:s13], $0x2800  }
0x9a: {  	_ =	swait.ge [sflag:s18], $0x2800  }
0x9b: {  	[sflag:s18] =	ssyncset.done $0x0  }
0x9c: {  	[sflag:s18] =	ssyncadd.s32 $0xFFFFD800  }
0x9d: {  	s0 =	simm.s32 $0x0;
	[bflag:$0x0] =	sbarrier.arrive $0xFFFF  }
0x9e: {  	[tilespmem:s19], [sflag:$0x3] =	stream.linear.gather [hbm4b:s14+s0], $0x1400, $0x38;
	[tilespmem:$0x1E800] =	vst v63  }
0x9f: {  	_ =	swait.ge [sflag:s18], $0x1400  }
0xa0: {  	[sflag:s18] =	ssyncset.done $0x0  }
0xa1: {  	[sflag:s18] =	ssyncadd.s32 $0xFFFFEC00  }
0xa2: {  	[tilespmem:s20], [sflag:$0x3] =	stream.linear.gather [hbm4b:s9+s0], $0x1400, $0x38;
	[tilespmem:$0x1E800] =	vst v63  }
0xa3: {  	_ =	swait.ge [sflag:s18], $0x1400  }
0xa4: {  	[sflag:s18] =	ssyncset.done $0x0  }
0xa5: {  	[sflag:s18] =	ssyncadd.s32 $0xFFFFEC00  }
0xa6: {  	[tilespmem:s22], [sflag:$0x1] =	stream.indirect.gather [hbm4b:s4+s21], $0x80, s19, s21, $0xb8;
	[tilespmem:$0x1E800] =	vst v63  }
0xa7: {  	_ = 	snop  }
0xa8: {  	[tilespmem:s24], [sflag:$0x2] =	stream.indirect.gather [hbm4b:s4+s21], $0x80, s23, s21, $0xb8;
	[tilespmem:$0x1E800] =	vst v63  }
0xa9: {  	_ =	swait.ge [sflag:s25], $0x4000  }
0xaa: {  	[sflag:s25] =	ssyncset.done $0x0  }
0xab: {  	s3 =	simm.s32 $0x15400;
	[sflag:s25] =	ssyncadd.s32 $0xFFFFC000  }
0xac: {  	[spmem:s2] =	stream.indirect.scatter.add.f32 [tilespmem:s22], [sflag:$0x3], $0x80, s3, s21, $0xb8;
	[tilespmem:$0x1E800] =	vst v63  }
0xad: {  	_ =	swait.ge [sflag:s18], $0x4000  }
0xae: {  	[sflag:s18] =	ssyncset.done $0x0  }
0xaf: {  	s1 =	simm.s32 $0x14100;
	[sflag:s18] =	ssyncadd.s32 $0xFFFFC000  }
0xb0: {  	[tilespmem:s22], [sflag:$0x1] =	stream.indirect.gather [hbm4b:s4+s21], $0x80, s1, s21, $0xb8;
	[tilespmem:$0x1E800] =	vst v63  }
0xb1: {  	_ =	swait.ge [sflag:s26], $0x4000  }
0xb2: {  	[sflag:s26] =	ssyncset.done $0x0  }
0xb3: {  	s3 =	simm.s32 $0x15480;
	[sflag:s26] =	ssyncadd.s32 $0xFFFFC000  }
0xb4: {  	[spmem:s2] =	stream.indirect.scatter.add.f32 [tilespmem:s24], [sflag:$0x3], $0x80, s3, s21, $0xb8;
	[tilespmem:$0x1E800] =	vst v63  }
0xb5: {  	_ =	swait.ge [sflag:s18], $0x4000  }
0xb6: {  	[sflag:s18] =	ssyncset.done $0x0  }
0xb7: {  	s0 =	simm.s32 $0x400;
	s1 =	simm.s32 $0x14180;
	[sflag:s18] =	ssyncadd.s32 $0xFFFFC000  }
.LBB2_6:
0xb8: {  	[tilespmem:s24], [sflag:$0x2] =	stream.indirect.gather [hbm4b:s4+s21], $0x80, s1, s21, $0xb8;
	[tilespmem:$0x1E800] =	vst v63  }
0xb9: {  	s1 =	smov.u32 s0  }
0xba: {  	p0 =	sne.s32 s0, $0x4800;
	s0 =	sadd.s32 $0x400, s0;
	_ =	swait.ge [sflag:s25], $0x4000  }
0xbb: {  	s1 =	sshra.s32 s1, $0x2;
	[sflag:s25] =	ssyncset.done $0x0  }
0xbc: {  	s3 =	sadd.s32 $0x15400, s1;
	[sflag:s25] =	ssyncadd.s32 $0xFFFFC000  }
0xbd: {  	[spmem:s2] =	stream.indirect.scatter.add.f32 [tilespmem:s22], [sflag:$0x3], $0x80, s3, s21, $0xb8;
	[tilespmem:$0x1E800] =	vst v63  }
0xbe: {  	_ =	swait.ge [sflag:s18], $0x4000  }
0xbf: {  	[sflag:s18] =	ssyncset.done $0x0  }
0xc0: {  	s3 =	sadd.s32 $0x14100, s1;
	[sflag:s18] =	ssyncadd.s32 $0xFFFFC000  }
0xc1: {  	[tilespmem:s22], [sflag:$0x1] =	stream.indirect.gather [hbm4b:s4+s21], $0x80, s3, s21, $0xb8;
	[tilespmem:$0x1E800] =	vst v63  }
0xc2: {  	_ =	swait.ge [sflag:s26], $0x4000  }
0xc3: {  	[sflag:s26] =	ssyncset.done $0x0  }
.Ltmp2:
0xc4: {  	s3 =	sadd.s32 $0x15480, s1;
	[sflag:s26] =	ssyncadd.s32 $0xFFFFC000;
	(pc) =	sbr.rel @p0 .LBB2_6-.Ltmp2, $4  }
0xc5: {  	[spmem:s2] =	stream.indirect.scatter.add.f32 [tilespmem:s24], [sflag:$0x3], $0x80, s3, s21, $0xb8;
	[tilespmem:$0x1E800] =	vst v63  }
0xc6: {  	_ =	swait.ge [sflag:s18], $0x4000  }
0xc7: {  	[sflag:s18] =	ssyncset.done $0x0  }
0xc8: {  	s1 =	sadd.s32 $0x14180, s1;
	[sflag:s18] =	ssyncadd.s32 $0xFFFFC000  }
0xc9: {  	[tilespmem:s24], [sflag:$0x2] =	stream.indirect.gather [hbm4b:s4+s21], $0x80, s1, s21, $0xb8;
	[tilespmem:$0x1E800] =	vst v63  }
0xca: {  	_ =	swait.ge [sflag:s25], $0x4000  }
0xcb: {  	[sflag:s25] =	ssyncset.done $0x0  }
0xcc: {  	[sflag:s25] =	ssyncadd.s32 $0xFFFFC000  }
0xcd: {  	[spmem:s2] =	stream.indirect.scatter.add.f32 [tilespmem:s22], [sflag:$0x3], $0x80, s28, s21, $0xb8;
	[tilespmem:$0x1E800] =	vst v63  }
0xce: {  	_ =	swait.ge [sflag:s18], $0x4000  }
0xcf: {  	[sflag:s18] =	ssyncset.done $0x0  }
0xd0: {  	[sflag:s18] =	ssyncadd.s32 $0xFFFFC000  }
0xd1: {  	_ =	swait.ge [sflag:s26], $0x4000  }
0xd2: {  	[sflag:s26] =	ssyncset.done $0x0  }
0xd3: {  	[sflag:s26] =	ssyncadd.s32 $0xFFFFC000  }
0xd4: {  	[spmem:s2] =	stream.indirect.scatter.add.f32 [tilespmem:s24], [sflag:$0x3], $0x80, s29, s21, $0xb8;
	[tilespmem:$0x1E800] =	vst v63  }
0xd5: {  	_ =	swait.ge [sflag:s18], $0x4000  }
0xd6: {  	[sflag:s18] =	ssyncset.done $0x0  }
0xd7: {  	s0 =	simm.s32 $0x0;
	[sflag:s18] =	ssyncadd.s32 $0xFFFFC000  }
0xd8: {  	[tilespmem:s19], [sflag:$0x3] =	stream.linear.gather [hbm4b:s15+s0], $0x1400, $0x38;
	[tilespmem:$0x1E800] =	vst v63  }
0xd9: {  	_ =	swait.ge [sflag:s18], $0x1400  }
0xda: {  	[sflag:s18] =	ssyncset.done $0x0  }
0xdb: {  	[sflag:s18] =	ssyncadd.s32 $0xFFFFEC00  }
0xdc: {  	[tilespmem:s20], [sflag:$0x3] =	stream.linear.gather [hbm4b:s11+s0], $0x1400, $0x38;
	[tilespmem:$0x1E800] =	vst v63  }
0xdd: {  	_ =	swait.ge [sflag:s18], $0x1400  }
0xde: {  	[sflag:s18] =	ssyncset.done $0x0  }
0xdf: {  	[sflag:s18] =	ssyncadd.s32 $0xFFFFEC00  }
0xe0: {  	[tilespmem:s22], [sflag:$0x1] =	stream.indirect.gather [hbm4b:s4+s21], $0x80, s19, s21, $0xb8;
	[tilespmem:$0x1E800] =	vst v63  }
0xe1: {  	_ = 	snop  }
0xe2: {  	[tilespmem:s24], [sflag:$0x2] =	stream.indirect.gather [hbm4b:s4+s21], $0x80, s23, s21, $0xb8;
	[tilespmem:$0x1E800] =	vst v63  }
0xe3: {  	_ =	swait.ge [sflag:s25], $0x4000  }
0xe4: {  	[sflag:s25] =	ssyncset.done $0x0  }
0xe5: {  	s3 =	simm.s32 $0x15400;
	[sflag:s25] =	ssyncadd.s32 $0xFFFFC000  }
0xe6: {  	[spmem:s2] =	stream.indirect.scatter.add.f32 [tilespmem:s22], [sflag:$0x3], $0x80, s3, s21, $0xb8;
	[tilespmem:$0x1E800] =	vst v63  }
0xe7: {  	_ =	swait.ge [sflag:s18], $0x4000  }
0xe8: {  	[sflag:s18] =	ssyncset.done $0x0  }
0xe9: {  	s1 =	simm.s32 $0x14100;
	[sflag:s18] =	ssyncadd.s32 $0xFFFFC000  }
0xea: {  	[tilespmem:s22], [sflag:$0x1] =	stream.indirect.gather [hbm4b:s4+s21], $0x80, s1, s21, $0xb8;
	[tilespmem:$0x1E800] =	vst v63  }
0xeb: {  	_ =	swait.ge [sflag:s26], $0x4000  }
0xec: {  	[sflag:s26] =	ssyncset.done $0x0  }
0xed: {  	s3 =	simm.s32 $0x15480;
	[sflag:s26] =	ssyncadd.s32 $0xFFFFC000  }
0xee: {  	[spmem:s2] =	stream.indirect.scatter.add.f32 [tilespmem:s24], [sflag:$0x3], $0x80, s3, s21, $0xb8;
	[tilespmem:$0x1E800] =	vst v63  }
0xef: {  	_ =	swait.ge [sflag:s18], $0x4000  }
0xf0: {  	[sflag:s18] =	ssyncset.done $0x0  }
0xf1: {  	s0 =	simm.s32 $0x400;
	s1 =	simm.s32 $0x14180;
	[sflag:s18] =	ssyncadd.s32 $0xFFFFC000  }
.LBB2_8:
0xf2: {  	[tilespmem:s24], [sflag:$0x2] =	stream.indirect.gather [hbm4b:s4+s21], $0x80, s1, s21, $0xb8;
	[tilespmem:$0x1E800] =	vst v63  }
0xf3: {  	s1 =	smov.u32 s0  }
0xf4: {  	p0 =	sne.s32 s0, $0x4800;
	s0 =	sadd.s32 $0x400, s0;
	_ =	swait.ge [sflag:s25], $0x4000  }
0xf5: {  	s1 =	sshra.s32 s1, $0x2;
	[sflag:s25] =	ssyncset.done $0x0  }
0xf6: {  	s3 =	sadd.s32 $0x15400, s1;
	[sflag:s25] =	ssyncadd.s32 $0xFFFFC000  }
0xf7: {  	[spmem:s2] =	stream.indirect.scatter.add.f32 [tilespmem:s22], [sflag:$0x3], $0x80, s3, s21, $0xb8;
	[tilespmem:$0x1E800] =	vst v63  }
0xf8: {  	_ =	swait.ge [sflag:s18], $0x4000  }
0xf9: {  	[sflag:s18] =	ssyncset.done $0x0  }
0xfa: {  	s3 =	sadd.s32 $0x14100, s1;
	[sflag:s18] =	ssyncadd.s32 $0xFFFFC000  }
0xfb: {  	[tilespmem:s22], [sflag:$0x1] =	stream.indirect.gather [hbm4b:s4+s21], $0x80, s3, s21, $0xb8;
	[tilespmem:$0x1E800] =	vst v63  }
0xfc: {  	_ =	swait.ge [sflag:s26], $0x4000  }
0xfd: {  	[sflag:s26] =	ssyncset.done $0x0  }
.Ltmp3:
0xfe: {  	s3 =	sadd.s32 $0x15480, s1;
	[sflag:s26] =	ssyncadd.s32 $0xFFFFC000;
	(pc) =	sbr.rel @p0 .LBB2_8-.Ltmp3, $4  }
0xff: {  	[spmem:s2] =	stream.indirect.scatter.add.f32 [tilespmem:s24], [sflag:$0x3], $0x80, s3, s21, $0xb8;
	[tilespmem:$0x1E800] =	vst v63  }
0x100: {  	_ =	swait.ge [sflag:s18], $0x4000  }
0x101: {  	[sflag:s18] =	ssyncset.done $0x0  }
0x102: {  	s1 =	sadd.s32 $0x14180, s1;
	[sflag:s18] =	ssyncadd.s32 $0xFFFFC000  }
0x103: {  	[tilespmem:s24], [sflag:$0x2] =	stream.indirect.gather [hbm4b:s4+s21], $0x80, s1, s21, $0xb8;
	[tilespmem:$0x1E800] =	vst v63  }
0x104: {  	_ =	swait.ge [sflag:s25], $0x4000  }
0x105: {  	[sflag:s25] =	ssyncset.done $0x0  }
0x106: {  	[sflag:s25] =	ssyncadd.s32 $0xFFFFC000  }
0x107: {  	[spmem:s2] =	stream.indirect.scatter.add.f32 [tilespmem:s22], [sflag:$0x3], $0x80, s28, s21, $0xb8;
	[tilespmem:$0x1E800] =	vst v63  }
0x108: {  	_ =	swait.ge [sflag:s18], $0x4000  }
0x109: {  	[sflag:s18] =	ssyncset.done $0x0  }
0x10a: {  	[sflag:s18] =	ssyncadd.s32 $0xFFFFC000  }
0x10b: {  	_ =	swait.ge [sflag:s26], $0x4000  }
0x10c: {  	[sflag:s26] =	ssyncset.done $0x0  }
0x10d: {  	[sflag:s26] =	ssyncadd.s32 $0xFFFFC000  }
0x10e: {  	[spmem:s2] =	stream.indirect.scatter.add.f32 [tilespmem:s24], [sflag:$0x3], $0x80, s29, s21, $0xb8;
	[tilespmem:$0x1E800] =	vst v63  }
0x10f: {  	_ =	swait.ge [sflag:s18], $0x4000  }
0x110: {  	[sflag:s18] =	ssyncset.done $0x0  }
0x111: {  	s30 =	sadd.s32 $0x1, s30;
	[sflag:s18] =	ssyncadd.s32 $0xFFFFC000  }
0x112: {  	p0 =	sne.s32 s30, s17;
	[bflag:$0x0] =	sbarrier.arrive $0xFFFF  }
0x113: {  	[hbm:s16], [sflag:s7] =	dma.local [spmem:s31], $0x2800  }
.Ltmp4:
0x114: {  	_ =	swait.ge [sflag:s18], $0x2800;
	(pc) =	sbr.rel @p0 .LBB2_1-.Ltmp4, $3  }
0x115: {  	[sflag:s18] =	ssyncset.done $0x0  }
0x116: {  	[sflag:s18] =	ssyncadd.s32 $0xFFFFD800  }
0x117: {  	[bflag:$0x0] =	sbarrier.arrive $0xFFFF;
	_ =	sdelay $0x1  }
0x118: {  	_ =	sfence.sel $0x180000  }
0x119: {  	[bflag:$0x0] =	sbarrier.arrive $0xFFFF  }
0x11a: {  	_ =	strace $0x9000004A  }
0x11b: {  	s0 =	stileid.u32;
	[bflag:$0x2] =	sbarrier.arrive $0xFFFF  }
0x11c: {  	p0 =	sne.s32 s0, $0x0;
	s0 =	rddreg [dreg:$0x4]  }
0x11d: {  	s0 =	sadd.s32 @!p0 $0x100000, s0  }
0x11e: {  	[sflag:s0] =	ssyncadd.tile.s32 @!p0 $0x1;
	_ =	shalt  }
.Lfunc_end2:
_tile_overlayer_lowered:
.L_overlay_start_2:
0x11f: {  	(tag) =	ssettag $0x2  }
0x120: {  	s0 =	rddreg [dreg:$0x0];
	s2 =	stileid.u32  }
0x121: {  	s1 =	rddreg [dreg:$0x1];
	p0 =	sne.s32 s2, $0x0  }
0x122: {  	s3 =	rddreg [dreg:$0x2];
	[bflag:$0x3] =	sbarrier.arrive $0xFFFF;
	s2 =	simm.s32 @!p0 $0x1C03  }
0x123: {  	[timem:s3], [sflag:s2] =	dma.local @!p0 [hbm:s0], s1  }
0x124: {  	s0 =	simm.s32 @!p0 $0x3  }
0x125: {  	_ =	swait.ge @!p0 [sflag:s0], s1  }
0x126: {  	s1 =	ssub.s32 @!p0 $0x0, s1;
	[sflag:s0] =	ssyncset.done @!p0 $0x0  }
0x127: {  	[sflag:s0] =	ssyncadd.s32 @!p0 s1  }
0x128: {  	[bflag:$0x3] =	sbarrier.arrive $0xFFFF  }
0x129: {  	_ =	shalt  }

</sc_bundles>
